<compile_context>
chip_gen: v7x
topology: tpu7x:2x2x1
jax: 0.10.2.dev20260603
libtpu: 0.0.44.dev20260713+nightly
codegen_flags: <defaults>
</compile_context>

<pallas_src>
import functools

import jax
import jax.numpy as jnp
from jax import lax
from jax.experimental import pallas as pl
from jax.experimental.pallas import tpu as pltpu
from jax.experimental.pallas import tpu_sc as plsc

BS = 2
NC = 8192
NT = 512
FC = 16
FT = 10
H = 128
HEADS = 4
NPF = 32
NN = NC + NT
NTOT = BS * NN
HH = HEADS * H
F32 = jnp.float32

CT = 512
CBLK = NC // CT
NBLK = NN // CT
B_ALL = BS * NC

NWORK = 32
BPW = B_ALL // NWORK
GCH = 128


def _pc(body, **kw):
    return pl.pallas_call(body, **kw)


def _lr(x):
    return jnp.where(x > 0, x, 0.2 * x)


def _dot(a, b):
    return jnp.dot(a, b, preferred_element_type=F32,
                   precision=jax.lax.Precision.HIGHEST)


def _hsel():
    d = jax.lax.broadcasted_iota(jnp.int32, (HH, HEADS), 0) // H
    hcol = jax.lax.broadcasted_iota(jnp.int32, (HH, HEADS), 1)
    return (d == hcol).astype(F32)


def _layernorm_relu_add(conv, x, g, b):
    mu = jnp.mean(conv, axis=1, keepdims=True)
    cmu = conv - mu
    var = jnp.mean(cmu * cmu, axis=1, keepdims=True)
    y = cmu * jax.lax.rsqrt(var + 1e-5) * g + b
    return x + jnp.maximum(y, 0.0)



_SC_GATHER_FN = None
BPW_B = NC // NWORK


def _build_sc_gather():
    mesh = plsc.VectorSubcoreMesh(core_axis_name="c", subcore_axis_name="s")

    @functools.partial(
        pl.kernel, mesh=mesh,
        out_type=jax.ShapeDtypeStruct((NC, HH), jnp.int32),
        scratch_types=[
            pltpu.VMEM((GCH,), jnp.int32),
            pltpu.VMEM((GCH, HH), jnp.int32),
            pltpu.SemaphoreType.DMA,
        ],
    )
    def gather_kernel(table_hbm, gidx_hbm, out_hbm, idx_v, rows_v, sem):
        cid = lax.axis_index("c")
        sid = lax.axis_index("s")
        wid = sid * 2 + cid
        base = wid * BPW_B
        for ch in range(BPW_B // GCH):
            off = base + ch * GCH
            pltpu.sync_copy(gidx_hbm.at[pl.ds(off, GCH)], idx_v)
            pltpu.async_copy(table_hbm.at[idx_v], rows_v, sem).wait()
            pltpu.sync_copy(rows_v, out_hbm.at[pl.ds(off, GCH)])

    return gather_kernel


def _sc_gather(table, gidx_b):
    global _SC_GATHER_FN
    if _SC_GATHER_FN is None:
        _SC_GATHER_FN = _build_sc_gather()
    return _SC_GATHER_FN(table, gidx_b)



def _embed_body(f_ref, w1_ref, b1_ref, w2_ref, b2_ref, emb_ref, pos_ref):
    f = f_ref[...]
    h = jnp.maximum(_dot(f, w1_ref[...]) + b1_ref[...], 0.0)
    emb_ref[...] = _dot(h, w2_ref[...]) + b2_ref[...]
    i = jax.lax.broadcasted_iota(jnp.int32, (1, NPF), 1).astype(F32)
    dim_t = jnp.exp((2.0 * jnp.floor(i / 2.0) / NPF) * jnp.log(10000.0))
    pe = f[:, 4:5] / dim_t
    pp = f[:, 5:6] / dim_t
    pos_ref[:, 0:NPF] = jnp.sin(pe)
    pos_ref[:, NPF:2 * NPF] = jnp.cos(pe)
    pos_ref[:, 2 * NPF:3 * NPF] = jnp.sin(pp)
    pos_ref[:, 3 * NPF:4 * NPF] = jnp.cos(pp)


def _embed(f2d, mp, tile):
    n, fdim = f2d.shape
    return _pc(
        _embed_body,
        grid=(n // tile,),
        in_specs=[
            pl.BlockSpec((tile, fdim), lambda i: (i, 0)),
            pl.BlockSpec((fdim, H), lambda i: (0, 0)),
            pl.BlockSpec((1, H), lambda i: (0, 0)),
            pl.BlockSpec((H, H), lambda i: (0, 0)),
            pl.BlockSpec((1, H), lambda i: (0, 0)),
        ],
        out_specs=[
            pl.BlockSpec((tile, H), lambda i: (i, 0)),
            pl.BlockSpec((tile, H), lambda i: (i, 0)),
        ],
        out_shape=[
            jax.ShapeDtypeStruct((n, H), F32),
            jax.ShapeDtypeStruct((n, H), F32),
        ],
    )(f2d, mp['w1'], mp['b1'].reshape(1, H), mp['w2'], mp['b2'].reshape(1, H))



def _node_body(x_ref, wcat_ref, att_ref, xlr_ref, xlrpk_ref, s_ref):
    xlr = _dot(x_ref[...], wcat_ref[...])
    xlr_ref[...] = xlr
    xl_u = jax.lax.bitcast_convert_type(
        xlr[:, :HH].astype(jnp.bfloat16), jnp.uint16).astype(jnp.uint32)
    xr_u = jax.lax.bitcast_convert_type(
        xlr[:, HH:].astype(jnp.bfloat16), jnp.uint16).astype(jnp.uint32)
    xlrpk_ref[...] = (xl_u | (xr_u << 16)).astype(jnp.int32)
    m = _lr(xlr[:, :HH] + xlr[:, HH:]) * att_ref[...]
    s_ref[...] = _dot(m, _hsel())


def _node_topo(x, wcat, att):
    return _pc(
        _node_body,
        grid=(BS,),
        in_specs=[
            pl.BlockSpec((NT, H), lambda b: (b * NBLK + CBLK, 0)),
            pl.BlockSpec((H, 2 * HH), lambda b: (0, 0)),
            pl.BlockSpec((1, HH), lambda b: (0, 0)),
        ],
        out_specs=[
            pl.BlockSpec((NT, 2 * HH), lambda b: (b, 0)),
            pl.BlockSpec((NT, HH), lambda b: (b, 0)),
            pl.BlockSpec((NT, HEADS), lambda b: (b, 0)),
        ],
        out_shape=[
            jax.ShapeDtypeStruct((BS * NT, 2 * HH), F32),
            jax.ShapeDtypeStruct((BS * NT, HH), jnp.int32),
            jax.ShapeDtypeStruct((BS * NT, HEADS), F32),
        ],
    )(x, wcat, att)



def _edge_body(g_ref, xc_ref, wcat_ref,
               att_ref, bias_ref, gg_ref, bb_ref, xout_ref, lct_ref):
    gu = jax.lax.bitcast_convert_type(g_ref[...], jnp.uint32)
    xl_t = jax.lax.bitcast_convert_type(gu << 16, F32)
    xr_t = jax.lax.bitcast_convert_type(gu & jnp.uint32(0xFFFF0000), F32)
    xc = xc_ref[...]
    rc = _dot(xc, wcat_ref[...])
    xl_c = rc[:, :HH]
    xr_c = rc[:, HH:]
    att = att_ref[...]
    hs = _hsel()
    sc4 = _dot(_lr(xl_c + xr_c) * att, hs)
    l_tc = _dot(_lr(xl_t + xr_c) * att, hs)
    l_ct = _dot(_lr(xl_c + xr_t) * att, hs)
    lct_ref[...] = l_ct
    lmax = jnp.maximum(l_tc, sc4)
    e1 = jnp.exp(l_tc - lmax)
    e2 = jnp.exp(sc4 - lmax)
    den = e1 + e2 + 1e-16
    a1 = e1 / den
    a2 = e2 / den
    conv = jnp.zeros((CT, H), F32)
    for h in range(HEADS):
        sl = slice(h * H, (h + 1) * H)
        conv += a1[:, h:h + 1] * xl_t[:, sl] + a2[:, h:h + 1] * xl_c[:, sl]
    conv = conv * 0.25 + bias_ref[...]
    xout_ref[...] = _layernorm_relu_add(conv, xc, gg_ref[...], bb_ref[...])


def _edge(b, gth_b, x, wcat, att, bias, g, bb):
    rep = lambda j: (0, 0)
    cmap = lambda j: (j, 0)
    nmap = lambda j: (b * NBLK + j, 0)
    return _pc(
        _edge_body,
        grid=(CBLK,),
        in_specs=[
            pl.BlockSpec((CT, HH), cmap),
            pl.BlockSpec((CT, H), nmap),
            pl.BlockSpec((H, 2 * HH), rep),
            pl.BlockSpec((1, HH), rep),
            pl.BlockSpec((1, H), rep),
            pl.BlockSpec((1, H), rep),
            pl.BlockSpec((1, H), rep),
        ],
        out_specs=[
            pl.BlockSpec((CT, H), cmap),
            pl.BlockSpec((CT, HEADS), cmap),
        ],
        out_shape=[
            jax.ShapeDtypeStruct((NC, H), F32),
            jax.ShapeDtypeStruct((NC, HEADS), F32),
        ],
    )(gth_b, x, wcat, att, bias, g, bb)



def _segmax_body(idxr_ref, lctt_ref, ts_ref, maxt_ref, macc):
    j = pl.program_id(1)

    @pl.when(j == 0)
    def _():
        macc[...] = ts_ref[...]

    idxr = idxr_ref[0]
    rows = jax.lax.broadcasted_iota(jnp.int32, (NT, CT), 0).astype(F32)
    hit = rows == idxr
    lctt = lctt_ref[...]
    for h in range(HEADS):
        row = lctt[h:h + 1, :]
        masked = jnp.where(hit, row, -jnp.inf)
        macc[:, h:h + 1] = jnp.maximum(
            macc[:, h:h + 1], jnp.max(masked, axis=1, keepdims=True))

    @pl.when(j == pl.num_programs(1) - 1)
    def _():
        maxt_ref[...] = macc[...]


def _segmax(idx_f, lctt, s4):
    return _pc(
        _segmax_body,
        grid=(BS, CBLK),
        in_specs=[
            pl.BlockSpec((1, 1, CT), lambda b, j: (b, 0, j)),
            pl.BlockSpec((HEADS, CT), lambda b, j: (0, b * CBLK + j)),
            pl.BlockSpec((NT, HEADS), lambda b, j: (b, 0)),
        ],
        out_specs=pl.BlockSpec((NT, HEADS), lambda b, j: (b, 0)),
        out_shape=jax.ShapeDtypeStruct((BS * NT, HEADS), F32),
        scratch_shapes=[pltpu.VMEM((NT, HEADS), F32)],
    )(idx_f, lctt, s4)



def _scat_body(idxr_ref, idxc_ref, lct_ref, xc_ref, wsrc_ref, txl_ref,
               maxt_ref, ts_ref, xt_ref, bias_ref, gg_ref, bb_ref,
               xout_ref, acc, accex):
    j = pl.program_id(1)

    @pl.when(j == 0)
    def _():
        acc[...] = jnp.zeros_like(acc)
        accex[...] = jnp.zeros_like(accex)

    @pl.when(j < CBLK)
    def _():
        idxc = idxc_ref[...]
        lane = jax.lax.broadcasted_iota(jnp.int32, (CT, NT), 1).astype(F32)
        P = (idxc == lane).astype(F32)
        mt_c = _dot(P, maxt_ref[...])
        ex = jnp.exp(lct_ref[...] - mt_c)
        xlc = _dot(xc_ref[...], wsrc_ref[...])
        w = jnp.concatenate(
            [ex[:, h:h + 1] * xlc[:, h * H:(h + 1) * H] for h in range(HEADS)], axis=1)
        idxr = idxr_ref[0]
        rows = jax.lax.broadcasted_iota(jnp.int32, (NT, CT), 0).astype(F32)
        P_T = (rows == idxr).astype(F32)
        acc[...] += _dot(P_T, w)
        accex[...] += _dot(P_T, ex)

    @pl.when(j == CBLK)
    def _():
        txl = txl_ref[...]
        a = acc[...]
        selfex = jnp.exp(ts_ref[...] - maxt_ref[...])
        ae = accex[...] + selfex + 1e-16
        conv = jnp.zeros((NT, H), F32)
        for h in range(HEADS):
            sl = slice(h * H, (h + 1) * H)
            conv += (a[:, sl] + selfex[:, h:h + 1] * txl[:, sl]) / ae[:, h:h + 1]
        conv = conv * 0.25 + bias_ref[...]
        xout_ref[...] = _layernorm_relu_add(conv, xt_ref[...], gg_ref[...], bb_ref[...])


def _scat(idx_f, idxc2d, lct4, x, wsrc, xlrt_xl, maxt, s4t, bias, g, bb):
    rep = lambda b, j: (0, 0)
    cmap = lambda b, j: (b * CBLK + jnp.minimum(j, CBLK - 1), 0)
    rmap = lambda b, j: (b, 0, jnp.minimum(j, CBLK - 1))
    nmap = lambda b, j: (b * NBLK + jnp.minimum(j, CBLK - 1), 0)
    tmap = lambda b, j: (b * NBLK + CBLK, 0)
    bmap = lambda b, j: (b, 0)
    return _pc(
        _scat_body,
        grid=(BS, CBLK + 1),
        in_specs=[
            pl.BlockSpec((1, 1, CT), rmap),
            pl.BlockSpec((CT, 1), cmap),
            pl.BlockSpec((CT, HEADS), cmap),
            pl.BlockSpec((CT, H), nmap),
            pl.BlockSpec((H, HH), rep),
            pl.BlockSpec((NT, HH), bmap),
            pl.BlockSpec((NT, HEADS), bmap),
            pl.BlockSpec((NT, HEADS), bmap),
            pl.BlockSpec((NT, H), tmap),
            pl.BlockSpec((1, H), rep),
            pl.BlockSpec((1, H), rep),
            pl.BlockSpec((1, H), rep),
        ],
        out_specs=pl.BlockSpec((NT, H), lambda b, j: (b, 0)),
        out_shape=jax.ShapeDtypeStruct((BS * NT, H), F32),
        scratch_shapes=[
            pltpu.VMEM((NT, HH), F32),
            pltpu.VMEM((NT, HEADS), F32),
        ],
    )(idx_f, idxc2d, lct4, x, wsrc, xlrt_xl, maxt, s4t, x, bias, g, bb)



def kernel(cell_feats, topo_feats, cell_mask, topo_mask, params):
    cf = jnp.transpose(cell_feats, (0, 2, 1)).reshape(BS * NC, FC)
    tf = jnp.transpose(topo_feats, (0, 2, 1)).reshape(BS * NT, FT)
    cell_emb, pos_c = _embed(cf, params['cell_mlp'], 1024)
    topo_emb, pos_t = _embed(tf, params['topo_mlp'], 512)
    idx_f = cf[:, FC - 1].reshape(BS, 1, NC)
    idxc2d = idx_f.reshape(B_ALL, 1)
    idx_i = idx_f.reshape(BS, NC).astype(jnp.int32)
    offs = (jnp.arange(BS, dtype=jnp.int32) * NT)[:, None]
    gidx = (idx_i + offs).reshape(-1)
    x = jnp.concatenate([
        cell_emb[:NC], topo_emb[:NT], cell_emb[NC:], topo_emb[NT:]], axis=0)
    for p in params['gnn']:
        wcat = jnp.concatenate([p['w_src'], p['w_dst']], axis=1)
        att = p['att'].reshape(1, HH)
        bias = p['bias'].reshape(1, H)
        g = p['ln_g'].reshape(1, H)
        bb = p['ln_b'].reshape(1, H)
        xlrt, xlrt_pk, s4t = _node_topo(x, wcat, att)
        gths = [_sc_gather(xlrt_pk, gidx[b * NC:(b + 1) * NC]) for b in range(BS)]
        eouts = [_edge(b, gths[b], x, wcat, att, bias, g, bb)
                 for b in range(BS)]
        xout_c = jnp.concatenate([e[0] for e in eouts], axis=0)
        lct4 = jnp.concatenate([e[1] for e in eouts], axis=0)
        maxt = _segmax(idx_f, lct4.T, s4t)
        xout_t = _scat(idx_f, idxc2d, lct4, x, p['w_src'], xlrt[:, :HH],
                       maxt, s4t, bias, g, bb)
        x = jnp.concatenate([
            xout_c[:NC], xout_t[:NT], xout_c[NC:], xout_t[NT:]], axis=0)
        last_c, last_t = xout_c, xout_t
    return (last_c.reshape(BS, NC, H), last_t.reshape(BS, NT, H),
            pos_c.reshape(BS, NC, H), pos_t.reshape(BS, NT, H))

# --- scband reference (transcript-rebuilt; emitter-appended) ---
"""Pipeline reference for scband-calorimeter-gnnembedder-36129264894663 (READ-ONLY COPY).

The authoritative reference and input builder live on the scoring server;
editing this copy changes nothing except your own understanding.
"""

import jax, jax.numpy as jnp
import numpy as np

BS = 2
NC = 8192
NT = 512
FC = 16
FT = 10
H = 128
HEADS = 4
LAYERS = 2
NPF = H // 4
NN = NC + NT
NTOT = BS * NN


def build_pos_embed(eta, phi, npf):
    dim_t = jnp.arange(npf, dtype=jnp.float32)
    dim_t = 10000.0 ** (2.0 * jnp.floor(dim_t / 2.0) / npf)
    pe = eta[..., None] / dim_t
    pp = phi[..., None] / dim_t
    return jnp.concatenate([jnp.sin(pe), jnp.cos(pe), jnp.sin(pp), jnp.cos(pp)], axis=-1)


def mlp(x, p):
    h = jax.nn.relu(x @ p['w1'] + p['b1'])
    return h @ p['w2'] + p['b2']


def layer_norm(x, g, b):
    mu = x.mean(axis=-1, keepdims=True)
    var = ((x - mu) ** 2).mean(axis=-1, keepdims=True)
    return (x - mu) / jnp.sqrt(var + 1e-5) * g + b


def gatv2(x, src, dst, p):
    n = x.shape[0]
    xl = (x @ p['w_src']).reshape(n, HEADS, H)
    xr = (x @ p['w_dst']).reshape(n, HEADS, H)
    m_src = xl[src]
    m_dst = xr[dst]
    m = jax.nn.leaky_relu(m_src + m_dst, 0.2)
    logits = jnp.einsum('ehd,hd->eh', m, p['att'])
    lmax = jax.ops.segment_max(logits, dst, num_segments=n)
    ex = jnp.exp(logits - lmax[dst])
    denom = jax.ops.segment_sum(ex, dst, num_segments=n)
    alpha = ex / (denom[dst] + 1e-16)
    out = jax.ops.segment_sum(alpha[:, :, None] * m_src, dst, num_segments=n)
    return out.mean(axis=1) + p['bias']


def _forward(cell_feats, topo_feats, params):
    cf = jnp.transpose(cell_feats, (0, 2, 1))
    tf = jnp.transpose(topo_feats, (0, 2, 1))
    pos_c = build_pos_embed(cf[:, :, 4], cf[:, :, 5], NPF)
    pos_t = build_pos_embed(tf[:, :, 4], tf[:, :, 5], NPF)
    cell_emb = mlp(cf, params['cell_mlp'])
    topo_emb = mlp(tf, params['topo_mlp'])
    idx = jax.lax.stop_gradient(cf[:, :, -1]).astype(jnp.int32)
    offs = (jnp.arange(BS, dtype=jnp.int32) * NN)[:, None]
    src_ct = (jnp.arange(NC, dtype=jnp.int32)[None, :] + offs).reshape(-1)
    dst_ct = (idx + NC + offs).reshape(-1)
    loops = jnp.arange(NTOT, dtype=jnp.int32)
    src = jnp.concatenate([src_ct, dst_ct, loops])
    dst = jnp.concatenate([dst_ct, src_ct, loops])
    x = jnp.concatenate([cell_emb, topo_emb], axis=1).reshape(NTOT, H)
    for p in params['gnn']:
        conv = gatv2(x, src, dst, p)
        x = x + jax.nn.relu(layer_norm(conv, p['ln_g'], p['ln_b']))
    xr = x.reshape(BS, NN, H)
    return (xr[:, :NC], xr[:, NC:], pos_c, pos_t)


def setup_inputs(seed: int = 0):
    key = jax.random.key(seed)
    ks = jax.random.split(key, 16)
    cell_feats = jax.random.normal(ks[0], (BS, FC, NC), dtype=jnp.float32)
    topo_idx = jax.random.randint(ks[1], (BS, NC), 0, NT)
    cell_feats = cell_feats.at[:, -1, :].set(topo_idx.astype(jnp.float32))
    topo_feats = jax.random.normal(ks[2], (BS, FT, NT), dtype=jnp.float32)
    cell_mask = jnp.ones((BS, NC), dtype=bool)
    topo_mask = jnp.ones((BS, NT), dtype=bool)

    def lin(k, fi, fo):
        return jax.random.normal(k, (fi, fo), dtype=jnp.float32) / np.sqrt(fi)

    params = {
        'cell_mlp': {'w1': lin(ks[3], FC, H), 'b1': jnp.zeros((H,), jnp.float32), 'w2': lin(ks[4], H, H), 'b2': jnp.zeros((H,), jnp.float32)},
        'topo_mlp': {'w1': lin(ks[5], FT, H), 'b1': jnp.zeros((H,), jnp.float32), 'w2': lin(ks[6], H, H), 'b2': jnp.zeros((H,), jnp.float32)},
        'gnn': [
            {'w_src': lin(ks[7 + 4 * l], H, HEADS * H),
             'w_dst': lin(ks[8 + 4 * l], H, HEADS * H),
             'att': jax.random.normal(ks[9 + 4 * l], (HEADS, H), dtype=jnp.float32) / np.sqrt(H),
             'bias': jnp.zeros((H,), jnp.float32),
             'ln_g': jnp.ones((H,), jnp.float32),
             'ln_b': jnp.zeros((H,), jnp.float32)}
            for l in range(LAYERS)
        ],
    }
    return {'cell_feats': cell_feats, 'topo_feats': topo_feats, 'cell_mask': cell_mask, 'topo_mask': topo_mask, 'params': params}


def reference(cell_feats, topo_feats, cell_mask, topo_mask, params):
    return _forward(cell_feats, topo_feats, params)

if __name__ == "__main__":
    import jax
    _d = setup_inputs()
    print(jax.jit(kernel)(*tuple(_d.values())))

</pallas_src>

<mosaic_0001>
#map = affine_map<(d0, d1) -> (0, 0)>
#map1 = affine_map<(d0, d1) -> (0)>
module attributes {stable_mosaic.version = 14 : i64} {
  func.func @gather_kernel(%arg0: i32, %arg1: i32, %arg2: memref<1024x512xi32, #tpu.memory_space<hbm>>, %arg3: memref<8192xi32, #tpu.memory_space<hbm>>, %arg4: memref<8192x512xi32, #tpu.memory_space<hbm>>, %arg5: memref<128xi32, #tpu.memory_space<vmem>>, %arg6: memref<128x512xi32, #tpu.memory_space<vmem>>, %arg7: memref<!tpu.dma_semaphore, #tpu.memory_space<semaphore_mem>>) attributes {dimension_semantics = [#tpu.dimension_semantics<core_parallel>, #tpu.dimension_semantics<subcore_parallel>], iteration_bounds = array<i64: 2, 16>, scalar_prefetch = 0 : i64, scratch_operands = 3 : i64, tpu.core_type = #tpu.core_type<sc_vector_subcore>, window_params = [{transform_indices = #map}, {transform_indices = #map1}, {transform_indices = #map}]} {
    %mul3A = arith.constant 2 : i32
    %mul3A_0 = arith.muli %arg1, %mul3A : i32
    %add3A = arith.addi %mul3A_0, %arg0 : i32
    %mul3A_1 = arith.constant 256 : i32
    %mul3A_2 = arith.muli %add3A, %mul3A_1 : i32
    %add3A_3 = arith.constant 0 : i32
    %add3A_4 = arith.addi %mul3A_2, %add3A_3 : i32
    "tpu.region"() ({
      %run_scoped3A = tpu.sem_alloc : memref<!tpu.dma_semaphore, #tpu.memory_space<semaphore_mem>>
      %dma_start3A_17 = tpu.memref_slice %arg3[%add3A_4] : memref<8192xi32, #tpu.memory_space<hbm>> -> memref<128xi32, #tpu.memory_space<hbm>>
      %dma_start3A_18 = tpu.memref_slice %arg3[%add3A_4] : memref<8192xi32, #tpu.memory_space<hbm>> -> memref<128xi32, #tpu.memory_space<hbm>>
      tpu.enqueue_dma source(%dma_start3A_18 : memref<128xi32, #tpu.memory_space<hbm>>) target(%arg5 : memref<128xi32, #tpu.memory_space<vmem>>) target_semaphore(%run_scoped3A : memref<!tpu.dma_semaphore, #tpu.memory_space<semaphore_mem>>)
      %dma_wait3A_19 = tpu.memref_slice %arg3[%add3A_4] : memref<8192xi32, #tpu.memory_space<hbm>> -> memref<128xi32, #tpu.memory_space<hbm>>
      %dma_wait3A_20 = tpu.memref_slice %arg3[%add3A_4] : memref<8192xi32, #tpu.memory_space<hbm>> -> memref<128xi32, #tpu.memory_space<hbm>>
      tpu.wait_dma2 semaphore(%run_scoped3A : memref<!tpu.dma_semaphore, #tpu.memory_space<semaphore_mem>>) src(%dma_wait3A_20 : memref<128xi32, #tpu.memory_space<hbm>>) dst(%arg5 : memref<128xi32, #tpu.memory_space<vmem>>)
      tpu.yield
    }) : () -> ()
    %dma_start3A = arith.constant 0 : i32
    %dma_start3A_5 = arith.constant 0 : i32
    %dma_start3A_6 = tpu.memref_slice %arg2[%dma_start3A, %dma_start3A_5] : memref<1024x512xi32, #tpu.memory_space<hbm>> -> memref<1024x512xi32, #tpu.memory_space<hbm>>
    tpu.enqueue_indirect_dma source(%dma_start3A_6 : memref<1024x512xi32, #tpu.memory_space<hbm>>) target(%arg6 : memref<128x512xi32, #tpu.memory_space<vmem>>) offsets(%arg5 : memref<128xi32, #tpu.memory_space<vmem>>) semaphore(%arg7 : memref<!tpu.dma_semaphore, #tpu.memory_space<semaphore_mem>>)
    %dma_wait3A = arith.constant 0 : i32
    %dma_wait3A_7 = arith.constant 0 : i32
    %dma_wait3A_8 = tpu.memref_slice %arg2[%dma_wait3A, %dma_wait3A_7] : memref<1024x512xi32, #tpu.memory_space<hbm>> -> memref<1024x512xi32, #tpu.memory_space<hbm>>
    tpu.wait_indirect_dma semaphore(%arg7 : memref<!tpu.dma_semaphore, #tpu.memory_space<semaphore_mem>>) src(%dma_wait3A_8 : memref<1024x512xi32, #tpu.memory_space<hbm>>) dst(%arg6 : memref<128x512xi32, #tpu.memory_space<vmem>>)
    "tpu.region"() ({
      %run_scoped3A = tpu.sem_alloc : memref<!tpu.dma_semaphore, #tpu.memory_space<semaphore_mem>>
      %dma_start3A_17 = arith.constant 0 : i32
      %dma_start3A_18 = tpu.memref_slice %arg4[%add3A_4, %dma_start3A_17] : memref<8192x512xi32, #tpu.memory_space<hbm>> -> memref<128x512xi32, #tpu.memory_space<hbm>>
      %dma_start3A_19 = arith.constant 0 : i32
      %dma_start3A_20 = tpu.memref_slice %arg4[%add3A_4, %dma_start3A_19] : memref<8192x512xi32, #tpu.memory_space<hbm>> -> memref<128x512xi32, #tpu.memory_space<hbm>>
      tpu.enqueue_dma source(%arg6 : memref<128x512xi32, #tpu.memory_space<vmem>>) target(%dma_start3A_20 : memref<128x512xi32, #tpu.memory_space<hbm>>) target_semaphore(%run_scoped3A : memref<!tpu.dma_semaphore, #tpu.memory_space<semaphore_mem>>)
      %dma_wait3A_21 = arith.constant 0 : i32
      %dma_wait3A_22 = tpu.memref_slice %arg4[%add3A_4, %dma_wait3A_21] : memref<8192x512xi32, #tpu.memory_space<hbm>> -> memref<128x512xi32, #tpu.memory_space<hbm>>
      %dma_wait3A_23 = arith.constant 0 : i32
      %dma_wait3A_24 = tpu.memref_slice %arg4[%add3A_4, %dma_wait3A_23] : memref<8192x512xi32, #tpu.memory_space<hbm>> -> memref<128x512xi32, #tpu.memory_space<hbm>>
      tpu.wait_dma2 semaphore(%run_scoped3A : memref<!tpu.dma_semaphore, #tpu.memory_space<semaphore_mem>>) src(%arg6 : memref<128x512xi32, #tpu.memory_space<vmem>>) dst(%dma_wait3A_24 : memref<128x512xi32, #tpu.memory_space<hbm>>)
      tpu.yield
    }) : () -> ()
    %add3A_9 = arith.constant 128 : i32
    %add3A_10 = arith.addi %mul3A_2, %add3A_9 : i32
    "tpu.region"() ({
      %run_scoped3A = tpu.sem_alloc : memref<!tpu.dma_semaphore, #tpu.memory_space<semaphore_mem>>
      %dma_start3A_17 = tpu.memref_slice %arg3[%add3A_10] : memref<8192xi32, #tpu.memory_space<hbm>> -> memref<128xi32, #tpu.memory_space<hbm>>
      %dma_start3A_18 = tpu.memref_slice %arg3[%add3A_10] : memref<8192xi32, #tpu.memory_space<hbm>> -> memref<128xi32, #tpu.memory_space<hbm>>
      tpu.enqueue_dma source(%dma_start3A_18 : memref<128xi32, #tpu.memory_space<hbm>>) target(%arg5 : memref<128xi32, #tpu.memory_space<vmem>>) target_semaphore(%run_scoped3A : memref<!tpu.dma_semaphore, #tpu.memory_space<semaphore_mem>>)
      %dma_wait3A_19 = tpu.memref_slice %arg3[%add3A_10] : memref<8192xi32, #tpu.memory_space<hbm>> -> memref<128xi32, #tpu.memory_space<hbm>>
      %dma_wait3A_20 = tpu.memref_slice %arg3[%add3A_10] : memref<8192xi32, #tpu.memory_space<hbm>> -> memref<128xi32, #tpu.memory_space<hbm>>
      tpu.wait_dma2 semaphore(%run_scoped3A : memref<!tpu.dma_semaphore, #tpu.memory_space<semaphore_mem>>) src(%dma_wait3A_20 : memref<128xi32, #tpu.memory_space<hbm>>) dst(%arg5 : memref<128xi32, #tpu.memory_space<vmem>>)
      tpu.yield
    }) : () -> ()
    %dma_start3A_11 = arith.constant 0 : i32
    %dma_start3A_12 = arith.constant 0 : i32
    %dma_start3A_13 = tpu.memref_slice %arg2[%dma_start3A_11, %dma_start3A_12] : memref<1024x512xi32, #tpu.memory_space<hbm>> -> memref<1024x512xi32, #tpu.memory_space<hbm>>
    tpu.enqueue_indirect_dma source(%dma_start3A_13 : memref<1024x512xi32, #tpu.memory_space<hbm>>) target(%arg6 : memref<128x512xi32, #tpu.memory_space<vmem>>) offsets(%arg5 : memref<128xi32, #tpu.memory_space<vmem>>) semaphore(%arg7 : memref<!tpu.dma_semaphore, #tpu.memory_space<semaphore_mem>>)
    %dma_wait3A_14 = arith.constant 0 : i32
    %dma_wait3A_15 = arith.constant 0 : i32
    %dma_wait3A_16 = tpu.memref_slice %arg2[%dma_wait3A_14, %dma_wait3A_15] : memref<1024x512xi32, #tpu.memory_space<hbm>> -> memref<1024x512xi32, #tpu.memory_space<hbm>>
    tpu.wait_indirect_dma semaphore(%arg7 : memref<!tpu.dma_semaphore, #tpu.memory_space<semaphore_mem>>) src(%dma_wait3A_16 : memref<1024x512xi32, #tpu.memory_space<hbm>>) dst(%arg6 : memref<128x512xi32, #tpu.memory_space<vmem>>)
    "tpu.region"() ({
      %run_scoped3A = tpu.sem_alloc : memref<!tpu.dma_semaphore, #tpu.memory_space<semaphore_mem>>
      %dma_start3A_17 = arith.constant 0 : i32
      %dma_start3A_18 = tpu.memref_slice %arg4[%add3A_10, %dma_start3A_17] : memref<8192x512xi32, #tpu.memory_space<hbm>> -> memref<128x512xi32, #tpu.memory_space<hbm>>
      %dma_start3A_19 = arith.constant 0 : i32
      %dma_start3A_20 = tpu.memref_slice %arg4[%add3A_10, %dma_start3A_19] : memref<8192x512xi32, #tpu.memory_space<hbm>> -> memref<128x512xi32, #tpu.memory_space<hbm>>
      tpu.enqueue_dma source(%arg6 : memref<128x512xi32, #tpu.memory_space<vmem>>) target(%dma_start3A_20 : memref<128x512xi32, #tpu.memory_space<hbm>>) target_semaphore(%run_scoped3A : memref<!tpu.dma_semaphore, #tpu.memory_space<semaphore_mem>>)
      %dma_wait3A_21 = arith.constant 0 : i32
      %dma_wait3A_22 = tpu.memref_slice %arg4[%add3A_10, %dma_wait3A_21] : memref<8192x512xi32, #tpu.memory_space<hbm>> -> memref<128x512xi32, #tpu.memory_space<hbm>>
      %dma_wait3A_23 = arith.constant 0 : i32
      %dma_wait3A_24 = tpu.memref_slice %arg4[%add3A_10, %dma_wait3A_23] : memref<8192x512xi32, #tpu.memory_space<hbm>> -> memref<128x512xi32, #tpu.memory_space<hbm>>
      tpu.wait_dma2 semaphore(%run_scoped3A : memref<!tpu.dma_semaphore, #tpu.memory_space<semaphore_mem>>) src(%arg6 : memref<128x512xi32, #tpu.memory_space<vmem>>) dst(%dma_wait3A_24 : memref<128x512xi32, #tpu.memory_space<hbm>>)
      tpu.yield
    }) : () -> ()
    return
  }
}

#map = affine_map<(d0, d1) -> (0, 0)>
#map1 = affine_map<(d0, d1) -> (0)>
module attributes {stable_mosaic.version = 14 : i64} {
  func.func @gather_kernel(%arg0: i32, %arg1: i32, %arg2: memref<1024x512xi32, #tpu.memory_space<hbm>>, %arg3: memref<8192xi32, #tpu.memory_space<hbm>>, %arg4: memref<8192x512xi32, #tpu.memory_space<hbm>>, %arg5: memref<128xi32, #tpu.memory_space<vmem>>, %arg6: memref<128x512xi32, #tpu.memory_space<vmem>>, %arg7: memref<!tpu.dma_semaphore, #tpu.memory_space<semaphore_mem>>) attributes {dimension_semantics = [#tpu.dimension_semantics<core_parallel>, #tpu.dimension_semantics<subcore_parallel>], iteration_bounds = array<i64: 2, 16>, scalar_prefetch = 0 : i64, scratch_operands = 3 : i64, tpu.core_type = #tpu.core_type<sc_vector_subcore>, window_params = [{transform_indices = #map}, {transform_indices = #map1}, {transform_indices = #map}]} {
    %mul3A = arith.constant 2 : i32
    %mul3A_0 = arith.muli %arg1, %mul3A : i32
    %add3A = arith.addi %mul3A_0, %arg0 : i32
    %mul3A_1 = arith.constant 256 : i32
    %mul3A_2 = arith.muli %add3A, %mul3A_1 : i32
    %add3A_3 = arith.constant 0 : i32
    %add3A_4 = arith.addi %mul3A_2, %add3A_3 : i32
    "tpu.region"() ({
      %run_scoped3A = tpu.sem_alloc : memref<!tpu.dma_semaphore, #tpu.memory_space<semaphore_mem>>
      %dma_start3A_17 = tpu.memref_slice %arg3[%add3A_4] : memref<8192xi32, #tpu.memory_space<hbm>> -> memref<128xi32, #tpu.memory_space<hbm>>
      %dma_start3A_18 = tpu.memref_slice %arg3[%add3A_4] : memref<8192xi32, #tpu.memory_space<hbm>> -> memref<128xi32, #tpu.memory_space<hbm>>
      tpu.enqueue_dma source(%dma_start3A_18 : memref<128xi32, #tpu.memory_space<hbm>>) target(%arg5 : memref<128xi32, #tpu.memory_space<vmem>>) target_semaphore(%run_scoped3A : memref<!tpu.dma_semaphore, #tpu.memory_space<semaphore_mem>>)
      %dma_wait3A_19 = tpu.memref_slice %arg3[%add3A_4] : memref<8192xi32, #tpu.memory_space<hbm>> -> memref<128xi32, #tpu.memory_space<hbm>>
      %dma_wait3A_20 = tpu.memref_slice %arg3[%add3A_4] : memref<8192xi32, #tpu.memory_space<hbm>> -> memref<128xi32, #tpu.memory_space<hbm>>
      tpu.wait_dma2 semaphore(%run_scoped3A : memref<!tpu.dma_semaphore, #tpu.memory_space<semaphore_mem>>) src(%dma_wait3A_20 : memref<128xi32, #tpu.memory_space<hbm>>) dst(%arg5 : memref<128xi32, #tpu.memory_space<vmem>>)
      tpu.yield
    }) : () -> ()
    %dma_start3A = arith.constant 0 : i32
    %dma_start3A_5 = arith.constant 0 : i32
    %dma_start3A_6 = tpu.memref_slice %arg2[%dma_start3A, %dma_start3A_5] : memref<1024x512xi32, #tpu.memory_space<hbm>> -> memref<1024x512xi32, #tpu.memory_space<hbm>>
    tpu.enqueue_indirect_dma source(%dma_start3A_6 : memref<1024x512xi32, #tpu.memory_space<hbm>>) target(%arg6 : memref<128x512xi32, #tpu.memory_space<vmem>>) offsets(%arg5 : memref<128xi32, #tpu.memory_space<vmem>>) semaphore(%arg7 : memref<!tpu.dma_semaphore, #tpu.memory_space<semaphore_mem>>)
    %dma_wait3A = arith.constant 0 : i32
    %dma_wait3A_7 = arith.constant 0 : i32
    %dma_wait3A_8 = tpu.memref_slice %arg2[%dma_wait3A, %dma_wait3A_7] : memref<1024x512xi32, #tpu.memory_space<hbm>> -> memref<1024x512xi32, #tpu.memory_space<hbm>>
    tpu.wait_indirect_dma semaphore(%arg7 : memref<!tpu.dma_semaphore, #tpu.memory_space<semaphore_mem>>) src(%dma_wait3A_8 : memref<1024x512xi32, #tpu.memory_space<hbm>>) dst(%arg6 : memref<128x512xi32, #tpu.memory_space<vmem>>)
    "tpu.region"() ({
      %run_scoped3A = tpu.sem_alloc : memref<!tpu.dma_semaphore, #tpu.memory_space<semaphore_mem>>
      %dma_start3A_17 = arith.constant 0 : i32
      %dma_start3A_18 = tpu.memref_slice %arg4[%add3A_4, %dma_start3A_17] : memref<8192x512xi32, #tpu.memory_space<hbm>> -> memref<128x512xi32, #tpu.memory_space<hbm>>
      %dma_start3A_19 = arith.constant 0 : i32
      %dma_start3A_20 = tpu.memref_slice %arg4[%add3A_4, %dma_start3A_19] : memref<8192x512xi32, #tpu.memory_space<hbm>> -> memref<128x512xi32, #tpu.memory_space<hbm>>
      tpu.enqueue_dma source(%arg6 : memref<128x512xi32, #tpu.memory_space<vmem>>) target(%dma_start3A_20 : memref<128x512xi32, #tpu.memory_space<hbm>>) target_semaphore(%run_scoped3A : memref<!tpu.dma_semaphore, #tpu.memory_space<semaphore_mem>>)
      %dma_wait3A_21 = arith.constant 0 : i32
      %dma_wait3A_22 = tpu.memref_slice %arg4[%add3A_4, %dma_wait3A_21] : memref<8192x512xi32, #tpu.memory_space<hbm>> -> memref<128x512xi32, #tpu.memory_space<hbm>>
      %dma_wait3A_23 = arith.constant 0 : i32
      %dma_wait3A_24 = tpu.memref_slice %arg4[%add3A_4, %dma_wait3A_23] : memref<8192x512xi32, #tpu.memory_space<hbm>> -> memref<128x512xi32, #tpu.memory_space<hbm>>
      tpu.wait_dma2 semaphore(%run_scoped3A : memref<!tpu.dma_semaphore, #tpu.memory_space<semaphore_mem>>) src(%arg6 : memref<128x512xi32, #tpu.memory_space<vmem>>) dst(%dma_wait3A_24 : memref<128x512xi32, #tpu.memory_space<hbm>>)
      tpu.yield
    }) : () -> ()
    %add3A_9 = arith.constant 128 : i32
    %add3A_10 = arith.addi %mul3A_2, %add3A_9 : i32
    "tpu.region"() ({
      %run_scoped3A = tpu.sem_alloc : memref<!tpu.dma_semaphore, #tpu.memory_space<semaphore_mem>>
      %dma_start3A_17 = tpu.memref_slice %arg3[%add3A_10] : memref<8192xi32, #tpu.memory_space<hbm>> -> memref<128xi32, #tpu.memory_space<hbm>>
      %dma_start3A_18 = tpu.memref_slice %arg3[%add3A_10] : memref<8192xi32, #tpu.memory_space<hbm>> -> memref<128xi32, #tpu.memory_space<hbm>>
      tpu.enqueue_dma source(%dma_start3A_18 : memref<128xi32, #tpu.memory_space<hbm>>) target(%arg5 : memref<128xi32, #tpu.memory_space<vmem>>) target_semaphore(%run_scoped3A : memref<!tpu.dma_semaphore, #tpu.memory_space<semaphore_mem>>)
      %dma_wait3A_19 = tpu.memref_slice %arg3[%add3A_10] : memref<8192xi32, #tpu.memory_space<hbm>> -> memref<128xi32, #tpu.memory_space<hbm>>
      %dma_wait3A_20 = tpu.memref_slice %arg3[%add3A_10] : memref<8192xi32, #tpu.memory_space<hbm>> -> memref<128xi32, #tpu.memory_space<hbm>>
      tpu.wait_dma2 semaphore(%run_scoped3A : memref<!tpu.dma_semaphore, #tpu.memory_space<semaphore_mem>>) src(%dma_wait3A_20 : memref<128xi32, #tpu.memory_space<hbm>>) dst(%arg5 : memref<128xi32, #tpu.memory_space<vmem>>)
      tpu.yield
    }) : () -> ()
    %dma_start3A_11 = arith.constant 0 : i32
    %dma_start3A_12 = arith.constant 0 : i32
    %dma_start3A_13 = tpu.memref_slice %arg2[%dma_start3A_11, %dma_start3A_12] : memref<1024x512xi32, #tpu.memory_space<hbm>> -> memref<1024x512xi32, #tpu.memory_space<hbm>>
    tpu.enqueue_indirect_dma source(%dma_start3A_13 : memref<1024x512xi32, #tpu.memory_space<hbm>>) target(%arg6 : memref<128x512xi32, #tpu.memory_space<vmem>>) offsets(%arg5 : memref<128xi32, #tpu.memory_space<vmem>>) semaphore(%arg7 : memref<!tpu.dma_semaphore, #tpu.memory_space<semaphore_mem>>)
    %dma_wait3A_14 = arith.constant 0 : i32
    %dma_wait3A_15 = arith.constant 0 : i32
    %dma_wait3A_16 = tpu.memref_slice %arg2[%dma_wait3A_14, %dma_wait3A_15] : memref<1024x512xi32, #tpu.memory_space<hbm>> -> memref<1024x512xi32, #tpu.memory_space<hbm>>
    tpu.wait_indirect_dma semaphore(%arg7 : memref<!tpu.dma_semaphore, #tpu.memory_space<semaphore_mem>>) src(%dma_wait3A_16 : memref<1024x512xi32, #tpu.memory_space<hbm>>) dst(%arg6 : memref<128x512xi32, #tpu.memory_space<vmem>>)
    "tpu.region"() ({
      %run_scoped3A = tpu.sem_alloc : memref<!tpu.dma_semaphore, #tpu.memory_space<semaphore_mem>>
      %dma_start3A_17 = arith.constant 0 : i32
      %dma_start3A_18 = tpu.memref_slice %arg4[%add3A_10, %dma_start3A_17] : memref<8192x512xi32, #tpu.memory_space<hbm>> -> memref<128x512xi32, #tpu.memory_space<hbm>>
      %dma_start3A_19 = arith.constant 0 : i32
      %dma_start3A_20 = tpu.memref_slice %arg4[%add3A_10, %dma_start3A_19] : memref<8192x512xi32, #tpu.memory_space<hbm>> -> memref<128x512xi32, #tpu.memory_space<hbm>>
      tpu.enqueue_dma source(%arg6 : memref<128x512xi32, #tpu.memory_space<vmem>>) target(%dma_start3A_20 : memref<128x512xi32, #tpu.memory_space<hbm>>) target_semaphore(%run_scoped3A : memref<!tpu.dma_semaphore, #tpu.memory_space<semaphore_mem>>)
      %dma_wait3A_21 = arith.constant 0 : i32
      %dma_wait3A_22 = tpu.memref_slice %arg4[%add3A_10, %dma_wait3A_21] : memref<8192x512xi32, #tpu.memory_space<hbm>> -> memref<128x512xi32, #tpu.memory_space<hbm>>
      %dma_wait3A_23 = arith.constant 0 : i32
      %dma_wait3A_24 = tpu.memref_slice %arg4[%add3A_10, %dma_wait3A_23] : memref<8192x512xi32, #tpu.memory_space<hbm>> -> memref<128x512xi32, #tpu.memory_space<hbm>>
      tpu.wait_dma2 semaphore(%run_scoped3A : memref<!tpu.dma_semaphore, #tpu.memory_space<semaphore_mem>>) src(%arg6 : memref<128x512xi32, #tpu.memory_space<vmem>>) dst(%dma_wait3A_24 : memref<128x512xi32, #tpu.memory_space<hbm>>)
      tpu.yield
    }) : () -> ()
    return
  }
}

#map = affine_map<(d0, d1) -> (0, 0)>
#map1 = affine_map<(d0, d1) -> (0)>
module attributes {stable_mosaic.version = 14 : i64} {
  func.func @gather_kernel(%arg0: i32, %arg1: i32, %arg2: memref<1024x512xi32, #tpu.memory_space<hbm>>, %arg3: memref<8192xi32, #tpu.memory_space<hbm>>, %arg4: memref<8192x512xi32, #tpu.memory_space<hbm>>, %arg5: memref<128xi32, #tpu.memory_space<vmem>>, %arg6: memref<128x512xi32, #tpu.memory_space<vmem>>, %arg7: memref<!tpu.dma_semaphore, #tpu.memory_space<semaphore_mem>>) attributes {dimension_semantics = [#tpu.dimension_semantics<core_parallel>, #tpu.dimension_semantics<subcore_parallel>], iteration_bounds = array<i64: 2, 16>, scalar_prefetch = 0 : i64, scratch_operands = 3 : i64, tpu.core_type = #tpu.core_type<sc_vector_subcore>, window_params = [{transform_indices = #map}, {transform_indices = #map1}, {transform_indices = #map}]} {
    %mul3A = arith.constant 2 : i32
    %mul3A_0 = arith.muli %arg1, %mul3A : i32
    %add3A = arith.addi %mul3A_0, %arg0 : i32
    %mul3A_1 = arith.constant 256 : i32
    %mul3A_2 = arith.muli %add3A, %mul3A_1 : i32
    %add3A_3 = arith.constant 0 : i32
    %add3A_4 = arith.addi %mul3A_2, %add3A_3 : i32
    "tpu.region"() ({
      %run_scoped3A = tpu.sem_alloc : memref<!tpu.dma_semaphore, #tpu.memory_space<semaphore_mem>>
      %dma_start3A_17 = tpu.memref_slice %arg3[%add3A_4] : memref<8192xi32, #tpu.memory_space<hbm>> -> memref<128xi32, #tpu.memory_space<hbm>>
      %dma_start3A_18 = tpu.memref_slice %arg3[%add3A_4] : memref<8192xi32, #tpu.memory_space<hbm>> -> memref<128xi32, #tpu.memory_space<hbm>>
      tpu.enqueue_dma source(%dma_start3A_18 : memref<128xi32, #tpu.memory_space<hbm>>) target(%arg5 : memref<128xi32, #tpu.memory_space<vmem>>) target_semaphore(%run_scoped3A : memref<!tpu.dma_semaphore, #tpu.memory_space<semaphore_mem>>)
      %dma_wait3A_19 = tpu.memref_slice %arg3[%add3A_4] : memref<8192xi32, #tpu.memory_space<hbm>> -> memref<128xi32, #tpu.memory_space<hbm>>
      %dma_wait3A_20 = tpu.memref_slice %arg3[%add3A_4] : memref<8192xi32, #tpu.memory_space<hbm>> -> memref<128xi32, #tpu.memory_space<hbm>>
      tpu.wait_dma2 semaphore(%run_scoped3A : memref<!tpu.dma_semaphore, #tpu.memory_space<semaphore_mem>>) src(%dma_wait3A_20 : memref<128xi32, #tpu.memory_space<hbm>>) dst(%arg5 : memref<128xi32, #tpu.memory_space<vmem>>)
      tpu.yield
    }) : () -> ()
    %dma_start3A = arith.constant 0 : i32
    %dma_start3A_5 = arith.constant 0 : i32
    %dma_start3A_6 = tpu.memref_slice %arg2[%dma_start3A, %dma_start3A_5] : memref<1024x512xi32, #tpu.memory_space<hbm>> -> memref<1024x512xi32, #tpu.memory_space<hbm>>
    tpu.enqueue_indirect_dma source(%dma_start3A_6 : memref<1024x512xi32, #tpu.memory_space<hbm>>) target(%arg6 : memref<128x512xi32, #tpu.memory_space<vmem>>) offsets(%arg5 : memref<128xi32, #tpu.memory_space<vmem>>) semaphore(%arg7 : memref<!tpu.dma_semaphore, #tpu.memory_space<semaphore_mem>>)
    %dma_wait3A = arith.constant 0 : i32
    %dma_wait3A_7 = arith.constant 0 : i32
    %dma_wait3A_8 = tpu.memref_slice %arg2[%dma_wait3A, %dma_wait3A_7] : memref<1024x512xi32, #tpu.memory_space<hbm>> -> memref<1024x512xi32, #tpu.memory_space<hbm>>
    tpu.wait_indirect_dma semaphore(%arg7 : memref<!tpu.dma_semaphore, #tpu.memory_space<semaphore_mem>>) src(%dma_wait3A_8 : memref<1024x512xi32, #tpu.memory_space<hbm>>) dst(%arg6 : memref<128x512xi32, #tpu.memory_space<vmem>>)
    "tpu.region"() ({
      %run_scoped3A = tpu.sem_alloc : memref<!tpu.dma_semaphore, #tpu.memory_space<semaphore_mem>>
      %dma_start3A_17 = arith.constant 0 : i32
      %dma_start3A_18 = tpu.memref_slice %arg4[%add3A_4, %dma_start3A_17] : memref<8192x512xi32, #tpu.memory_space<hbm>> -> memref<128x512xi32, #tpu.memory_space<hbm>>
      %dma_start3A_19 = arith.constant 0 : i32
      %dma_start3A_20 = tpu.memref_slice %arg4[%add3A_4, %dma_start3A_19] : memref<8192x512xi32, #tpu.memory_space<hbm>> -> memref<128x512xi32, #tpu.memory_space<hbm>>
      tpu.enqueue_dma source(%arg6 : memref<128x512xi32, #tpu.memory_space<vmem>>) target(%dma_start3A_20 : memref<128x512xi32, #tpu.memory_space<hbm>>) target_semaphore(%run_scoped3A : memref<!tpu.dma_semaphore, #tpu.memory_space<semaphore_mem>>)
      %dma_wait3A_21 = arith.constant 0 : i32
      %dma_wait3A_22 = tpu.memref_slice %arg4[%add3A_4, %dma_wait3A_21] : memref<8192x512xi32, #tpu.memory_space<hbm>> -> memref<128x512xi32, #tpu.memory_space<hbm>>
      %dma_wait3A_23 = arith.constant 0 : i32
      %dma_wait3A_24 = tpu.memref_slice %arg4[%add3A_4, %dma_wait3A_23] : memref<8192x512xi32, #tpu.memory_space<hbm>> -> memref<128x512xi32, #tpu.memory_space<hbm>>
      tpu.wait_dma2 semaphore(%run_scoped3A : memref<!tpu.dma_semaphore, #tpu.memory_space<semaphore_mem>>) src(%arg6 : memref<128x512xi32, #tpu.memory_space<vmem>>) dst(%dma_wait3A_24 : memref<128x512xi32, #tpu.memory_space<hbm>>)
      tpu.yield
    }) : () -> ()
    %add3A_9 = arith.constant 128 : i32
    %add3A_10 = arith.addi %mul3A_2, %add3A_9 : i32
    "tpu.region"() ({
      %run_scoped3A = tpu.sem_alloc : memref<!tpu.dma_semaphore, #tpu.memory_space<semaphore_mem>>
      %dma_start3A_17 = tpu.memref_slice %arg3[%add3A_10] : memref<8192xi32, #tpu.memory_space<hbm>> -> memref<128xi32, #tpu.memory_space<hbm>>
      %dma_start3A_18 = tpu.memref_slice %arg3[%add3A_10] : memref<8192xi32, #tpu.memory_space<hbm>> -> memref<128xi32, #tpu.memory_space<hbm>>
      tpu.enqueue_dma source(%dma_start3A_18 : memref<128xi32, #tpu.memory_space<hbm>>) target(%arg5 : memref<128xi32, #tpu.memory_space<vmem>>) target_semaphore(%run_scoped3A : memref<!tpu.dma_semaphore, #tpu.memory_space<semaphore_mem>>)
      %dma_wait3A_19 = tpu.memref_slice %arg3[%add3A_10] : memref<8192xi32, #tpu.memory_space<hbm>> -> memref<128xi32, #tpu.memory_space<hbm>>
      %dma_wait3A_20 = tpu.memref_slice %arg3[%add3A_10] : memref<8192xi32, #tpu.memory_space<hbm>> -> memref<128xi32, #tpu.memory_space<hbm>>
      tpu.wait_dma2 semaphore(%run_scoped3A : memref<!tpu.dma_semaphore, #tpu.memory_space<semaphore_mem>>) src(%dma_wait3A_20 : memref<128xi32, #tpu.memory_space<hbm>>) dst(%arg5 : memref<128xi32, #tpu.memory_space<vmem>>)
      tpu.yield
    }) : () -> ()
    %dma_start3A_11 = arith.constant 0 : i32
    %dma_start3A_12 = arith.constant 0 : i32
    %dma_start3A_13 = tpu.memref_slice %arg2[%dma_start3A_11, %dma_start3A_12] : memref<1024x512xi32, #tpu.memory_space<hbm>> -> memref<1024x512xi32, #tpu.memory_space<hbm>>
    tpu.enqueue_indirect_dma source(%dma_start3A_13 : memref<1024x512xi32, #tpu.memory_space<hbm>>) target(%arg6 : memref<128x512xi32, #tpu.memory_space<vmem>>) offsets(%arg5 : memref<128xi32, #tpu.memory_space<vmem>>) semaphore(%arg7 : memref<!tpu.dma_semaphore, #tpu.memory_space<semaphore_mem>>)
    %dma_wait3A_14 = arith.constant 0 : i32
    %dma_wait3A_15 = arith.constant 0 : i32
    %dma_wait3A_16 = tpu.memref_slice %arg2[%dma_wait3A_14, %dma_wait3A_15] : memref<1024x512xi32, #tpu.memory_space<hbm>> -> memref<1024x512xi32, #tpu.memory_space<hbm>>
    tpu.wait_indirect_dma semaphore(%arg7 : memref<!tpu.dma_semaphore, #tpu.memory_space<semaphore_mem>>) src(%dma_wait3A_16 : memref<1024x512xi32, #tpu.memory_space<hbm>>) dst(%arg6 : memref<128x512xi32, #tpu.memory_space<vmem>>)
    "tpu.region"() ({
      %run_scoped3A = tpu.sem_alloc : memref<!tpu.dma_semaphore, #tpu.memory_space<semaphore_mem>>
      %dma_start3A_17 = arith.constant 0 : i32
      %dma_start3A_18 = tpu.memref_slice %arg4[%add3A_10, %dma_start3A_17] : memref<8192x512xi32, #tpu.memory_space<hbm>> -> memref<128x512xi32, #tpu.memory_space<hbm>>
      %dma_start3A_19 = arith.constant 0 : i32
      %dma_start3A_20 = tpu.memref_slice %arg4[%add3A_10, %dma_start3A_19] : memref<8192x512xi32, #tpu.memory_space<hbm>> -> memref<128x512xi32, #tpu.memory_space<hbm>>
      tpu.enqueue_dma source(%arg6 : memref<128x512xi32, #tpu.memory_space<vmem>>) target(%dma_start3A_20 : memref<128x512xi32, #tpu.memory_space<hbm>>) target_semaphore(%run_scoped3A : memref<!tpu.dma_semaphore, #tpu.memory_space<semaphore_mem>>)
      %dma_wait3A_21 = arith.constant 0 : i32
      %dma_wait3A_22 = tpu.memref_slice %arg4[%add3A_10, %dma_wait3A_21] : memref<8192x512xi32, #tpu.memory_space<hbm>> -> memref<128x512xi32, #tpu.memory_space<hbm>>
      %dma_wait3A_23 = arith.constant 0 : i32
      %dma_wait3A_24 = tpu.memref_slice %arg4[%add3A_10, %dma_wait3A_23] : memref<8192x512xi32, #tpu.memory_space<hbm>> -> memref<128x512xi32, #tpu.memory_space<hbm>>
      tpu.wait_dma2 semaphore(%run_scoped3A : memref<!tpu.dma_semaphore, #tpu.memory_space<semaphore_mem>>) src(%arg6 : memref<128x512xi32, #tpu.memory_space<vmem>>) dst(%dma_wait3A_24 : memref<128x512xi32, #tpu.memory_space<hbm>>)
      tpu.yield
    }) : () -> ()
    return
  }
}

#map = affine_map<(d0, d1) -> (0, 0)>
#map1 = affine_map<(d0, d1) -> (0)>
module attributes {stable_mosaic.version = 14 : i64} {
  func.func @gather_kernel(%arg0: i32, %arg1: i32, %arg2: memref<1024x512xi32, #tpu.memory_space<hbm>>, %arg3: memref<8192xi32, #tpu.memory_space<hbm>>, %arg4: memref<8192x512xi32, #tpu.memory_space<hbm>>, %arg5: memref<128xi32, #tpu.memory_space<vmem>>, %arg6: memref<128x512xi32, #tpu.memory_space<vmem>>, %arg7: memref<!tpu.dma_semaphore, #tpu.memory_space<semaphore_mem>>) attributes {dimension_semantics = [#tpu.dimension_semantics<core_parallel>, #tpu.dimension_semantics<subcore_parallel>], iteration_bounds = array<i64: 2, 16>, scalar_prefetch = 0 : i64, scratch_operands = 3 : i64, tpu.core_type = #tpu.core_type<sc_vector_subcore>, window_params = [{transform_indices = #map}, {transform_indices = #map1}, {transform_indices = #map}]} {
    %mul3A = arith.constant 2 : i32
    %mul3A_0 = arith.muli %arg1, %mul3A : i32
    %add3A = arith.addi %mul3A_0, %arg0 : i32
    %mul3A_1 = arith.constant 256 : i32
    %mul3A_2 = arith.muli %add3A, %mul3A_1 : i32
    %add3A_3 = arith.constant 0 : i32
    %add3A_4 = arith.addi %mul3A_2, %add3A_3 : i32
    "tpu.region"() ({
      %run_scoped3A = tpu.sem_alloc : memref<!tpu.dma_semaphore, #tpu.memory_space<semaphore_mem>>
      %dma_start3A_17 = tpu.memref_slice %arg3[%add3A_4] : memref<8192xi32, #tpu.memory_space<hbm>> -> memref<128xi32, #tpu.memory_space<hbm>>
      %dma_start3A_18 = tpu.memref_slice %arg3[%add3A_4] : memref<8192xi32, #tpu.memory_space<hbm>> -> memref<128xi32, #tpu.memory_space<hbm>>
      tpu.enqueue_dma source(%dma_start3A_18 : memref<128xi32, #tpu.memory_space<hbm>>) target(%arg5 : memref<128xi32, #tpu.memory_space<vmem>>) target_semaphore(%run_scoped3A : memref<!tpu.dma_semaphore, #tpu.memory_space<semaphore_mem>>)
      %dma_wait3A_19 = tpu.memref_slice %arg3[%add3A_4] : memref<8192xi32, #tpu.memory_space<hbm>> -> memref<128xi32, #tpu.memory_space<hbm>>
      %dma_wait3A_20 = tpu.memref_slice %arg3[%add3A_4] : memref<8192xi32, #tpu.memory_space<hbm>> -> memref<128xi32, #tpu.memory_space<hbm>>
      tpu.wait_dma2 semaphore(%run_scoped3A : memref<!tpu.dma_semaphore, #tpu.memory_space<semaphore_mem>>) src(%dma_wait3A_20 : memref<128xi32, #tpu.memory_space<hbm>>) dst(%arg5 : memref<128xi32, #tpu.memory_space<vmem>>)
      tpu.yield
    }) : () -> ()
    %dma_start3A = arith.constant 0 : i32
    %dma_start3A_5 = arith.constant 0 : i32
    %dma_start3A_6 = tpu.memref_slice %arg2[%dma_start3A, %dma_start3A_5] : memref<1024x512xi32, #tpu.memory_space<hbm>> -> memref<1024x512xi32, #tpu.memory_space<hbm>>
    tpu.enqueue_indirect_dma source(%dma_start3A_6 : memref<1024x512xi32, #tpu.memory_space<hbm>>) target(%arg6 : memref<128x512xi32, #tpu.memory_space<vmem>>) offsets(%arg5 : memref<128xi32, #tpu.memory_space<vmem>>) semaphore(%arg7 : memref<!tpu.dma_semaphore, #tpu.memory_space<semaphore_mem>>)
    %dma_wait3A = arith.constant 0 : i32
    %dma_wait3A_7 = arith.constant 0 : i32
    %dma_wait3A_8 = tpu.memref_slice %arg2[%dma_wait3A, %dma_wait3A_7] : memref<1024x512xi32, #tpu.memory_space<hbm>> -> memref<1024x512xi32, #tpu.memory_space<hbm>>
    tpu.wait_indirect_dma semaphore(%arg7 : memref<!tpu.dma_semaphore, #tpu.memory_space<semaphore_mem>>) src(%dma_wait3A_8 : memref<1024x512xi32, #tpu.memory_space<hbm>>) dst(%arg6 : memref<128x512xi32, #tpu.memory_space<vmem>>)
    "tpu.region"() ({
      %run_scoped3A = tpu.sem_alloc : memref<!tpu.dma_semaphore, #tpu.memory_space<semaphore_mem>>
      %dma_start3A_17 = arith.constant 0 : i32
      %dma_start3A_18 = tpu.memref_slice %arg4[%add3A_4, %dma_start3A_17] : memref<8192x512xi32, #tpu.memory_space<hbm>> -> memref<128x512xi32, #tpu.memory_space<hbm>>
      %dma_start3A_19 = arith.constant 0 : i32
      %dma_start3A_20 = tpu.memref_slice %arg4[%add3A_4, %dma_start3A_19] : memref<8192x512xi32, #tpu.memory_space<hbm>> -> memref<128x512xi32, #tpu.memory_space<hbm>>
      tpu.enqueue_dma source(%arg6 : memref<128x512xi32, #tpu.memory_space<vmem>>) target(%dma_start3A_20 : memref<128x512xi32, #tpu.memory_space<hbm>>) target_semaphore(%run_scoped3A : memref<!tpu.dma_semaphore, #tpu.memory_space<semaphore_mem>>)
      %dma_wait3A_21 = arith.constant 0 : i32
      %dma_wait3A_22 = tpu.memref_slice %arg4[%add3A_4, %dma_wait3A_21] : memref<8192x512xi32, #tpu.memory_space<hbm>> -> memref<128x512xi32, #tpu.memory_space<hbm>>
      %dma_wait3A_23 = arith.constant 0 : i32
      %dma_wait3A_24 = tpu.memref_slice %arg4[%add3A_4, %dma_wait3A_23] : memref<8192x512xi32, #tpu.memory_space<hbm>> -> memref<128x512xi32, #tpu.memory_space<hbm>>
      tpu.wait_dma2 semaphore(%run_scoped3A : memref<!tpu.dma_semaphore, #tpu.memory_space<semaphore_mem>>) src(%arg6 : memref<128x512xi32, #tpu.memory_space<vmem>>) dst(%dma_wait3A_24 : memref<128x512xi32, #tpu.memory_space<hbm>>)
      tpu.yield
    }) : () -> ()
    %add3A_9 = arith.constant 128 : i32
    %add3A_10 = arith.addi %mul3A_2, %add3A_9 : i32
    "tpu.region"() ({
      %run_scoped3A = tpu.sem_alloc : memref<!tpu.dma_semaphore, #tpu.memory_space<semaphore_mem>>
      %dma_start3A_17 = tpu.memref_slice %arg3[%add3A_10] : memref<8192xi32, #tpu.memory_space<hbm>> -> memref<128xi32, #tpu.memory_space<hbm>>
      %dma_start3A_18 = tpu.memref_slice %arg3[%add3A_10] : memref<8192xi32, #tpu.memory_space<hbm>> -> memref<128xi32, #tpu.memory_space<hbm>>
      tpu.enqueue_dma source(%dma_start3A_18 : memref<128xi32, #tpu.memory_space<hbm>>) target(%arg5 : memref<128xi32, #tpu.memory_space<vmem>>) target_semaphore(%run_scoped3A : memref<!tpu.dma_semaphore, #tpu.memory_space<semaphore_mem>>)
      %dma_wait3A_19 = tpu.memref_slice %arg3[%add3A_10] : memref<8192xi32, #tpu.memory_space<hbm>> -> memref<128xi32, #tpu.memory_space<hbm>>
      %dma_wait3A_20 = tpu.memref_slice %arg3[%add3A_10] : memref<8192xi32, #tpu.memory_space<hbm>> -> memref<128xi32, #tpu.memory_space<hbm>>
      tpu.wait_dma2 semaphore(%run_scoped3A : memref<!tpu.dma_semaphore, #tpu.memory_space<semaphore_mem>>) src(%dma_wait3A_20 : memref<128xi32, #tpu.memory_space<hbm>>) dst(%arg5 : memref<128xi32, #tpu.memory_space<vmem>>)
      tpu.yield
    }) : () -> ()
    %dma_start3A_11 = arith.constant 0 : i32
    %dma_start3A_12 = arith.constant 0 : i32
    %dma_start3A_13 = tpu.memref_slice %arg2[%dma_start3A_11, %dma_start3A_12] : memref<1024x512xi32, #tpu.memory_space<hbm>> -> memref<1024x512xi32, #tpu.memory_space<hbm>>
    tpu.enqueue_indirect_dma source(%dma_start3A_13 : memref<1024x512xi32, #tpu.memory_space<hbm>>) target(%arg6 : memref<128x512xi32, #tpu.memory_space<vmem>>) offsets(%arg5 : memref<128xi32, #tpu.memory_space<vmem>>) semaphore(%arg7 : memref<!tpu.dma_semaphore, #tpu.memory_space<semaphore_mem>>)
    %dma_wait3A_14 = arith.constant 0 : i32
    %dma_wait3A_15 = arith.constant 0 : i32
    %dma_wait3A_16 = tpu.memref_slice %arg2[%dma_wait3A_14, %dma_wait3A_15] : memref<1024x512xi32, #tpu.memory_space<hbm>> -> memref<1024x512xi32, #tpu.memory_space<hbm>>
    tpu.wait_indirect_dma semaphore(%arg7 : memref<!tpu.dma_semaphore, #tpu.memory_space<semaphore_mem>>) src(%dma_wait3A_16 : memref<1024x512xi32, #tpu.memory_space<hbm>>) dst(%arg6 : memref<128x512xi32, #tpu.memory_space<vmem>>)
    "tpu.region"() ({
      %run_scoped3A = tpu.sem_alloc : memref<!tpu.dma_semaphore, #tpu.memory_space<semaphore_mem>>
      %dma_start3A_17 = arith.constant 0 : i32
      %dma_start3A_18 = tpu.memref_slice %arg4[%add3A_10, %dma_start3A_17] : memref<8192x512xi32, #tpu.memory_space<hbm>> -> memref<128x512xi32, #tpu.memory_space<hbm>>
      %dma_start3A_19 = arith.constant 0 : i32
      %dma_start3A_20 = tpu.memref_slice %arg4[%add3A_10, %dma_start3A_19] : memref<8192x512xi32, #tpu.memory_space<hbm>> -> memref<128x512xi32, #tpu.memory_space<hbm>>
      tpu.enqueue_dma source(%arg6 : memref<128x512xi32, #tpu.memory_space<vmem>>) target(%dma_start3A_20 : memref<128x512xi32, #tpu.memory_space<hbm>>) target_semaphore(%run_scoped3A : memref<!tpu.dma_semaphore, #tpu.memory_space<semaphore_mem>>)
      %dma_wait3A_21 = arith.constant 0 : i32
      %dma_wait3A_22 = tpu.memref_slice %arg4[%add3A_10, %dma_wait3A_21] : memref<8192x512xi32, #tpu.memory_space<hbm>> -> memref<128x512xi32, #tpu.memory_space<hbm>>
      %dma_wait3A_23 = arith.constant 0 : i32
      %dma_wait3A_24 = tpu.memref_slice %arg4[%add3A_10, %dma_wait3A_23] : memref<8192x512xi32, #tpu.memory_space<hbm>> -> memref<128x512xi32, #tpu.memory_space<hbm>>
      tpu.wait_dma2 semaphore(%run_scoped3A : memref<!tpu.dma_semaphore, #tpu.memory_space<semaphore_mem>>) src(%arg6 : memref<128x512xi32, #tpu.memory_space<vmem>>) dst(%dma_wait3A_24 : memref<128x512xi32, #tpu.memory_space<hbm>>)
      tpu.yield
    }) : () -> ()
    return
  }
}

module attributes {stable_mosaic.version = 14 : i64} {
  func.func @_embed_body(%arg0: i32, %arg1: memref<1024x16xf32, #tpu.memory_space<vmem>>, %arg2: memref<16x128xf32, #tpu.memory_space<vmem>>, %arg3: memref<1x128xf32, #tpu.memory_space<vmem>>, %arg4: memref<128x128xf32, #tpu.memory_space<vmem>>, %arg5: memref<1x128xf32, #tpu.memory_space<vmem>>, %arg6: memref<1024x128xf32, #tpu.memory_space<vmem>>, %arg7: memref<1024x128xf32, #tpu.memory_space<vmem>>) attributes {dimension_semantics = [#tpu.dimension_semantics<arbitrary>], iteration_bounds = array<i64: 16>, scalar_prefetch = 0 : i64, scratch_operands = 0 : i64, tpu.core_type = #tpu.core_type<tc>, window_params = [{transform_indices = @transform_0, window_bounds = array<i64: 1024, 16>}, {pipeline_mode = #tpu.pipeline_mode<synchronous>, transform_indices = @transform_1, window_bounds = array<i64: 16, 128>}, {pipeline_mode = #tpu.pipeline_mode<synchronous>, transform_indices = @transform_2, window_bounds = array<i64: 1, 128>}, {pipeline_mode = #tpu.pipeline_mode<synchronous>, transform_indices = @transform_3, window_bounds = array<i64: 128, 128>}, {pipeline_mode = #tpu.pipeline_mode<synchronous>, transform_indices = @transform_4, window_bounds = array<i64: 1, 128>}, {transform_indices = @transform_5, window_bounds = array<i64: 1024, 128>}, {transform_indices = @transform_6, window_bounds = array<i64: 1024, 128>}]} {
    %get3A = arith.constant 0 : index
    %get3A_0 = arith.constant 0 : index
    %get3A_1 = vector.load %arg1[%get3A, %get3A_0] : memref<1024x16xf32, #tpu.memory_space<vmem>>, vector<1024x16xf32>
    %get3A_2 = arith.constant 0 : index
    %get3A_3 = arith.constant 0 : index
    %get3A_4 = vector.load %arg2[%get3A_2, %get3A_3] : memref<16x128xf32, #tpu.memory_space<vmem>>, vector<16x128xf32>
    %dot_general3A = arith.constant dense<0.000000e+00> : vector<1024x128xf32>
    %dot_general3A_5 = tpu.matmul %get3A_1, %get3A_4, %dot_general3A {dimension_numbers = #tpu.dot_dimension_numbers<[1], [0], [0], [1], [0, 0, 1, 1], [], []>, precision = #tpu.contract_precision<fp32>, transpose_lhs_hint = false} : vector<1024x16xf32>, vector<16x128xf32>, vector<1024x128xf32> -> vector<1024x128xf32>
    %get3A_6 = arith.constant 0 : index
    %get3A_7 = arith.constant 0 : index
    %get3A_8 = vector.load %arg3[%get3A_6, %get3A_7] : memref<1x128xf32, #tpu.memory_space<vmem>>, vector<1x128xf32>
    %add3A = vector.broadcast %get3A_8 : vector<1x128xf32> to vector<1024x128xf32>
    %add3A_9 = arith.addf %dot_general3A_5, %add3A : vector<1024x128xf32>
    %max3A = arith.constant 0.000000e+00 : f32
    %max3A_10 = vector.broadcast %max3A : f32 to vector<1024x128xf32>
    %max3A_11 = arith.maximumf %add3A_9, %max3A_10 : vector<1024x128xf32>
    %get3A_12 = arith.constant 0 : index
    %get3A_13 = arith.constant 0 : index
    %get3A_14 = vector.load %arg4[%get3A_12, %get3A_13] : memref<128x128xf32, #tpu.memory_space<vmem>>, vector<128x128xf32>
    %dot_general3A_15 = arith.constant dense<0.000000e+00> : vector<1024x128xf32>
    %dot_general3A_16 = tpu.matmul %max3A_11, %get3A_14, %dot_general3A_15 {dimension_numbers = #tpu.dot_dimension_numbers<[1], [0], [0], [1], [0, 0, 1, 1], [], []>, precision = #tpu.contract_precision<fp32>, transpose_lhs_hint = false} : vector<1024x128xf32>, vector<128x128xf32>, vector<1024x128xf32> -> vector<1024x128xf32>
    %get3A_17 = arith.constant 0 : index
    %get3A_18 = arith.constant 0 : index
    %get3A_19 = vector.load %arg5[%get3A_17, %get3A_18] : memref<1x128xf32, #tpu.memory_space<vmem>>, vector<1x128xf32>
    %add3A_20 = vector.broadcast %get3A_19 : vector<1x128xf32> to vector<1024x128xf32>
    %add3A_21 = arith.addf %dot_general3A_16, %add3A_20 : vector<1024x128xf32>
    %swap3A = arith.constant 0 : index
    %swap3A_22 = arith.constant 0 : index
    %swap3A_23 = vector.load %arg6[%swap3A, %swap3A_22] : memref<1024x128xf32, #tpu.memory_space<vmem>>, vector<1024x128xf32>
    tpu.vector_store %arg6[%swap3A, %swap3A_22], %add3A_21 {strides = array<i32>} : memref<1024x128xf32, #tpu.memory_space<vmem>>, vector<1024x128xf32>,
    %iota3A = tpu.iota {dimensions = array<i32: 1>} : vector<1x32xi32>
    %convert_element_type3A = arith.sitofp %iota3A : vector<1x32xi32> to vector<1x32xf32>
    %div3A = arith.constant 2.000000e+00 : f32
    %div3A_24 = vector.broadcast %div3A : f32 to vector<1x32xf32>
    %div3A_25 = arith.divf %convert_element_type3A, %div3A_24 : vector<1x32xf32>
    %floor3A = math.floor %div3A_25 : vector<1x32xf32>
    %mul3A = arith.constant 2.000000e+00 : f32
    %mul3A_26 = vector.broadcast %mul3A : f32 to vector<1x32xf32>
    %mul3A_27 = arith.mulf %mul3A_26, %floor3A : vector<1x32xf32>
    %div3A_28 = arith.constant 3.200000e+01 : f32
    %div3A_29 = vector.broadcast %div3A_28 : f32 to vector<1x32xf32>
    %div3A_30 = arith.divf %mul3A_27, %div3A_29 : vector<1x32xf32>
    %log3A = arith.constant 1.000000e+04 : f32
    %log3A_31 = math.log %log3A : f32
    %mul3A_32 = vector.broadcast %log3A_31 : f32 to vector<1x32xf32>
    %mul3A_33 = arith.mulf %div3A_30, %mul3A_32 : vector<1x32xf32>
    %exp3A = math.exp %mul3A_33 : vector<1x32xf32>
    %slice3A = vector.extract_strided_slice %get3A_1 {offsets = [0, 4], sizes = [1024, 1], strides = [1, 1]} : vector<1024x16xf32> to vector<1024x1xf32>
    %div3A_34 = vector.broadcast %slice3A : vector<1024x1xf32> to vector<1024x32xf32>
    %div3A_35 = vector.broadcast %exp3A : vector<1x32xf32> to vector<1024x32xf32>
    %div3A_36 = arith.divf %div3A_34, %div3A_35 : vector<1024x32xf32>
    %slice3A_37 = vector.extract_strided_slice %get3A_1 {offsets = [0, 5], sizes = [1024, 1], strides = [1, 1]} : vector<1024x16xf32> to vector<1024x1xf32>
    %div3A_38 = vector.broadcast %slice3A_37 : vector<1024x1xf32> to vector<1024x32xf32>
    %div3A_39 = vector.broadcast %exp3A : vector<1x32xf32> to vector<1024x32xf32>
    %div3A_40 = arith.divf %div3A_38, %div3A_39 : vector<1024x32xf32>
    %sin3A = math.sin %div3A_36 : vector<1024x32xf32>
    %swap3A_41 = arith.constant 0 : index
    %swap3A_42 = arith.constant 0 : index
    %swap3A_43 = vector.load %arg7[%swap3A_41, %swap3A_42] : memref<1024x128xf32, #tpu.memory_space<vmem>>, vector<1024x32xf32>
    tpu.vector_store %arg7[%swap3A_41, %swap3A_42], %sin3A {strides = array<i32>} : memref<1024x128xf32, #tpu.memory_space<vmem>>, vector<1024x32xf32>,
    %cos3A = math.cos %div3A_36 : vector<1024x32xf32>
    %swap3A_44 = arith.constant 0 : index
    %swap3A_45 = arith.constant 32 : index
    %swap3A_46 = vector.load %arg7[%swap3A_44, %swap3A_45] : memref<1024x128xf32, #tpu.memory_space<vmem>>, vector<1024x32xf32>
    tpu.vector_store %arg7[%swap3A_44, %swap3A_45], %cos3A {strides = array<i32>} : memref<1024x128xf32, #tpu.memory_space<vmem>>, vector<1024x32xf32>,
    %sin3A_47 = math.sin %div3A_40 : vector<1024x32xf32>
    %swap3A_48 = arith.constant 0 : index
    %swap3A_49 = arith.constant 64 : index
    %swap3A_50 = vector.load %arg7[%swap3A_48, %swap3A_49] : memref<1024x128xf32, #tpu.memory_space<vmem>>, vector<1024x32xf32>
    tpu.vector_store %arg7[%swap3A_48, %swap3A_49], %sin3A_47 {strides = array<i32>} : memref<1024x128xf32, #tpu.memory_space<vmem>>, vector<1024x32xf32>,
    %cos3A_51 = math.cos %div3A_40 : vector<1024x32xf32>
    %swap3A_52 = arith.constant 0 : index
    %swap3A_53 = arith.constant 96 : index
    %swap3A_54 = vector.load %arg7[%swap3A_52, %swap3A_53] : memref<1024x128xf32, #tpu.memory_space<vmem>>, vector<1024x32xf32>
    tpu.vector_store %arg7[%swap3A_52, %swap3A_53], %cos3A_51 {strides = array<i32>} : memref<1024x128xf32, #tpu.memory_space<vmem>>, vector<1024x32xf32>,
    return
  }
  func.func @transform_0(%arg0: i32) -> (i32, i32) {
    %c0_i32 = arith.constant 0 : i32
    %c0_i32_0 = arith.constant 0 : i32
    return %arg0, %c0_i32 : i32, i32
  }
  func.func @transform_1(%arg0: i32) -> (i32, i32) {
    %c0_i32 = arith.constant 0 : i32
    %c0_i32_0 = arith.constant 0 : i32
    %c0_i32_1 = arith.constant 0 : i32
    return %c0_i32, %c0_i32_0 : i32, i32
  }
  func.func @transform_2(%arg0: i32) -> (i32, i32) {
    %c0_i32 = arith.constant 0 : i32
    %c0_i32_0 = arith.constant 0 : i32
    %c0_i32_1 = arith.constant 0 : i32
    return %c0_i32, %c0_i32_0 : i32, i32
  }
  func.func @transform_3(%arg0: i32) -> (i32, i32) {
    %c0_i32 = arith.constant 0 : i32
    %c0_i32_0 = arith.constant 0 : i32
    %c0_i32_1 = arith.constant 0 : i32
    return %c0_i32, %c0_i32_0 : i32, i32
  }
  func.func @transform_4(%arg0: i32) -> (i32, i32) {
    %c0_i32 = arith.constant 0 : i32
    %c0_i32_0 = arith.constant 0 : i32
    %c0_i32_1 = arith.constant 0 : i32
    return %c0_i32, %c0_i32_0 : i32, i32
  }
  func.func @transform_5(%arg0: i32) -> (i32, i32) {
    %c0_i32 = arith.constant 0 : i32
    %c0_i32_0 = arith.constant 0 : i32
    return %arg0, %c0_i32 : i32, i32
  }
  func.func @transform_6(%arg0: i32) -> (i32, i32) {
    %c0_i32 = arith.constant 0 : i32
    %c0_i32_0 = arith.constant 0 : i32
    return %arg0, %c0_i32 : i32, i32
  }
}

module attributes {stable_mosaic.version = 14 : i64} {
  func.func @_embed_body(%arg0: i32, %arg1: memref<512x10xf32, #tpu.memory_space<vmem>>, %arg2: memref<10x128xf32, #tpu.memory_space<vmem>>, %arg3: memref<1x128xf32, #tpu.memory_space<vmem>>, %arg4: memref<128x128xf32, #tpu.memory_space<vmem>>, %arg5: memref<1x128xf32, #tpu.memory_space<vmem>>, %arg6: memref<512x128xf32, #tpu.memory_space<vmem>>, %arg7: memref<512x128xf32, #tpu.memory_space<vmem>>) attributes {dimension_semantics = [#tpu.dimension_semantics<arbitrary>], iteration_bounds = array<i64: 2>, scalar_prefetch = 0 : i64, scratch_operands = 0 : i64, tpu.core_type = #tpu.core_type<tc>, window_params = [{transform_indices = @transform_0, window_bounds = array<i64: 512, 10>}, {pipeline_mode = #tpu.pipeline_mode<synchronous>, transform_indices = @transform_1, window_bounds = array<i64: 10, 128>}, {pipeline_mode = #tpu.pipeline_mode<synchronous>, transform_indices = @transform_2, window_bounds = array<i64: 1, 128>}, {pipeline_mode = #tpu.pipeline_mode<synchronous>, transform_indices = @transform_3, window_bounds = array<i64: 128, 128>}, {pipeline_mode = #tpu.pipeline_mode<synchronous>, transform_indices = @transform_4, window_bounds = array<i64: 1, 128>}, {transform_indices = @transform_5, window_bounds = array<i64: 512, 128>}, {transform_indices = @transform_6, window_bounds = array<i64: 512, 128>}]} {
    %get3A = arith.constant 0 : index
    %get3A_0 = arith.constant 0 : index
    %get3A_1 = vector.load %arg1[%get3A, %get3A_0] : memref<512x10xf32, #tpu.memory_space<vmem>>, vector<512x10xf32>
    %get3A_2 = arith.constant 0 : index
    %get3A_3 = arith.constant 0 : index
    %get3A_4 = vector.load %arg2[%get3A_2, %get3A_3] : memref<10x128xf32, #tpu.memory_space<vmem>>, vector<10x128xf32>
    %dot_general3A = arith.constant dense<0.000000e+00> : vector<512x128xf32>
    %dot_general3A_5 = tpu.matmul %get3A_1, %get3A_4, %dot_general3A {dimension_numbers = #tpu.dot_dimension_numbers<[1], [0], [0], [1], [0, 0, 1, 1], [], []>, precision = #tpu.contract_precision<fp32>, transpose_lhs_hint = false} : vector<512x10xf32>, vector<10x128xf32>, vector<512x128xf32> -> vector<512x128xf32>
    %get3A_6 = arith.constant 0 : index
    %get3A_7 = arith.constant 0 : index
    %get3A_8 = vector.load %arg3[%get3A_6, %get3A_7] : memref<1x128xf32, #tpu.memory_space<vmem>>, vector<1x128xf32>
    %add3A = vector.broadcast %get3A_8 : vector<1x128xf32> to vector<512x128xf32>
    %add3A_9 = arith.addf %dot_general3A_5, %add3A : vector<512x128xf32>
    %max3A = arith.constant 0.000000e+00 : f32
    %max3A_10 = vector.broadcast %max3A : f32 to vector<512x128xf32>
    %max3A_11 = arith.maximumf %add3A_9, %max3A_10 : vector<512x128xf32>
    %get3A_12 = arith.constant 0 : index
    %get3A_13 = arith.constant 0 : index
    %get3A_14 = vector.load %arg4[%get3A_12, %get3A_13] : memref<128x128xf32, #tpu.memory_space<vmem>>, vector<128x128xf32>
    %dot_general3A_15 = arith.constant dense<0.000000e+00> : vector<512x128xf32>
    %dot_general3A_16 = tpu.matmul %max3A_11, %get3A_14, %dot_general3A_15 {dimension_numbers = #tpu.dot_dimension_numbers<[1], [0], [0], [1], [0, 0, 1, 1], [], []>, precision = #tpu.contract_precision<fp32>, transpose_lhs_hint = false} : vector<512x128xf32>, vector<128x128xf32>, vector<512x128xf32> -> vector<512x128xf32>
    %get3A_17 = arith.constant 0 : index
    %get3A_18 = arith.constant 0 : index
    %get3A_19 = vector.load %arg5[%get3A_17, %get3A_18] : memref<1x128xf32, #tpu.memory_space<vmem>>, vector<1x128xf32>
    %add3A_20 = vector.broadcast %get3A_19 : vector<1x128xf32> to vector<512x128xf32>
    %add3A_21 = arith.addf %dot_general3A_16, %add3A_20 : vector<512x128xf32>
    %swap3A = arith.constant 0 : index
    %swap3A_22 = arith.constant 0 : index
    %swap3A_23 = vector.load %arg6[%swap3A, %swap3A_22] : memref<512x128xf32, #tpu.memory_space<vmem>>, vector<512x128xf32>
    tpu.vector_store %arg6[%swap3A, %swap3A_22], %add3A_21 {strides = array<i32>} : memref<512x128xf32, #tpu.memory_space<vmem>>, vector<512x128xf32>,
    %iota3A = tpu.iota {dimensions = array<i32: 1>} : vector<1x32xi32>
    %convert_element_type3A = arith.sitofp %iota3A : vector<1x32xi32> to vector<1x32xf32>
    %div3A = arith.constant 2.000000e+00 : f32
    %div3A_24 = vector.broadcast %div3A : f32 to vector<1x32xf32>
    %div3A_25 = arith.divf %convert_element_type3A, %div3A_24 : vector<1x32xf32>
    %floor3A = math.floor %div3A_25 : vector<1x32xf32>
    %mul3A = arith.constant 2.000000e+00 : f32
    %mul3A_26 = vector.broadcast %mul3A : f32 to vector<1x32xf32>
    %mul3A_27 = arith.mulf %mul3A_26, %floor3A : vector<1x32xf32>
    %div3A_28 = arith.constant 3.200000e+01 : f32
    %div3A_29 = vector.broadcast %div3A_28 : f32 to vector<1x32xf32>
    %div3A_30 = arith.divf %mul3A_27, %div3A_29 : vector<1x32xf32>
    %log3A = arith.constant 1.000000e+04 : f32
    %log3A_31 = math.log %log3A : f32
    %mul3A_32 = vector.broadcast %log3A_31 : f32 to vector<1x32xf32>
    %mul3A_33 = arith.mulf %div3A_30, %mul3A_32 : vector<1x32xf32>
    %exp3A = math.exp %mul3A_33 : vector<1x32xf32>
    %slice3A = vector.extract_strided_slice %get3A_1 {offsets = [0, 4], sizes = [512, 1], strides = [1, 1]} : vector<512x10xf32> to vector<512x1xf32>
    %div3A_34 = vector.broadcast %slice3A : vector<512x1xf32> to vector<512x32xf32>
    %div3A_35 = vector.broadcast %exp3A : vector<1x32xf32> to vector<512x32xf32>
    %div3A_36 = arith.divf %div3A_34, %div3A_35 : vector<512x32xf32>
    %slice3A_37 = vector.extract_strided_slice %get3A_1 {offsets = [0, 5], sizes = [512, 1], strides = [1, 1]} : vector<512x10xf32> to vector<512x1xf32>
    %div3A_38 = vector.broadcast %slice3A_37 : vector<512x1xf32> to vector<512x32xf32>
    %div3A_39 = vector.broadcast %exp3A : vector<1x32xf32> to vector<512x32xf32>
    %div3A_40 = arith.divf %div3A_38, %div3A_39 : vector<512x32xf32>
    %sin3A = math.sin %div3A_36 : vector<512x32xf32>
    %swap3A_41 = arith.constant 0 : index
    %swap3A_42 = arith.constant 0 : index
    %swap3A_43 = vector.load %arg7[%swap3A_41, %swap3A_42] : memref<512x128xf32, #tpu.memory_space<vmem>>, vector<512x32xf32>
    tpu.vector_store %arg7[%swap3A_41, %swap3A_42], %sin3A {strides = array<i32>} : memref<512x128xf32, #tpu.memory_space<vmem>>, vector<512x32xf32>,
    %cos3A = math.cos %div3A_36 : vector<512x32xf32>
    %swap3A_44 = arith.constant 0 : index
    %swap3A_45 = arith.constant 32 : index
    %swap3A_46 = vector.load %arg7[%swap3A_44, %swap3A_45] : memref<512x128xf32, #tpu.memory_space<vmem>>, vector<512x32xf32>
    tpu.vector_store %arg7[%swap3A_44, %swap3A_45], %cos3A {strides = array<i32>} : memref<512x128xf32, #tpu.memory_space<vmem>>, vector<512x32xf32>,
    %sin3A_47 = math.sin %div3A_40 : vector<512x32xf32>
    %swap3A_48 = arith.constant 0 : index
    %swap3A_49 = arith.constant 64 : index
    %swap3A_50 = vector.load %arg7[%swap3A_48, %swap3A_49] : memref<512x128xf32, #tpu.memory_space<vmem>>, vector<512x32xf32>
    tpu.vector_store %arg7[%swap3A_48, %swap3A_49], %sin3A_47 {strides = array<i32>} : memref<512x128xf32, #tpu.memory_space<vmem>>, vector<512x32xf32>,
    %cos3A_51 = math.cos %div3A_40 : vector<512x32xf32>
    %swap3A_52 = arith.constant 0 : index
    %swap3A_53 = arith.constant 96 : index
    %swap3A_54 = vector.load %arg7[%swap3A_52, %swap3A_53] : memref<512x128xf32, #tpu.memory_space<vmem>>, vector<512x32xf32>
    tpu.vector_store %arg7[%swap3A_52, %swap3A_53], %cos3A_51 {strides = array<i32>} : memref<512x128xf32, #tpu.memory_space<vmem>>, vector<512x32xf32>,
    return
  }
  func.func @transform_0(%arg0: i32) -> (i32, i32) {
    %c0_i32 = arith.constant 0 : i32
    %c0_i32_0 = arith.constant 0 : i32
    return %arg0, %c0_i32 : i32, i32
  }
  func.func @transform_1(%arg0: i32) -> (i32, i32) {
    %c0_i32 = arith.constant 0 : i32
    %c0_i32_0 = arith.constant 0 : i32
    %c0_i32_1 = arith.constant 0 : i32
    return %c0_i32, %c0_i32_0 : i32, i32
  }
  func.func @transform_2(%arg0: i32) -> (i32, i32) {
    %c0_i32 = arith.constant 0 : i32
    %c0_i32_0 = arith.constant 0 : i32
    %c0_i32_1 = arith.constant 0 : i32
    return %c0_i32, %c0_i32_0 : i32, i32
  }
  func.func @transform_3(%arg0: i32) -> (i32, i32) {
    %c0_i32 = arith.constant 0 : i32
    %c0_i32_0 = arith.constant 0 : i32
    %c0_i32_1 = arith.constant 0 : i32
    return %c0_i32, %c0_i32_0 : i32, i32
  }
  func.func @transform_4(%arg0: i32) -> (i32, i32) {
    %c0_i32 = arith.constant 0 : i32
    %c0_i32_0 = arith.constant 0 : i32
    %c0_i32_1 = arith.constant 0 : i32
    return %c0_i32, %c0_i32_0 : i32, i32
  }
  func.func @transform_5(%arg0: i32) -> (i32, i32) {
    %c0_i32 = arith.constant 0 : i32
    %c0_i32_0 = arith.constant 0 : i32
    return %arg0, %c0_i32 : i32, i32
  }
  func.func @transform_6(%arg0: i32) -> (i32, i32) {
    %c0_i32 = arith.constant 0 : i32
    %c0_i32_0 = arith.constant 0 : i32
    return %arg0, %c0_i32 : i32, i32
  }
}

module attributes {stable_mosaic.version = 14 : i64} {
  func.func @_node_body(%arg0: i32, %arg1: memref<512x128xf32, #tpu.memory_space<vmem>>, %arg2: memref<128x1024xf32, #tpu.memory_space<vmem>>, %arg3: memref<1x512xf32, #tpu.memory_space<vmem>>, %arg4: memref<512x1024xf32, #tpu.memory_space<vmem>>, %arg5: memref<512x512xi32, #tpu.memory_space<vmem>>, %arg6: memref<512x4xf32, #tpu.memory_space<vmem>>) attributes {dimension_semantics = [#tpu.dimension_semantics<arbitrary>], iteration_bounds = array<i64: 2>, scalar_prefetch = 0 : i64, scratch_operands = 0 : i64, tpu.core_type = #tpu.core_type<tc>, window_params = [{transform_indices = @transform_0, window_bounds = array<i64: 512, 128>}, {pipeline_mode = #tpu.pipeline_mode<synchronous>, transform_indices = @transform_1, window_bounds = array<i64: 128, 1024>}, {pipeline_mode = #tpu.pipeline_mode<synchronous>, transform_indices = @transform_2, window_bounds = array<i64: 1, 512>}, {transform_indices = @transform_3, window_bounds = array<i64: 512, 1024>}, {transform_indices = @transform_4, window_bounds = array<i64: 512, 512>}, {transform_indices = @transform_5, window_bounds = array<i64: 512, 4>}]} {
    %get3A = arith.constant 0 : index
    %get3A_0 = arith.constant 0 : index
    %get3A_1 = vector.load %arg1[%get3A, %get3A_0] : memref<512x128xf32, #tpu.memory_space<vmem>>, vector<512x128xf32>
    %get3A_2 = arith.constant 0 : index
    %get3A_3 = arith.constant 0 : index
    %get3A_4 = vector.load %arg2[%get3A_2, %get3A_3] : memref<128x1024xf32, #tpu.memory_space<vmem>>, vector<128x1024xf32>
    %dot_general3A = arith.constant dense<0.000000e+00> : vector<512x1024xf32>
    %dot_general3A_5 = tpu.matmul %get3A_1, %get3A_4, %dot_general3A {dimension_numbers = #tpu.dot_dimension_numbers<[1], [0], [0], [1], [0, 0, 1, 1], [], []>, precision = #tpu.contract_precision<fp32>, transpose_lhs_hint = false} : vector<512x128xf32>, vector<128x1024xf32>, vector<512x1024xf32> -> vector<512x1024xf32>
    %swap3A = arith.constant 0 : index
    %swap3A_6 = arith.constant 0 : index
    %swap3A_7 = vector.load %arg4[%swap3A, %swap3A_6] : memref<512x1024xf32, #tpu.memory_space<vmem>>, vector<512x1024xf32>
    tpu.vector_store %arg4[%swap3A, %swap3A_6], %dot_general3A_5 {strides = array<i32>} : memref<512x1024xf32, #tpu.memory_space<vmem>>, vector<512x1024xf32>,
    %slice3A = vector.extract_strided_slice %dot_general3A_5 {offsets = [0, 0], sizes = [512, 512], strides = [1, 1]} : vector<512x1024xf32> to vector<512x512xf32>
    %convert_element_type3A = arith.truncf %slice3A : vector<512x512xf32> to vector<512x512xbf16>
    %bitcast_convert_type3A = tpu.bitcast %convert_element_type3A : vector<512x512xbf16> -> vector<512x512xi16>
    %convert_element_type3A_8 = arith.extui %bitcast_convert_type3A : vector<512x512xi16> to vector<512x512xi32>
    %slice3A_9 = vector.extract_strided_slice %dot_general3A_5 {offsets = [0, 512], sizes = [512, 512], strides = [1, 1]} : vector<512x1024xf32> to vector<512x512xf32>
    %convert_element_type3A_10 = arith.truncf %slice3A_9 : vector<512x512xf32> to vector<512x512xbf16>
    %bitcast_convert_type3A_11 = tpu.bitcast %convert_element_type3A_10 : vector<512x512xbf16> -> vector<512x512xi16>
    %convert_element_type3A_12 = arith.extui %bitcast_convert_type3A_11 : vector<512x512xi16> to vector<512x512xi32>
    %shift_left3A = arith.constant 16 : i32
    %shift_left3A_13 = vector.broadcast %shift_left3A : i32 to vector<512x512xi32>
    %shift_left3A_14 = arith.shli %convert_element_type3A_12, %shift_left3A_13 : vector<512x512xi32>
    %or3A = arith.ori %convert_element_type3A_8, %shift_left3A_14 : vector<512x512xi32>
    %swap3A_15 = arith.constant 0 : index
    %swap3A_16 = arith.constant 0 : index
    %swap3A_17 = vector.load %arg5[%swap3A_15, %swap3A_16] : memref<512x512xi32, #tpu.memory_space<vmem>>, vector<512x512xi32>
    tpu.vector_store %arg5[%swap3A_15, %swap3A_16], %or3A {strides = array<i32>} : memref<512x512xi32, #tpu.memory_space<vmem>>, vector<512x512xi32>,
    %slice3A_18 = vector.extract_strided_slice %dot_general3A_5 {offsets = [0, 0], sizes = [512, 512], strides = [1, 1]} : vector<512x1024xf32> to vector<512x512xf32>
    %slice3A_19 = vector.extract_strided_slice %dot_general3A_5 {offsets = [0, 512], sizes = [512, 512], strides = [1, 1]} : vector<512x1024xf32> to vector<512x512xf32>
    %add3A = arith.addf %slice3A_18, %slice3A_19 : vector<512x512xf32>
    %gt3A = arith.constant 0.000000e+00 : f32
    %gt3A_20 = vector.broadcast %gt3A : f32 to vector<512x512xf32>
    %gt3A_21 = arith.cmpf ogt, %add3A, %gt3A_20 : vector<512x512xf32>
    %mul3A = arith.constant 2.000000e-01 : f32
    %mul3A_22 = vector.broadcast %mul3A : f32 to vector<512x512xf32>
    %mul3A_23 = arith.mulf %mul3A_22, %add3A : vector<512x512xf32>
    %select_n3A = arith.select %gt3A_21, %add3A, %mul3A_23 : vector<512x512xi1>, vector<512x512xf32>
    %get3A_24 = arith.constant 0 : index
    %get3A_25 = arith.constant 0 : index
    %get3A_26 = vector.load %arg3[%get3A_24, %get3A_25] : memref<1x512xf32, #tpu.memory_space<vmem>>, vector<1x512xf32>
    %mul3A_27 = vector.broadcast %get3A_26 : vector<1x512xf32> to vector<512x512xf32>
    %mul3A_28 = arith.mulf %select_n3A, %mul3A_27 : vector<512x512xf32>
    %iota3A = tpu.iota {dimensions = array<i32: 0>} : vector<512x4xi32>
    %jit3A = arith.constant 128 : i32
    %div3A = vector.broadcast %jit3A : i32 to vector<512x4xi32>
    %div3A_29 = arith.divsi %iota3A, %div3A : vector<512x4xi32>
    %sign3A = arith.constant 0 : i32
    %sign3A_30 = vector.broadcast %sign3A : i32 to vector<512x4xi32>
    %sign3A_31 = arith.cmpi sgt, %iota3A, %sign3A_30 : vector<512x4xi32>
    %sign3A_32 = arith.extui %sign3A_31 : vector<512x4xi1> to vector<512x4xi32>
    %sign3A_33 = arith.constant 0 : i32
    %sign3A_34 = vector.broadcast %sign3A_33 : i32 to vector<512x4xi32>
    %sign3A_35 = arith.cmpi slt, %iota3A, %sign3A_34 : vector<512x4xi32>
    %sign3A_36 = arith.extui %sign3A_35 : vector<512x4xi1> to vector<512x4xi32>
    %sign3A_37 = arith.subi %sign3A_32, %sign3A_36 : vector<512x4xi32>
    %sign3A_38 = arith.constant 0 : i32
    %sign3A_39 = arith.cmpi sgt, %jit3A, %sign3A_38 : i32
    %sign3A_40 = arith.extui %sign3A_39 : i1 to i32
    %sign3A_41 = arith.constant 0 : i32
    %sign3A_42 = arith.cmpi slt, %jit3A, %sign3A_41 : i32
    %sign3A_43 = arith.extui %sign3A_42 : i1 to i32
    %sign3A_44 = arith.subi %sign3A_40, %sign3A_43 : i32
    %ne3A = vector.broadcast %sign3A_44 : i32 to vector<512x4xi32>
    %ne3A_45 = arith.cmpi ne, %sign3A_37, %ne3A : vector<512x4xi32>
    %rem3A = vector.broadcast %jit3A : i32 to vector<512x4xi32>
    %rem3A_46 = arith.remsi %iota3A, %rem3A : vector<512x4xi32>
    %ne3A_47 = arith.constant 0 : i32
    %ne3A_48 = vector.broadcast %ne3A_47 : i32 to vector<512x4xi32>
    %ne3A_49 = arith.cmpi ne, %rem3A_46, %ne3A_48 : vector<512x4xi32>
    %and3A = arith.andi %ne3A_45, %ne3A_49 : vector<512x4xi1>
    %sub3A = arith.constant 1 : i32
    %sub3A_50 = vector.broadcast %sub3A : i32 to vector<512x4xi32>
    %sub3A_51 = arith.subi %div3A_29, %sub3A_50 : vector<512x4xi32>
    %select_n3A_52 = arith.select %and3A, %sub3A_51, %div3A_29 : vector<512x4xi1>, vector<512x4xi32>
    %iota3A_53 = tpu.iota {dimensions = array<i32: 1>} : vector<512x4xi32>
    %eq3A = arith.cmpi eq, %select_n3A_52, %iota3A_53 : vector<512x4xi32>
    %convert_element_type3A_54 = arith.extui %eq3A : vector<512x4xi1> to vector<512x4xi32>
    %convert_element_type3A_55 = arith.sitofp %convert_element_type3A_54 : vector<512x4xi32> to vector<512x4xf32>
    %dot_general3A_56 = arith.constant dense<0.000000e+00> : vector<512x4xf32>
    %dot_general3A_57 = tpu.matmul %mul3A_28, %convert_element_type3A_55, %dot_general3A_56 {dimension_numbers = #tpu.dot_dimension_numbers<[1], [0], [0], [1], [0, 0, 1, 1], [], []>, precision = #tpu.contract_precision<fp32>, transpose_lhs_hint = false} : vector<512x512xf32>, vector<512x4xf32>, vector<512x4xf32> -> vector<512x4xf32>
    %swap3A_58 = arith.constant 0 : index
    %swap3A_59 = arith.constant 0 : index
    %swap3A_60 = vector.load %arg6[%swap3A_58, %swap3A_59] : memref<512x4xf32, #tpu.memory_space<vmem>>, vector<512x4xf32>
    tpu.vector_store %arg6[%swap3A_58, %swap3A_59], %dot_general3A_57 {strides = array<i32>} : memref<512x4xf32, #tpu.memory_space<vmem>>, vector<512x4xf32>,
    return
  }
  func.func @transform_0(%arg0: i32) -> (i32, i32) {
    %mul3A = arith.constant 17 : i32
    %mul3A_0 = arith.muli %arg0, %mul3A : i32
    %add3A = arith.constant 16 : i32
    %add3A_1 = arith.addi %mul3A_0, %add3A : i32
    %c0_i32 = arith.constant 0 : i32
    %c0_i32_2 = arith.constant 0 : i32
    return %add3A_1, %c0_i32 : i32, i32
  }
  func.func @transform_1(%arg0: i32) -> (i32, i32) {
    %c0_i32 = arith.constant 0 : i32
    %c0_i32_0 = arith.constant 0 : i32
    %c0_i32_1 = arith.constant 0 : i32
    return %c0_i32, %c0_i32_0 : i32, i32
  }
  func.func @transform_2(%arg0: i32) -> (i32, i32) {
    %c0_i32 = arith.constant 0 : i32
    %c0_i32_0 = arith.constant 0 : i32
    %c0_i32_1 = arith.constant 0 : i32
    return %c0_i32, %c0_i32_0 : i32, i32
  }
  func.func @transform_3(%arg0: i32) -> (i32, i32) {
    %c0_i32 = arith.constant 0 : i32
    %c0_i32_0 = arith.constant 0 : i32
    return %arg0, %c0_i32 : i32, i32
  }
  func.func @transform_4(%arg0: i32) -> (i32, i32) {
    %c0_i32 = arith.constant 0 : i32
    %c0_i32_0 = arith.constant 0 : i32
    return %arg0, %c0_i32 : i32, i32
  }
  func.func @transform_5(%arg0: i32) -> (i32, i32) {
    %c0_i32 = arith.constant 0 : i32
    %c0_i32_0 = arith.constant 0 : i32
    return %arg0, %c0_i32 : i32, i32
  }
}

module attributes {stable_mosaic.version = 14 : i64} {
  func.func @_edge_body(%arg0: i32, %arg1: memref<512x512xi32, #tpu.memory_space<vmem>>, %arg2: memref<512x128xf32, #tpu.memory_space<vmem>>, %arg3: memref<128x1024xf32, #tpu.memory_space<vmem>>, %arg4: memref<1x512xf32, #tpu.memory_space<vmem>>, %arg5: memref<1x128xf32, #tpu.memory_space<vmem>>, %arg6: memref<1x128xf32, #tpu.memory_space<vmem>>, %arg7: memref<1x128xf32, #tpu.memory_space<vmem>>, %arg8: memref<512x128xf32, #tpu.memory_space<vmem>>, %arg9: memref<512x4xf32, #tpu.memory_space<vmem>>) attributes {dimension_semantics = [#tpu.dimension_semantics<arbitrary>], iteration_bounds = array<i64: 16>, scalar_prefetch = 0 : i64, scratch_operands = 0 : i64, tpu.core_type = #tpu.core_type<tc>, window_params = [{transform_indices = @transform_0, window_bounds = array<i64: 512, 512>}, {transform_indices = @transform_1, window_bounds = array<i64: 512, 128>}, {pipeline_mode = #tpu.pipeline_mode<synchronous>, transform_indices = @transform_2, window_bounds = array<i64: 128, 1024>}, {pipeline_mode = #tpu.pipeline_mode<synchronous>, transform_indices = @transform_3, window_bounds = array<i64: 1, 512>}, {pipeline_mode = #tpu.pipeline_mode<synchronous>, transform_indices = @transform_4, window_bounds = array<i64: 1, 128>}, {pipeline_mode = #tpu.pipeline_mode<synchronous>, transform_indices = @transform_5, window_bounds = array<i64: 1, 128>}, {pipeline_mode = #tpu.pipeline_mode<synchronous>, transform_indices = @transform_6, window_bounds = array<i64: 1, 128>}, {transform_indices = @transform_7, window_bounds = array<i64: 512, 128>}, {transform_indices = @transform_8, window_bounds = array<i64: 512, 4>}]} {
    %get3A = arith.constant 0 : index
    %get3A_0 = arith.constant 0 : index
    %get3A_1 = vector.load %arg1[%get3A, %get3A_0] : memref<512x512xi32, #tpu.memory_space<vmem>>, vector<512x512xi32>
    %bitcast_convert_type3A = tpu.bitcast %get3A_1 : vector<512x512xi32> -> vector<512x512xi32>
    %shift_left3A = arith.constant 16 : i32
    %shift_left3A_2 = vector.broadcast %shift_left3A : i32 to vector<512x512xi32>
    %shift_left3A_3 = arith.shli %bitcast_convert_type3A, %shift_left3A_2 : vector<512x512xi32>
    %bitcast_convert_type3A_4 = tpu.bitcast %shift_left3A_3 : vector<512x512xi32> -> vector<512x512xf32>
    %and3A = arith.constant -65536 : i32
    %and3A_5 = vector.broadcast %and3A : i32 to vector<512x512xi32>
    %and3A_6 = arith.andi %bitcast_convert_type3A, %and3A_5 : vector<512x512xi32>
    %bitcast_convert_type3A_7 = tpu.bitcast %and3A_6 : vector<512x512xi32> -> vector<512x512xf32>
    %get3A_8 = arith.constant 0 : index
    %get3A_9 = arith.constant 0 : index
    %get3A_10 = vector.load %arg2[%get3A_8, %get3A_9] : memref<512x128xf32, #tpu.memory_space<vmem>>, vector<512x128xf32>
    %get3A_11 = arith.constant 0 : index
    %get3A_12 = arith.constant 0 : index
    %get3A_13 = vector.load %arg3[%get3A_11, %get3A_12] : memref<128x1024xf32, #tpu.memory_space<vmem>>, vector<128x1024xf32>
    %dot_general3A = arith.constant dense<0.000000e+00> : vector<512x1024xf32>
    %dot_general3A_14 = tpu.matmul %get3A_10, %get3A_13, %dot_general3A {dimension_numbers = #tpu.dot_dimension_numbers<[1], [0], [0], [1], [0, 0, 1, 1], [], []>, precision = #tpu.contract_precision<fp32>, transpose_lhs_hint = false} : vector<512x128xf32>, vector<128x1024xf32>, vector<512x1024xf32> -> vector<512x1024xf32>
    %slice3A = vector.extract_strided_slice %dot_general3A_14 {offsets = [0, 0], sizes = [512, 512], strides = [1, 1]} : vector<512x1024xf32> to vector<512x512xf32>
    %slice3A_15 = vector.extract_strided_slice %dot_general3A_14 {offsets = [0, 512], sizes = [512, 512], strides = [1, 1]} : vector<512x1024xf32> to vector<512x512xf32>
    %get3A_16 = arith.constant 0 : index
    %get3A_17 = arith.constant 0 : index
    %get3A_18 = vector.load %arg4[%get3A_16, %get3A_17] : memref<1x512xf32, #tpu.memory_space<vmem>>, vector<1x512xf32>
    %iota3A = tpu.iota {dimensions = array<i32: 0>} : vector<512x4xi32>
    %jit3A = arith.constant 128 : i32
    %div3A = vector.broadcast %jit3A : i32 to vector<512x4xi32>
    %div3A_19 = arith.divsi %iota3A, %div3A : vector<512x4xi32>
    %sign3A = arith.constant 0 : i32
    %sign3A_20 = vector.broadcast %sign3A : i32 to vector<512x4xi32>
    %sign3A_21 = arith.cmpi sgt, %iota3A, %sign3A_20 : vector<512x4xi32>
    %sign3A_22 = arith.extui %sign3A_21 : vector<512x4xi1> to vector<512x4xi32>
    %sign3A_23 = arith.constant 0 : i32
    %sign3A_24 = vector.broadcast %sign3A_23 : i32 to vector<512x4xi32>
    %sign3A_25 = arith.cmpi slt, %iota3A, %sign3A_24 : vector<512x4xi32>
    %sign3A_26 = arith.extui %sign3A_25 : vector<512x4xi1> to vector<512x4xi32>
    %sign3A_27 = arith.subi %sign3A_22, %sign3A_26 : vector<512x4xi32>
    %sign3A_28 = arith.constant 0 : i32
    %sign3A_29 = arith.cmpi sgt, %jit3A, %sign3A_28 : i32
    %sign3A_30 = arith.extui %sign3A_29 : i1 to i32
    %sign3A_31 = arith.constant 0 : i32
    %sign3A_32 = arith.cmpi slt, %jit3A, %sign3A_31 : i32
    %sign3A_33 = arith.extui %sign3A_32 : i1 to i32
    %sign3A_34 = arith.subi %sign3A_30, %sign3A_33 : i32
    %ne3A = vector.broadcast %sign3A_34 : i32 to vector<512x4xi32>
    %ne3A_35 = arith.cmpi ne, %sign3A_27, %ne3A : vector<512x4xi32>
    %rem3A = vector.broadcast %jit3A : i32 to vector<512x4xi32>
    %rem3A_36 = arith.remsi %iota3A, %rem3A : vector<512x4xi32>
    %ne3A_37 = arith.constant 0 : i32
    %ne3A_38 = vector.broadcast %ne3A_37 : i32 to vector<512x4xi32>
    %ne3A_39 = arith.cmpi ne, %rem3A_36, %ne3A_38 : vector<512x4xi32>
    %and3A_40 = arith.andi %ne3A_35, %ne3A_39 : vector<512x4xi1>
    %sub3A = arith.constant 1 : i32
    %sub3A_41 = vector.broadcast %sub3A : i32 to vector<512x4xi32>
    %sub3A_42 = arith.subi %div3A_19, %sub3A_41 : vector<512x4xi32>
    %select_n3A = arith.select %and3A_40, %sub3A_42, %div3A_19 : vector<512x4xi1>, vector<512x4xi32>
    %iota3A_43 = tpu.iota {dimensions = array<i32: 1>} : vector<512x4xi32>
    %eq3A = arith.cmpi eq, %select_n3A, %iota3A_43 : vector<512x4xi32>
    %convert_element_type3A = arith.extui %eq3A : vector<512x4xi1> to vector<512x4xi32>
    %convert_element_type3A_44 = arith.sitofp %convert_element_type3A : vector<512x4xi32> to vector<512x4xf32>
    %add3A = arith.addf %slice3A, %slice3A_15 : vector<512x512xf32>
    %gt3A = arith.constant 0.000000e+00 : f32
    %gt3A_45 = vector.broadcast %gt3A : f32 to vector<512x512xf32>
    %gt3A_46 = arith.cmpf ogt, %add3A, %gt3A_45 : vector<512x512xf32>
    %mul3A = arith.constant 2.000000e-01 : f32
    %mul3A_47 = vector.broadcast %mul3A : f32 to vector<512x512xf32>
    %mul3A_48 = arith.mulf %mul3A_47, %add3A : vector<512x512xf32>
    %select_n3A_49 = arith.select %gt3A_46, %add3A, %mul3A_48 : vector<512x512xi1>, vector<512x512xf32>
    %mul3A_50 = vector.broadcast %get3A_18 : vector<1x512xf32> to vector<512x512xf32>
    %mul3A_51 = arith.mulf %select_n3A_49, %mul3A_50 : vector<512x512xf32>
    %dot_general3A_52 = arith.constant dense<0.000000e+00> : vector<512x4xf32>
    %dot_general3A_53 = tpu.matmul %mul3A_51, %convert_element_type3A_44, %dot_general3A_52 {dimension_numbers = #tpu.dot_dimension_numbers<[1], [0], [0], [1], [0, 0, 1, 1], [], []>, precision = #tpu.contract_precision<fp32>, transpose_lhs_hint = false} : vector<512x512xf32>, vector<512x4xf32>, vector<512x4xf32> -> vector<512x4xf32>
    %add3A_54 = arith.addf %bitcast_convert_type3A_4, %slice3A_15 : vector<512x512xf32>
    %gt3A_55 = arith.constant 0.000000e+00 : f32
    %gt3A_56 = vector.broadcast %gt3A_55 : f32 to vector<512x512xf32>
    %gt3A_57 = arith.cmpf ogt, %add3A_54, %gt3A_56 : vector<512x512xf32>
    %mul3A_58 = arith.constant 2.000000e-01 : f32
    %mul3A_59 = vector.broadcast %mul3A_58 : f32 to vector<512x512xf32>
    %mul3A_60 = arith.mulf %mul3A_59, %add3A_54 : vector<512x512xf32>
    %select_n3A_61 = arith.select %gt3A_57, %add3A_54, %mul3A_60 : vector<512x512xi1>, vector<512x512xf32>
    %mul3A_62 = vector.broadcast %get3A_18 : vector<1x512xf32> to vector<512x512xf32>
    %mul3A_63 = arith.mulf %select_n3A_61, %mul3A_62 : vector<512x512xf32>
    %dot_general3A_64 = arith.constant dense<0.000000e+00> : vector<512x4xf32>
    %dot_general3A_65 = tpu.matmul %mul3A_63, %convert_element_type3A_44, %dot_general3A_64 {dimension_numbers = #tpu.dot_dimension_numbers<[1], [0], [0], [1], [0, 0, 1, 1], [], []>, precision = #tpu.contract_precision<fp32>, transpose_lhs_hint = false} : vector<512x512xf32>, vector<512x4xf32>, vector<512x4xf32> -> vector<512x4xf32>
    %add3A_66 = arith.addf %slice3A, %bitcast_convert_type3A_7 : vector<512x512xf32>
    %gt3A_67 = arith.constant 0.000000e+00 : f32
    %gt3A_68 = vector.broadcast %gt3A_67 : f32 to vector<512x512xf32>
    %gt3A_69 = arith.cmpf ogt, %add3A_66, %gt3A_68 : vector<512x512xf32>
    %mul3A_70 = arith.constant 2.000000e-01 : f32
    %mul3A_71 = vector.broadcast %mul3A_70 : f32 to vector<512x512xf32>
    %mul3A_72 = arith.mulf %mul3A_71, %add3A_66 : vector<512x512xf32>
    %select_n3A_73 = arith.select %gt3A_69, %add3A_66, %mul3A_72 : vector<512x512xi1>, vector<512x512xf32>
    %mul3A_74 = vector.broadcast %get3A_18 : vector<1x512xf32> to vector<512x512xf32>
    %mul3A_75 = arith.mulf %select_n3A_73, %mul3A_74 : vector<512x512xf32>
    %dot_general3A_76 = arith.constant dense<0.000000e+00> : vector<512x4xf32>
    %dot_general3A_77 = tpu.matmul %mul3A_75, %convert_element_type3A_44, %dot_general3A_76 {dimension_numbers = #tpu.dot_dimension_numbers<[1], [0], [0], [1], [0, 0, 1, 1], [], []>, precision = #tpu.contract_precision<fp32>, transpose_lhs_hint = false} : vector<512x512xf32>, vector<512x4xf32>, vector<512x4xf32> -> vector<512x4xf32>
    %swap3A = arith.constant 0 : index
    %swap3A_78 = arith.constant 0 : index
    %swap3A_79 = vector.load %arg9[%swap3A, %swap3A_78] : memref<512x4xf32, #tpu.memory_space<vmem>>, vector<512x4xf32>
    tpu.vector_store %arg9[%swap3A, %swap3A_78], %dot_general3A_77 {strides = array<i32>} : memref<512x4xf32, #tpu.memory_space<vmem>>, vector<512x4xf32>,
    %max3A = arith.maximumf %dot_general3A_65, %dot_general3A_53 : vector<512x4xf32>
    %sub3A_80 = arith.subf %dot_general3A_65, %max3A : vector<512x4xf32>
    %exp3A = math.exp %sub3A_80 : vector<512x4xf32>
    %sub3A_81 = arith.subf %dot_general3A_53, %max3A : vector<512x4xf32>
    %exp3A_82 = math.exp %sub3A_81 : vector<512x4xf32>
    %add3A_83 = arith.addf %exp3A, %exp3A_82 : vector<512x4xf32>
    %add3A_84 = arith.constant 1.000000e-16 : f32
    %add3A_85 = vector.broadcast %add3A_84 : f32 to vector<512x4xf32>
    %add3A_86 = arith.addf %add3A_83, %add3A_85 : vector<512x4xf32>
    %div3A_87 = arith.divf %exp3A, %add3A_86 : vector<512x4xf32>
    %div3A_88 = arith.divf %exp3A_82, %add3A_86 : vector<512x4xf32>
    %broadcast_in_dim3A = arith.constant 0.000000e+00 : f32
    %broadcast_in_dim3A_89 = vector.broadcast %broadcast_in_dim3A : f32 to vector<512x128xf32>
    %slice3A_90 = vector.extract_strided_slice %div3A_87 {offsets = [0, 0], sizes = [512, 1], strides = [1, 1]} : vector<512x4xf32> to vector<512x1xf32>
    %slice3A_91 = vector.extract_strided_slice %bitcast_convert_type3A_4 {offsets = [0, 0], sizes = [512, 128], strides = [1, 1]} : vector<512x512xf32> to vector<512x128xf32>
    %mul3A_92 = vector.broadcast %slice3A_90 : vector<512x1xf32> to vector<512x128xf32>
    %mul3A_93 = arith.mulf %mul3A_92, %slice3A_91 : vector<512x128xf32>
    %slice3A_94 = vector.extract_strided_slice %div3A_88 {offsets = [0, 0], sizes = [512, 1], strides = [1, 1]} : vector<512x4xf32> to vector<512x1xf32>
    %slice3A_95 = vector.extract_strided_slice %slice3A {offsets = [0, 0], sizes = [512, 128], strides = [1, 1]} : vector<512x512xf32> to vector<512x128xf32>
    %mul3A_96 = vector.broadcast %slice3A_94 : vector<512x1xf32> to vector<512x128xf32>
    %mul3A_97 = arith.mulf %mul3A_96, %slice3A_95 : vector<512x128xf32>
    %add3A_98 = arith.addf %mul3A_93, %mul3A_97 : vector<512x128xf32>
    %add3A_99 = arith.addf %broadcast_in_dim3A_89, %add3A_98 : vector<512x128xf32>
    %slice3A_100 = vector.extract_strided_slice %div3A_87 {offsets = [0, 1], sizes = [512, 1], strides = [1, 1]} : vector<512x4xf32> to vector<512x1xf32>
    %slice3A_101 = vector.extract_strided_slice %bitcast_convert_type3A_4 {offsets = [0, 128], sizes = [512, 128], strides = [1, 1]} : vector<512x512xf32> to vector<512x128xf32>
    %mul3A_102 = vector.broadcast %slice3A_100 : vector<512x1xf32> to vector<512x128xf32>
    %mul3A_103 = arith.mulf %mul3A_102, %slice3A_101 : vector<512x128xf32>
    %slice3A_104 = vector.extract_strided_slice %div3A_88 {offsets = [0, 1], sizes = [512, 1], strides = [1, 1]} : vector<512x4xf32> to vector<512x1xf32>
    %slice3A_105 = vector.extract_strided_slice %slice3A {offsets = [0, 128], sizes = [512, 128], strides = [1, 1]} : vector<512x512xf32> to vector<512x128xf32>
    %mul3A_106 = vector.broadcast %slice3A_104 : vector<512x1xf32> to vector<512x128xf32>
    %mul3A_107 = arith.mulf %mul3A_106, %slice3A_105 : vector<512x128xf32>
    %add3A_108 = arith.addf %mul3A_103, %mul3A_107 : vector<512x128xf32>
    %add3A_109 = arith.addf %add3A_99, %add3A_108 : vector<512x128xf32>
    %slice3A_110 = vector.extract_strided_slice %div3A_87 {offsets = [0, 2], sizes = [512, 1], strides = [1, 1]} : vector<512x4xf32> to vector<512x1xf32>
    %slice3A_111 = vector.extract_strided_slice %bitcast_convert_type3A_4 {offsets = [0, 256], sizes = [512, 128], strides = [1, 1]} : vector<512x512xf32> to vector<512x128xf32>
    %mul3A_112 = vector.broadcast %slice3A_110 : vector<512x1xf32> to vector<512x128xf32>
    %mul3A_113 = arith.mulf %mul3A_112, %slice3A_111 : vector<512x128xf32>
    %slice3A_114 = vector.extract_strided_slice %div3A_88 {offsets = [0, 2], sizes = [512, 1], strides = [1, 1]} : vector<512x4xf32> to vector<512x1xf32>
    %slice3A_115 = vector.extract_strided_slice %slice3A {offsets = [0, 256], sizes = [512, 128], strides = [1, 1]} : vector<512x512xf32> to vector<512x128xf32>
    %mul3A_116 = vector.broadcast %slice3A_114 : vector<512x1xf32> to vector<512x128xf32>
    %mul3A_117 = arith.mulf %mul3A_116, %slice3A_115 : vector<512x128xf32>
    %add3A_118 = arith.addf %mul3A_113, %mul3A_117 : vector<512x128xf32>
    %add3A_119 = arith.addf %add3A_109, %add3A_118 : vector<512x128xf32>
    %slice3A_120 = vector.extract_strided_slice %div3A_87 {offsets = [0, 3], sizes = [512, 1], strides = [1, 1]} : vector<512x4xf32> to vector<512x1xf32>
    %slice3A_121 = vector.extract_strided_slice %bitcast_convert_type3A_4 {offsets = [0, 384], sizes = [512, 128], strides = [1, 1]} : vector<512x512xf32> to vector<512x128xf32>
    %mul3A_122 = vector.broadcast %slice3A_120 : vector<512x1xf32> to vector<512x128xf32>
    %mul3A_123 = arith.mulf %mul3A_122, %slice3A_121 : vector<512x128xf32>
    %slice3A_124 = vector.extract_strided_slice %div3A_88 {offsets = [0, 3], sizes = [512, 1], strides = [1, 1]} : vector<512x4xf32> to vector<512x1xf32>
    %slice3A_125 = vector.extract_strided_slice %slice3A {offsets = [0, 384], sizes = [512, 128], strides = [1, 1]} : vector<512x512xf32> to vector<512x128xf32>
    %mul3A_126 = vector.broadcast %slice3A_124 : vector<512x1xf32> to vector<512x128xf32>
    %mul3A_127 = arith.mulf %mul3A_126, %slice3A_125 : vector<512x128xf32>
    %add3A_128 = arith.addf %mul3A_123, %mul3A_127 : vector<512x128xf32>
    %add3A_129 = arith.addf %add3A_119, %add3A_128 : vector<512x128xf32>
    %mul3A_130 = arith.constant 2.500000e-01 : f32
    %mul3A_131 = vector.broadcast %mul3A_130 : f32 to vector<512x128xf32>
    %mul3A_132 = arith.mulf %add3A_129, %mul3A_131 : vector<512x128xf32>
    %get3A_133 = arith.constant 0 : index
    %get3A_134 = arith.constant 0 : index
    %get3A_135 = vector.load %arg5[%get3A_133, %get3A_134] : memref<1x128xf32, #tpu.memory_space<vmem>>, vector<1x128xf32>
    %add3A_136 = vector.broadcast %get3A_135 : vector<1x128xf32> to vector<512x128xf32>
    %add3A_137 = arith.addf %mul3A_132, %add3A_136 : vector<512x128xf32>
    %get3A_138 = arith.constant 0 : index
    %get3A_139 = arith.constant 0 : index
    %get3A_140 = vector.load %arg6[%get3A_138, %get3A_139] : memref<1x128xf32, #tpu.memory_space<vmem>>, vector<1x128xf32>
    %get3A_141 = arith.constant 0 : index
    %get3A_142 = arith.constant 0 : index
    %get3A_143 = vector.load %arg7[%get3A_141, %get3A_142] : memref<1x128xf32, #tpu.memory_space<vmem>>, vector<1x128xf32>
    %reduce_sum3A = arith.constant dense<0.000000e+00> : vector<512xf32>
    %reduce_sum3A_144 = vector.multi_reduction <add>, %add3A_137, %reduce_sum3A [1] : vector<512x128xf32> to vector<512xf32>
    %broadcast_in_dim3A_145 = vector.shape_cast %reduce_sum3A_144 : vector<512xf32> to vector<512x1xf32>
    %div3A_146 = arith.constant 1.280000e+02 : f32
    %div3A_147 = vector.broadcast %div3A_146 : f32 to vector<512x1xf32>
    %div3A_148 = arith.divf %broadcast_in_dim3A_145, %div3A_147 : vector<512x1xf32>
    %sub3A_149 = vector.broadcast %div3A_148 : vector<512x1xf32> to vector<512x128xf32>
    %sub3A_150 = arith.subf %add3A_137, %sub3A_149 : vector<512x128xf32>
    %mul3A_151 = arith.mulf %sub3A_150, %sub3A_150 : vector<512x128xf32>
    %reduce_sum3A_152 = arith.constant dense<0.000000e+00> : vector<512xf32>
    %reduce_sum3A_153 = vector.multi_reduction <add>, %mul3A_151, %reduce_sum3A_152 [1] : vector<512x128xf32> to vector<512xf32>
    %broadcast_in_dim3A_154 = vector.shape_cast %reduce_sum3A_153 : vector<512xf32> to vector<512x1xf32>
    %div3A_155 = arith.constant 1.280000e+02 : f32
    %div3A_156 = vector.broadcast %div3A_155 : f32 to vector<512x1xf32>
    %div3A_157 = arith.divf %broadcast_in_dim3A_154, %div3A_156 : vector<512x1xf32>
    %add3A_158 = arith.constant 9.99999974E-6 : f32
    %add3A_159 = vector.broadcast %add3A_158 : f32 to vector<512x1xf32>
    %add3A_160 = arith.addf %div3A_157, %add3A_159 : vector<512x1xf32>
    %rsqrt3A = math.rsqrt %add3A_160 : vector<512x1xf32>
    %mul3A_161 = vector.broadcast %rsqrt3A : vector<512x1xf32> to vector<512x128xf32>
    %mul3A_162 = arith.mulf %sub3A_150, %mul3A_161 : vector<512x128xf32>
    %mul3A_163 = vector.broadcast %get3A_140 : vector<1x128xf32> to vector<512x128xf32>
    %mul3A_164 = arith.mulf %mul3A_162, %mul3A_163 : vector<512x128xf32>
    %add3A_165 = vector.broadcast %get3A_143 : vector<1x128xf32> to vector<512x128xf32>
    %add3A_166 = arith.addf %mul3A_164, %add3A_165 : vector<512x128xf32>
    %max3A_167 = arith.constant 0.000000e+00 : f32
    %max3A_168 = vector.broadcast %max3A_167 : f32 to vector<512x128xf32>
    %max3A_169 = arith.maximumf %add3A_166, %max3A_168 : vector<512x128xf32>
    %add3A_170 = arith.addf %get3A_10, %max3A_169 : vector<512x128xf32>
    %swap3A_171 = arith.constant 0 : index
    %swap3A_172 = arith.constant 0 : index
    %swap3A_173 = vector.load %arg8[%swap3A_171, %swap3A_172] : memref<512x128xf32, #tpu.memory_space<vmem>>, vector<512x128xf32>
    tpu.vector_store %arg8[%swap3A_171, %swap3A_172], %add3A_170 {strides = array<i32>} : memref<512x128xf32, #tpu.memory_space<vmem>>, vector<512x128xf32>,
    return
  }
  func.func @transform_0(%arg0: i32) -> (i32, i32) {
    %c0_i32 = arith.constant 0 : i32
    %c0_i32_0 = arith.constant 0 : i32
    return %arg0, %c0_i32 : i32, i32
  }
  func.func @transform_1(%arg0: i32) -> (i32, i32) {
    %add3A = arith.constant 17 : i32
    %add3A_0 = arith.addi %add3A, %arg0 : i32
    %c0_i32 = arith.constant 0 : i32
    %c0_i32_1 = arith.constant 0 : i32
    return %add3A_0, %c0_i32 : i32, i32
  }
  func.func @transform_2(%arg0: i32) -> (i32, i32) {
    %c0_i32 = arith.constant 0 : i32
    %c0_i32_0 = arith.constant 0 : i32
    %c0_i32_1 = arith.constant 0 : i32
    return %c0_i32, %c0_i32_0 : i32, i32
  }
  func.func @transform_3(%arg0: i32) -> (i32, i32) {
    %c0_i32 = arith.constant 0 : i32
    %c0_i32_0 = arith.constant 0 : i32
    %c0_i32_1 = arith.constant 0 : i32
    return %c0_i32, %c0_i32_0 : i32, i32
  }
  func.func @transform_4(%arg0: i32) -> (i32, i32) {
    %c0_i32 = arith.constant 0 : i32
    %c0_i32_0 = arith.constant 0 : i32
    %c0_i32_1 = arith.constant 0 : i32
    return %c0_i32, %c0_i32_0 : i32, i32
  }
  func.func @transform_5(%arg0: i32) -> (i32, i32) {
    %c0_i32 = arith.constant 0 : i32
    %c0_i32_0 = arith.constant 0 : i32
    %c0_i32_1 = arith.constant 0 : i32
    return %c0_i32, %c0_i32_0 : i32, i32
  }
  func.func @transform_6(%arg0: i32) -> (i32, i32) {
    %c0_i32 = arith.constant 0 : i32
    %c0_i32_0 = arith.constant 0 : i32
    %c0_i32_1 = arith.constant 0 : i32
    return %c0_i32, %c0_i32_0 : i32, i32
  }
  func.func @transform_7(%arg0: i32) -> (i32, i32) {
    %c0_i32 = arith.constant 0 : i32
    %c0_i32_0 = arith.constant 0 : i32
    return %arg0, %c0_i32 : i32, i32
  }
  func.func @transform_8(%arg0: i32) -> (i32, i32) {
    %c0_i32 = arith.constant 0 : i32
    %c0_i32_0 = arith.constant 0 : i32
    return %arg0, %c0_i32 : i32, i32
  }
}

module attributes {stable_mosaic.version = 14 : i64} {
  func.func @_edge_body(%arg0: i32, %arg1: memref<512x512xi32, #tpu.memory_space<vmem>>, %arg2: memref<512x128xf32, #tpu.memory_space<vmem>>, %arg3: memref<128x1024xf32, #tpu.memory_space<vmem>>, %arg4: memref<1x512xf32, #tpu.memory_space<vmem>>, %arg5: memref<1x128xf32, #tpu.memory_space<vmem>>, %arg6: memref<1x128xf32, #tpu.memory_space<vmem>>, %arg7: memref<1x128xf32, #tpu.memory_space<vmem>>, %arg8: memref<512x128xf32, #tpu.memory_space<vmem>>, %arg9: memref<512x4xf32, #tpu.memory_space<vmem>>) attributes {dimension_semantics = [#tpu.dimension_semantics<arbitrary>], iteration_bounds = array<i64: 16>, scalar_prefetch = 0 : i64, scratch_operands = 0 : i64, tpu.core_type = #tpu.core_type<tc>, window_params = [{transform_indices = @transform_0, window_bounds = array<i64: 512, 512>}, {transform_indices = @transform_1, window_bounds = array<i64: 512, 128>}, {pipeline_mode = #tpu.pipeline_mode<synchronous>, transform_indices = @transform_2, window_bounds = array<i64: 128, 1024>}, {pipeline_mode = #tpu.pipeline_mode<synchronous>, transform_indices = @transform_3, window_bounds = array<i64: 1, 512>}, {pipeline_mode = #tpu.pipeline_mode<synchronous>, transform_indices = @transform_4, window_bounds = array<i64: 1, 128>}, {pipeline_mode = #tpu.pipeline_mode<synchronous>, transform_indices = @transform_5, window_bounds = array<i64: 1, 128>}, {pipeline_mode = #tpu.pipeline_mode<synchronous>, transform_indices = @transform_6, window_bounds = array<i64: 1, 128>}, {transform_indices = @transform_7, window_bounds = array<i64: 512, 128>}, {transform_indices = @transform_8, window_bounds = array<i64: 512, 4>}]} {
    %get3A = arith.constant 0 : index
    %get3A_0 = arith.constant 0 : index
    %get3A_1 = vector.load %arg1[%get3A, %get3A_0] : memref<512x512xi32, #tpu.memory_space<vmem>>, vector<512x512xi32>
    %bitcast_convert_type3A = tpu.bitcast %get3A_1 : vector<512x512xi32> -> vector<512x512xi32>
    %shift_left3A = arith.constant 16 : i32
    %shift_left3A_2 = vector.broadcast %shift_left3A : i32 to vector<512x512xi32>
    %shift_left3A_3 = arith.shli %bitcast_convert_type3A, %shift_left3A_2 : vector<512x512xi32>
    %bitcast_convert_type3A_4 = tpu.bitcast %shift_left3A_3 : vector<512x512xi32> -> vector<512x512xf32>
    %and3A = arith.constant -65536 : i32
    %and3A_5 = vector.broadcast %and3A : i32 to vector<512x512xi32>
    %and3A_6 = arith.andi %bitcast_convert_type3A, %and3A_5 : vector<512x512xi32>
    %bitcast_convert_type3A_7 = tpu.bitcast %and3A_6 : vector<512x512xi32> -> vector<512x512xf32>
    %get3A_8 = arith.constant 0 : index
    %get3A_9 = arith.constant 0 : index
    %get3A_10 = vector.load %arg2[%get3A_8, %get3A_9] : memref<512x128xf32, #tpu.memory_space<vmem>>, vector<512x128xf32>
    %get3A_11 = arith.constant 0 : index
    %get3A_12 = arith.constant 0 : index
    %get3A_13 = vector.load %arg3[%get3A_11, %get3A_12] : memref<128x1024xf32, #tpu.memory_space<vmem>>, vector<128x1024xf32>
    %dot_general3A = arith.constant dense<0.000000e+00> : vector<512x1024xf32>
    %dot_general3A_14 = tpu.matmul %get3A_10, %get3A_13, %dot_general3A {dimension_numbers = #tpu.dot_dimension_numbers<[1], [0], [0], [1], [0, 0, 1, 1], [], []>, precision = #tpu.contract_precision<fp32>, transpose_lhs_hint = false} : vector<512x128xf32>, vector<128x1024xf32>, vector<512x1024xf32> -> vector<512x1024xf32>
    %slice3A = vector.extract_strided_slice %dot_general3A_14 {offsets = [0, 0], sizes = [512, 512], strides = [1, 1]} : vector<512x1024xf32> to vector<512x512xf32>
    %slice3A_15 = vector.extract_strided_slice %dot_general3A_14 {offsets = [0, 512], sizes = [512, 512], strides = [1, 1]} : vector<512x1024xf32> to vector<512x512xf32>
    %get3A_16 = arith.constant 0 : index
    %get3A_17 = arith.constant 0 : index
    %get3A_18 = vector.load %arg4[%get3A_16, %get3A_17] : memref<1x512xf32, #tpu.memory_space<vmem>>, vector<1x512xf32>
    %iota3A = tpu.iota {dimensions = array<i32: 0>} : vector<512x4xi32>
    %jit3A = arith.constant 128 : i32
    %div3A = vector.broadcast %jit3A : i32 to vector<512x4xi32>
    %div3A_19 = arith.divsi %iota3A, %div3A : vector<512x4xi32>
    %sign3A = arith.constant 0 : i32
    %sign3A_20 = vector.broadcast %sign3A : i32 to vector<512x4xi32>
    %sign3A_21 = arith.cmpi sgt, %iota3A, %sign3A_20 : vector<512x4xi32>
    %sign3A_22 = arith.extui %sign3A_21 : vector<512x4xi1> to vector<512x4xi32>
    %sign3A_23 = arith.constant 0 : i32
    %sign3A_24 = vector.broadcast %sign3A_23 : i32 to vector<512x4xi32>
    %sign3A_25 = arith.cmpi slt, %iota3A, %sign3A_24 : vector<512x4xi32>
    %sign3A_26 = arith.extui %sign3A_25 : vector<512x4xi1> to vector<512x4xi32>
    %sign3A_27 = arith.subi %sign3A_22, %sign3A_26 : vector<512x4xi32>
    %sign3A_28 = arith.constant 0 : i32
    %sign3A_29 = arith.cmpi sgt, %jit3A, %sign3A_28 : i32
    %sign3A_30 = arith.extui %sign3A_29 : i1 to i32
    %sign3A_31 = arith.constant 0 : i32
    %sign3A_32 = arith.cmpi slt, %jit3A, %sign3A_31 : i32
    %sign3A_33 = arith.extui %sign3A_32 : i1 to i32
    %sign3A_34 = arith.subi %sign3A_30, %sign3A_33 : i32
    %ne3A = vector.broadcast %sign3A_34 : i32 to vector<512x4xi32>
    %ne3A_35 = arith.cmpi ne, %sign3A_27, %ne3A : vector<512x4xi32>
    %rem3A = vector.broadcast %jit3A : i32 to vector<512x4xi32>
    %rem3A_36 = arith.remsi %iota3A, %rem3A : vector<512x4xi32>
    %ne3A_37 = arith.constant 0 : i32
    %ne3A_38 = vector.broadcast %ne3A_37 : i32 to vector<512x4xi32>
    %ne3A_39 = arith.cmpi ne, %rem3A_36, %ne3A_38 : vector<512x4xi32>
    %and3A_40 = arith.andi %ne3A_35, %ne3A_39 : vector<512x4xi1>
    %sub3A = arith.constant 1 : i32
    %sub3A_41 = vector.broadcast %sub3A : i32 to vector<512x4xi32>
    %sub3A_42 = arith.subi %div3A_19, %sub3A_41 : vector<512x4xi32>
    %select_n3A = arith.select %and3A_40, %sub3A_42, %div3A_19 : vector<512x4xi1>, vector<512x4xi32>
    %iota3A_43 = tpu.iota {dimensions = array<i32: 1>} : vector<512x4xi32>
    %eq3A = arith.cmpi eq, %select_n3A, %iota3A_43 : vector<512x4xi32>
    %convert_element_type3A = arith.extui %eq3A : vector<512x4xi1> to vector<512x4xi32>
    %convert_element_type3A_44 = arith.sitofp %convert_element_type3A : vector<512x4xi32> to vector<512x4xf32>
    %add3A = arith.addf %slice3A, %slice3A_15 : vector<512x512xf32>
    %gt3A = arith.constant 0.000000e+00 : f32
    %gt3A_45 = vector.broadcast %gt3A : f32 to vector<512x512xf32>
    %gt3A_46 = arith.cmpf ogt, %add3A, %gt3A_45 : vector<512x512xf32>
    %mul3A = arith.constant 2.000000e-01 : f32
    %mul3A_47 = vector.broadcast %mul3A : f32 to vector<512x512xf32>
    %mul3A_48 = arith.mulf %mul3A_47, %add3A : vector<512x512xf32>
    %select_n3A_49 = arith.select %gt3A_46, %add3A, %mul3A_48 : vector<512x512xi1>, vector<512x512xf32>
    %mul3A_50 = vector.broadcast %get3A_18 : vector<1x512xf32> to vector<512x512xf32>
    %mul3A_51 = arith.mulf %select_n3A_49, %mul3A_50 : vector<512x512xf32>
    %dot_general3A_52 = arith.constant dense<0.000000e+00> : vector<512x4xf32>
    %dot_general3A_53 = tpu.matmul %mul3A_51, %convert_element_type3A_44, %dot_general3A_52 {dimension_numbers = #tpu.dot_dimension_numbers<[1], [0], [0], [1], [0, 0, 1, 1], [], []>, precision = #tpu.contract_precision<fp32>, transpose_lhs_hint = false} : vector<512x512xf32>, vector<512x4xf32>, vector<512x4xf32> -> vector<512x4xf32>
    %add3A_54 = arith.addf %bitcast_convert_type3A_4, %slice3A_15 : vector<512x512xf32>
    %gt3A_55 = arith.constant 0.000000e+00 : f32
    %gt3A_56 = vector.broadcast %gt3A_55 : f32 to vector<512x512xf32>
    %gt3A_57 = arith.cmpf ogt, %add3A_54, %gt3A_56 : vector<512x512xf32>
    %mul3A_58 = arith.constant 2.000000e-01 : f32
    %mul3A_59 = vector.broadcast %mul3A_58 : f32 to vector<512x512xf32>
    %mul3A_60 = arith.mulf %mul3A_59, %add3A_54 : vector<512x512xf32>
    %select_n3A_61 = arith.select %gt3A_57, %add3A_54, %mul3A_60 : vector<512x512xi1>, vector<512x512xf32>
    %mul3A_62 = vector.broadcast %get3A_18 : vector<1x512xf32> to vector<512x512xf32>
    %mul3A_63 = arith.mulf %select_n3A_61, %mul3A_62 : vector<512x512xf32>
    %dot_general3A_64 = arith.constant dense<0.000000e+00> : vector<512x4xf32>
    %dot_general3A_65 = tpu.matmul %mul3A_63, %convert_element_type3A_44, %dot_general3A_64 {dimension_numbers = #tpu.dot_dimension_numbers<[1], [0], [0], [1], [0, 0, 1, 1], [], []>, precision = #tpu.contract_precision<fp32>, transpose_lhs_hint = false} : vector<512x512xf32>, vector<512x4xf32>, vector<512x4xf32> -> vector<512x4xf32>
    %add3A_66 = arith.addf %slice3A, %bitcast_convert_type3A_7 : vector<512x512xf32>
    %gt3A_67 = arith.constant 0.000000e+00 : f32
    %gt3A_68 = vector.broadcast %gt3A_67 : f32 to vector<512x512xf32>
    %gt3A_69 = arith.cmpf ogt, %add3A_66, %gt3A_68 : vector<512x512xf32>
    %mul3A_70 = arith.constant 2.000000e-01 : f32
    %mul3A_71 = vector.broadcast %mul3A_70 : f32 to vector<512x512xf32>
    %mul3A_72 = arith.mulf %mul3A_71, %add3A_66 : vector<512x512xf32>
    %select_n3A_73 = arith.select %gt3A_69, %add3A_66, %mul3A_72 : vector<512x512xi1>, vector<512x512xf32>
    %mul3A_74 = vector.broadcast %get3A_18 : vector<1x512xf32> to vector<512x512xf32>
    %mul3A_75 = arith.mulf %select_n3A_73, %mul3A_74 : vector<512x512xf32>
    %dot_general3A_76 = arith.constant dense<0.000000e+00> : vector<512x4xf32>
    %dot_general3A_77 = tpu.matmul %mul3A_75, %convert_element_type3A_44, %dot_general3A_76 {dimension_numbers = #tpu.dot_dimension_numbers<[1], [0], [0], [1], [0, 0, 1, 1], [], []>, precision = #tpu.contract_precision<fp32>, transpose_lhs_hint = false} : vector<512x512xf32>, vector<512x4xf32>, vector<512x4xf32> -> vector<512x4xf32>
    %swap3A = arith.constant 0 : index
    %swap3A_78 = arith.constant 0 : index
    %swap3A_79 = vector.load %arg9[%swap3A, %swap3A_78] : memref<512x4xf32, #tpu.memory_space<vmem>>, vector<512x4xf32>
    tpu.vector_store %arg9[%swap3A, %swap3A_78], %dot_general3A_77 {strides = array<i32>} : memref<512x4xf32, #tpu.memory_space<vmem>>, vector<512x4xf32>,
    %max3A = arith.maximumf %dot_general3A_65, %dot_general3A_53 : vector<512x4xf32>
    %sub3A_80 = arith.subf %dot_general3A_65, %max3A : vector<512x4xf32>
    %exp3A = math.exp %sub3A_80 : vector<512x4xf32>
    %sub3A_81 = arith.subf %dot_general3A_53, %max3A : vector<512x4xf32>
    %exp3A_82 = math.exp %sub3A_81 : vector<512x4xf32>
    %add3A_83 = arith.addf %exp3A, %exp3A_82 : vector<512x4xf32>
    %add3A_84 = arith.constant 1.000000e-16 : f32
    %add3A_85 = vector.broadcast %add3A_84 : f32 to vector<512x4xf32>
    %add3A_86 = arith.addf %add3A_83, %add3A_85 : vector<512x4xf32>
    %div3A_87 = arith.divf %exp3A, %add3A_86 : vector<512x4xf32>
    %div3A_88 = arith.divf %exp3A_82, %add3A_86 : vector<512x4xf32>
    %broadcast_in_dim3A = arith.constant 0.000000e+00 : f32
    %broadcast_in_dim3A_89 = vector.broadcast %broadcast_in_dim3A : f32 to vector<512x128xf32>
    %slice3A_90 = vector.extract_strided_slice %div3A_87 {offsets = [0, 0], sizes = [512, 1], strides = [1, 1]} : vector<512x4xf32> to vector<512x1xf32>
    %slice3A_91 = vector.extract_strided_slice %bitcast_convert_type3A_4 {offsets = [0, 0], sizes = [512, 128], strides = [1, 1]} : vector<512x512xf32> to vector<512x128xf32>
    %mul3A_92 = vector.broadcast %slice3A_90 : vector<512x1xf32> to vector<512x128xf32>
    %mul3A_93 = arith.mulf %mul3A_92, %slice3A_91 : vector<512x128xf32>
    %slice3A_94 = vector.extract_strided_slice %div3A_88 {offsets = [0, 0], sizes = [512, 1], strides = [1, 1]} : vector<512x4xf32> to vector<512x1xf32>
    %slice3A_95 = vector.extract_strided_slice %slice3A {offsets = [0, 0], sizes = [512, 128], strides = [1, 1]} : vector<512x512xf32> to vector<512x128xf32>
    %mul3A_96 = vector.broadcast %slice3A_94 : vector<512x1xf32> to vector<512x128xf32>
    %mul3A_97 = arith.mulf %mul3A_96, %slice3A_95 : vector<512x128xf32>
    %add3A_98 = arith.addf %mul3A_93, %mul3A_97 : vector<512x128xf32>
    %add3A_99 = arith.addf %broadcast_in_dim3A_89, %add3A_98 : vector<512x128xf32>
    %slice3A_100 = vector.extract_strided_slice %div3A_87 {offsets = [0, 1], sizes = [512, 1], strides = [1, 1]} : vector<512x4xf32> to vector<512x1xf32>
    %slice3A_101 = vector.extract_strided_slice %bitcast_convert_type3A_4 {offsets = [0, 128], sizes = [512, 128], strides = [1, 1]} : vector<512x512xf32> to vector<512x128xf32>
    %mul3A_102 = vector.broadcast %slice3A_100 : vector<512x1xf32> to vector<512x128xf32>
    %mul3A_103 = arith.mulf %mul3A_102, %slice3A_101 : vector<512x128xf32>
    %slice3A_104 = vector.extract_strided_slice %div3A_88 {offsets = [0, 1], sizes = [512, 1], strides = [1, 1]} : vector<512x4xf32> to vector<512x1xf32>
    %slice3A_105 = vector.extract_strided_slice %slice3A {offsets = [0, 128], sizes = [512, 128], strides = [1, 1]} : vector<512x512xf32> to vector<512x128xf32>
    %mul3A_106 = vector.broadcast %slice3A_104 : vector<512x1xf32> to vector<512x128xf32>
    %mul3A_107 = arith.mulf %mul3A_106, %slice3A_105 : vector<512x128xf32>
    %add3A_108 = arith.addf %mul3A_103, %mul3A_107 : vector<512x128xf32>
    %add3A_109 = arith.addf %add3A_99, %add3A_108 : vector<512x128xf32>
    %slice3A_110 = vector.extract_strided_slice %div3A_87 {offsets = [0, 2], sizes = [512, 1], strides = [1, 1]} : vector<512x4xf32> to vector<512x1xf32>
    %slice3A_111 = vector.extract_strided_slice %bitcast_convert_type3A_4 {offsets = [0, 256], sizes = [512, 128], strides = [1, 1]} : vector<512x512xf32> to vector<512x128xf32>
    %mul3A_112 = vector.broadcast %slice3A_110 : vector<512x1xf32> to vector<512x128xf32>
    %mul3A_113 = arith.mulf %mul3A_112, %slice3A_111 : vector<512x128xf32>
    %slice3A_114 = vector.extract_strided_slice %div3A_88 {offsets = [0, 2], sizes = [512, 1], strides = [1, 1]} : vector<512x4xf32> to vector<512x1xf32>
    %slice3A_115 = vector.extract_strided_slice %slice3A {offsets = [0, 256], sizes = [512, 128], strides = [1, 1]} : vector<512x512xf32> to vector<512x128xf32>
    %mul3A_116 = vector.broadcast %slice3A_114 : vector<512x1xf32> to vector<512x128xf32>
    %mul3A_117 = arith.mulf %mul3A_116, %slice3A_115 : vector<512x128xf32>
    %add3A_118 = arith.addf %mul3A_113, %mul3A_117 : vector<512x128xf32>
    %add3A_119 = arith.addf %add3A_109, %add3A_118 : vector<512x128xf32>
    %slice3A_120 = vector.extract_strided_slice %div3A_87 {offsets = [0, 3], sizes = [512, 1], strides = [1, 1]} : vector<512x4xf32> to vector<512x1xf32>
    %slice3A_121 = vector.extract_strided_slice %bitcast_convert_type3A_4 {offsets = [0, 384], sizes = [512, 128], strides = [1, 1]} : vector<512x512xf32> to vector<512x128xf32>
    %mul3A_122 = vector.broadcast %slice3A_120 : vector<512x1xf32> to vector<512x128xf32>
    %mul3A_123 = arith.mulf %mul3A_122, %slice3A_121 : vector<512x128xf32>
    %slice3A_124 = vector.extract_strided_slice %div3A_88 {offsets = [0, 3], sizes = [512, 1], strides = [1, 1]} : vector<512x4xf32> to vector<512x1xf32>
    %slice3A_125 = vector.extract_strided_slice %slice3A {offsets = [0, 384], sizes = [512, 128], strides = [1, 1]} : vector<512x512xf32> to vector<512x128xf32>
    %mul3A_126 = vector.broadcast %slice3A_124 : vector<512x1xf32> to vector<512x128xf32>
    %mul3A_127 = arith.mulf %mul3A_126, %slice3A_125 : vector<512x128xf32>
    %add3A_128 = arith.addf %mul3A_123, %mul3A_127 : vector<512x128xf32>
    %add3A_129 = arith.addf %add3A_119, %add3A_128 : vector<512x128xf32>
    %mul3A_130 = arith.constant 2.500000e-01 : f32
    %mul3A_131 = vector.broadcast %mul3A_130 : f32 to vector<512x128xf32>
    %mul3A_132 = arith.mulf %add3A_129, %mul3A_131 : vector<512x128xf32>
    %get3A_133 = arith.constant 0 : index
    %get3A_134 = arith.constant 0 : index
    %get3A_135 = vector.load %arg5[%get3A_133, %get3A_134] : memref<1x128xf32, #tpu.memory_space<vmem>>, vector<1x128xf32>
    %add3A_136 = vector.broadcast %get3A_135 : vector<1x128xf32> to vector<512x128xf32>
    %add3A_137 = arith.addf %mul3A_132, %add3A_136 : vector<512x128xf32>
    %get3A_138 = arith.constant 0 : index
    %get3A_139 = arith.constant 0 : index
    %get3A_140 = vector.load %arg6[%get3A_138, %get3A_139] : memref<1x128xf32, #tpu.memory_space<vmem>>, vector<1x128xf32>
    %get3A_141 = arith.constant 0 : index
    %get3A_142 = arith.constant 0 : index
    %get3A_143 = vector.load %arg7[%get3A_141, %get3A_142] : memref<1x128xf32, #tpu.memory_space<vmem>>, vector<1x128xf32>
    %reduce_sum3A = arith.constant dense<0.000000e+00> : vector<512xf32>
    %reduce_sum3A_144 = vector.multi_reduction <add>, %add3A_137, %reduce_sum3A [1] : vector<512x128xf32> to vector<512xf32>
    %broadcast_in_dim3A_145 = vector.shape_cast %reduce_sum3A_144 : vector<512xf32> to vector<512x1xf32>
    %div3A_146 = arith.constant 1.280000e+02 : f32
    %div3A_147 = vector.broadcast %div3A_146 : f32 to vector<512x1xf32>
    %div3A_148 = arith.divf %broadcast_in_dim3A_145, %div3A_147 : vector<512x1xf32>
    %sub3A_149 = vector.broadcast %div3A_148 : vector<512x1xf32> to vector<512x128xf32>
    %sub3A_150 = arith.subf %add3A_137, %sub3A_149 : vector<512x128xf32>
    %mul3A_151 = arith.mulf %sub3A_150, %sub3A_150 : vector<512x128xf32>
    %reduce_sum3A_152 = arith.constant dense<0.000000e+00> : vector<512xf32>
    %reduce_sum3A_153 = vector.multi_reduction <add>, %mul3A_151, %reduce_sum3A_152 [1] : vector<512x128xf32> to vector<512xf32>
    %broadcast_in_dim3A_154 = vector.shape_cast %reduce_sum3A_153 : vector<512xf32> to vector<512x1xf32>
    %div3A_155 = arith.constant 1.280000e+02 : f32
    %div3A_156 = vector.broadcast %div3A_155 : f32 to vector<512x1xf32>
    %div3A_157 = arith.divf %broadcast_in_dim3A_154, %div3A_156 : vector<512x1xf32>
    %add3A_158 = arith.constant 9.99999974E-6 : f32
    %add3A_159 = vector.broadcast %add3A_158 : f32 to vector<512x1xf32>
    %add3A_160 = arith.addf %div3A_157, %add3A_159 : vector<512x1xf32>
    %rsqrt3A = math.rsqrt %add3A_160 : vector<512x1xf32>
    %mul3A_161 = vector.broadcast %rsqrt3A : vector<512x1xf32> to vector<512x128xf32>
    %mul3A_162 = arith.mulf %sub3A_150, %mul3A_161 : vector<512x128xf32>
    %mul3A_163 = vector.broadcast %get3A_140 : vector<1x128xf32> to vector<512x128xf32>
    %mul3A_164 = arith.mulf %mul3A_162, %mul3A_163 : vector<512x128xf32>
    %add3A_165 = vector.broadcast %get3A_143 : vector<1x128xf32> to vector<512x128xf32>
    %add3A_166 = arith.addf %mul3A_164, %add3A_165 : vector<512x128xf32>
    %max3A_167 = arith.constant 0.000000e+00 : f32
    %max3A_168 = vector.broadcast %max3A_167 : f32 to vector<512x128xf32>
    %max3A_169 = arith.maximumf %add3A_166, %max3A_168 : vector<512x128xf32>
    %add3A_170 = arith.addf %get3A_10, %max3A_169 : vector<512x128xf32>
    %swap3A_171 = arith.constant 0 : index
    %swap3A_172 = arith.constant 0 : index
    %swap3A_173 = vector.load %arg8[%swap3A_171, %swap3A_172] : memref<512x128xf32, #tpu.memory_space<vmem>>, vector<512x128xf32>
    tpu.vector_store %arg8[%swap3A_171, %swap3A_172], %add3A_170 {strides = array<i32>} : memref<512x128xf32, #tpu.memory_space<vmem>>, vector<512x128xf32>,
    return
  }
  func.func @transform_0(%arg0: i32) -> (i32, i32) {
    %c0_i32 = arith.constant 0 : i32
    %c0_i32_0 = arith.constant 0 : i32
    return %arg0, %c0_i32 : i32, i32
  }
  func.func @transform_1(%arg0: i32) -> (i32, i32) {
    %add3A = arith.constant 0 : i32
    %add3A_0 = arith.addi %add3A, %arg0 : i32
    %c0_i32 = arith.constant 0 : i32
    %c0_i32_1 = arith.constant 0 : i32
    return %add3A_0, %c0_i32 : i32, i32
  }
  func.func @transform_2(%arg0: i32) -> (i32, i32) {
    %c0_i32 = arith.constant 0 : i32
    %c0_i32_0 = arith.constant 0 : i32
    %c0_i32_1 = arith.constant 0 : i32
    return %c0_i32, %c0_i32_0 : i32, i32
  }
  func.func @transform_3(%arg0: i32) -> (i32, i32) {
    %c0_i32 = arith.constant 0 : i32
    %c0_i32_0 = arith.constant 0 : i32
    %c0_i32_1 = arith.constant 0 : i32
    return %c0_i32, %c0_i32_0 : i32, i32
  }
  func.func @transform_4(%arg0: i32) -> (i32, i32) {
    %c0_i32 = arith.constant 0 : i32
    %c0_i32_0 = arith.constant 0 : i32
    %c0_i32_1 = arith.constant 0 : i32
    return %c0_i32, %c0_i32_0 : i32, i32
  }
  func.func @transform_5(%arg0: i32) -> (i32, i32) {
    %c0_i32 = arith.constant 0 : i32
    %c0_i32_0 = arith.constant 0 : i32
    %c0_i32_1 = arith.constant 0 : i32
    return %c0_i32, %c0_i32_0 : i32, i32
  }
  func.func @transform_6(%arg0: i32) -> (i32, i32) {
    %c0_i32 = arith.constant 0 : i32
    %c0_i32_0 = arith.constant 0 : i32
    %c0_i32_1 = arith.constant 0 : i32
    return %c0_i32, %c0_i32_0 : i32, i32
  }
  func.func @transform_7(%arg0: i32) -> (i32, i32) {
    %c0_i32 = arith.constant 0 : i32
    %c0_i32_0 = arith.constant 0 : i32
    return %arg0, %c0_i32 : i32, i32
  }
  func.func @transform_8(%arg0: i32) -> (i32, i32) {
    %c0_i32 = arith.constant 0 : i32
    %c0_i32_0 = arith.constant 0 : i32
    return %arg0, %c0_i32 : i32, i32
  }
}

module attributes {stable_mosaic.version = 14 : i64} {
  func.func @_segmax_body(%arg0: i32, %arg1: i32, %arg2: memref<1x1x512xf32, #tpu.memory_space<vmem>>, %arg3: memref<4x512xf32, #tpu.memory_space<vmem>>, %arg4: memref<512x4xf32, #tpu.memory_space<vmem>>, %arg5: memref<512x4xf32, #tpu.memory_space<vmem>>, %arg6: memref<512x4xf32, #tpu.memory_space<vmem>>) attributes {dimension_semantics = [#tpu.dimension_semantics<arbitrary>, #tpu.dimension_semantics<arbitrary>], iteration_bounds = array<i64: 2, 16>, scalar_prefetch = 0 : i64, scratch_operands = 1 : i64, tpu.core_type = #tpu.core_type<tc>, window_params = [{transform_indices = @transform_0, window_bounds = array<i64: 1, 1, 512>}, {transform_indices = @transform_1, window_bounds = array<i64: 4, 512>}, {transform_indices = @transform_2, window_bounds = array<i64: 512, 4>}, {transform_indices = @transform_3, window_bounds = array<i64: 512, 4>}]} {
    %eq3A = arith.constant 0 : i32
    %eq3A_0 = arith.cmpi eq, %arg1, %eq3A : i32
    %convert_element_type3A = arith.extui %eq3A_0 : i1 to i32
    %cond3A = arith.constant 0 : i32
    %cond3A_1 = arith.cmpi ne, %convert_element_type3A, %cond3A : i32
    scf.if %cond3A_1 {
      %get3A_74 = arith.constant 0 : index
      %get3A_75 = arith.constant 0 : index
      %get3A_76 = vector.load %arg4[%get3A_74, %get3A_75] : memref<512x4xf32, #tpu.memory_space<vmem>>, vector<512x4xf32>
      %swap3A_77 = arith.constant 0 : index
      %swap3A_78 = arith.constant 0 : index
      %swap3A_79 = vector.load %arg6[%swap3A_77, %swap3A_78] : memref<512x4xf32, #tpu.memory_space<vmem>>, vector<512x4xf32>
      tpu.vector_store %arg6[%swap3A_77, %swap3A_78], %get3A_76 {strides = array<i32>} : memref<512x4xf32, #tpu.memory_space<vmem>>, vector<512x4xf32>,
    } else {
    }
    %get3A = arith.constant 0 : index
    %get3A_2 = arith.constant 0 : index
    %get3A_3 = arith.constant 0 : index
    %get3A_4 = vector.load %arg2[%get3A, %get3A_2, %get3A_3] : memref<1x1x512xf32, #tpu.memory_space<vmem>>, vector<1x1x512xf32>
    %get3A_5 = vector.shape_cast %get3A_4 : vector<1x1x512xf32> to vector<1x512xf32>
    %iota3A = tpu.iota {dimensions = array<i32: 0>} : vector<512x512xi32>
    %convert_element_type3A_6 = arith.sitofp %iota3A : vector<512x512xi32> to vector<512x512xf32>
    %eq3A_7 = vector.broadcast %get3A_5 : vector<1x512xf32> to vector<512x512xf32>
    %eq3A_8 = arith.cmpf oeq, %convert_element_type3A_6, %eq3A_7 : vector<512x512xf32>
    %get3A_9 = arith.constant 0 : index
    %get3A_10 = arith.constant 0 : index
    %get3A_11 = vector.load %arg3[%get3A_9, %get3A_10] : memref<4x512xf32, #tpu.memory_space<vmem>>, vector<4x512xf32>
    %slice3A = vector.extract_strided_slice %get3A_11 {offsets = [0, 0], sizes = [1, 512], strides = [1, 1]} : vector<4x512xf32> to vector<1x512xf32>
    %jit3A = arith.constant 0xFF800000 : f32
    %broadcast_in_dim3A = vector.shape_cast %slice3A : vector<1x512xf32> to vector<1x512xf32>
    %broadcast_in_dim3A_12 = vector.broadcast %broadcast_in_dim3A : vector<1x512xf32> to vector<512x512xf32>
    %broadcast_in_dim3A_13 = vector.broadcast %jit3A : f32 to vector<512x512xf32>
    %select_n3A = arith.select %eq3A_8, %broadcast_in_dim3A_12, %broadcast_in_dim3A_13 : vector<512x512xi1>, vector<512x512xf32>
    %get3A_14 = arith.constant 0 : index
    %get3A_15 = arith.constant 0 : index
    %get3A_16 = vector.load %arg6[%get3A_14, %get3A_15] : memref<512x4xf32, #tpu.memory_space<vmem>>, vector<512x1xf32>
    %reduce_max3A = arith.constant dense<0xFF800000> : vector<512xf32>
    %reduce_max3A_17 = vector.multi_reduction <maximumf>, %select_n3A, %reduce_max3A [1] : vector<512x512xf32> to vector<512xf32>
    %broadcast_in_dim3A_18 = vector.shape_cast %reduce_max3A_17 : vector<512xf32> to vector<512x1xf32>
    %max3A = arith.maximumf %get3A_16, %broadcast_in_dim3A_18 : vector<512x1xf32>
    %swap3A = arith.constant 0 : index
    %swap3A_19 = arith.constant 0 : index
    %swap3A_20 = vector.load %arg6[%swap3A, %swap3A_19] : memref<512x4xf32, #tpu.memory_space<vmem>>, vector<512x1xf32>
    tpu.vector_store %arg6[%swap3A, %swap3A_19], %max3A {strides = array<i32>} : memref<512x4xf32, #tpu.memory_space<vmem>>, vector<512x1xf32>,
    %slice3A_21 = vector.extract_strided_slice %get3A_11 {offsets = [1, 0], sizes = [1, 512], strides = [1, 1]} : vector<4x512xf32> to vector<1x512xf32>
    %jit3A_22 = arith.constant 0xFF800000 : f32
    %broadcast_in_dim3A_23 = vector.shape_cast %slice3A_21 : vector<1x512xf32> to vector<1x512xf32>
    %broadcast_in_dim3A_24 = vector.broadcast %broadcast_in_dim3A_23 : vector<1x512xf32> to vector<512x512xf32>
    %broadcast_in_dim3A_25 = vector.broadcast %jit3A_22 : f32 to vector<512x512xf32>
    %select_n3A_26 = arith.select %eq3A_8, %broadcast_in_dim3A_24, %broadcast_in_dim3A_25 : vector<512x512xi1>, vector<512x512xf32>
    %get3A_27 = arith.constant 0 : index
    %get3A_28 = arith.constant 1 : index
    %get3A_29 = vector.load %arg6[%get3A_27, %get3A_28] : memref<512x4xf32, #tpu.memory_space<vmem>>, vector<512x1xf32>
    %reduce_max3A_30 = arith.constant dense<0xFF800000> : vector<512xf32>
    %reduce_max3A_31 = vector.multi_reduction <maximumf>, %select_n3A_26, %reduce_max3A_30 [1] : vector<512x512xf32> to vector<512xf32>
    %broadcast_in_dim3A_32 = vector.shape_cast %reduce_max3A_31 : vector<512xf32> to vector<512x1xf32>
    %max3A_33 = arith.maximumf %get3A_29, %broadcast_in_dim3A_32 : vector<512x1xf32>
    %swap3A_34 = arith.constant 0 : index
    %swap3A_35 = arith.constant 1 : index
    %swap3A_36 = vector.load %arg6[%swap3A_34, %swap3A_35] : memref<512x4xf32, #tpu.memory_space<vmem>>, vector<512x1xf32>
    tpu.vector_store %arg6[%swap3A_34, %swap3A_35], %max3A_33 {strides = array<i32>} : memref<512x4xf32, #tpu.memory_space<vmem>>, vector<512x1xf32>,
    %slice3A_37 = vector.extract_strided_slice %get3A_11 {offsets = [2, 0], sizes = [1, 512], strides = [1, 1]} : vector<4x512xf32> to vector<1x512xf32>
    %jit3A_38 = arith.constant 0xFF800000 : f32
    %broadcast_in_dim3A_39 = vector.shape_cast %slice3A_37 : vector<1x512xf32> to vector<1x512xf32>
    %broadcast_in_dim3A_40 = vector.broadcast %broadcast_in_dim3A_39 : vector<1x512xf32> to vector<512x512xf32>
    %broadcast_in_dim3A_41 = vector.broadcast %jit3A_38 : f32 to vector<512x512xf32>
    %select_n3A_42 = arith.select %eq3A_8, %broadcast_in_dim3A_40, %broadcast_in_dim3A_41 : vector<512x512xi1>, vector<512x512xf32>
    %get3A_43 = arith.constant 0 : index
    %get3A_44 = arith.constant 2 : index
    %get3A_45 = vector.load %arg6[%get3A_43, %get3A_44] : memref<512x4xf32, #tpu.memory_space<vmem>>, vector<512x1xf32>
    %reduce_max3A_46 = arith.constant dense<0xFF800000> : vector<512xf32>
    %reduce_max3A_47 = vector.multi_reduction <maximumf>, %select_n3A_42, %reduce_max3A_46 [1] : vector<512x512xf32> to vector<512xf32>
    %broadcast_in_dim3A_48 = vector.shape_cast %reduce_max3A_47 : vector<512xf32> to vector<512x1xf32>
    %max3A_49 = arith.maximumf %get3A_45, %broadcast_in_dim3A_48 : vector<512x1xf32>
    %swap3A_50 = arith.constant 0 : index
    %swap3A_51 = arith.constant 2 : index
    %swap3A_52 = vector.load %arg6[%swap3A_50, %swap3A_51] : memref<512x4xf32, #tpu.memory_space<vmem>>, vector<512x1xf32>
    tpu.vector_store %arg6[%swap3A_50, %swap3A_51], %max3A_49 {strides = array<i32>} : memref<512x4xf32, #tpu.memory_space<vmem>>, vector<512x1xf32>,
    %slice3A_53 = vector.extract_strided_slice %get3A_11 {offsets = [3, 0], sizes = [1, 512], strides = [1, 1]} : vector<4x512xf32> to vector<1x512xf32>
    %jit3A_54 = arith.constant 0xFF800000 : f32
    %broadcast_in_dim3A_55 = vector.shape_cast %slice3A_53 : vector<1x512xf32> to vector<1x512xf32>
    %broadcast_in_dim3A_56 = vector.broadcast %broadcast_in_dim3A_55 : vector<1x512xf32> to vector<512x512xf32>
    %broadcast_in_dim3A_57 = vector.broadcast %jit3A_54 : f32 to vector<512x512xf32>
    %select_n3A_58 = arith.select %eq3A_8, %broadcast_in_dim3A_56, %broadcast_in_dim3A_57 : vector<512x512xi1>, vector<512x512xf32>
    %get3A_59 = arith.constant 0 : index
    %get3A_60 = arith.constant 3 : index
    %get3A_61 = vector.load %arg6[%get3A_59, %get3A_60] : memref<512x4xf32, #tpu.memory_space<vmem>>, vector<512x1xf32>
    %reduce_max3A_62 = arith.constant dense<0xFF800000> : vector<512xf32>
    %reduce_max3A_63 = vector.multi_reduction <maximumf>, %select_n3A_58, %reduce_max3A_62 [1] : vector<512x512xf32> to vector<512xf32>
    %broadcast_in_dim3A_64 = vector.shape_cast %reduce_max3A_63 : vector<512xf32> to vector<512x1xf32>
    %max3A_65 = arith.maximumf %get3A_61, %broadcast_in_dim3A_64 : vector<512x1xf32>
    %swap3A_66 = arith.constant 0 : index
    %swap3A_67 = arith.constant 3 : index
    %swap3A_68 = vector.load %arg6[%swap3A_66, %swap3A_67] : memref<512x4xf32, #tpu.memory_space<vmem>>, vector<512x1xf32>
    tpu.vector_store %arg6[%swap3A_66, %swap3A_67], %max3A_65 {strides = array<i32>} : memref<512x4xf32, #tpu.memory_space<vmem>>, vector<512x1xf32>,
    %eq3A_69 = arith.constant 15 : i32
    %eq3A_70 = arith.cmpi eq, %arg1, %eq3A_69 : i32
    %convert_element_type3A_71 = arith.extui %eq3A_70 : i1 to i32
    %cond3A_72 = arith.constant 0 : i32
    %cond3A_73 = arith.cmpi ne, %convert_element_type3A_71, %cond3A_72 : i32
    scf.if %cond3A_73 {
      %get3A_74 = arith.constant 0 : index
      %get3A_75 = arith.constant 0 : index
      %get3A_76 = vector.load %arg6[%get3A_74, %get3A_75] : memref<512x4xf32, #tpu.memory_space<vmem>>, vector<512x4xf32>
      %swap3A_77 = arith.constant 0 : index
      %swap3A_78 = arith.constant 0 : index
      %swap3A_79 = vector.load %arg5[%swap3A_77, %swap3A_78] : memref<512x4xf32, #tpu.memory_space<vmem>>, vector<512x4xf32>
      tpu.vector_store %arg5[%swap3A_77, %swap3A_78], %get3A_76 {strides = array<i32>} : memref<512x4xf32, #tpu.memory_space<vmem>>, vector<512x4xf32>,
    } else {
    }
    return
  }
  func.func @transform_0(%arg0: i32, %arg1: i32) -> (i32, i32, i32) {
    %c0_i32 = arith.constant 0 : i32
    %c0_i32_0 = arith.constant 0 : i32
    return %arg0, %c0_i32, %arg1 : i32, i32, i32
  }
  func.func @transform_1(%arg0: i32, %arg1: i32) -> (i32, i32) {
    %mul3A = arith.constant 16 : i32
    %mul3A_0 = arith.muli %arg0, %mul3A : i32
    %add3A = arith.addi %mul3A_0, %arg1 : i32
    %c0_i32 = arith.constant 0 : i32
    %c0_i32_1 = arith.constant 0 : i32
    return %c0_i32, %add3A : i32, i32
  }
  func.func @transform_2(%arg0: i32, %arg1: i32) -> (i32, i32) {
    %c0_i32 = arith.constant 0 : i32
    %c0_i32_0 = arith.constant 0 : i32
    return %arg0, %c0_i32 : i32, i32
  }
  func.func @transform_3(%arg0: i32, %arg1: i32) -> (i32, i32) {
    %c0_i32 = arith.constant 0 : i32
    %c0_i32_0 = arith.constant 0 : i32
    return %arg0, %c0_i32 : i32, i32
  }
}

module attributes {stable_mosaic.version = 14 : i64} {
  func.func @_scat_body(%arg0: i32, %arg1: i32, %arg2: memref<1x1x512xf32, #tpu.memory_space<vmem>>, %arg3: memref<512x1xf32, #tpu.memory_space<vmem>>, %arg4: memref<512x4xf32, #tpu.memory_space<vmem>>, %arg5: memref<512x128xf32, #tpu.memory_space<vmem>>, %arg6: memref<128x512xf32, #tpu.memory_space<vmem>>, %arg7: memref<512x512xf32, #tpu.memory_space<vmem>>, %arg8: memref<512x4xf32, #tpu.memory_space<vmem>>, %arg9: memref<512x4xf32, #tpu.memory_space<vmem>>, %arg10: memref<512x128xf32, #tpu.memory_space<vmem>>, %arg11: memref<1x128xf32, #tpu.memory_space<vmem>>, %arg12: memref<1x128xf32, #tpu.memory_space<vmem>>, %arg13: memref<1x128xf32, #tpu.memory_space<vmem>>, %arg14: memref<512x128xf32, #tpu.memory_space<vmem>>, %arg15: memref<512x512xf32, #tpu.memory_space<vmem>>, %arg16: memref<512x4xf32, #tpu.memory_space<vmem>>) attributes {dimension_semantics = [#tpu.dimension_semantics<arbitrary>, #tpu.dimension_semantics<arbitrary>], iteration_bounds = array<i64: 2, 17>, scalar_prefetch = 0 : i64, scratch_operands = 2 : i64, tpu.core_type = #tpu.core_type<tc>, window_params = [{transform_indices = @transform_0, window_bounds = array<i64: 1, 1, 512>}, {transform_indices = @transform_1, window_bounds = array<i64: 512, 1>}, {transform_indices = @transform_2, window_bounds = array<i64: 512, 4>}, {transform_indices = @transform_3, window_bounds = array<i64: 512, 128>}, {pipeline_mode = #tpu.pipeline_mode<synchronous>, transform_indices = @transform_4, window_bounds = array<i64: 128, 512>}, {transform_indices = @transform_5, window_bounds = array<i64: 512, 512>}, {transform_indices = @transform_6, window_bounds = array<i64: 512, 4>}, {transform_indices = @transform_7, window_bounds = array<i64: 512, 4>}, {transform_indices = @transform_8, window_bounds = array<i64: 512, 128>}, {pipeline_mode = #tpu.pipeline_mode<synchronous>, transform_indices = @transform_9, window_bounds = array<i64: 1, 128>}, {pipeline_mode = #tpu.pipeline_mode<synchronous>, transform_indices = @transform_10, window_bounds = array<i64: 1, 128>}, {pipeline_mode = #tpu.pipeline_mode<synchronous>, transform_indices = @transform_11, window_bounds = array<i64: 1, 128>}, {transform_indices = @transform_12, window_bounds = array<i64: 512, 128>}]} {
    %eq3A = arith.constant 0 : i32
    %eq3A_0 = arith.cmpi eq, %arg1, %eq3A : i32
    %convert_element_type3A = arith.extui %eq3A_0 : i1 to i32
    %cond3A = arith.constant 0 : i32
    %cond3A_1 = arith.cmpi ne, %convert_element_type3A, %cond3A : i32
    scf.if %cond3A_1 {
      %broadcast_in_dim3A = arith.constant 0.000000e+00 : f32
      %broadcast_in_dim3A_11 = vector.broadcast %broadcast_in_dim3A : f32 to vector<512x512xf32>
      %swap3A = arith.constant 0 : index
      %swap3A_12 = arith.constant 0 : index
      %swap3A_13 = vector.load %arg15[%swap3A, %swap3A_12] : memref<512x512xf32, #tpu.memory_space<vmem>>, vector<512x512xf32>
      tpu.vector_store %arg15[%swap3A, %swap3A_12], %broadcast_in_dim3A_11 {strides = array<i32>} : memref<512x512xf32, #tpu.memory_space<vmem>>, vector<512x512xf32>,
      %broadcast_in_dim3A_14 = arith.constant 0.000000e+00 : f32
      %broadcast_in_dim3A_15 = vector.broadcast %broadcast_in_dim3A_14 : f32 to vector<512x4xf32>
      %swap3A_16 = arith.constant 0 : index
      %swap3A_17 = arith.constant 0 : index
      %swap3A_18 = vector.load %arg16[%swap3A_16, %swap3A_17] : memref<512x4xf32, #tpu.memory_space<vmem>>, vector<512x4xf32>
      tpu.vector_store %arg16[%swap3A_16, %swap3A_17], %broadcast_in_dim3A_15 {strides = array<i32>} : memref<512x4xf32, #tpu.memory_space<vmem>>, vector<512x4xf32>,
    } else {
    }
    %lt3A = arith.constant 16 : i32
    %lt3A_2 = arith.cmpi slt, %arg1, %lt3A : i32
    %convert_element_type3A_3 = arith.extui %lt3A_2 : i1 to i32
    %cond3A_4 = arith.constant 0 : i32
    %cond3A_5 = arith.cmpi ne, %convert_element_type3A_3, %cond3A_4 : i32
    scf.if %cond3A_5 {
      %get3A = arith.constant 0 : index
      %get3A_11 = arith.constant 0 : index
      %get3A_12 = vector.load %arg3[%get3A, %get3A_11] : memref<512x1xf32, #tpu.memory_space<vmem>>, vector<512x1xf32>
      %iota3A = tpu.iota {dimensions = array<i32: 1>} : vector<512x512xi32>
      %convert_element_type3A_13 = arith.sitofp %iota3A : vector<512x512xi32> to vector<512x512xf32>
      %eq3A_14 = vector.broadcast %get3A_12 : vector<512x1xf32> to vector<512x512xf32>
      %eq3A_15 = arith.cmpf oeq, %eq3A_14, %convert_element_type3A_13 : vector<512x512xf32>
      %convert_element_type3A_16 = arith.extui %eq3A_15 : vector<512x512xi1> to vector<512x512xi32>
      %convert_element_type3A_17 = arith.sitofp %convert_element_type3A_16 : vector<512x512xi32> to vector<512x512xf32>
      %get3A_18 = arith.constant 0 : index
      %get3A_19 = arith.constant 0 : index
      %get3A_20 = vector.load %arg8[%get3A_18, %get3A_19] : memref<512x4xf32, #tpu.memory_space<vmem>>, vector<512x4xf32>
      %dot_general3A = arith.constant dense<0.000000e+00> : vector<512x4xf32>
      %dot_general3A_21 = tpu.matmul %convert_element_type3A_17, %get3A_20, %dot_general3A {dimension_numbers = #tpu.dot_dimension_numbers<[1], [0], [0], [1], [0, 0, 1, 1], [], []>, precision = #tpu.contract_precision<fp32>, transpose_lhs_hint = false} : vector<512x512xf32>, vector<512x4xf32>, vector<512x4xf32> -> vector<512x4xf32>
      %get3A_22 = arith.constant 0 : index
      %get3A_23 = arith.constant 0 : index
      %get3A_24 = vector.load %arg4[%get3A_22, %get3A_23] : memref<512x4xf32, #tpu.memory_space<vmem>>, vector<512x4xf32>
      %sub3A = arith.subf %get3A_24, %dot_general3A_21 : vector<512x4xf32>
      %exp3A = math.exp %sub3A : vector<512x4xf32>
      %get3A_25 = arith.constant 0 : index
      %get3A_26 = arith.constant 0 : index
      %get3A_27 = vector.load %arg5[%get3A_25, %get3A_26] : memref<512x128xf32, #tpu.memory_space<vmem>>, vector<512x128xf32>
      %get3A_28 = arith.constant 0 : index
      %get3A_29 = arith.constant 0 : index
      %get3A_30 = vector.load %arg6[%get3A_28, %get3A_29] : memref<128x512xf32, #tpu.memory_space<vmem>>, vector<128x512xf32>
      %dot_general3A_31 = arith.constant dense<0.000000e+00> : vector<512x512xf32>
      %dot_general3A_32 = tpu.matmul %get3A_27, %get3A_30, %dot_general3A_31 {dimension_numbers = #tpu.dot_dimension_numbers<[1], [0], [0], [1], [0, 0, 1, 1], [], []>, precision = #tpu.contract_precision<fp32>, transpose_lhs_hint = false} : vector<512x128xf32>, vector<128x512xf32>, vector<512x512xf32> -> vector<512x512xf32>
      %slice3A = vector.extract_strided_slice %exp3A {offsets = [0, 0], sizes = [512, 1], strides = [1, 1]} : vector<512x4xf32> to vector<512x1xf32>
      %slice3A_33 = vector.extract_strided_slice %dot_general3A_32 {offsets = [0, 0], sizes = [512, 128], strides = [1, 1]} : vector<512x512xf32> to vector<512x128xf32>
      %mul3A = vector.broadcast %slice3A : vector<512x1xf32> to vector<512x128xf32>
      %mul3A_34 = arith.mulf %mul3A, %slice3A_33 : vector<512x128xf32>
      %slice3A_35 = vector.extract_strided_slice %exp3A {offsets = [0, 1], sizes = [512, 1], strides = [1, 1]} : vector<512x4xf32> to vector<512x1xf32>
      %slice3A_36 = vector.extract_strided_slice %dot_general3A_32 {offsets = [0, 128], sizes = [512, 128], strides = [1, 1]} : vector<512x512xf32> to vector<512x128xf32>
      %mul3A_37 = vector.broadcast %slice3A_35 : vector<512x1xf32> to vector<512x128xf32>
      %mul3A_38 = arith.mulf %mul3A_37, %slice3A_36 : vector<512x128xf32>
      %slice3A_39 = vector.extract_strided_slice %exp3A {offsets = [0, 2], sizes = [512, 1], strides = [1, 1]} : vector<512x4xf32> to vector<512x1xf32>
      %slice3A_40 = vector.extract_strided_slice %dot_general3A_32 {offsets = [0, 256], sizes = [512, 128], strides = [1, 1]} : vector<512x512xf32> to vector<512x128xf32>
      %mul3A_41 = vector.broadcast %slice3A_39 : vector<512x1xf32> to vector<512x128xf32>
      %mul3A_42 = arith.mulf %mul3A_41, %slice3A_40 : vector<512x128xf32>
      %slice3A_43 = vector.extract_strided_slice %exp3A {offsets = [0, 3], sizes = [512, 1], strides = [1, 1]} : vector<512x4xf32> to vector<512x1xf32>
      %slice3A_44 = vector.extract_strided_slice %dot_general3A_32 {offsets = [0, 384], sizes = [512, 128], strides = [1, 1]} : vector<512x512xf32> to vector<512x128xf32>
      %mul3A_45 = vector.broadcast %slice3A_43 : vector<512x1xf32> to vector<512x128xf32>
      %mul3A_46 = arith.mulf %mul3A_45, %slice3A_44 : vector<512x128xf32>
      %concatenate3A = tpu.concatenate %mul3A_34, %mul3A_38, %mul3A_42, %mul3A_46 in 1 : vector<512x128xf32>, vector<512x128xf32>, vector<512x128xf32>, vector<512x128xf32> -> vector<512x512xf32>
      %get3A_47 = arith.constant 0 : index
      %get3A_48 = arith.constant 0 : index
      %get3A_49 = arith.constant 0 : index
      %get3A_50 = vector.load %arg2[%get3A_47, %get3A_48, %get3A_49] : memref<1x1x512xf32, #tpu.memory_space<vmem>>, vector<1x1x512xf32>
      %get3A_51 = vector.shape_cast %get3A_50 : vector<1x1x512xf32> to vector<1x512xf32>
      %iota3A_52 = tpu.iota {dimensions = array<i32: 0>} : vector<512x512xi32>
      %convert_element_type3A_53 = arith.sitofp %iota3A_52 : vector<512x512xi32> to vector<512x512xf32>
      %eq3A_54 = vector.broadcast %get3A_51 : vector<1x512xf32> to vector<512x512xf32>
      %eq3A_55 = arith.cmpf oeq, %convert_element_type3A_53, %eq3A_54 : vector<512x512xf32>
      %convert_element_type3A_56 = arith.extui %eq3A_55 : vector<512x512xi1> to vector<512x512xi32>
      %convert_element_type3A_57 = arith.sitofp %convert_element_type3A_56 : vector<512x512xi32> to vector<512x512xf32>
      %get3A_58 = arith.constant 0 : index
      %get3A_59 = arith.constant 0 : index
      %get3A_60 = vector.load %arg15[%get3A_58, %get3A_59] : memref<512x512xf32, #tpu.memory_space<vmem>>, vector<512x512xf32>
      %dot_general3A_61 = arith.constant dense<0.000000e+00> : vector<512x512xf32>
      %dot_general3A_62 = tpu.matmul %convert_element_type3A_57, %concatenate3A, %dot_general3A_61 {dimension_numbers = #tpu.dot_dimension_numbers<[1], [0], [0], [1], [0, 0, 1, 1], [], []>, precision = #tpu.contract_precision<fp32>, transpose_lhs_hint = false} : vector<512x512xf32>, vector<512x512xf32>, vector<512x512xf32> -> vector<512x512xf32>
      %add3A = arith.addf %get3A_60, %dot_general3A_62 : vector<512x512xf32>
      %swap3A = arith.constant 0 : index
      %swap3A_63 = arith.constant 0 : index
      %swap3A_64 = vector.load %arg15[%swap3A, %swap3A_63] : memref<512x512xf32, #tpu.memory_space<vmem>>, vector<512x512xf32>
      tpu.vector_store %arg15[%swap3A, %swap3A_63], %add3A {strides = array<i32>} : memref<512x512xf32, #tpu.memory_space<vmem>>, vector<512x512xf32>,
      %get3A_65 = arith.constant 0 : index
      %get3A_66 = arith.constant 0 : index
      %get3A_67 = vector.load %arg16[%get3A_65, %get3A_66] : memref<512x4xf32, #tpu.memory_space<vmem>>, vector<512x4xf32>
      %dot_general3A_68 = arith.constant dense<0.000000e+00> : vector<512x4xf32>
      %dot_general3A_69 = tpu.matmul %convert_element_type3A_57, %exp3A, %dot_general3A_68 {dimension_numbers = #tpu.dot_dimension_numbers<[1], [0], [0], [1], [0, 0, 1, 1], [], []>, precision = #tpu.contract_precision<fp32>, transpose_lhs_hint = false} : vector<512x512xf32>, vector<512x4xf32>, vector<512x4xf32> -> vector<512x4xf32>
      %add3A_70 = arith.addf %get3A_67, %dot_general3A_69 : vector<512x4xf32>
      %swap3A_71 = arith.constant 0 : index
      %swap3A_72 = arith.constant 0 : index
      %swap3A_73 = vector.load %arg16[%swap3A_71, %swap3A_72] : memref<512x4xf32, #tpu.memory_space<vmem>>, vector<512x4xf32>
      tpu.vector_store %arg16[%swap3A_71, %swap3A_72], %add3A_70 {strides = array<i32>} : memref<512x4xf32, #tpu.memory_space<vmem>>, vector<512x4xf32>,
    } else {
    }
    %eq3A_6 = arith.constant 16 : i32
    %eq3A_7 = arith.cmpi eq, %arg1, %eq3A_6 : i32
    %convert_element_type3A_8 = arith.extui %eq3A_7 : i1 to i32
    %cond3A_9 = arith.constant 0 : i32
    %cond3A_10 = arith.cmpi ne, %convert_element_type3A_8, %cond3A_9 : i32
    scf.if %cond3A_10 {
      %get3A = arith.constant 0 : index
      %get3A_11 = arith.constant 0 : index
      %get3A_12 = vector.load %arg7[%get3A, %get3A_11] : memref<512x512xf32, #tpu.memory_space<vmem>>, vector<512x512xf32>
      %get3A_13 = arith.constant 0 : index
      %get3A_14 = arith.constant 0 : index
      %get3A_15 = vector.load %arg15[%get3A_13, %get3A_14] : memref<512x512xf32, #tpu.memory_space<vmem>>, vector<512x512xf32>
      %get3A_16 = arith.constant 0 : index
      %get3A_17 = arith.constant 0 : index
      %get3A_18 = vector.load %arg9[%get3A_16, %get3A_17] : memref<512x4xf32, #tpu.memory_space<vmem>>, vector<512x4xf32>
      %get3A_19 = arith.constant 0 : index
      %get3A_20 = arith.constant 0 : index
      %get3A_21 = vector.load %arg8[%get3A_19, %get3A_20] : memref<512x4xf32, #tpu.memory_space<vmem>>, vector<512x4xf32>
      %sub3A = arith.subf %get3A_18, %get3A_21 : vector<512x4xf32>
      %exp3A = math.exp %sub3A : vector<512x4xf32>
      %get3A_22 = arith.constant 0 : index
      %get3A_23 = arith.constant 0 : index
      %get3A_24 = vector.load %arg16[%get3A_22, %get3A_23] : memref<512x4xf32, #tpu.memory_space<vmem>>, vector<512x4xf32>
      %add3A = arith.addf %get3A_24, %exp3A : vector<512x4xf32>
      %add3A_25 = arith.constant 1.000000e-16 : f32
      %add3A_26 = vector.broadcast %add3A_25 : f32 to vector<512x4xf32>
      %add3A_27 = arith.addf %add3A, %add3A_26 : vector<512x4xf32>
      %broadcast_in_dim3A = arith.constant 0.000000e+00 : f32
      %broadcast_in_dim3A_28 = vector.broadcast %broadcast_in_dim3A : f32 to vector<512x128xf32>
      %slice3A = vector.extract_strided_slice %get3A_15 {offsets = [0, 0], sizes = [512, 128], strides = [1, 1]} : vector<512x512xf32> to vector<512x128xf32>
      %slice3A_29 = vector.extract_strided_slice %exp3A {offsets = [0, 0], sizes = [512, 1], strides = [1, 1]} : vector<512x4xf32> to vector<512x1xf32>
      %slice3A_30 = vector.extract_strided_slice %get3A_12 {offsets = [0, 0], sizes = [512, 128], strides = [1, 1]} : vector<512x512xf32> to vector<512x128xf32>
      %mul3A = vector.broadcast %slice3A_29 : vector<512x1xf32> to vector<512x128xf32>
      %mul3A_31 = arith.mulf %mul3A, %slice3A_30 : vector<512x128xf32>
      %add3A_32 = arith.addf %slice3A, %mul3A_31 : vector<512x128xf32>
      %slice3A_33 = vector.extract_strided_slice %add3A_27 {offsets = [0, 0], sizes = [512, 1], strides = [1, 1]} : vector<512x4xf32> to vector<512x1xf32>
      %div3A = vector.broadcast %slice3A_33 : vector<512x1xf32> to vector<512x128xf32>
      %div3A_34 = arith.divf %add3A_32, %div3A : vector<512x128xf32>
      %add3A_35 = arith.addf %broadcast_in_dim3A_28, %div3A_34 : vector<512x128xf32>
      %slice3A_36 = vector.extract_strided_slice %get3A_15 {offsets = [0, 128], sizes = [512, 128], strides = [1, 1]} : vector<512x512xf32> to vector<512x128xf32>
      %slice3A_37 = vector.extract_strided_slice %exp3A {offsets = [0, 1], sizes = [512, 1], strides = [1, 1]} : vector<512x4xf32> to vector<512x1xf32>
      %slice3A_38 = vector.extract_strided_slice %get3A_12 {offsets = [0, 128], sizes = [512, 128], strides = [1, 1]} : vector<512x512xf32> to vector<512x128xf32>
      %mul3A_39 = vector.broadcast %slice3A_37 : vector<512x1xf32> to vector<512x128xf32>
      %mul3A_40 = arith.mulf %mul3A_39, %slice3A_38 : vector<512x128xf32>
      %add3A_41 = arith.addf %slice3A_36, %mul3A_40 : vector<512x128xf32>
      %slice3A_42 = vector.extract_strided_slice %add3A_27 {offsets = [0, 1], sizes = [512, 1], strides = [1, 1]} : vector<512x4xf32> to vector<512x1xf32>
      %div3A_43 = vector.broadcast %slice3A_42 : vector<512x1xf32> to vector<512x128xf32>
      %div3A_44 = arith.divf %add3A_41, %div3A_43 : vector<512x128xf32>
      %add3A_45 = arith.addf %add3A_35, %div3A_44 : vector<512x128xf32>
      %slice3A_46 = vector.extract_strided_slice %get3A_15 {offsets = [0, 256], sizes = [512, 128], strides = [1, 1]} : vector<512x512xf32> to vector<512x128xf32>
      %slice3A_47 = vector.extract_strided_slice %exp3A {offsets = [0, 2], sizes = [512, 1], strides = [1, 1]} : vector<512x4xf32> to vector<512x1xf32>
      %slice3A_48 = vector.extract_strided_slice %get3A_12 {offsets = [0, 256], sizes = [512, 128], strides = [1, 1]} : vector<512x512xf32> to vector<512x128xf32>
      %mul3A_49 = vector.broadcast %slice3A_47 : vector<512x1xf32> to vector<512x128xf32>
      %mul3A_50 = arith.mulf %mul3A_49, %slice3A_48 : vector<512x128xf32>
      %add3A_51 = arith.addf %slice3A_46, %mul3A_50 : vector<512x128xf32>
      %slice3A_52 = vector.extract_strided_slice %add3A_27 {offsets = [0, 2], sizes = [512, 1], strides = [1, 1]} : vector<512x4xf32> to vector<512x1xf32>
      %div3A_53 = vector.broadcast %slice3A_52 : vector<512x1xf32> to vector<512x128xf32>
      %div3A_54 = arith.divf %add3A_51, %div3A_53 : vector<512x128xf32>
      %add3A_55 = arith.addf %add3A_45, %div3A_54 : vector<512x128xf32>
      %slice3A_56 = vector.extract_strided_slice %get3A_15 {offsets = [0, 384], sizes = [512, 128], strides = [1, 1]} : vector<512x512xf32> to vector<512x128xf32>
      %slice3A_57 = vector.extract_strided_slice %exp3A {offsets = [0, 3], sizes = [512, 1], strides = [1, 1]} : vector<512x4xf32> to vector<512x1xf32>
      %slice3A_58 = vector.extract_strided_slice %get3A_12 {offsets = [0, 384], sizes = [512, 128], strides = [1, 1]} : vector<512x512xf32> to vector<512x128xf32>
      %mul3A_59 = vector.broadcast %slice3A_57 : vector<512x1xf32> to vector<512x128xf32>
      %mul3A_60 = arith.mulf %mul3A_59, %slice3A_58 : vector<512x128xf32>
      %add3A_61 = arith.addf %slice3A_56, %mul3A_60 : vector<512x128xf32>
      %slice3A_62 = vector.extract_strided_slice %add3A_27 {offsets = [0, 3], sizes = [512, 1], strides = [1, 1]} : vector<512x4xf32> to vector<512x1xf32>
      %div3A_63 = vector.broadcast %slice3A_62 : vector<512x1xf32> to vector<512x128xf32>
      %div3A_64 = arith.divf %add3A_61, %div3A_63 : vector<512x128xf32>
      %add3A_65 = arith.addf %add3A_55, %div3A_64 : vector<512x128xf32>
      %mul3A_66 = arith.constant 2.500000e-01 : f32
      %mul3A_67 = vector.broadcast %mul3A_66 : f32 to vector<512x128xf32>
      %mul3A_68 = arith.mulf %add3A_65, %mul3A_67 : vector<512x128xf32>
      %get3A_69 = arith.constant 0 : index
      %get3A_70 = arith.constant 0 : index
      %get3A_71 = vector.load %arg11[%get3A_69, %get3A_70] : memref<1x128xf32, #tpu.memory_space<vmem>>, vector<1x128xf32>
      %add3A_72 = vector.broadcast %get3A_71 : vector<1x128xf32> to vector<512x128xf32>
      %add3A_73 = arith.addf %mul3A_68, %add3A_72 : vector<512x128xf32>
      %get3A_74 = arith.constant 0 : index
      %get3A_75 = arith.constant 0 : index
      %get3A_76 = vector.load %arg10[%get3A_74, %get3A_75] : memref<512x128xf32, #tpu.memory_space<vmem>>, vector<512x128xf32>
      %get3A_77 = arith.constant 0 : index
      %get3A_78 = arith.constant 0 : index
      %get3A_79 = vector.load %arg12[%get3A_77, %get3A_78] : memref<1x128xf32, #tpu.memory_space<vmem>>, vector<1x128xf32>
      %get3A_80 = arith.constant 0 : index
      %get3A_81 = arith.constant 0 : index
      %get3A_82 = vector.load %arg13[%get3A_80, %get3A_81] : memref<1x128xf32, #tpu.memory_space<vmem>>, vector<1x128xf32>
      %reduce_sum3A = arith.constant dense<0.000000e+00> : vector<512xf32>
      %reduce_sum3A_83 = vector.multi_reduction <add>, %add3A_73, %reduce_sum3A [1] : vector<512x128xf32> to vector<512xf32>
      %broadcast_in_dim3A_84 = vector.shape_cast %reduce_sum3A_83 : vector<512xf32> to vector<512x1xf32>
      %div3A_85 = arith.constant 1.280000e+02 : f32
      %div3A_86 = vector.broadcast %div3A_85 : f32 to vector<512x1xf32>
      %div3A_87 = arith.divf %broadcast_in_dim3A_84, %div3A_86 : vector<512x1xf32>
      %sub3A_88 = vector.broadcast %div3A_87 : vector<512x1xf32> to vector<512x128xf32>
      %sub3A_89 = arith.subf %add3A_73, %sub3A_88 : vector<512x128xf32>
      %mul3A_90 = arith.mulf %sub3A_89, %sub3A_89 : vector<512x128xf32>
      %reduce_sum3A_91 = arith.constant dense<0.000000e+00> : vector<512xf32>
      %reduce_sum3A_92 = vector.multi_reduction <add>, %mul3A_90, %reduce_sum3A_91 [1] : vector<512x128xf32> to vector<512xf32>
      %broadcast_in_dim3A_93 = vector.shape_cast %reduce_sum3A_92 : vector<512xf32> to vector<512x1xf32>
      %div3A_94 = arith.constant 1.280000e+02 : f32
      %div3A_95 = vector.broadcast %div3A_94 : f32 to vector<512x1xf32>
      %div3A_96 = arith.divf %broadcast_in_dim3A_93, %div3A_95 : vector<512x1xf32>
      %add3A_97 = arith.constant 9.99999974E-6 : f32
      %add3A_98 = vector.broadcast %add3A_97 : f32 to vector<512x1xf32>
      %add3A_99 = arith.addf %div3A_96, %add3A_98 : vector<512x1xf32>
      %rsqrt3A = math.rsqrt %add3A_99 : vector<512x1xf32>
      %mul3A_100 = vector.broadcast %rsqrt3A : vector<512x1xf32> to vector<512x128xf32>
      %mul3A_101 = arith.mulf %sub3A_89, %mul3A_100 : vector<512x128xf32>
      %mul3A_102 = vector.broadcast %get3A_79 : vector<1x128xf32> to vector<512x128xf32>
      %mul3A_103 = arith.mulf %mul3A_101, %mul3A_102 : vector<512x128xf32>
      %add3A_104 = vector.broadcast %get3A_82 : vector<1x128xf32> to vector<512x128xf32>
      %add3A_105 = arith.addf %mul3A_103, %add3A_104 : vector<512x128xf32>
      %max3A = arith.constant 0.000000e+00 : f32
      %max3A_106 = vector.broadcast %max3A : f32 to vector<512x128xf32>
      %max3A_107 = arith.maximumf %add3A_105, %max3A_106 : vector<512x128xf32>
      %add3A_108 = arith.addf %get3A_76, %max3A_107 : vector<512x128xf32>
      %swap3A = arith.constant 0 : index
      %swap3A_109 = arith.constant 0 : index
      %swap3A_110 = vector.load %arg14[%swap3A, %swap3A_109] : memref<512x128xf32, #tpu.memory_space<vmem>>, vector<512x128xf32>
      tpu.vector_store %arg14[%swap3A, %swap3A_109], %add3A_108 {strides = array<i32>} : memref<512x128xf32, #tpu.memory_space<vmem>>, vector<512x128xf32>,
    } else {
    }
    return
  }
  func.func @transform_0(%arg0: i32, %arg1: i32) -> (i32, i32, i32) {
    %min3A = arith.constant 15 : i32
    %min3A_0 = arith.minsi %arg1, %min3A : i32
    %c0_i32 = arith.constant 0 : i32
    %c0_i32_1 = arith.constant 0 : i32
    return %arg0, %c0_i32, %min3A_0 : i32, i32, i32
  }
  func.func @transform_1(%arg0: i32, %arg1: i32) -> (i32, i32) {
    %mul3A = arith.constant 16 : i32
    %mul3A_0 = arith.muli %arg0, %mul3A : i32
    %min3A = arith.constant 15 : i32
    %min3A_1 = arith.minsi %arg1, %min3A : i32
    %add3A = arith.addi %mul3A_0, %min3A_1 : i32
    %c0_i32 = arith.constant 0 : i32
    %c0_i32_2 = arith.constant 0 : i32
    return %add3A, %c0_i32 : i32, i32
  }
  func.func @transform_2(%arg0: i32, %arg1: i32) -> (i32, i32) {
    %mul3A = arith.constant 16 : i32
    %mul3A_0 = arith.muli %arg0, %mul3A : i32
    %min3A = arith.constant 15 : i32
    %min3A_1 = arith.minsi %arg1, %min3A : i32
    %add3A = arith.addi %mul3A_0, %min3A_1 : i32
    %c0_i32 = arith.constant 0 : i32
    %c0_i32_2 = arith.constant 0 : i32
    return %add3A, %c0_i32 : i32, i32
  }
  func.func @transform_3(%arg0: i32, %arg1: i32) -> (i32, i32) {
    %mul3A = arith.constant 17 : i32
    %mul3A_0 = arith.muli %arg0, %mul3A : i32
    %min3A = arith.constant 15 : i32
    %min3A_1 = arith.minsi %arg1, %min3A : i32
    %add3A = arith.addi %mul3A_0, %min3A_1 : i32
    %c0_i32 = arith.constant 0 : i32
    %c0_i32_2 = arith.constant 0 : i32
    return %add3A, %c0_i32 : i32, i32
  }
  func.func @transform_4(%arg0: i32, %arg1: i32) -> (i32, i32) {
    %c0_i32 = arith.constant 0 : i32
    %c0_i32_0 = arith.constant 0 : i32
    %c0_i32_1 = arith.constant 0 : i32
    return %c0_i32, %c0_i32_0 : i32, i32
  }
  func.func @transform_5(%arg0: i32, %arg1: i32) -> (i32, i32) {
    %c0_i32 = arith.constant 0 : i32
    %c0_i32_0 = arith.constant 0 : i32
    return %arg0, %c0_i32 : i32, i32
  }
  func.func @transform_6(%arg0: i32, %arg1: i32) -> (i32, i32) {
    %c0_i32 = arith.constant 0 : i32
    %c0_i32_0 = arith.constant 0 : i32
    return %arg0, %c0_i32 : i32, i32
  }
  func.func @transform_7(%arg0: i32, %arg1: i32) -> (i32, i32) {
    %c0_i32 = arith.constant 0 : i32
    %c0_i32_0 = arith.constant 0 : i32
    return %arg0, %c0_i32 : i32, i32
  }
  func.func @transform_8(%arg0: i32, %arg1: i32) -> (i32, i32) {
    %mul3A = arith.constant 17 : i32
    %mul3A_0 = arith.muli %arg0, %mul3A : i32
    %add3A = arith.constant 16 : i32
    %add3A_1 = arith.addi %mul3A_0, %add3A : i32
    %c0_i32 = arith.constant 0 : i32
    %c0_i32_2 = arith.constant 0 : i32
    return %add3A_1, %c0_i32 : i32, i32
  }
  func.func @transform_9(%arg0: i32, %arg1: i32) -> (i32, i32) {
    %c0_i32 = arith.constant 0 : i32
    %c0_i32_0 = arith.constant 0 : i32
    %c0_i32_1 = arith.constant 0 : i32
    return %c0_i32, %c0_i32_0 : i32, i32
  }
  func.func @transform_10(%arg0: i32, %arg1: i32) -> (i32, i32) {
    %c0_i32 = arith.constant 0 : i32
    %c0_i32_0 = arith.constant 0 : i32
    %c0_i32_1 = arith.constant 0 : i32
    return %c0_i32, %c0_i32_0 : i32, i32
  }
  func.func @transform_11(%arg0: i32, %arg1: i32) -> (i32, i32) {
    %c0_i32 = arith.constant 0 : i32
    %c0_i32_0 = arith.constant 0 : i32
    %c0_i32_1 = arith.constant 0 : i32
    return %c0_i32, %c0_i32_0 : i32, i32
  }
  func.func @transform_12(%arg0: i32, %arg1: i32) -> (i32, i32) {
    %c0_i32 = arith.constant 0 : i32
    %c0_i32_0 = arith.constant 0 : i32
    return %arg0, %c0_i32 : i32, i32
  }
}

module attributes {stable_mosaic.version = 14 : i64} {
  func.func @_scat_body(%arg0: i32, %arg1: i32, %arg2: memref<1x1x512xf32, #tpu.memory_space<vmem>>, %arg3: memref<512x1xf32, #tpu.memory_space<vmem>>, %arg4: memref<512x4xf32, #tpu.memory_space<vmem>>, %arg5: memref<512x128xf32, #tpu.memory_space<vmem>>, %arg6: memref<128x512xf32, #tpu.memory_space<vmem>>, %arg7: memref<512x512xf32, #tpu.memory_space<vmem>>, %arg8: memref<512x4xf32, #tpu.memory_space<vmem>>, %arg9: memref<512x4xf32, #tpu.memory_space<vmem>>, %arg10: memref<512x128xf32, #tpu.memory_space<vmem>>, %arg11: memref<1x128xf32, #tpu.memory_space<vmem>>, %arg12: memref<1x128xf32, #tpu.memory_space<vmem>>, %arg13: memref<1x128xf32, #tpu.memory_space<vmem>>, %arg14: memref<512x128xf32, #tpu.memory_space<vmem>>, %arg15: memref<512x512xf32, #tpu.memory_space<vmem>>, %arg16: memref<512x4xf32, #tpu.memory_space<vmem>>) attributes {dimension_semantics = [#tpu.dimension_semantics<arbitrary>, #tpu.dimension_semantics<arbitrary>], iteration_bounds = array<i64: 2, 17>, scalar_prefetch = 0 : i64, scratch_operands = 2 : i64, tpu.core_type = #tpu.core_type<tc>, window_params = [{transform_indices = @transform_0, window_bounds = array<i64: 1, 1, 512>}, {transform_indices = @transform_1, window_bounds = array<i64: 512, 1>}, {transform_indices = @transform_2, window_bounds = array<i64: 512, 4>}, {transform_indices = @transform_3, window_bounds = array<i64: 512, 128>}, {pipeline_mode = #tpu.pipeline_mode<synchronous>, transform_indices = @transform_4, window_bounds = array<i64: 128, 512>}, {transform_indices = @transform_5, window_bounds = array<i64: 512, 512>}, {transform_indices = @transform_6, window_bounds = array<i64: 512, 4>}, {transform_indices = @transform_7, window_bounds = array<i64: 512, 4>}, {transform_indices = @transform_8, window_bounds = array<i64: 512, 128>}, {pipeline_mode = #tpu.pipeline_mode<synchronous>, transform_indices = @transform_9, window_bounds = array<i64: 1, 128>}, {pipeline_mode = #tpu.pipeline_mode<synchronous>, transform_indices = @transform_10, window_bounds = array<i64: 1, 128>}, {pipeline_mode = #tpu.pipeline_mode<synchronous>, transform_indices = @transform_11, window_bounds = array<i64: 1, 128>}, {transform_indices = @transform_12, window_bounds = array<i64: 512, 128>}]} {
    %eq3A = arith.constant 0 : i32
    %eq3A_0 = arith.cmpi eq, %arg1, %eq3A : i32
    %convert_element_type3A = arith.extui %eq3A_0 : i1 to i32
    %cond3A = arith.constant 0 : i32
    %cond3A_1 = arith.cmpi ne, %convert_element_type3A, %cond3A : i32
    scf.if %cond3A_1 {
      %broadcast_in_dim3A = arith.constant 0.000000e+00 : f32
      %broadcast_in_dim3A_11 = vector.broadcast %broadcast_in_dim3A : f32 to vector<512x512xf32>
      %swap3A = arith.constant 0 : index
      %swap3A_12 = arith.constant 0 : index
      %swap3A_13 = vector.load %arg15[%swap3A, %swap3A_12] : memref<512x512xf32, #tpu.memory_space<vmem>>, vector<512x512xf32>
      tpu.vector_store %arg15[%swap3A, %swap3A_12], %broadcast_in_dim3A_11 {strides = array<i32>} : memref<512x512xf32, #tpu.memory_space<vmem>>, vector<512x512xf32>,
      %broadcast_in_dim3A_14 = arith.constant 0.000000e+00 : f32
      %broadcast_in_dim3A_15 = vector.broadcast %broadcast_in_dim3A_14 : f32 to vector<512x4xf32>
      %swap3A_16 = arith.constant 0 : index
      %swap3A_17 = arith.constant 0 : index
      %swap3A_18 = vector.load %arg16[%swap3A_16, %swap3A_17] : memref<512x4xf32, #tpu.memory_space<vmem>>, vector<512x4xf32>
      tpu.vector_store %arg16[%swap3A_16, %swap3A_17], %broadcast_in_dim3A_15 {strides = array<i32>} : memref<512x4xf32, #tpu.memory_space<vmem>>, vector<512x4xf32>,
    } else {
    }
    %lt3A = arith.constant 16 : i32
    %lt3A_2 = arith.cmpi slt, %arg1, %lt3A : i32
    %convert_element_type3A_3 = arith.extui %lt3A_2 : i1 to i32
    %cond3A_4 = arith.constant 0 : i32
    %cond3A_5 = arith.cmpi ne, %convert_element_type3A_3, %cond3A_4 : i32
    scf.if %cond3A_5 {
      %get3A = arith.constant 0 : index
      %get3A_11 = arith.constant 0 : index
      %get3A_12 = vector.load %arg3[%get3A, %get3A_11] : memref<512x1xf32, #tpu.memory_space<vmem>>, vector<512x1xf32>
      %iota3A = tpu.iota {dimensions = array<i32: 1>} : vector<512x512xi32>
      %convert_element_type3A_13 = arith.sitofp %iota3A : vector<512x512xi32> to vector<512x512xf32>
      %eq3A_14 = vector.broadcast %get3A_12 : vector<512x1xf32> to vector<512x512xf32>
      %eq3A_15 = arith.cmpf oeq, %eq3A_14, %convert_element_type3A_13 : vector<512x512xf32>
      %convert_element_type3A_16 = arith.extui %eq3A_15 : vector<512x512xi1> to vector<512x512xi32>
      %convert_element_type3A_17 = arith.sitofp %convert_element_type3A_16 : vector<512x512xi32> to vector<512x512xf32>
      %get3A_18 = arith.constant 0 : index
      %get3A_19 = arith.constant 0 : index
      %get3A_20 = vector.load %arg8[%get3A_18, %get3A_19] : memref<512x4xf32, #tpu.memory_space<vmem>>, vector<512x4xf32>
      %dot_general3A = arith.constant dense<0.000000e+00> : vector<512x4xf32>
      %dot_general3A_21 = tpu.matmul %convert_element_type3A_17, %get3A_20, %dot_general3A {dimension_numbers = #tpu.dot_dimension_numbers<[1], [0], [0], [1], [0, 0, 1, 1], [], []>, precision = #tpu.contract_precision<fp32>, transpose_lhs_hint = false} : vector<512x512xf32>, vector<512x4xf32>, vector<512x4xf32> -> vector<512x4xf32>
      %get3A_22 = arith.constant 0 : index
      %get3A_23 = arith.constant 0 : index
      %get3A_24 = vector.load %arg4[%get3A_22, %get3A_23] : memref<512x4xf32, #tpu.memory_space<vmem>>, vector<512x4xf32>
      %sub3A = arith.subf %get3A_24, %dot_general3A_21 : vector<512x4xf32>
      %exp3A = math.exp %sub3A : vector<512x4xf32>
      %get3A_25 = arith.constant 0 : index
      %get3A_26 = arith.constant 0 : index
      %get3A_27 = vector.load %arg5[%get3A_25, %get3A_26] : memref<512x128xf32, #tpu.memory_space<vmem>>, vector<512x128xf32>
      %get3A_28 = arith.constant 0 : index
      %get3A_29 = arith.constant 0 : index
      %get3A_30 = vector.load %arg6[%get3A_28, %get3A_29] : memref<128x512xf32, #tpu.memory_space<vmem>>, vector<128x512xf32>
      %dot_general3A_31 = arith.constant dense<0.000000e+00> : vector<512x512xf32>
      %dot_general3A_32 = tpu.matmul %get3A_27, %get3A_30, %dot_general3A_31 {dimension_numbers = #tpu.dot_dimension_numbers<[1], [0], [0], [1], [0, 0, 1, 1], [], []>, precision = #tpu.contract_precision<fp32>, transpose_lhs_hint = false} : vector<512x128xf32>, vector<128x512xf32>, vector<512x512xf32> -> vector<512x512xf32>
      %slice3A = vector.extract_strided_slice %exp3A {offsets = [0, 0], sizes = [512, 1], strides = [1, 1]} : vector<512x4xf32> to vector<512x1xf32>
      %slice3A_33 = vector.extract_strided_slice %dot_general3A_32 {offsets = [0, 0], sizes = [512, 128], strides = [1, 1]} : vector<512x512xf32> to vector<512x128xf32>
      %mul3A = vector.broadcast %slice3A : vector<512x1xf32> to vector<512x128xf32>
      %mul3A_34 = arith.mulf %mul3A, %slice3A_33 : vector<512x128xf32>
      %slice3A_35 = vector.extract_strided_slice %exp3A {offsets = [0, 1], sizes = [512, 1], strides = [1, 1]} : vector<512x4xf32> to vector<512x1xf32>
      %slice3A_36 = vector.extract_strided_slice %dot_general3A_32 {offsets = [0, 128], sizes = [512, 128], strides = [1, 1]} : vector<512x512xf32> to vector<512x128xf32>
      %mul3A_37 = vector.broadcast %slice3A_35 : vector<512x1xf32> to vector<512x128xf32>
      %mul3A_38 = arith.mulf %mul3A_37, %slice3A_36 : vector<512x128xf32>
      %slice3A_39 = vector.extract_strided_slice %exp3A {offsets = [0, 2], sizes = [512, 1], strides = [1, 1]} : vector<512x4xf32> to vector<512x1xf32>
      %slice3A_40 = vector.extract_strided_slice %dot_general3A_32 {offsets = [0, 256], sizes = [512, 128], strides = [1, 1]} : vector<512x512xf32> to vector<512x128xf32>
      %mul3A_41 = vector.broadcast %slice3A_39 : vector<512x1xf32> to vector<512x128xf32>
      %mul3A_42 = arith.mulf %mul3A_41, %slice3A_40 : vector<512x128xf32>
      %slice3A_43 = vector.extract_strided_slice %exp3A {offsets = [0, 3], sizes = [512, 1], strides = [1, 1]} : vector<512x4xf32> to vector<512x1xf32>
      %slice3A_44 = vector.extract_strided_slice %dot_general3A_32 {offsets = [0, 384], sizes = [512, 128], strides = [1, 1]} : vector<512x512xf32> to vector<512x128xf32>
      %mul3A_45 = vector.broadcast %slice3A_43 : vector<512x1xf32> to vector<512x128xf32>
      %mul3A_46 = arith.mulf %mul3A_45, %slice3A_44 : vector<512x128xf32>
      %concatenate3A = tpu.concatenate %mul3A_34, %mul3A_38, %mul3A_42, %mul3A_46 in 1 : vector<512x128xf32>, vector<512x128xf32>, vector<512x128xf32>, vector<512x128xf32> -> vector<512x512xf32>
      %get3A_47 = arith.constant 0 : index
      %get3A_48 = arith.constant 0 : index
      %get3A_49 = arith.constant 0 : index
      %get3A_50 = vector.load %arg2[%get3A_47, %get3A_48, %get3A_49] : memref<1x1x512xf32, #tpu.memory_space<vmem>>, vector<1x1x512xf32>
      %get3A_51 = vector.shape_cast %get3A_50 : vector<1x1x512xf32> to vector<1x512xf32>
      %iota3A_52 = tpu.iota {dimensions = array<i32: 0>} : vector<512x512xi32>
      %convert_element_type3A_53 = arith.sitofp %iota3A_52 : vector<512x512xi32> to vector<512x512xf32>
      %eq3A_54 = vector.broadcast %get3A_51 : vector<1x512xf32> to vector<512x512xf32>
      %eq3A_55 = arith.cmpf oeq, %convert_element_type3A_53, %eq3A_54 : vector<512x512xf32>
      %convert_element_type3A_56 = arith.extui %eq3A_55 : vector<512x512xi1> to vector<512x512xi32>
      %convert_element_type3A_57 = arith.sitofp %convert_element_type3A_56 : vector<512x512xi32> to vector<512x512xf32>
      %get3A_58 = arith.constant 0 : index
      %get3A_59 = arith.constant 0 : index
      %get3A_60 = vector.load %arg15[%get3A_58, %get3A_59] : memref<512x512xf32, #tpu.memory_space<vmem>>, vector<512x512xf32>
      %dot_general3A_61 = arith.constant dense<0.000000e+00> : vector<512x512xf32>
      %dot_general3A_62 = tpu.matmul %convert_element_type3A_57, %concatenate3A, %dot_general3A_61 {dimension_numbers = #tpu.dot_dimension_numbers<[1], [0], [0], [1], [0, 0, 1, 1], [], []>, precision = #tpu.contract_precision<fp32>, transpose_lhs_hint = false} : vector<512x512xf32>, vector<512x512xf32>, vector<512x512xf32> -> vector<512x512xf32>
      %add3A = arith.addf %get3A_60, %dot_general3A_62 : vector<512x512xf32>
      %swap3A = arith.constant 0 : index
      %swap3A_63 = arith.constant 0 : index
      %swap3A_64 = vector.load %arg15[%swap3A, %swap3A_63] : memref<512x512xf32, #tpu.memory_space<vmem>>, vector<512x512xf32>
      tpu.vector_store %arg15[%swap3A, %swap3A_63], %add3A {strides = array<i32>} : memref<512x512xf32, #tpu.memory_space<vmem>>, vector<512x512xf32>,
      %get3A_65 = arith.constant 0 : index
      %get3A_66 = arith.constant 0 : index
      %get3A_67 = vector.load %arg16[%get3A_65, %get3A_66] : memref<512x4xf32, #tpu.memory_space<vmem>>, vector<512x4xf32>
      %dot_general3A_68 = arith.constant dense<0.000000e+00> : vector<512x4xf32>
      %dot_general3A_69 = tpu.matmul %convert_element_type3A_57, %exp3A, %dot_general3A_68 {dimension_numbers = #tpu.dot_dimension_numbers<[1], [0], [0], [1], [0, 0, 1, 1], [], []>, precision = #tpu.contract_precision<fp32>, transpose_lhs_hint = false} : vector<512x512xf32>, vector<512x4xf32>, vector<512x4xf32> -> vector<512x4xf32>
      %add3A_70 = arith.addf %get3A_67, %dot_general3A_69 : vector<512x4xf32>
      %swap3A_71 = arith.constant 0 : index
      %swap3A_72 = arith.constant 0 : index
      %swap3A_73 = vector.load %arg16[%swap3A_71, %swap3A_72] : memref<512x4xf32, #tpu.memory_space<vmem>>, vector<512x4xf32>
      tpu.vector_store %arg16[%swap3A_71, %swap3A_72], %add3A_70 {strides = array<i32>} : memref<512x4xf32, #tpu.memory_space<vmem>>, vector<512x4xf32>,
    } else {
    }
    %eq3A_6 = arith.constant 16 : i32
    %eq3A_7 = arith.cmpi eq, %arg1, %eq3A_6 : i32
    %convert_element_type3A_8 = arith.extui %eq3A_7 : i1 to i32
    %cond3A_9 = arith.constant 0 : i32
    %cond3A_10 = arith.cmpi ne, %convert_element_type3A_8, %cond3A_9 : i32
    scf.if %cond3A_10 {
      %get3A = arith.constant 0 : index
      %get3A_11 = arith.constant 0 : index
      %get3A_12 = vector.load %arg7[%get3A, %get3A_11] : memref<512x512xf32, #tpu.memory_space<vmem>>, vector<512x512xf32>
      %get3A_13 = arith.constant 0 : index
      %get3A_14 = arith.constant 0 : index
      %get3A_15 = vector.load %arg15[%get3A_13, %get3A_14] : memref<512x512xf32, #tpu.memory_space<vmem>>, vector<512x512xf32>
      %get3A_16 = arith.constant 0 : index
      %get3A_17 = arith.constant 0 : index
      %get3A_18 = vector.load %arg9[%get3A_16, %get3A_17] : memref<512x4xf32, #tpu.memory_space<vmem>>, vector<512x4xf32>
      %get3A_19 = arith.constant 0 : index
      %get3A_20 = arith.constant 0 : index
      %get3A_21 = vector.load %arg8[%get3A_19, %get3A_20] : memref<512x4xf32, #tpu.memory_space<vmem>>, vector<512x4xf32>
      %sub3A = arith.subf %get3A_18, %get3A_21 : vector<512x4xf32>
      %exp3A = math.exp %sub3A : vector<512x4xf32>
      %get3A_22 = arith.constant 0 : index
      %get3A_23 = arith.constant 0 : index
      %get3A_24 = vector.load %arg16[%get3A_22, %get3A_23] : memref<512x4xf32, #tpu.memory_space<vmem>>, vector<512x4xf32>
      %add3A = arith.addf %get3A_24, %exp3A : vector<512x4xf32>
      %add3A_25 = arith.constant 1.000000e-16 : f32
      %add3A_26 = vector.broadcast %add3A_25 : f32 to vector<512x4xf32>
      %add3A_27 = arith.addf %add3A, %add3A_26 : vector<512x4xf32>
      %broadcast_in_dim3A = arith.constant 0.000000e+00 : f32
      %broadcast_in_dim3A_28 = vector.broadcast %broadcast_in_dim3A : f32 to vector<512x128xf32>
      %slice3A = vector.extract_strided_slice %get3A_15 {offsets = [0, 0], sizes = [512, 128], strides = [1, 1]} : vector<512x512xf32> to vector<512x128xf32>
      %slice3A_29 = vector.extract_strided_slice %exp3A {offsets = [0, 0], sizes = [512, 1], strides = [1, 1]} : vector<512x4xf32> to vector<512x1xf32>
      %slice3A_30 = vector.extract_strided_slice %get3A_12 {offsets = [0, 0], sizes = [512, 128], strides = [1, 1]} : vector<512x512xf32> to vector<512x128xf32>
      %mul3A = vector.broadcast %slice3A_29 : vector<512x1xf32> to vector<512x128xf32>
      %mul3A_31 = arith.mulf %mul3A, %slice3A_30 : vector<512x128xf32>
      %add3A_32 = arith.addf %slice3A, %mul3A_31 : vector<512x128xf32>
      %slice3A_33 = vector.extract_strided_slice %add3A_27 {offsets = [0, 0], sizes = [512, 1], strides = [1, 1]} : vector<512x4xf32> to vector<512x1xf32>
      %div3A = vector.broadcast %slice3A_33 : vector<512x1xf32> to vector<512x128xf32>
      %div3A_34 = arith.divf %add3A_32, %div3A : vector<512x128xf32>
      %add3A_35 = arith.addf %broadcast_in_dim3A_28, %div3A_34 : vector<512x128xf32>
      %slice3A_36 = vector.extract_strided_slice %get3A_15 {offsets = [0, 128], sizes = [512, 128], strides = [1, 1]} : vector<512x512xf32> to vector<512x128xf32>
      %slice3A_37 = vector.extract_strided_slice %exp3A {offsets = [0, 1], sizes = [512, 1], strides = [1, 1]} : vector<512x4xf32> to vector<512x1xf32>
      %slice3A_38 = vector.extract_strided_slice %get3A_12 {offsets = [0, 128], sizes = [512, 128], strides = [1, 1]} : vector<512x512xf32> to vector<512x128xf32>
      %mul3A_39 = vector.broadcast %slice3A_37 : vector<512x1xf32> to vector<512x128xf32>
      %mul3A_40 = arith.mulf %mul3A_39, %slice3A_38 : vector<512x128xf32>
      %add3A_41 = arith.addf %slice3A_36, %mul3A_40 : vector<512x128xf32>
      %slice3A_42 = vector.extract_strided_slice %add3A_27 {offsets = [0, 1], sizes = [512, 1], strides = [1, 1]} : vector<512x4xf32> to vector<512x1xf32>
      %div3A_43 = vector.broadcast %slice3A_42 : vector<512x1xf32> to vector<512x128xf32>
      %div3A_44 = arith.divf %add3A_41, %div3A_43 : vector<512x128xf32>
      %add3A_45 = arith.addf %add3A_35, %div3A_44 : vector<512x128xf32>
      %slice3A_46 = vector.extract_strided_slice %get3A_15 {offsets = [0, 256], sizes = [512, 128], strides = [1, 1]} : vector<512x512xf32> to vector<512x128xf32>
      %slice3A_47 = vector.extract_strided_slice %exp3A {offsets = [0, 2], sizes = [512, 1], strides = [1, 1]} : vector<512x4xf32> to vector<512x1xf32>
      %slice3A_48 = vector.extract_strided_slice %get3A_12 {offsets = [0, 256], sizes = [512, 128], strides = [1, 1]} : vector<512x512xf32> to vector<512x128xf32>
      %mul3A_49 = vector.broadcast %slice3A_47 : vector<512x1xf32> to vector<512x128xf32>
      %mul3A_50 = arith.mulf %mul3A_49, %slice3A_48 : vector<512x128xf32>
      %add3A_51 = arith.addf %slice3A_46, %mul3A_50 : vector<512x128xf32>
      %slice3A_52 = vector.extract_strided_slice %add3A_27 {offsets = [0, 2], sizes = [512, 1], strides = [1, 1]} : vector<512x4xf32> to vector<512x1xf32>
      %div3A_53 = vector.broadcast %slice3A_52 : vector<512x1xf32> to vector<512x128xf32>
      %div3A_54 = arith.divf %add3A_51, %div3A_53 : vector<512x128xf32>
      %add3A_55 = arith.addf %add3A_45, %div3A_54 : vector<512x128xf32>
      %slice3A_56 = vector.extract_strided_slice %get3A_15 {offsets = [0, 384], sizes = [512, 128], strides = [1, 1]} : vector<512x512xf32> to vector<512x128xf32>
      %slice3A_57 = vector.extract_strided_slice %exp3A {offsets = [0, 3], sizes = [512, 1], strides = [1, 1]} : vector<512x4xf32> to vector<512x1xf32>
      %slice3A_58 = vector.extract_strided_slice %get3A_12 {offsets = [0, 384], sizes = [512, 128], strides = [1, 1]} : vector<512x512xf32> to vector<512x128xf32>
      %mul3A_59 = vector.broadcast %slice3A_57 : vector<512x1xf32> to vector<512x128xf32>
      %mul3A_60 = arith.mulf %mul3A_59, %slice3A_58 : vector<512x128xf32>
      %add3A_61 = arith.addf %slice3A_56, %mul3A_60 : vector<512x128xf32>
      %slice3A_62 = vector.extract_strided_slice %add3A_27 {offsets = [0, 3], sizes = [512, 1], strides = [1, 1]} : vector<512x4xf32> to vector<512x1xf32>
      %div3A_63 = vector.broadcast %slice3A_62 : vector<512x1xf32> to vector<512x128xf32>
      %div3A_64 = arith.divf %add3A_61, %div3A_63 : vector<512x128xf32>
      %add3A_65 = arith.addf %add3A_55, %div3A_64 : vector<512x128xf32>
      %mul3A_66 = arith.constant 2.500000e-01 : f32
      %mul3A_67 = vector.broadcast %mul3A_66 : f32 to vector<512x128xf32>
      %mul3A_68 = arith.mulf %add3A_65, %mul3A_67 : vector<512x128xf32>
      %get3A_69 = arith.constant 0 : index
      %get3A_70 = arith.constant 0 : index
      %get3A_71 = vector.load %arg11[%get3A_69, %get3A_70] : memref<1x128xf32, #tpu.memory_space<vmem>>, vector<1x128xf32>
      %add3A_72 = vector.broadcast %get3A_71 : vector<1x128xf32> to vector<512x128xf32>
      %add3A_73 = arith.addf %mul3A_68, %add3A_72 : vector<512x128xf32>
      %get3A_74 = arith.constant 0 : index
      %get3A_75 = arith.constant 0 : index
      %get3A_76 = vector.load %arg10[%get3A_74, %get3A_75] : memref<512x128xf32, #tpu.memory_space<vmem>>, vector<512x128xf32>
      %get3A_77 = arith.constant 0 : index
      %get3A_78 = arith.constant 0 : index
      %get3A_79 = vector.load %arg12[%get3A_77, %get3A_78] : memref<1x128xf32, #tpu.memory_space<vmem>>, vector<1x128xf32>
      %get3A_80 = arith.constant 0 : index
      %get3A_81 = arith.constant 0 : index
      %get3A_82 = vector.load %arg13[%get3A_80, %get3A_81] : memref<1x128xf32, #tpu.memory_space<vmem>>, vector<1x128xf32>
      %reduce_sum3A = arith.constant dense<0.000000e+00> : vector<512xf32>
      %reduce_sum3A_83 = vector.multi_reduction <add>, %add3A_73, %reduce_sum3A [1] : vector<512x128xf32> to vector<512xf32>
      %broadcast_in_dim3A_84 = vector.shape_cast %reduce_sum3A_83 : vector<512xf32> to vector<512x1xf32>
      %div3A_85 = arith.constant 1.280000e+02 : f32
      %div3A_86 = vector.broadcast %div3A_85 : f32 to vector<512x1xf32>
      %div3A_87 = arith.divf %broadcast_in_dim3A_84, %div3A_86 : vector<512x1xf32>
      %sub3A_88 = vector.broadcast %div3A_87 : vector<512x1xf32> to vector<512x128xf32>
      %sub3A_89 = arith.subf %add3A_73, %sub3A_88 : vector<512x128xf32>
      %mul3A_90 = arith.mulf %sub3A_89, %sub3A_89 : vector<512x128xf32>
      %reduce_sum3A_91 = arith.constant dense<0.000000e+00> : vector<512xf32>
      %reduce_sum3A_92 = vector.multi_reduction <add>, %mul3A_90, %reduce_sum3A_91 [1] : vector<512x128xf32> to vector<512xf32>
      %broadcast_in_dim3A_93 = vector.shape_cast %reduce_sum3A_92 : vector<512xf32> to vector<512x1xf32>
      %div3A_94 = arith.constant 1.280000e+02 : f32
      %div3A_95 = vector.broadcast %div3A_94 : f32 to vector<512x1xf32>
      %div3A_96 = arith.divf %broadcast_in_dim3A_93, %div3A_95 : vector<512x1xf32>
      %add3A_97 = arith.constant 9.99999974E-6 : f32
      %add3A_98 = vector.broadcast %add3A_97 : f32 to vector<512x1xf32>
      %add3A_99 = arith.addf %div3A_96, %add3A_98 : vector<512x1xf32>
      %rsqrt3A = math.rsqrt %add3A_99 : vector<512x1xf32>
      %mul3A_100 = vector.broadcast %rsqrt3A : vector<512x1xf32> to vector<512x128xf32>
      %mul3A_101 = arith.mulf %sub3A_89, %mul3A_100 : vector<512x128xf32>
      %mul3A_102 = vector.broadcast %get3A_79 : vector<1x128xf32> to vector<512x128xf32>
      %mul3A_103 = arith.mulf %mul3A_101, %mul3A_102 : vector<512x128xf32>
      %add3A_104 = vector.broadcast %get3A_82 : vector<1x128xf32> to vector<512x128xf32>
      %add3A_105 = arith.addf %mul3A_103, %add3A_104 : vector<512x128xf32>
      %max3A = arith.constant 0.000000e+00 : f32
      %max3A_106 = vector.broadcast %max3A : f32 to vector<512x128xf32>
      %max3A_107 = arith.maximumf %add3A_105, %max3A_106 : vector<512x128xf32>
      %add3A_108 = arith.addf %get3A_76, %max3A_107 : vector<512x128xf32>
      %swap3A = arith.constant 0 : index
      %swap3A_109 = arith.constant 0 : index
      %swap3A_110 = vector.load %arg14[%swap3A, %swap3A_109] : memref<512x128xf32, #tpu.memory_space<vmem>>, vector<512x128xf32>
      tpu.vector_store %arg14[%swap3A, %swap3A_109], %add3A_108 {strides = array<i32>} : memref<512x128xf32, #tpu.memory_space<vmem>>, vector<512x128xf32>,
    } else {
    }
    return
  }
  func.func @transform_0(%arg0: i32, %arg1: i32) -> (i32, i32, i32) {
    %min3A = arith.constant 15 : i32
    %min3A_0 = arith.minsi %arg1, %min3A : i32
    %c0_i32 = arith.constant 0 : i32
    %c0_i32_1 = arith.constant 0 : i32
    return %arg0, %c0_i32, %min3A_0 : i32, i32, i32
  }
  func.func @transform_1(%arg0: i32, %arg1: i32) -> (i32, i32) {
    %mul3A = arith.constant 16 : i32
    %mul3A_0 = arith.muli %arg0, %mul3A : i32
    %min3A = arith.constant 15 : i32
    %min3A_1 = arith.minsi %arg1, %min3A : i32
    %add3A = arith.addi %mul3A_0, %min3A_1 : i32
    %c0_i32 = arith.constant 0 : i32
    %c0_i32_2 = arith.constant 0 : i32
    return %add3A, %c0_i32 : i32, i32
  }
  func.func @transform_2(%arg0: i32, %arg1: i32) -> (i32, i32) {
    %mul3A = arith.constant 16 : i32
    %mul3A_0 = arith.muli %arg0, %mul3A : i32
    %min3A = arith.constant 15 : i32
    %min3A_1 = arith.minsi %arg1, %min3A : i32
    %add3A = arith.addi %mul3A_0, %min3A_1 : i32
    %c0_i32 = arith.constant 0 : i32
    %c0_i32_2 = arith.constant 0 : i32
    return %add3A, %c0_i32 : i32, i32
  }
  func.func @transform_3(%arg0: i32, %arg1: i32) -> (i32, i32) {
    %mul3A = arith.constant 17 : i32
    %mul3A_0 = arith.muli %arg0, %mul3A : i32
    %min3A = arith.constant 15 : i32
    %min3A_1 = arith.minsi %arg1, %min3A : i32
    %add3A = arith.addi %mul3A_0, %min3A_1 : i32
    %c0_i32 = arith.constant 0 : i32
    %c0_i32_2 = arith.constant 0 : i32
    return %add3A, %c0_i32 : i32, i32
  }
  func.func @transform_4(%arg0: i32, %arg1: i32) -> (i32, i32) {
    %c0_i32 = arith.constant 0 : i32
    %c0_i32_0 = arith.constant 0 : i32
    %c0_i32_1 = arith.constant 0 : i32
    return %c0_i32, %c0_i32_0 : i32, i32
  }
  func.func @transform_5(%arg0: i32, %arg1: i32) -> (i32, i32) {
    %c0_i32 = arith.constant 0 : i32
    %c0_i32_0 = arith.constant 0 : i32
    return %arg0, %c0_i32 : i32, i32
  }
  func.func @transform_6(%arg0: i32, %arg1: i32) -> (i32, i32) {
    %c0_i32 = arith.constant 0 : i32
    %c0_i32_0 = arith.constant 0 : i32
    return %arg0, %c0_i32 : i32, i32
  }
  func.func @transform_7(%arg0: i32, %arg1: i32) -> (i32, i32) {
    %c0_i32 = arith.constant 0 : i32
    %c0_i32_0 = arith.constant 0 : i32
    return %arg0, %c0_i32 : i32, i32
  }
  func.func @transform_8(%arg0: i32, %arg1: i32) -> (i32, i32) {
    %mul3A = arith.constant 17 : i32
    %mul3A_0 = arith.muli %arg0, %mul3A : i32
    %add3A = arith.constant 16 : i32
    %add3A_1 = arith.addi %mul3A_0, %add3A : i32
    %c0_i32 = arith.constant 0 : i32
    %c0_i32_2 = arith.constant 0 : i32
    return %add3A_1, %c0_i32 : i32, i32
  }
  func.func @transform_9(%arg0: i32, %arg1: i32) -> (i32, i32) {
    %c0_i32 = arith.constant 0 : i32
    %c0_i32_0 = arith.constant 0 : i32
    %c0_i32_1 = arith.constant 0 : i32
    return %c0_i32, %c0_i32_0 : i32, i32
  }
  func.func @transform_10(%arg0: i32, %arg1: i32) -> (i32, i32) {
    %c0_i32 = arith.constant 0 : i32
    %c0_i32_0 = arith.constant 0 : i32
    %c0_i32_1 = arith.constant 0 : i32
    return %c0_i32, %c0_i32_0 : i32, i32
  }
  func.func @transform_11(%arg0: i32, %arg1: i32) -> (i32, i32) {
    %c0_i32 = arith.constant 0 : i32
    %c0_i32_0 = arith.constant 0 : i32
    %c0_i32_1 = arith.constant 0 : i32
    return %c0_i32, %c0_i32_0 : i32, i32
  }
  func.func @transform_12(%arg0: i32, %arg1: i32) -> (i32, i32) {
    %c0_i32 = arith.constant 0 : i32
    %c0_i32_0 = arith.constant 0 : i32
    return %arg0, %c0_i32 : i32, i32
  }
}

</mosaic_0001>

<sc_bundles>
// kernel: kernel.18.cloned.1.call-start
scs
__scs_entry_jumppad:
0x0: {  	(pc) =	sbr.rel $0x88, $3  }
0x1: {  	(tag) =	ssettag $0x0;
	lr =	simm.s32 $0x1  }
0x2: {  	[smem:$0x3F8B] =	sst lr;
	_ =	strace $0xD0000000  }
0x3: {  	_ = 	snop  }
0x4: {  	_ = 	snop  }
0x5: {  	_ = 	snop  }
0x6: {  	_ = 	snop  }
0x7: {  	_ = 	snop  }
__scs_overlays_trampoline_lowered:
0x8: {  	[smem:$0x3F9A] =	sst s0  }
0x9: {  	[smem:$0x3F9B] =	sst s1  }
0xa: {  	[smem:$0x3F9C] =	sst s2  }
0xb: {  	[smem:$0x3F9D] =	sst s3  }
0xc: {  	[smem:$0x3F9E] =	sst s4  }
0xd: {  	[smem:$0x3F9F] =	sst s5  }
0xe: {  	[smem:$0x3FA0] =	sst s6  }
0xf: {  	[smem:$0x3FA1] =	sst s7  }
0x10: {  	[smem:$0x3FA2] =	sst s8  }
0x11: {  	[smem:$0x3FA3] =	sst s9;
	s0 =	simm.s32 @!p0 $0x0  }
0x12: {  	s1 =	sld [smem:$0x3F89];
	s0 =	simm.s32 @p0 $0x1  }
0x13: {  	[smem:$0x3FA4] =	sst s0;
	s0 =	simm.s32 @!p1 $0x0  }
0x14: {  	s2 =	sld [smem:$0x3F88];
	s0 =	simm.s32 @p1 $0x1  }
0x15: {  	[smem:$0x3FA5] =	sst s0;
	s0 =	simm.s32 @!p2 $0x0  }
0x16: {  	s3 =	sld [smem:$0x3FDB];
	s0 =	simm.s32 @p2 $0x1  }
0x17: {  	s4 =	simm.s32 $0x1BF5;
	[smem:$0x3FA7] =	sst s0  }
0x18: {  	s0 =	sld [smem:$0x3F8A];
	_ =	swait.ge [sflag:s4], $0x0  }
0x19: {  	s7 =	sld [smem:$0x3F8B]  }
0x1a: {  	s8 =	sadd.s32 $0xFFFFE003, lr  }
0x1b: {  	s9 =	sadd.s32 $0xFFFFFEF7, lr;
	s5 =	simm.s32 $0xFFFFFFFF;
	p2 =	slt.u32 s8, $0xFFFFF086  }
0x1c: {  	p1 =	slt.u32 s9, $0xF7A;
	s5 =	simm.s32 @!p2 $0x0  }
0x1d: {  	s5 =	simm.s32 @p1 $0x1;
	p0 =	seq.s32 s7, s2  }
0x1e: {  	s7 =	smul.u32 @!p0 $0xF7A, s2;
	p2 =	seq.s32 @!p0 s5, $0x0  }
0x1f: {  	s9 =	smul.u32 $0xF7A, s1;
	s8 =	simm.s32 @!p0 $0x1BF5;
	p2 =	por !p2, p0  }
0x20: {  	[sflag:s8] =	ssyncset.s32 @!p0 $0xFFFFF086;
	s6 =	sadd.s32 @!p0 s3, s7;
	s7 =	simm.s32 @!p0 $0x108  }
0x21: {  	s3 =	sadd.s32 s3, s9;
	s6 =	sadd.s32 @!p0 $0x88, s6;
	s7 =	simm.s32 @p2 $0x1082  }
0x22: {  	[simem:s7], [sflag:s8] =	dma.local @!p0 [hbm:s6], $0xF7A  }
0x23: {  	s9 =	sor.u32 $0xD0000000, s2;
	s6 =	simm.s32 $0x108;
	_ =	swait.ge @!p0 [sflag:s8], $0x0  }
0x24: {  	s3 =	sadd.s32 $0x88, s3;
	s6 =	simm.s32 @!p1 $0x1082;
	[sflag:s4] =	ssyncset.s32 $0xFFFFF086  }
0x25: {  	[simem:s6], [sflag:s4] =	dma.local [hbm:s3], $0xF7A  }
0x26: {  	[smem:$0x3F8B] =	sst s1;
	(tag) =	ssettag s2;
	_ =	strace s9  }
0x27: {  	s1 =	sld [smem:$0x3F9B]  }
0x28: {  	s2 =	sld [smem:$0x3F9C]  }
0x29: {  	s4 =	sld [smem:$0x3F9E]  }
0x2a: {  	p0 =	seq.s32 s5, $0x0;
	s5 =	sld [smem:$0x3F9F]  }
0x2b: {  	s6 =	sld [smem:$0x3FA0]  }
0x2c: {  	s7 =	sld [smem:$0x3FA1]  }
0x2d: {  	s3 =	simm.s32 $0x108;
	s8 =	sld [smem:$0x3FA2]  }
0x2e: {  	s3 =	simm.s32 @!p0 $0x1082;
	s9 =	sld [smem:$0x3FA3]  }
0x2f: {  	lr =	sadd.s32 s0, s3;
	s0 =	sld [smem:$0x3F9A]  }
0x30: {  	s3 =	sld [smem:$0x3F9D]  }
0x31: {  	[smem:$0x3FA6] =	sst s10  }
0x32: {  	s10 =	sld [smem:$0x3FA4];
	_ =	sdelay $0x3  }
0x33: {  	p0 =	seq.s32 s10, $0x1;
	s10 =	sld [smem:$0x3FA6];
	_ =	sdelay $0x3  }
0x34: {  	[smem:$0x3FA6] =	sst s10  }
0x35: {  	s10 =	sld [smem:$0x3FA5];
	_ =	sdelay $0x3  }
0x36: {  	p1 =	seq.s32 s10, $0x1;
	s10 =	sld [smem:$0x3FA6];
	_ =	sdelay $0x3  }
0x37: {  	[smem:$0x3FA6] =	sst s10  }
0x38: {  	s10 =	sld [smem:$0x3FA7]  }
0x39: {  	_ = 	snop;
	(pc) =	sbr.ind lr, $3  }
0x3a: {  	_ = 	snop  }
0x3b: {  	_ = 	snop  }
0x3c: {  	p2 =	seq.s32 s10, $0x1;
	s10 =	sld [smem:$0x3FA6]  }
0x3d: {  	_ =	shalt  }
0x3e: {  	_ =	shalt  }
0x3f: {  	_ =	shalt  }
0x40: {  	_ =	shalt  }
0x41: {  	_ =	shalt  }
0x42: {  	_ =	shalt  }
0x43: {  	_ =	shalt  }
0x44: {  	_ =	shalt  }
0x45: {  	_ =	shalt  }
0x46: {  	_ =	shalt  }
0x47: {  	_ =	shalt  }
0x48: {  	_ =	shalt  }
0x49: {  	_ =	shalt  }
0x4a: {  	_ =	shalt  }
0x4b: {  	_ =	shalt  }
0x4c: {  	_ =	shalt  }
0x4d: {  	_ =	shalt  }
0x4e: {  	_ =	shalt  }
0x4f: {  	_ =	shalt  }
0x50: {  	_ =	shalt  }
0x51: {  	_ =	shalt  }
0x52: {  	_ =	shalt  }
0x53: {  	_ =	shalt  }
0x54: {  	_ =	shalt  }
0x55: {  	_ =	shalt  }
0x56: {  	_ =	shalt  }
0x57: {  	_ =	shalt  }
0x58: {  	_ =	shalt  }
0x59: {  	_ =	shalt  }
0x5a: {  	_ =	shalt  }
0x5b: {  	_ =	shalt  }
0x5c: {  	_ =	shalt  }
0x5d: {  	_ =	shalt  }
0x5e: {  	_ =	shalt  }
0x5f: {  	_ =	shalt  }
0x60: {  	_ =	shalt  }
0x61: {  	_ =	shalt  }
0x62: {  	_ =	shalt  }
0x63: {  	_ =	shalt  }
0x64: {  	_ =	shalt  }
0x65: {  	_ =	shalt  }
0x66: {  	_ =	shalt  }
0x67: {  	_ =	shalt  }
0x68: {  	_ =	shalt  }
0x69: {  	_ =	shalt  }
0x6a: {  	_ =	shalt  }
0x6b: {  	_ =	shalt  }
0x6c: {  	_ =	shalt  }
0x6d: {  	_ =	shalt  }
0x6e: {  	_ =	shalt  }
0x6f: {  	_ =	shalt  }
0x70: {  	_ =	shalt  }
0x71: {  	_ =	shalt  }
0x72: {  	_ =	shalt  }
0x73: {  	_ =	shalt  }
0x74: {  	_ =	shalt  }
0x75: {  	_ =	shalt  }
0x76: {  	_ =	shalt  }
0x77: {  	_ =	shalt  }
0x78: {  	_ =	shalt  }
0x79: {  	_ =	shalt  }
0x7a: {  	_ =	shalt  }
0x7b: {  	_ =	shalt  }
0x7c: {  	_ =	shalt  }
0x7d: {  	_ =	shalt  }
0x7e: {  	_ =	shalt  }
0x7f: {  	_ =	shalt  }
0x80: {  	_ =	shalt  }
0x81: {  	_ =	shalt  }
0x82: {  	_ =	shalt  }
0x83: {  	_ =	shalt  }
0x84: {  	_ =	shalt  }
0x85: {  	_ =	shalt  }
0x86: {  	_ =	shalt  }
0x87: {  	_ =	shalt  }
.Lfunc_end0:
.L_simem_size_0:
called_computation_lowered:
.L_overlay_start_0:
0x88: {  	s2 =	sld [smem:$0x3FD9]  }
0x89: {  	s3 =	sld [smem:$0x3FFE];
	_ =	sdelay $0x1  }
0x8a: {  	s1 =	srdreg.scid  }
0x8b: {  	s0 =	sand.u32 $0x1, s1  }
0x8c: {  	s17 =	sshll.u32 s0, $0xA;
	s2 =	sadd.s32 s3, s2  }
0x8d: {  	s2 =	sadd.s32 s2, s17  }
0x8e: {  	[smem:$0x3FB2] =	sst s2  }
0x8f: {  	_ = 	snop  }
0x90: {  	(tm) =	ssettm $0x1  }
0x91: {  	s18 =	sld [smem:$0x3FFB];
	_ =	sdelay $0x3  }
0x92: {  	_ =	strace s18  }
0x93: {  	s2 =	sld [smem:$0x3FFC];
	_ =	sdelay $0x3  }
0x94: {  	_ =	strace s2  }
0x95: {  	s2 =	sld [smem:$0x3FFD];
	_ =	sdelay $0x3  }
0x96: {  	_ =	strace s2  }
0x97: {  	_ =	strace $0x8FFFFFFF  }
0x98: {  	s19 =	sld [smem:$0x3FDB];
	_ =	sdelay $0x1  }
0x99: {  	s20 =	simm.s32 $_scs_section_size  }
0x9a: {  	s4 =	simm.s32 $_size__tile_overlayer_lowered;
	s5 =	simm.s32 $_tile_overlayer_lowered  }
0x9b: {  	s6 =	simm.s32 $0x1BFF;
	s21 =	sshll.u32 s5, $0x1;
	s3 =	sadd.s32 s20, s19  }
0x9c: {  	s22 =	simm.s32 $0x0;
	s4 =	sshll.u32 s4, $0x1;
	s5 =	sadd.s32 s21, s3  }
0x9d: {  	[timem:s22], [sflag:s6] =	dma.local [hbm:s5], s4  }
0x9e: {  	_ =	swait.ge [sflag:s6], s4  }
0x9f: {  	s4 =	ssub.s32 $0x0, s4;
	[sflag:s6] =	ssyncset.done $0x0  }
0xa0: {  	[sflag:s6] =	ssyncadd.s32 s4;
	_ =	sdelay $0x1  }
0xa1: {  	s23 =	simm.s32 $0x1B8B  }
0xa2: {  	_ =	swait.ge [sflag:s23], $0x1  }
0xa3: {  	[sflag:s23] =	ssyncset.done $0x0  }
0xa4: {  	[sflag:s23] =	ssyncadd.s32 $0xFFFFFFFF  }
0xa5: {  	s4 =	sld [smem:$0x0]  }
0xa6: {  	s5 =	sand.u32 $0xFFFFFFFE, s1  }
0xa7: {  	p0 =	sne.s32 s1, s5  }
0xa8: {  	s5 =	sshll.u32 @p0 s5, $0xE  }
0xa9: {  	s5 =	sadd.s32 @p0 $0x11B8D, s5;
	s6 =	sshll.u32 @p0 s4, $0x11  }
0xaa: {  	s5 =	sor.u32 @p0 s6, s5  }
0xab: {  	[sflag:s5] =	ssyncadd.remote.s32 @p0 $0x1;
	_ =	sdelay $0x1  }
0xac: {  	s5 =	simm.s32 @p0 $0x1B8D  }
0xad: {  	_ =	swait.eq @p0 [sflag:s5], $0x1  }
0xae: {  	[sflag:s5] =	ssyncadd.s32 @p0 $0xFFFFFFFF  }
0xaf: {  	s6 =	sshll.u32 @!p0 s1, $0xE  }
0xb0: {  	s6 =	sor.u32 @!p0 $0x4000, s6;
	s5 =	simm.s32 @!p0 $0x1B8D  }
0xb1: {  	s4 =	sshll.u32 @!p0 s4, $0x11;
	s6 =	sadd.s32 @!p0 $0x11B8D, s6;
	_ =	swait.eq @!p0 [sflag:s5], $0x1  }
0xb2: {  	s4 =	sor.u32 @!p0 s4, s6;
	[sflag:s5] =	ssyncadd.s32 @!p0 $0xFFFFFFFF  }
0xb3: {  	s25 =	simm.s32 $0x1B8E;
	s24 =	sld [smem:$0x3FFE];
	[sflag:s4] =	ssyncadd.remote.s32 @!p0 $0x1  }
0xb4: {  	s26 =	simm.s32 $execute0_lowered;
	[smem:$0x3FD2] =	sst s25  }
0xb5: {  	s5 =	sshll.u32 s26, $0x1;
	_ =	strace $0x80000049;
	[dreg:$0x1] =	wrdreg $0xFFFFFFFF  }
0xb6: {  	s28 =	simm.s32 $_size_execute0_lowered;
	s3 =	sadd.s32 s3, s5;
	[dreg:$0x0] =	wrdreg $0x0  }
0xb7: {  	s5 =	sshll.u32 s28, $0x1;
	[dreg:$0x2] =	wrdreg s3  }
0xb8: {  	[dreg:$0x3] =	wrdreg s5  }
0xb9: {  	[dreg:$0x4] =	wrdreg $0xC0  }
0xba: {  	_ =	task [dreg:s22], $0x5FFFF  }
0xbb: {  	[dreg:$0x1] =	wrdreg $0xFFFFFFFF  }
0xbc: {  	[dreg:$0x0] =	wrdreg $0x60  }
0xbd: {  	[dreg:$0x2] =	wrdreg s24  }
0xbe: {  	[dreg:$0x3] =	wrdreg $0x9  }
0xbf: {  	_ =	task.clear_ibuf [dreg:s22], $0x4FFFF;
	_ =	strace $0x90000049  }
0xc0: {  	s29 =	simm.s32 $0x9;
	_ =	strace $0x8000004B  }
0xc1: {  	_ =	swait.ge [sflag:s29], $0x1  }
0xc2: {  	[sflag:s29] =	ssyncadd.s32 $0xFFFFFFFF  }
0xc3: {  	_ =	strace $0x9000004B  }
0xc4: {  	_ =	sfence  }
0xc5: {  	s30 =	sld [smem:$0x0];
	_ =	sdelay $0x2  }
0xc6: {  	s31 =	sshll.u32 s1, $0xD;
	s1 =	sshrl.u32 s1, $0x2  }
0xc7: {  	s4 =	sand.u32 $0x4000, s31;
	s1 =	sadd.s32 s1, s30  }
0xc8: {  	s0 =	sor.u32 s4, s0;
	s1 =	sshll.u32 s1, $0x11  }
0xc9: {  	s0 =	sor.u32 s1, s0  }
0xca: {  	s0 =	sadd.s32 $0x8F2B, s0  }
0xcb: {  	[sflag:s0] =	ssyncadd.remote.s32 $0x1  }
0xcc: {  	_ =	sfence.sel $0xFFFF  }
0xcd: {  	[dreg:$0x0] =	wrdreg $0xFFFFFFFF;
	(pc) =	sbr.abs _section_cstart, $3  }
0xce: {  	[dreg:$0x1] =	wrdreg $0xFFFFFFFF  }
0xcf: {  	_ =	task.clear_ibuf [dreg:s22], $0x2FFFF;
	_ =	strace $0x9FFFFFFF  }
0xd0: {  	(tm) =	ssettm $0x7FFFFFFF  }
0xd1: {  	_ =	shalt  }
tec
execute0_lowered:
.L_overlay_start_1:
0x0: {  	(tag) =	ssettag $0x1  }
0x1: {  	s0 =	rddreg [dreg:$0x0]  }
0x2: {  	s1 =	simm.s32 $0x0;
	s2 =	srdreg.scid;
	s5 =	stileid.u32  }
0x3: {  	s14 =	simm.s32 $0x1;
	s16 =	simm.s32 $0x880;
	s17 =	simm.s32 $0x1080  }
0x4: {  	s18 =	simm.s32 $0x1880;
	s19 =	simm.s32 $0x2080;
	s20 =	simm.s32 $0x2880  }
0x5: {  	s21 =	simm.s32 $0x3080;
	s28 =	simm.s32 $0x6080;
	s29 =	simm.s32 $0x6880  }
0x6: {  	s30 =	simm.s32 $0x7080;
	s31 =	simm.s32 $0x7880;
	s9 =	simm.s32 $0x9880  }
0x7: {  	s10 =	simm.s32 $0xA080;
	s11 =	simm.s32 $0xA880;
	s12 =	simm.s32 $0xB080  }
0x8: {  	s13 =	simm.s32 $0xB880;
	[smem:$0x7FF] =	sst s1;
	s3 =	sadd.s32 $0x4B000, s0  }
0x9: {  	s2 =	sand.u32 $0x1, s2;
	s5 =	sshll.u32 s5, $0x9;
	s6 =	sadd.s32 $0xDB000, s0  }
0xa: {  	s22 =	sadd.s32 $0xDB400, s0;
	s4 =	ssub.s32 $0x2, s2;
	s2 =	sshll.u32 s2, $0x8  }
0xb: {  	_ =	strace $0x8000004A;
	s7 =	sshrl.u32 s4, $0x1;
	s2 =	sor.u32 s2, s5  }
0xc: {  	s7 =	ssub.s32 s4, s7;
	s23 =	sshrl.u32 s2, $0x3;
	s8 =	sshll.u32 s2, $0x6  }
0xd: {  	s2 =	sor.u32 $0x80, s2;
	s4 =	sadd.s32 s6, s23;
	s24 =	sadd.s32 s22, s8  }
0xe: {  	s25 =	sshrl.u32 s2, $0x3;
	s2 =	sshll.u32 s2, $0x6;
	s5 =	smax.u32 s7, $0x1  }
0xf: {  	s23 =	simm.s32 $0x4080;
	s8 =	simm.s32 $0x9080;
	[dreg:$0x2] =	wrdreg s4  }
0x10: {  	s7 =	simm.s32 $0xC080;
	[dreg:$0x3] =	wrdreg s24;
	s6 =	sadd.s32 s6, s25  }
0x11: {  	v2 =	vlaneseq.u32;
	s4 =	sadd.s32 $0x4B100, s0;
	s26 =	sadd.s32 s22, s2;
	s22 =	simm.s32 $0x3880  }
0x12: {  	vm0 =	vmmov $0xffff;
	v1 =	vshrl.u32 v2, $0x3;
	s24 =	simm.s32 $0x4880;
	s25 =	simm.s32 $0x5080;
	[dreg:$0x4] =	wrdreg s6  }
0x13: {  	v0 =	vand.u32 $0x7, v2;
	v2 =	vor.u32 $0x8, v2;
	v1 =	vmul.u32 $0x8, v1;
	[dreg:$0x5] =	wrdreg s26;
	s6 =	simm.s32 $0x2;
	s26 =	simm.s32 $0x5880  }
.LBB2_1:
0x14: {  	s15 =	rddreg [dreg:$0x2]  }
0x15: {  	[tilespmem:s1], [sflag:$0x2] =	stream.linear.gather [hbm4b:s15+s1], $0x80, $0x38;
	[tilespmem:$0x10080] =	vst v63  }
0x16: {  	_ =	swait.ge [sflag:s6], $0x80  }
0x17: {  	[sflag:s6] =	ssyncset.done $0x0  }
0x18: {  	[sflag:s6] =	ssyncadd.s32 $0xFFFFFF80  }
0x19: {  	v3 =	vld [tilespmem:$0x0];
	_ =	sdelay $0x4  }
0x1a: {  	v4 =	vshll.u32 v3, $0x2  }
0x1b: {  	v3 =	vand.u32 $0x7, v3;
	v4 =	vand.u32 $0xFFFFFFE0, v4  }
0x1c: {  	v3 =	vor.u32 v3, v4  }
0x1d: {  	v4 =	vperm.xlane v3, v0;
	_ =	sdelay $0x1  }
0x1e: {  	v4 =	vadd.s32 v1, v4;
	_ =	sdelay $0x1  }
0x1f: {  	v3 =	vperm.xlane v3, v2;
	_ =	sdelay $0x1  }
0x20: {  	s0 =	simm.s32 $0x80;
	v3 =	vadd.s32 v1, v3  }
0x21: {  	[tilespmem:s0], [sflag:$0x1] =	stream.indirect_vreg.gather [hbm4b:s3+s1], $0x80, v4, vm0, $0xb8;
	[tilespmem:$0x10080] =	vst v63  }
0x22: {  	_ = 	snop  }
0x23: {  	[tilespmem:s16], [sflag:$0x1] =	stream.indirect_vreg.gather [hbm4b:s4+s1], $0x80, v4, vm0, $0xb8;
	[tilespmem:$0x10080] =	vst v63  }
0x24: {  	_ = 	snop  }
0x25: {  	[tilespmem:s17], [sflag:$0x1] =	stream.indirect_vreg.gather [hbm4b:s3+s1], $0x80, v3, vm0, $0xb8;
	[tilespmem:$0x10080] =	vst v63  }
0x26: {  	_ = 	snop  }
0x27: {  	[tilespmem:s18], [sflag:$0x1] =	stream.indirect_vreg.gather [hbm4b:s4+s1], $0x80, v3, vm0, $0xb8;
	[tilespmem:$0x10080] =	vst v63  }
0x28: {  	v3 =	vld [tilespmem:$0x10];
	_ =	sdelay $0x4  }
0x29: {  	v49 =	vshll.u32 v3, $0x2  }
0x2a: {  	v3 =	vand.u32 $0x7, v3;
	v4 =	vand.u32 $0xFFFFFFE0, v49  }
0x2b: {  	v3 =	vor.u32 v3, v4  }
0x2c: {  	v4 =	vperm.xlane v3, v0;
	_ =	sdelay $0x1  }
0x2d: {  	v4 =	vadd.s32 v1, v4;
	_ =	sdelay $0x1  }
0x2e: {  	v3 =	vperm.xlane v3, v2;
	_ =	sdelay $0x1  }
0x2f: {  	v3 =	vadd.s32 v1, v3  }
0x30: {  	[tilespmem:s19], [sflag:$0x1] =	stream.indirect_vreg.gather [hbm4b:s3+s1], $0x80, v4, vm0, $0xb8;
	[tilespmem:$0x10080] =	vst v63  }
0x31: {  	_ = 	snop  }
0x32: {  	[tilespmem:s20], [sflag:$0x1] =	stream.indirect_vreg.gather [hbm4b:s4+s1], $0x80, v4, vm0, $0xb8;
	[tilespmem:$0x10080] =	vst v63  }
0x33: {  	_ = 	snop  }
0x34: {  	[tilespmem:s21], [sflag:$0x1] =	stream.indirect_vreg.gather [hbm4b:s3+s1], $0x80, v3, vm0, $0xb8;
	[tilespmem:$0x10080] =	vst v63  }
0x35: {  	_ = 	snop  }
0x36: {  	[tilespmem:s22], [sflag:$0x1] =	stream.indirect_vreg.gather [hbm4b:s4+s1], $0x80, v3, vm0, $0xb8;
	[tilespmem:$0x10080] =	vst v63  }
0x37: {  	v3 =	vld [tilespmem:$0x20];
	_ =	sdelay $0x4  }
0x38: {  	v50 =	vshll.u32 v3, $0x2  }
0x39: {  	v3 =	vand.u32 $0x7, v3;
	v4 =	vand.u32 $0xFFFFFFE0, v50  }
0x3a: {  	v3 =	vor.u32 v3, v4  }
0x3b: {  	v4 =	vperm.xlane v3, v0;
	_ =	sdelay $0x1  }
0x3c: {  	v4 =	vadd.s32 v1, v4;
	_ =	sdelay $0x1  }
0x3d: {  	v3 =	vperm.xlane v3, v2;
	_ =	sdelay $0x1  }
0x3e: {  	v3 =	vadd.s32 v1, v3  }
0x3f: {  	[tilespmem:s23], [sflag:$0x1] =	stream.indirect_vreg.gather [hbm4b:s3+s1], $0x80, v4, vm0, $0xb8;
	[tilespmem:$0x10080] =	vst v63  }
0x40: {  	_ = 	snop  }
0x41: {  	[tilespmem:s24], [sflag:$0x1] =	stream.indirect_vreg.gather [hbm4b:s4+s1], $0x80, v4, vm0, $0xb8;
	[tilespmem:$0x10080] =	vst v63  }
0x42: {  	_ = 	snop  }
0x43: {  	[tilespmem:s25], [sflag:$0x1] =	stream.indirect_vreg.gather [hbm4b:s3+s1], $0x80, v3, vm0, $0xb8;
	[tilespmem:$0x10080] =	vst v63  }
0x44: {  	_ = 	snop  }
0x45: {  	[tilespmem:s26], [sflag:$0x1] =	stream.indirect_vreg.gather [hbm4b:s4+s1], $0x80, v3, vm0, $0xb8;
	[tilespmem:$0x10080] =	vst v63  }
0x46: {  	v3 =	vld [tilespmem:$0x30];
	_ =	sdelay $0x4  }
0x47: {  	v51 =	vshll.u32 v3, $0x2  }
0x48: {  	v3 =	vand.u32 $0x7, v3;
	v4 =	vand.u32 $0xFFFFFFE0, v51  }
0x49: {  	v3 =	vor.u32 v3, v4  }
0x4a: {  	v4 =	vperm.xlane v3, v0;
	_ =	sdelay $0x1  }
0x4b: {  	v4 =	vadd.s32 v1, v4;
	_ =	sdelay $0x1  }
0x4c: {  	v3 =	vperm.xlane v3, v2;
	_ =	sdelay $0x1  }
0x4d: {  	v3 =	vadd.s32 v1, v3  }
0x4e: {  	[tilespmem:s28], [sflag:$0x1] =	stream.indirect_vreg.gather [hbm4b:s3+s1], $0x80, v4, vm0, $0xb8;
	[tilespmem:$0x10080] =	vst v63  }
0x4f: {  	_ = 	snop  }
0x50: {  	[tilespmem:s29], [sflag:$0x1] =	stream.indirect_vreg.gather [hbm4b:s4+s1], $0x80, v4, vm0, $0xb8;
	[tilespmem:$0x10080] =	vst v63  }
0x51: {  	_ = 	snop  }
0x52: {  	[tilespmem:s30], [sflag:$0x1] =	stream.indirect_vreg.gather [hbm4b:s3+s1], $0x80, v3, vm0, $0xb8;
	[tilespmem:$0x10080] =	vst v63  }
0x53: {  	_ = 	snop  }
0x54: {  	[tilespmem:s31], [sflag:$0x1] =	stream.indirect_vreg.gather [hbm4b:s4+s1], $0x80, v3, vm0, $0xb8;
	[tilespmem:$0x10080] =	vst v63  }
0x55: {  	v3 =	vld [tilespmem:$0x40];
	_ =	sdelay $0x4  }
0x56: {  	v52 =	vshll.u32 v3, $0x2  }
0x57: {  	v3 =	vand.u32 $0x7, v3;
	v4 =	vand.u32 $0xFFFFFFE0, v52  }
0x58: {  	v3 =	vor.u32 v3, v4  }
0x59: {  	v4 =	vperm.xlane v3, v0;
	_ =	sdelay $0x1  }
0x5a: {  	v4 =	vadd.s32 v1, v4;
	_ =	sdelay $0x1  }
0x5b: {  	v3 =	vperm.xlane v3, v2;
	_ =	sdelay $0x1  }
0x5c: {  	s2 =	simm.s32 $0x8080;
	v3 =	vadd.s32 v1, v3  }
0x5d: {  	[tilespmem:s2], [sflag:$0x1] =	stream.indirect_vreg.gather [hbm4b:s3+s1], $0x80, v4, vm0, $0xb8;
	[tilespmem:$0x10080] =	vst v63  }
0x5e: {  	s2 =	simm.s32 $0x8880  }
0x5f: {  	[tilespmem:s2], [sflag:$0x1] =	stream.indirect_vreg.gather [hbm4b:s4+s1], $0x80, v4, vm0, $0xb8;
	[tilespmem:$0x10080] =	vst v63  }
0x60: {  	_ = 	snop  }
0x61: {  	[tilespmem:s8], [sflag:$0x1] =	stream.indirect_vreg.gather [hbm4b:s3+s1], $0x80, v3, vm0, $0xb8;
	[tilespmem:$0x10080] =	vst v63  }
0x62: {  	_ = 	snop  }
0x63: {  	[tilespmem:s9], [sflag:$0x1] =	stream.indirect_vreg.gather [hbm4b:s4+s1], $0x80, v3, vm0, $0xb8;
	[tilespmem:$0x10080] =	vst v63  }
0x64: {  	v3 =	vld [tilespmem:$0x50];
	_ =	sdelay $0x4  }
0x65: {  	v53 =	vshll.u32 v3, $0x2  }
0x66: {  	v3 =	vand.u32 $0x7, v3;
	v4 =	vand.u32 $0xFFFFFFE0, v53  }
0x67: {  	v3 =	vor.u32 v3, v4  }
0x68: {  	v4 =	vperm.xlane v3, v0;
	_ =	sdelay $0x1  }
0x69: {  	v4 =	vadd.s32 v1, v4;
	_ =	sdelay $0x1  }
0x6a: {  	v3 =	vperm.xlane v3, v2;
	_ =	sdelay $0x1  }
0x6b: {  	v3 =	vadd.s32 v1, v3  }
0x6c: {  	[tilespmem:s10], [sflag:$0x1] =	stream.indirect_vreg.gather [hbm4b:s3+s1], $0x80, v4, vm0, $0xb8;
	[tilespmem:$0x10080] =	vst v63  }
0x6d: {  	_ = 	snop  }
0x6e: {  	[tilespmem:s11], [sflag:$0x1] =	stream.indirect_vreg.gather [hbm4b:s4+s1], $0x80, v4, vm0, $0xb8;
	[tilespmem:$0x10080] =	vst v63  }
0x6f: {  	_ = 	snop  }
0x70: {  	[tilespmem:s12], [sflag:$0x1] =	stream.indirect_vreg.gather [hbm4b:s3+s1], $0x80, v3, vm0, $0xb8;
	[tilespmem:$0x10080] =	vst v63  }
0x71: {  	_ = 	snop  }
0x72: {  	[tilespmem:s13], [sflag:$0x1] =	stream.indirect_vreg.gather [hbm4b:s4+s1], $0x80, v3, vm0, $0xb8;
	[tilespmem:$0x10080] =	vst v63  }
0x73: {  	v3 =	vld [tilespmem:$0x60];
	_ =	sdelay $0x4  }
0x74: {  	v54 =	vshll.u32 v3, $0x2  }
0x75: {  	v3 =	vand.u32 $0x7, v3;
	v4 =	vand.u32 $0xFFFFFFE0, v54  }
0x76: {  	v3 =	vor.u32 v3, v4  }
0x77: {  	v4 =	vperm.xlane v3, v0;
	_ =	sdelay $0x1  }
0x78: {  	v4 =	vadd.s32 v1, v4;
	_ =	sdelay $0x1  }
0x79: {  	v3 =	vperm.xlane v3, v2;
	_ =	sdelay $0x1  }
0x7a: {  	v3 =	vadd.s32 v1, v3  }
0x7b: {  	[tilespmem:s7], [sflag:$0x1] =	stream.indirect_vreg.gather [hbm4b:s3+s1], $0x80, v4, vm0, $0xb8;
	[tilespmem:$0x10080] =	vst v63  }
0x7c: {  	s15 =	simm.s32 $0xC880  }
0x7d: {  	[tilespmem:s15], [sflag:$0x1] =	stream.indirect_vreg.gather [hbm4b:s4+s1], $0x80, v4, vm0, $0xb8;
	[tilespmem:$0x10080] =	vst v63  }
0x7e: {  	s15 =	simm.s32 $0xD080  }
0x7f: {  	[tilespmem:s15], [sflag:$0x1] =	stream.indirect_vreg.gather [hbm4b:s3+s1], $0x80, v3, vm0, $0xb8;
	[tilespmem:$0x10080] =	vst v63  }
0x80: {  	s15 =	simm.s32 $0xD880  }
0x81: {  	[tilespmem:s15], [sflag:$0x1] =	stream.indirect_vreg.gather [hbm4b:s4+s1], $0x80, v3, vm0, $0xb8;
	[tilespmem:$0x10080] =	vst v63  }
0x82: {  	v3 =	vld [tilespmem:$0x70];
	_ =	sdelay $0x4  }
0x83: {  	v55 =	vshll.u32 v3, $0x2  }
0x84: {  	v3 =	vand.u32 $0x7, v3;
	v4 =	vand.u32 $0xFFFFFFE0, v55  }
0x85: {  	v3 =	vor.u32 v3, v4  }
0x86: {  	v4 =	vperm.xlane v3, v0;
	_ =	sdelay $0x1  }
0x87: {  	v4 =	vadd.s32 v1, v4;
	_ =	sdelay $0x1  }
0x88: {  	v3 =	vperm.xlane v3, v2;
	_ =	sdelay $0x1  }
0x89: {  	s15 =	simm.s32 $0xE080;
	v3 =	vadd.s32 v1, v3  }
0x8a: {  	[tilespmem:s15], [sflag:$0x1] =	stream.indirect_vreg.gather [hbm4b:s3+s1], $0x80, v4, vm0, $0xb8;
	[tilespmem:$0x10080] =	vst v63  }
0x8b: {  	s15 =	simm.s32 $0xE880  }
0x8c: {  	[tilespmem:s15], [sflag:$0x1] =	stream.indirect_vreg.gather [hbm4b:s4+s1], $0x80, v4, vm0, $0xb8;
	[tilespmem:$0x10080] =	vst v63  }
0x8d: {  	s15 =	simm.s32 $0xF080  }
0x8e: {  	[tilespmem:s15], [sflag:$0x1] =	stream.indirect_vreg.gather [hbm4b:s3+s1], $0x80, v3, vm0, $0xb8;
	[tilespmem:$0x10080] =	vst v63  }
0x8f: {  	s15 =	simm.s32 $0xF880  }
0x90: {  	[tilespmem:s15], [sflag:$0x1] =	stream.indirect_vreg.gather [hbm4b:s4+s1], $0x80, v3, vm0, $0xb8;
	[tilespmem:$0x10080] =	vst v63  }
0x91: {  	_ =	swait.ge [sflag:s14], $0x10000  }
0x92: {  	[sflag:s14] =	ssyncset.done $0x0  }
0x93: {  	s0 =	simm.s32 $0x80;
	s15 =	rddreg [dreg:$0x3];
	[sflag:s14] =	ssyncadd.s32 $0xFFFF0000  }
0x94: {  	[hbm4b:s15+s1] =	stream.linear.scatter [tilespmem:s0], [sflag:$0x2], $0x10000, $0x38;
	[tilespmem:$0x10080] =	vst v63  }
0x95: {  	_ =	swait.ge [sflag:s6], $0x10000  }
0x96: {  	[sflag:s6] =	ssyncset.done $0x0  }
0x97: {  	s15 =	rddreg [dreg:$0x4];
	[sflag:s6] =	ssyncadd.s32 $0xFFFF0000  }
0x98: {  	[tilespmem:s1], [sflag:$0x2] =	stream.linear.gather [hbm4b:s15+s1], $0x80, $0x38;
	[tilespmem:$0x10080] =	vst v63  }
0x99: {  	_ =	swait.ge [sflag:s6], $0x80  }
0x9a: {  	[sflag:s6] =	ssyncset.done $0x0  }
0x9b: {  	[sflag:s6] =	ssyncadd.s32 $0xFFFFFF80  }
0x9c: {  	v3 =	vld [tilespmem:$0x0];
	_ =	sdelay $0x4  }
0x9d: {  	v56 =	vshll.u32 v3, $0x2  }
0x9e: {  	v3 =	vand.u32 $0x7, v3;
	v4 =	vand.u32 $0xFFFFFFE0, v56  }
0x9f: {  	v3 =	vor.u32 v3, v4  }
0xa0: {  	v4 =	vperm.xlane v3, v0;
	_ =	sdelay $0x1  }
0xa1: {  	v4 =	vadd.s32 v1, v4;
	_ =	sdelay $0x1  }
0xa2: {  	v3 =	vperm.xlane v3, v2;
	_ =	sdelay $0x1  }
0xa3: {  	v3 =	vadd.s32 v1, v3  }
0xa4: {  	[tilespmem:s0], [sflag:$0x1] =	stream.indirect_vreg.gather [hbm4b:s3+s1], $0x80, v4, vm0, $0xb8;
	[tilespmem:$0x10080] =	vst v63  }
0xa5: {  	_ = 	snop  }
0xa6: {  	[tilespmem:s16], [sflag:$0x1] =	stream.indirect_vreg.gather [hbm4b:s4+s1], $0x80, v4, vm0, $0xb8;
	[tilespmem:$0x10080] =	vst v63  }
0xa7: {  	_ = 	snop  }
0xa8: {  	[tilespmem:s17], [sflag:$0x1] =	stream.indirect_vreg.gather [hbm4b:s3+s1], $0x80, v3, vm0, $0xb8;
	[tilespmem:$0x10080] =	vst v63  }
0xa9: {  	_ = 	snop  }
0xaa: {  	[tilespmem:s18], [sflag:$0x1] =	stream.indirect_vreg.gather [hbm4b:s4+s1], $0x80, v3, vm0, $0xb8;
	[tilespmem:$0x10080] =	vst v63  }
0xab: {  	v3 =	vld [tilespmem:$0x10];
	_ =	sdelay $0x4  }
0xac: {  	v57 =	vshll.u32 v3, $0x2  }
0xad: {  	v3 =	vand.u32 $0x7, v3;
	v4 =	vand.u32 $0xFFFFFFE0, v57  }
0xae: {  	v3 =	vor.u32 v3, v4  }
0xaf: {  	v4 =	vperm.xlane v3, v0;
	_ =	sdelay $0x1  }
0xb0: {  	v4 =	vadd.s32 v1, v4;
	_ =	sdelay $0x1  }
0xb1: {  	v3 =	vperm.xlane v3, v2;
	_ =	sdelay $0x1  }
0xb2: {  	v3 =	vadd.s32 v1, v3  }
0xb3: {  	[tilespmem:s19], [sflag:$0x1] =	stream.indirect_vreg.gather [hbm4b:s3+s1], $0x80, v4, vm0, $0xb8;
	[tilespmem:$0x10080] =	vst v63  }
0xb4: {  	_ = 	snop  }
0xb5: {  	[tilespmem:s20], [sflag:$0x1] =	stream.indirect_vreg.gather [hbm4b:s4+s1], $0x80, v4, vm0, $0xb8;
	[tilespmem:$0x10080] =	vst v63  }
0xb6: {  	_ = 	snop  }
0xb7: {  	[tilespmem:s21], [sflag:$0x1] =	stream.indirect_vreg.gather [hbm4b:s3+s1], $0x80, v3, vm0, $0xb8;
	[tilespmem:$0x10080] =	vst v63  }
0xb8: {  	_ = 	snop  }
0xb9: {  	[tilespmem:s22], [sflag:$0x1] =	stream.indirect_vreg.gather [hbm4b:s4+s1], $0x80, v3, vm0, $0xb8;
	[tilespmem:$0x10080] =	vst v63  }
0xba: {  	v3 =	vld [tilespmem:$0x20];
	_ =	sdelay $0x4  }
0xbb: {  	v58 =	vshll.u32 v3, $0x2  }
0xbc: {  	v3 =	vand.u32 $0x7, v3;
	v4 =	vand.u32 $0xFFFFFFE0, v58  }
0xbd: {  	v3 =	vor.u32 v3, v4  }
0xbe: {  	v4 =	vperm.xlane v3, v0;
	_ =	sdelay $0x1  }
0xbf: {  	v4 =	vadd.s32 v1, v4;
	_ =	sdelay $0x1  }
0xc0: {  	v3 =	vperm.xlane v3, v2;
	_ =	sdelay $0x1  }
0xc1: {  	v3 =	vadd.s32 v1, v3  }
0xc2: {  	[tilespmem:s23], [sflag:$0x1] =	stream.indirect_vreg.gather [hbm4b:s3+s1], $0x80, v4, vm0, $0xb8;
	[tilespmem:$0x10080] =	vst v63  }
0xc3: {  	_ = 	snop  }
0xc4: {  	[tilespmem:s24], [sflag:$0x1] =	stream.indirect_vreg.gather [hbm4b:s4+s1], $0x80, v4, vm0, $0xb8;
	[tilespmem:$0x10080] =	vst v63  }
0xc5: {  	_ = 	snop  }
0xc6: {  	[tilespmem:s25], [sflag:$0x1] =	stream.indirect_vreg.gather [hbm4b:s3+s1], $0x80, v3, vm0, $0xb8;
	[tilespmem:$0x10080] =	vst v63  }
0xc7: {  	_ = 	snop  }
0xc8: {  	[tilespmem:s26], [sflag:$0x1] =	stream.indirect_vreg.gather [hbm4b:s4+s1], $0x80, v3, vm0, $0xb8;
	[tilespmem:$0x10080] =	vst v63  }
0xc9: {  	v3 =	vld [tilespmem:$0x30];
	_ =	sdelay $0x4  }
0xca: {  	v59 =	vshll.u32 v3, $0x2  }
0xcb: {  	v3 =	vand.u32 $0x7, v3;
	v4 =	vand.u32 $0xFFFFFFE0, v59  }
0xcc: {  	v3 =	vor.u32 v3, v4  }
0xcd: {  	v4 =	vperm.xlane v3, v0;
	_ =	sdelay $0x1  }
0xce: {  	v4 =	vadd.s32 v1, v4;
	_ =	sdelay $0x1  }
0xcf: {  	v3 =	vperm.xlane v3, v2;
	_ =	sdelay $0x1  }
0xd0: {  	v3 =	vadd.s32 v1, v3  }
0xd1: {  	[tilespmem:s28], [sflag:$0x1] =	stream.indirect_vreg.gather [hbm4b:s3+s1], $0x80, v4, vm0, $0xb8;
	[tilespmem:$0x10080] =	vst v63  }
0xd2: {  	_ = 	snop  }
0xd3: {  	[tilespmem:s29], [sflag:$0x1] =	stream.indirect_vreg.gather [hbm4b:s4+s1], $0x80, v4, vm0, $0xb8;
	[tilespmem:$0x10080] =	vst v63  }
0xd4: {  	_ = 	snop  }
0xd5: {  	[tilespmem:s30], [sflag:$0x1] =	stream.indirect_vreg.gather [hbm4b:s3+s1], $0x80, v3, vm0, $0xb8;
	[tilespmem:$0x10080] =	vst v63  }
0xd6: {  	_ = 	snop  }
0xd7: {  	[tilespmem:s31], [sflag:$0x1] =	stream.indirect_vreg.gather [hbm4b:s4+s1], $0x80, v3, vm0, $0xb8;
	[tilespmem:$0x10080] =	vst v63  }
0xd8: {  	v3 =	vld [tilespmem:$0x40];
	_ =	sdelay $0x4  }
0xd9: {  	v60 =	vshll.u32 v3, $0x2  }
0xda: {  	v3 =	vand.u32 $0x7, v3;
	v4 =	vand.u32 $0xFFFFFFE0, v60  }
0xdb: {  	v3 =	vor.u32 v3, v4  }
0xdc: {  	v4 =	vperm.xlane v3, v0;
	_ =	sdelay $0x1  }
0xdd: {  	v4 =	vadd.s32 v1, v4;
	_ =	sdelay $0x1  }
0xde: {  	v3 =	vperm.xlane v3, v2;
	_ =	sdelay $0x1  }
0xdf: {  	s15 =	simm.s32 $0x8080;
	v3 =	vadd.s32 v1, v3  }
0xe0: {  	[tilespmem:s15], [sflag:$0x1] =	stream.indirect_vreg.gather [hbm4b:s3+s1], $0x80, v4, vm0, $0xb8;
	[tilespmem:$0x10080] =	vst v63  }
0xe1: {  	_ = 	snop  }
0xe2: {  	[tilespmem:s2], [sflag:$0x1] =	stream.indirect_vreg.gather [hbm4b:s4+s1], $0x80, v4, vm0, $0xb8;
	[tilespmem:$0x10080] =	vst v63  }
0xe3: {  	_ = 	snop  }
0xe4: {  	[tilespmem:s8], [sflag:$0x1] =	stream.indirect_vreg.gather [hbm4b:s3+s1], $0x80, v3, vm0, $0xb8;
	[tilespmem:$0x10080] =	vst v63  }
0xe5: {  	_ = 	snop  }
0xe6: {  	[tilespmem:s9], [sflag:$0x1] =	stream.indirect_vreg.gather [hbm4b:s4+s1], $0x80, v3, vm0, $0xb8;
	[tilespmem:$0x10080] =	vst v63  }
0xe7: {  	v3 =	vld [tilespmem:$0x50];
	_ =	sdelay $0x4  }
0xe8: {  	v61 =	vshll.u32 v3, $0x2  }
0xe9: {  	v3 =	vand.u32 $0x7, v3;
	v4 =	vand.u32 $0xFFFFFFE0, v61  }
0xea: {  	v3 =	vor.u32 v3, v4  }
0xeb: {  	v4 =	vperm.xlane v3, v0;
	_ =	sdelay $0x1  }
0xec: {  	v4 =	vadd.s32 v1, v4;
	_ =	sdelay $0x1  }
0xed: {  	v3 =	vperm.xlane v3, v2;
	_ =	sdelay $0x1  }
0xee: {  	v3 =	vadd.s32 v1, v3  }
0xef: {  	[tilespmem:s10], [sflag:$0x1] =	stream.indirect_vreg.gather [hbm4b:s3+s1], $0x80, v4, vm0, $0xb8;
	[tilespmem:$0x10080] =	vst v63  }
0xf0: {  	_ = 	snop  }
0xf1: {  	[tilespmem:s11], [sflag:$0x1] =	stream.indirect_vreg.gather [hbm4b:s4+s1], $0x80, v4, vm0, $0xb8;
	[tilespmem:$0x10080] =	vst v63  }
0xf2: {  	_ = 	snop  }
0xf3: {  	[tilespmem:s12], [sflag:$0x1] =	stream.indirect_vreg.gather [hbm4b:s3+s1], $0x80, v3, vm0, $0xb8;
	[tilespmem:$0x10080] =	vst v63  }
0xf4: {  	_ = 	snop  }
0xf5: {  	[tilespmem:s13], [sflag:$0x1] =	stream.indirect_vreg.gather [hbm4b:s4+s1], $0x80, v3, vm0, $0xb8;
	[tilespmem:$0x10080] =	vst v63  }
0xf6: {  	v3 =	vld [tilespmem:$0x60];
	_ =	sdelay $0x4  }
0xf7: {  	v62 =	vshll.u32 v3, $0x2  }
0xf8: {  	v3 =	vand.u32 $0x7, v3;
	v4 =	vand.u32 $0xFFFFFFE0, v62  }
0xf9: {  	v3 =	vor.u32 v3, v4  }
0xfa: {  	v4 =	vperm.xlane v3, v0;
	_ =	sdelay $0x1  }
0xfb: {  	v4 =	vadd.s32 v1, v4;
	_ =	sdelay $0x1  }
0xfc: {  	v3 =	vperm.xlane v3, v2;
	_ =	sdelay $0x1  }
0xfd: {  	v3 =	vadd.s32 v1, v3  }
0xfe: {  	[tilespmem:s7], [sflag:$0x1] =	stream.indirect_vreg.gather [hbm4b:s3+s1], $0x80, v4, vm0, $0xb8;
	[tilespmem:$0x10080] =	vst v63  }
0xff: {  	s15 =	simm.s32 $0xC880  }
0x100: {  	[tilespmem:s15], [sflag:$0x1] =	stream.indirect_vreg.gather [hbm4b:s4+s1], $0x80, v4, vm0, $0xb8;
	[tilespmem:$0x10080] =	vst v63  }
0x101: {  	s15 =	simm.s32 $0xD080  }
0x102: {  	[tilespmem:s15], [sflag:$0x1] =	stream.indirect_vreg.gather [hbm4b:s3+s1], $0x80, v3, vm0, $0xb8;
	[tilespmem:$0x10080] =	vst v63  }
0x103: {  	s15 =	simm.s32 $0xD880  }
0x104: {  	[tilespmem:s15], [sflag:$0x1] =	stream.indirect_vreg.gather [hbm4b:s4+s1], $0x80, v3, vm0, $0xb8;
	[tilespmem:$0x10080] =	vst v63  }
0x105: {  	v3 =	vld [tilespmem:$0x70];
	_ =	sdelay $0x4  }
0x106: {  	v63 =	vshll.u32 v3, $0x2  }
0x107: {  	v3 =	vand.u32 $0x7, v3;
	v4 =	vand.u32 $0xFFFFFFE0, v63  }
0x108: {  	v3 =	vor.u32 v3, v4  }
0x109: {  	v4 =	vperm.xlane v3, v0;
	_ =	sdelay $0x1  }
0x10a: {  	v4 =	vadd.s32 v1, v4;
	_ =	sdelay $0x1  }
0x10b: {  	v3 =	vperm.xlane v3, v2;
	_ =	sdelay $0x1  }
0x10c: {  	s15 =	simm.s32 $0xE080;
	v3 =	vadd.s32 v1, v3  }
0x10d: {  	[tilespmem:s15], [sflag:$0x1] =	stream.indirect_vreg.gather [hbm4b:s3+s1], $0x80, v4, vm0, $0xb8;
	[tilespmem:$0x10080] =	vst v63  }
0x10e: {  	s15 =	simm.s32 $0xE880  }
0x10f: {  	[tilespmem:s15], [sflag:$0x1] =	stream.indirect_vreg.gather [hbm4b:s4+s1], $0x80, v4, vm0, $0xb8;
	[tilespmem:$0x10080] =	vst v63  }
0x110: {  	s15 =	simm.s32 $0xF080  }
0x111: {  	[tilespmem:s15], [sflag:$0x1] =	stream.indirect_vreg.gather [hbm4b:s3+s1], $0x80, v3, vm0, $0xb8;
	[tilespmem:$0x10080] =	vst v63  }
0x112: {  	s15 =	simm.s32 $0xF880  }
0x113: {  	[tilespmem:s15], [sflag:$0x1] =	stream.indirect_vreg.gather [hbm4b:s4+s1], $0x80, v3, vm0, $0xb8;
	[tilespmem:$0x10080] =	vst v63  }
0x114: {  	_ =	swait.ge [sflag:s14], $0x10000  }
0x115: {  	p0 =	sne.s32 s5, $0x1;
	s0 =	simm.s32 $0x80;
	[sflag:s14] =	ssyncset.done $0x0  }
.Ltmp0:
0x116: {  	s2 =	rddreg [dreg:$0x5];
	[sflag:s14] =	ssyncadd.s32 $0xFFFF0000;
	(pc) =	sbr.rel @p0 .LBB2_1-.Ltmp0, $4  }
0x117: {  	[hbm4b:s2+s1] =	stream.linear.scatter [tilespmem:s0], [sflag:$0x2], $0x10000, $0x38;
	[tilespmem:$0x10080] =	vst v63  }
0x118: {  	_ =	swait.ge [sflag:s6], $0x10000  }
0x119: {  	[sflag:s6] =	ssyncset.done $0x0  }
0x11a: {  	s5 =	sadd.s32 $0xFFFFFFFF, s5;
	[sflag:s6] =	ssyncadd.s32 $0xFFFF0000  }
0x11b: {  	_ =	sfence.sel $0x180000  }
0x11c: {  	[bflag:$0x0] =	sbarrier.arrive $0xFFFF  }
0x11d: {  	_ =	strace $0x9000004A  }
0x11e: {  	s0 =	stileid.u32;
	[bflag:$0x2] =	sbarrier.arrive $0xFFFF  }
0x11f: {  	p0 =	sne.s32 s0, $0x0;
	s0 =	rddreg [dreg:$0x1]  }
0x120: {  	s0 =	sadd.s32 @!p0 $0x100000, s0  }
0x121: {  	[sflag:s0] =	ssyncadd.tile.s32 @!p0 $0x1;
	_ =	shalt  }
.Lfunc_end2:
_tile_overlayer_lowered:
.L_overlay_start_2:
0x122: {  	(tag) =	ssettag $0x2  }
0x123: {  	s0 =	rddreg [dreg:$0x0];
	s2 =	stileid.u32  }
0x124: {  	s1 =	rddreg [dreg:$0x1];
	p0 =	sne.s32 s2, $0x0  }
0x125: {  	s3 =	rddreg [dreg:$0x2];
	[bflag:$0x3] =	sbarrier.arrive $0xFFFF;
	s2 =	simm.s32 @!p0 $0x1C02  }
0x126: {  	[timem:s3], [sflag:s2] =	dma.local @!p0 [hbm:s0], s1  }
0x127: {  	s0 =	simm.s32 @!p0 $0x2  }
0x128: {  	_ =	swait.ge @!p0 [sflag:s0], s1  }
0x129: {  	s1 =	ssub.s32 @!p0 $0x0, s1;
	[sflag:s0] =	ssyncset.done @!p0 $0x0  }
0x12a: {  	[sflag:s0] =	ssyncadd.s32 @!p0 s1  }
0x12b: {  	[bflag:$0x3] =	sbarrier.arrive $0xFFFF  }
0x12c: {  	_ =	shalt  }

// kernel: kernel.21.cloned.1.call-start
scs
__scs_entry_jumppad:
0x0: {  	(pc) =	sbr.rel $0x88, $3  }
0x1: {  	(tag) =	ssettag $0x0;
	lr =	simm.s32 $0x1  }
0x2: {  	[smem:$0x3F8B] =	sst lr;
	_ =	strace $0xD0000000  }
0x3: {  	_ = 	snop  }
0x4: {  	_ = 	snop  }
0x5: {  	_ = 	snop  }
0x6: {  	_ = 	snop  }
0x7: {  	_ = 	snop  }
__scs_overlays_trampoline_lowered:
0x8: {  	[smem:$0x3F9A] =	sst s0  }
0x9: {  	[smem:$0x3F9B] =	sst s1  }
0xa: {  	[smem:$0x3F9C] =	sst s2  }
0xb: {  	[smem:$0x3F9D] =	sst s3  }
0xc: {  	[smem:$0x3F9E] =	sst s4  }
0xd: {  	[smem:$0x3F9F] =	sst s5  }
0xe: {  	[smem:$0x3FA0] =	sst s6  }
0xf: {  	[smem:$0x3FA1] =	sst s7  }
0x10: {  	[smem:$0x3FA2] =	sst s8  }
0x11: {  	[smem:$0x3FA3] =	sst s9;
	s0 =	simm.s32 @!p0 $0x0  }
0x12: {  	s1 =	sld [smem:$0x3F89];
	s0 =	simm.s32 @p0 $0x1  }
0x13: {  	[smem:$0x3FA4] =	sst s0;
	s0 =	simm.s32 @!p1 $0x0  }
0x14: {  	s2 =	sld [smem:$0x3F88];
	s0 =	simm.s32 @p1 $0x1  }
0x15: {  	[smem:$0x3FA5] =	sst s0;
	s0 =	simm.s32 @!p2 $0x0  }
0x16: {  	s3 =	sld [smem:$0x3FDB];
	s0 =	simm.s32 @p2 $0x1  }
0x17: {  	s4 =	simm.s32 $0x1BF5;
	[smem:$0x3FA7] =	sst s0  }
0x18: {  	s0 =	sld [smem:$0x3F8A];
	_ =	swait.ge [sflag:s4], $0x0  }
0x19: {  	s7 =	sld [smem:$0x3F8B]  }
0x1a: {  	s8 =	sadd.s32 $0xFFFFE003, lr  }
0x1b: {  	s9 =	sadd.s32 $0xFFFFFEF7, lr;
	s5 =	simm.s32 $0xFFFFFFFF;
	p2 =	slt.u32 s8, $0xFFFFF086  }
0x1c: {  	p1 =	slt.u32 s9, $0xF7A;
	s5 =	simm.s32 @!p2 $0x0  }
0x1d: {  	s5 =	simm.s32 @p1 $0x1;
	p0 =	seq.s32 s7, s2  }
0x1e: {  	s7 =	smul.u32 @!p0 $0xF7A, s2;
	p2 =	seq.s32 @!p0 s5, $0x0  }
0x1f: {  	s9 =	smul.u32 $0xF7A, s1;
	s8 =	simm.s32 @!p0 $0x1BF5;
	p2 =	por !p2, p0  }
0x20: {  	[sflag:s8] =	ssyncset.s32 @!p0 $0xFFFFF086;
	s6 =	sadd.s32 @!p0 s3, s7;
	s7 =	simm.s32 @!p0 $0x108  }
0x21: {  	s3 =	sadd.s32 s3, s9;
	s6 =	sadd.s32 @!p0 $0x88, s6;
	s7 =	simm.s32 @p2 $0x1082  }
0x22: {  	[simem:s7], [sflag:s8] =	dma.local @!p0 [hbm:s6], $0xF7A  }
0x23: {  	s9 =	sor.u32 $0xD0000000, s2;
	s6 =	simm.s32 $0x108;
	_ =	swait.ge @!p0 [sflag:s8], $0x0  }
0x24: {  	s3 =	sadd.s32 $0x88, s3;
	s6 =	simm.s32 @!p1 $0x1082;
	[sflag:s4] =	ssyncset.s32 $0xFFFFF086  }
0x25: {  	[simem:s6], [sflag:s4] =	dma.local [hbm:s3], $0xF7A  }
0x26: {  	[smem:$0x3F8B] =	sst s1;
	(tag) =	ssettag s2;
	_ =	strace s9  }
0x27: {  	s1 =	sld [smem:$0x3F9B]  }
0x28: {  	s2 =	sld [smem:$0x3F9C]  }
0x29: {  	s4 =	sld [smem:$0x3F9E]  }
0x2a: {  	p0 =	seq.s32 s5, $0x0;
	s5 =	sld [smem:$0x3F9F]  }
0x2b: {  	s6 =	sld [smem:$0x3FA0]  }
0x2c: {  	s7 =	sld [smem:$0x3FA1]  }
0x2d: {  	s3 =	simm.s32 $0x108;
	s8 =	sld [smem:$0x3FA2]  }
0x2e: {  	s3 =	simm.s32 @!p0 $0x1082;
	s9 =	sld [smem:$0x3FA3]  }
0x2f: {  	lr =	sadd.s32 s0, s3;
	s0 =	sld [smem:$0x3F9A]  }
0x30: {  	s3 =	sld [smem:$0x3F9D]  }
0x31: {  	[smem:$0x3FA6] =	sst s10  }
0x32: {  	s10 =	sld [smem:$0x3FA4];
	_ =	sdelay $0x3  }
0x33: {  	p0 =	seq.s32 s10, $0x1;
	s10 =	sld [smem:$0x3FA6];
	_ =	sdelay $0x3  }
0x34: {  	[smem:$0x3FA6] =	sst s10  }
0x35: {  	s10 =	sld [smem:$0x3FA5];
	_ =	sdelay $0x3  }
0x36: {  	p1 =	seq.s32 s10, $0x1;
	s10 =	sld [smem:$0x3FA6];
	_ =	sdelay $0x3  }
0x37: {  	[smem:$0x3FA6] =	sst s10  }
0x38: {  	s10 =	sld [smem:$0x3FA7]  }
0x39: {  	_ = 	snop;
	(pc) =	sbr.ind lr, $3  }
0x3a: {  	_ = 	snop  }
0x3b: {  	_ = 	snop  }
0x3c: {  	p2 =	seq.s32 s10, $0x1;
	s10 =	sld [smem:$0x3FA6]  }
0x3d: {  	_ =	shalt  }
0x3e: {  	_ =	shalt  }
0x3f: {  	_ =	shalt  }
0x40: {  	_ =	shalt  }
0x41: {  	_ =	shalt  }
0x42: {  	_ =	shalt  }
0x43: {  	_ =	shalt  }
0x44: {  	_ =	shalt  }
0x45: {  	_ =	shalt  }
0x46: {  	_ =	shalt  }
0x47: {  	_ =	shalt  }
0x48: {  	_ =	shalt  }
0x49: {  	_ =	shalt  }
0x4a: {  	_ =	shalt  }
0x4b: {  	_ =	shalt  }
0x4c: {  	_ =	shalt  }
0x4d: {  	_ =	shalt  }
0x4e: {  	_ =	shalt  }
0x4f: {  	_ =	shalt  }
0x50: {  	_ =	shalt  }
0x51: {  	_ =	shalt  }
0x52: {  	_ =	shalt  }
0x53: {  	_ =	shalt  }
0x54: {  	_ =	shalt  }
0x55: {  	_ =	shalt  }
0x56: {  	_ =	shalt  }
0x57: {  	_ =	shalt  }
0x58: {  	_ =	shalt  }
0x59: {  	_ =	shalt  }
0x5a: {  	_ =	shalt  }
0x5b: {  	_ =	shalt  }
0x5c: {  	_ =	shalt  }
0x5d: {  	_ =	shalt  }
0x5e: {  	_ =	shalt  }
0x5f: {  	_ =	shalt  }
0x60: {  	_ =	shalt  }
0x61: {  	_ =	shalt  }
0x62: {  	_ =	shalt  }
0x63: {  	_ =	shalt  }
0x64: {  	_ =	shalt  }
0x65: {  	_ =	shalt  }
0x66: {  	_ =	shalt  }
0x67: {  	_ =	shalt  }
0x68: {  	_ =	shalt  }
0x69: {  	_ =	shalt  }
0x6a: {  	_ =	shalt  }
0x6b: {  	_ =	shalt  }
0x6c: {  	_ =	shalt  }
0x6d: {  	_ =	shalt  }
0x6e: {  	_ =	shalt  }
0x6f: {  	_ =	shalt  }
0x70: {  	_ =	shalt  }
0x71: {  	_ =	shalt  }
0x72: {  	_ =	shalt  }
0x73: {  	_ =	shalt  }
0x74: {  	_ =	shalt  }
0x75: {  	_ =	shalt  }
0x76: {  	_ =	shalt  }
0x77: {  	_ =	shalt  }
0x78: {  	_ =	shalt  }
0x79: {  	_ =	shalt  }
0x7a: {  	_ =	shalt  }
0x7b: {  	_ =	shalt  }
0x7c: {  	_ =	shalt  }
0x7d: {  	_ =	shalt  }
0x7e: {  	_ =	shalt  }
0x7f: {  	_ =	shalt  }
0x80: {  	_ =	shalt  }
0x81: {  	_ =	shalt  }
0x82: {  	_ =	shalt  }
0x83: {  	_ =	shalt  }
0x84: {  	_ =	shalt  }
0x85: {  	_ =	shalt  }
0x86: {  	_ =	shalt  }
0x87: {  	_ =	shalt  }
.Lfunc_end0:
.L_simem_size_0:
called_computation.1_lowered:
.L_overlay_start_0:
0x88: {  	s2 =	sld [smem:$0x3FD9]  }
0x89: {  	s3 =	sld [smem:$0x3FFE];
	_ =	sdelay $0x1  }
0x8a: {  	s1 =	srdreg.scid  }
0x8b: {  	s0 =	sand.u32 $0x1, s1  }
0x8c: {  	s14 =	sshll.u32 s0, $0xA;
	s2 =	sadd.s32 s3, s2  }
0x8d: {  	s2 =	sadd.s32 s2, s14  }
0x8e: {  	[smem:$0x3FB2] =	sst s2  }
0x8f: {  	_ = 	snop  }
0x90: {  	s2 =	sld [smem:$0x3FD0];
	_ =	sdelay $0x2  }
0x91: {  	s15 =	simm.s32 $0xB;
	s4 =	simm.s32 $0x10  }
0x92: {  	[smem:s4], [sflag:s15] =	dma.local [hbm:s2], $0x1  }
0x93: {  	_ =	swait.eq [sflag:s15], $0x1  }
0x94: {  	[sflag:s15] =	ssyncset.done $0x0  }
0x95: {  	[sflag:s15] =	ssyncadd.s32 $0xFFFFFFFF  }
0x96: {  	s16 =	sld [smem:$0x11];
	(tm) =	ssettm $0x1  }
0x97: {  	s17 =	sld [smem:$0x3FFB];
	_ =	sdelay $0x3  }
0x98: {  	_ =	strace s17  }
0x99: {  	s3 =	sld [smem:$0x3FFC];
	_ =	sdelay $0x3  }
0x9a: {  	_ =	strace s3  }
0x9b: {  	s3 =	sld [smem:$0x3FFD];
	_ =	sdelay $0x3  }
0x9c: {  	_ =	strace s3  }
0x9d: {  	_ =	strace $0x8FFFFFFF  }
0x9e: {  	s18 =	sld [smem:$0x3FDB];
	_ =	sdelay $0x1  }
0x9f: {  	s19 =	simm.s32 $_scs_section_size  }
0xa0: {  	s5 =	simm.s32 $_size__tile_overlayer_lowered;
	s6 =	simm.s32 $_tile_overlayer_lowered  }
0xa1: {  	s22 =	simm.s32 $0x1BFF;
	s21 =	sshll.u32 s6, $0x1;
	s3 =	sadd.s32 s19, s18  }
0xa2: {  	s7 =	simm.s32 $0x0;
	s20 =	sshll.u32 s5, $0x1;
	s5 =	sadd.s32 s21, s3  }
0xa3: {  	[timem:s7], [sflag:s22] =	dma.local [hbm:s5], s20  }
0xa4: {  	_ =	swait.ge [sflag:s22], s20  }
0xa5: {  	s4 =	ssub.s32 $0x0, s20;
	[sflag:s22] =	ssyncset.done $0x0  }
0xa6: {  	[sflag:s22] =	ssyncadd.s32 s4;
	_ =	sdelay $0x1  }
0xa7: {  	s23 =	simm.s32 $0x1B8B  }
0xa8: {  	_ =	swait.ge [sflag:s23], $0x1  }
0xa9: {  	[sflag:s23] =	ssyncset.done $0x0  }
0xaa: {  	s25 =	simm.s32 $0x1B8E;
	s24 =	sld [smem:$0x3FFE];
	[sflag:s23] =	ssyncadd.s32 $0xFFFFFFFF  }
0xab: {  	s26 =	simm.s32 $execute0_lowered;
	[smem:$0x3FD2] =	sst s25  }
0xac: {  	s5 =	sshll.u32 s26, $0x1;
	_ =	strace $0x80000046;
	[dreg:$0x1] =	wrdreg $0xFFFFFFFF  }
0xad: {  	s28 =	simm.s32 $_size_execute0_lowered;
	s3 =	sadd.s32 s3, s5;
	[dreg:$0x0] =	wrdreg $0x0  }
0xae: {  	s5 =	sshll.u32 s28, $0x1;
	[dreg:$0x2] =	wrdreg s3  }
0xaf: {  	[dreg:$0x3] =	wrdreg s5  }
0xb0: {  	[dreg:$0x4] =	wrdreg $0xC0  }
0xb1: {  	_ =	task [dreg:s7], $0x5FFFF  }
0xb2: {  	[dreg:$0x1] =	wrdreg $0xFFFFFFFF  }
0xb3: {  	[dreg:$0x0] =	wrdreg $0x60  }
0xb4: {  	[dreg:$0x2] =	wrdreg s24  }
0xb5: {  	[dreg:$0x3] =	wrdreg s16  }
0xb6: {  	[dreg:$0x4] =	wrdreg $0xA  }
0xb7: {  	_ =	task.clear_ibuf [dreg:s7], $0x5FFFF;
	_ =	strace $0x90000046  }
0xb8: {  	s29 =	simm.s32 $0xA;
	_ =	strace $0x80000048  }
0xb9: {  	_ =	swait.ge [sflag:s29], $0x1  }
0xba: {  	[sflag:s29] =	ssyncadd.s32 $0xFFFFFFFF  }
0xbb: {  	_ =	strace $0x90000048  }
0xbc: {  	_ =	sfence  }
0xbd: {  	s30 =	sld [smem:$0x0];
	_ =	sdelay $0x2  }
0xbe: {  	s31 =	sshll.u32 s1, $0xD;
	s1 =	sshrl.u32 s1, $0x2  }
0xbf: {  	s3 =	sand.u32 $0x4000, s31;
	s1 =	sadd.s32 s1, s30  }
0xc0: {  	s0 =	sor.u32 s3, s0;
	s1 =	sshll.u32 s1, $0x11  }
0xc1: {  	s0 =	sor.u32 s1, s0  }
0xc2: {  	s0 =	sadd.s32 $0x8F2B, s0  }
0xc3: {  	[sflag:s0] =	ssyncadd.remote.s32 $0x1  }
0xc4: {  	_ =	sfence.sel $0xFFFF  }
0xc5: {  	[dreg:$0x0] =	wrdreg $0xFFFFFFFF;
	(pc) =	sbr.abs _section_cstart, $3  }
0xc6: {  	[dreg:$0x1] =	wrdreg $0xFFFFFFFF  }
0xc7: {  	_ =	task.clear_ibuf [dreg:s7], $0x2FFFF;
	_ =	strace $0x9FFFFFFF  }
0xc8: {  	(tm) =	ssettm $0x7FFFFFFF  }
0xc9: {  	_ =	shalt  }
tec
execute0_lowered:
.L_overlay_start_1:
0x0: {  	(tag) =	ssettag $0x1  }
0x1: {  	s0 =	rddreg [dreg:$0x0]  }
0x2: {  	s1 =	rddreg [dreg:$0x1];
	s2 =	simm.s32 $0x0;
	s3 =	srdreg.scid  }
0x3: {  	s5 =	stileid.u32;
	s14 =	simm.s32 $0x1;
	s16 =	simm.s32 $0x880  }
0x4: {  	s17 =	simm.s32 $0x1080;
	s18 =	simm.s32 $0x1880;
	s19 =	simm.s32 $0x2080  }
0x5: {  	s20 =	simm.s32 $0x2880;
	s21 =	simm.s32 $0x3080;
	s28 =	simm.s32 $0x6080  }
0x6: {  	s29 =	simm.s32 $0x6880;
	s30 =	simm.s32 $0x7080;
	s31 =	simm.s32 $0x7880  }
0x7: {  	s9 =	simm.s32 $0x9880;
	s10 =	simm.s32 $0xA080;
	s11 =	simm.s32 $0xA880  }
0x8: {  	s12 =	simm.s32 $0xB080;
	s13 =	simm.s32 $0xB880;
	[smem:$0x7FF] =	sst s2  }
0x9: {  	s3 =	sand.u32 $0x1, s3;
	s5 =	sshll.u32 s5, $0x9;
	s22 =	sadd.s32 $0x5B000, s0  }
0xa: {  	_ =	strace $0x80000047;
	s4 =	ssub.s32 $0x2, s3;
	s6 =	sshll.u32 s3, $0x8  }
0xb: {  	s3 =	sadd.s32 $0x4B000, s0;
	s7 =	sshrl.u32 s4, $0x1;
	s5 =	sor.u32 s6, s5  }
0xc: {  	s6 =	simm.s32 $0x2;
	s7 =	ssub.s32 s4, s7;
	s23 =	sshrl.u32 s5, $0x3  }
0xd: {  	s8 =	sshll.u32 s5, $0x6;
	s5 =	sor.u32 $0x80, s5;
	s4 =	sadd.s32 s1, s23  }
0xe: {  	s24 =	sadd.s32 s22, s8;
	s25 =	sshrl.u32 s5, $0x3;
	s5 =	sshll.u32 s5, $0x6  }
0xf: {  	s23 =	simm.s32 $0x4080;
	s8 =	simm.s32 $0x9080;
	[dreg:$0x3] =	wrdreg s4  }
0x10: {  	[dreg:$0x4] =	wrdreg s24;
	s1 =	sadd.s32 s1, s25;
	s4 =	sadd.s32 $0x4B100, s0  }
0x11: {  	v2 =	vlaneseq.u32;
	s26 =	sadd.s32 s22, s5;
	s5 =	smax.u32 s7, $0x1;
	s22 =	simm.s32 $0x3880  }
0x12: {  	vm0 =	vmmov $0xffff;
	v1 =	vshrl.u32 v2, $0x3;
	s24 =	simm.s32 $0x4880;
	s25 =	simm.s32 $0x5080;
	[dreg:$0x5] =	wrdreg s1  }
0x13: {  	v0 =	vand.u32 $0x7, v2;
	v2 =	vor.u32 $0x8, v2;
	v1 =	vmul.u32 $0x8, v1;
	s7 =	simm.s32 $0xC080;
	[dreg:$0x6] =	wrdreg s26;
	s26 =	simm.s32 $0x5880  }
.LBB2_1:
0x14: {  	s15 =	rddreg [dreg:$0x3]  }
0x15: {  	[tilespmem:s2], [sflag:$0x2] =	stream.linear.gather [hbm4b:s15+s2], $0x80, $0x38;
	[tilespmem:$0x10080] =	vst v63  }
0x16: {  	_ =	swait.ge [sflag:s6], $0x80  }
0x17: {  	[sflag:s6] =	ssyncset.done $0x0  }
0x18: {  	[sflag:s6] =	ssyncadd.s32 $0xFFFFFF80  }
0x19: {  	v3 =	vld [tilespmem:$0x0];
	_ =	sdelay $0x4  }
0x1a: {  	v4 =	vshll.u32 v3, $0x2  }
0x1b: {  	v3 =	vand.u32 $0x7, v3;
	v4 =	vand.u32 $0xFFFFFFE0, v4  }
0x1c: {  	v3 =	vor.u32 v3, v4  }
0x1d: {  	v4 =	vperm.xlane v3, v0;
	_ =	sdelay $0x1  }
0x1e: {  	v4 =	vadd.s32 v1, v4;
	_ =	sdelay $0x1  }
0x1f: {  	v3 =	vperm.xlane v3, v2;
	_ =	sdelay $0x1  }
0x20: {  	s0 =	simm.s32 $0x80;
	v3 =	vadd.s32 v1, v3  }
0x21: {  	[tilespmem:s0], [sflag:$0x1] =	stream.indirect_vreg.gather [hbm4b:s3+s2], $0x80, v4, vm0, $0xb8;
	[tilespmem:$0x10080] =	vst v63  }
0x22: {  	_ = 	snop  }
0x23: {  	[tilespmem:s16], [sflag:$0x1] =	stream.indirect_vreg.gather [hbm4b:s4+s2], $0x80, v4, vm0, $0xb8;
	[tilespmem:$0x10080] =	vst v63  }
0x24: {  	_ = 	snop  }
0x25: {  	[tilespmem:s17], [sflag:$0x1] =	stream.indirect_vreg.gather [hbm4b:s3+s2], $0x80, v3, vm0, $0xb8;
	[tilespmem:$0x10080] =	vst v63  }
0x26: {  	_ = 	snop  }
0x27: {  	[tilespmem:s18], [sflag:$0x1] =	stream.indirect_vreg.gather [hbm4b:s4+s2], $0x80, v3, vm0, $0xb8;
	[tilespmem:$0x10080] =	vst v63  }
0x28: {  	v3 =	vld [tilespmem:$0x10];
	_ =	sdelay $0x4  }
0x29: {  	v49 =	vshll.u32 v3, $0x2  }
0x2a: {  	v3 =	vand.u32 $0x7, v3;
	v4 =	vand.u32 $0xFFFFFFE0, v49  }
0x2b: {  	v3 =	vor.u32 v3, v4  }
0x2c: {  	v4 =	vperm.xlane v3, v0;
	_ =	sdelay $0x1  }
0x2d: {  	v4 =	vadd.s32 v1, v4;
	_ =	sdelay $0x1  }
0x2e: {  	v3 =	vperm.xlane v3, v2;
	_ =	sdelay $0x1  }
0x2f: {  	v3 =	vadd.s32 v1, v3  }
0x30: {  	[tilespmem:s19], [sflag:$0x1] =	stream.indirect_vreg.gather [hbm4b:s3+s2], $0x80, v4, vm0, $0xb8;
	[tilespmem:$0x10080] =	vst v63  }
0x31: {  	_ = 	snop  }
0x32: {  	[tilespmem:s20], [sflag:$0x1] =	stream.indirect_vreg.gather [hbm4b:s4+s2], $0x80, v4, vm0, $0xb8;
	[tilespmem:$0x10080] =	vst v63  }
0x33: {  	_ = 	snop  }
0x34: {  	[tilespmem:s21], [sflag:$0x1] =	stream.indirect_vreg.gather [hbm4b:s3+s2], $0x80, v3, vm0, $0xb8;
	[tilespmem:$0x10080] =	vst v63  }
0x35: {  	_ = 	snop  }
0x36: {  	[tilespmem:s22], [sflag:$0x1] =	stream.indirect_vreg.gather [hbm4b:s4+s2], $0x80, v3, vm0, $0xb8;
	[tilespmem:$0x10080] =	vst v63  }
0x37: {  	v3 =	vld [tilespmem:$0x20];
	_ =	sdelay $0x4  }
0x38: {  	v50 =	vshll.u32 v3, $0x2  }
0x39: {  	v3 =	vand.u32 $0x7, v3;
	v4 =	vand.u32 $0xFFFFFFE0, v50  }
0x3a: {  	v3 =	vor.u32 v3, v4  }
0x3b: {  	v4 =	vperm.xlane v3, v0;
	_ =	sdelay $0x1  }
0x3c: {  	v4 =	vadd.s32 v1, v4;
	_ =	sdelay $0x1  }
0x3d: {  	v3 =	vperm.xlane v3, v2;
	_ =	sdelay $0x1  }
0x3e: {  	v3 =	vadd.s32 v1, v3  }
0x3f: {  	[tilespmem:s23], [sflag:$0x1] =	stream.indirect_vreg.gather [hbm4b:s3+s2], $0x80, v4, vm0, $0xb8;
	[tilespmem:$0x10080] =	vst v63  }
0x40: {  	_ = 	snop  }
0x41: {  	[tilespmem:s24], [sflag:$0x1] =	stream.indirect_vreg.gather [hbm4b:s4+s2], $0x80, v4, vm0, $0xb8;
	[tilespmem:$0x10080] =	vst v63  }
0x42: {  	_ = 	snop  }
0x43: {  	[tilespmem:s25], [sflag:$0x1] =	stream.indirect_vreg.gather [hbm4b:s3+s2], $0x80, v3, vm0, $0xb8;
	[tilespmem:$0x10080] =	vst v63  }
0x44: {  	_ = 	snop  }
0x45: {  	[tilespmem:s26], [sflag:$0x1] =	stream.indirect_vreg.gather [hbm4b:s4+s2], $0x80, v3, vm0, $0xb8;
	[tilespmem:$0x10080] =	vst v63  }
0x46: {  	v3 =	vld [tilespmem:$0x30];
	_ =	sdelay $0x4  }
0x47: {  	v51 =	vshll.u32 v3, $0x2  }
0x48: {  	v3 =	vand.u32 $0x7, v3;
	v4 =	vand.u32 $0xFFFFFFE0, v51  }
0x49: {  	v3 =	vor.u32 v3, v4  }
0x4a: {  	v4 =	vperm.xlane v3, v0;
	_ =	sdelay $0x1  }
0x4b: {  	v4 =	vadd.s32 v1, v4;
	_ =	sdelay $0x1  }
0x4c: {  	v3 =	vperm.xlane v3, v2;
	_ =	sdelay $0x1  }
0x4d: {  	v3 =	vadd.s32 v1, v3  }
0x4e: {  	[tilespmem:s28], [sflag:$0x1] =	stream.indirect_vreg.gather [hbm4b:s3+s2], $0x80, v4, vm0, $0xb8;
	[tilespmem:$0x10080] =	vst v63  }
0x4f: {  	_ = 	snop  }
0x50: {  	[tilespmem:s29], [sflag:$0x1] =	stream.indirect_vreg.gather [hbm4b:s4+s2], $0x80, v4, vm0, $0xb8;
	[tilespmem:$0x10080] =	vst v63  }
0x51: {  	_ = 	snop  }
0x52: {  	[tilespmem:s30], [sflag:$0x1] =	stream.indirect_vreg.gather [hbm4b:s3+s2], $0x80, v3, vm0, $0xb8;
	[tilespmem:$0x10080] =	vst v63  }
0x53: {  	_ = 	snop  }
0x54: {  	[tilespmem:s31], [sflag:$0x1] =	stream.indirect_vreg.gather [hbm4b:s4+s2], $0x80, v3, vm0, $0xb8;
	[tilespmem:$0x10080] =	vst v63  }
0x55: {  	v3 =	vld [tilespmem:$0x40];
	_ =	sdelay $0x4  }
0x56: {  	v52 =	vshll.u32 v3, $0x2  }
0x57: {  	v3 =	vand.u32 $0x7, v3;
	v4 =	vand.u32 $0xFFFFFFE0, v52  }
0x58: {  	v3 =	vor.u32 v3, v4  }
0x59: {  	v4 =	vperm.xlane v3, v0;
	_ =	sdelay $0x1  }
0x5a: {  	v4 =	vadd.s32 v1, v4;
	_ =	sdelay $0x1  }
0x5b: {  	v3 =	vperm.xlane v3, v2;
	_ =	sdelay $0x1  }
0x5c: {  	s1 =	simm.s32 $0x8080;
	v3 =	vadd.s32 v1, v3  }
0x5d: {  	[tilespmem:s1], [sflag:$0x1] =	stream.indirect_vreg.gather [hbm4b:s3+s2], $0x80, v4, vm0, $0xb8;
	[tilespmem:$0x10080] =	vst v63  }
0x5e: {  	s1 =	simm.s32 $0x8880  }
0x5f: {  	[tilespmem:s1], [sflag:$0x1] =	stream.indirect_vreg.gather [hbm4b:s4+s2], $0x80, v4, vm0, $0xb8;
	[tilespmem:$0x10080] =	vst v63  }
0x60: {  	_ = 	snop  }
0x61: {  	[tilespmem:s8], [sflag:$0x1] =	stream.indirect_vreg.gather [hbm4b:s3+s2], $0x80, v3, vm0, $0xb8;
	[tilespmem:$0x10080] =	vst v63  }
0x62: {  	_ = 	snop  }
0x63: {  	[tilespmem:s9], [sflag:$0x1] =	stream.indirect_vreg.gather [hbm4b:s4+s2], $0x80, v3, vm0, $0xb8;
	[tilespmem:$0x10080] =	vst v63  }
0x64: {  	v3 =	vld [tilespmem:$0x50];
	_ =	sdelay $0x4  }
0x65: {  	v53 =	vshll.u32 v3, $0x2  }
0x66: {  	v3 =	vand.u32 $0x7, v3;
	v4 =	vand.u32 $0xFFFFFFE0, v53  }
0x67: {  	v3 =	vor.u32 v3, v4  }
0x68: {  	v4 =	vperm.xlane v3, v0;
	_ =	sdelay $0x1  }
0x69: {  	v4 =	vadd.s32 v1, v4;
	_ =	sdelay $0x1  }
0x6a: {  	v3 =	vperm.xlane v3, v2;
	_ =	sdelay $0x1  }
0x6b: {  	v3 =	vadd.s32 v1, v3  }
0x6c: {  	[tilespmem:s10], [sflag:$0x1] =	stream.indirect_vreg.gather [hbm4b:s3+s2], $0x80, v4, vm0, $0xb8;
	[tilespmem:$0x10080] =	vst v63  }
0x6d: {  	_ = 	snop  }
0x6e: {  	[tilespmem:s11], [sflag:$0x1] =	stream.indirect_vreg.gather [hbm4b:s4+s2], $0x80, v4, vm0, $0xb8;
	[tilespmem:$0x10080] =	vst v63  }
0x6f: {  	_ = 	snop  }
0x70: {  	[tilespmem:s12], [sflag:$0x1] =	stream.indirect_vreg.gather [hbm4b:s3+s2], $0x80, v3, vm0, $0xb8;
	[tilespmem:$0x10080] =	vst v63  }
0x71: {  	_ = 	snop  }
0x72: {  	[tilespmem:s13], [sflag:$0x1] =	stream.indirect_vreg.gather [hbm4b:s4+s2], $0x80, v3, vm0, $0xb8;
	[tilespmem:$0x10080] =	vst v63  }
0x73: {  	v3 =	vld [tilespmem:$0x60];
	_ =	sdelay $0x4  }
0x74: {  	v54 =	vshll.u32 v3, $0x2  }
0x75: {  	v3 =	vand.u32 $0x7, v3;
	v4 =	vand.u32 $0xFFFFFFE0, v54  }
0x76: {  	v3 =	vor.u32 v3, v4  }
0x77: {  	v4 =	vperm.xlane v3, v0;
	_ =	sdelay $0x1  }
0x78: {  	v4 =	vadd.s32 v1, v4;
	_ =	sdelay $0x1  }
0x79: {  	v3 =	vperm.xlane v3, v2;
	_ =	sdelay $0x1  }
0x7a: {  	v3 =	vadd.s32 v1, v3  }
0x7b: {  	[tilespmem:s7], [sflag:$0x1] =	stream.indirect_vreg.gather [hbm4b:s3+s2], $0x80, v4, vm0, $0xb8;
	[tilespmem:$0x10080] =	vst v63  }
0x7c: {  	s15 =	simm.s32 $0xC880  }
0x7d: {  	[tilespmem:s15], [sflag:$0x1] =	stream.indirect_vreg.gather [hbm4b:s4+s2], $0x80, v4, vm0, $0xb8;
	[tilespmem:$0x10080] =	vst v63  }
0x7e: {  	s15 =	simm.s32 $0xD080  }
0x7f: {  	[tilespmem:s15], [sflag:$0x1] =	stream.indirect_vreg.gather [hbm4b:s3+s2], $0x80, v3, vm0, $0xb8;
	[tilespmem:$0x10080] =	vst v63  }
0x80: {  	s15 =	simm.s32 $0xD880  }
0x81: {  	[tilespmem:s15], [sflag:$0x1] =	stream.indirect_vreg.gather [hbm4b:s4+s2], $0x80, v3, vm0, $0xb8;
	[tilespmem:$0x10080] =	vst v63  }
0x82: {  	v3 =	vld [tilespmem:$0x70];
	_ =	sdelay $0x4  }
0x83: {  	v55 =	vshll.u32 v3, $0x2  }
0x84: {  	v3 =	vand.u32 $0x7, v3;
	v4 =	vand.u32 $0xFFFFFFE0, v55  }
0x85: {  	v3 =	vor.u32 v3, v4  }
0x86: {  	v4 =	vperm.xlane v3, v0;
	_ =	sdelay $0x1  }
0x87: {  	v4 =	vadd.s32 v1, v4;
	_ =	sdelay $0x1  }
0x88: {  	v3 =	vperm.xlane v3, v2;
	_ =	sdelay $0x1  }
0x89: {  	s15 =	simm.s32 $0xE080;
	v3 =	vadd.s32 v1, v3  }
0x8a: {  	[tilespmem:s15], [sflag:$0x1] =	stream.indirect_vreg.gather [hbm4b:s3+s2], $0x80, v4, vm0, $0xb8;
	[tilespmem:$0x10080] =	vst v63  }
0x8b: {  	s15 =	simm.s32 $0xE880  }
0x8c: {  	[tilespmem:s15], [sflag:$0x1] =	stream.indirect_vreg.gather [hbm4b:s4+s2], $0x80, v4, vm0, $0xb8;
	[tilespmem:$0x10080] =	vst v63  }
0x8d: {  	s15 =	simm.s32 $0xF080  }
0x8e: {  	[tilespmem:s15], [sflag:$0x1] =	stream.indirect_vreg.gather [hbm4b:s3+s2], $0x80, v3, vm0, $0xb8;
	[tilespmem:$0x10080] =	vst v63  }
0x8f: {  	s15 =	simm.s32 $0xF880  }
0x90: {  	[tilespmem:s15], [sflag:$0x1] =	stream.indirect_vreg.gather [hbm4b:s4+s2], $0x80, v3, vm0, $0xb8;
	[tilespmem:$0x10080] =	vst v63  }
0x91: {  	_ =	swait.ge [sflag:s14], $0x10000  }
0x92: {  	[sflag:s14] =	ssyncset.done $0x0  }
0x93: {  	s0 =	simm.s32 $0x80;
	s15 =	rddreg [dreg:$0x4];
	[sflag:s14] =	ssyncadd.s32 $0xFFFF0000  }
0x94: {  	[hbm4b:s15+s2] =	stream.linear.scatter [tilespmem:s0], [sflag:$0x2], $0x10000, $0x38;
	[tilespmem:$0x10080] =	vst v63  }
0x95: {  	_ =	swait.ge [sflag:s6], $0x10000  }
0x96: {  	[sflag:s6] =	ssyncset.done $0x0  }
0x97: {  	s15 =	rddreg [dreg:$0x5];
	[sflag:s6] =	ssyncadd.s32 $0xFFFF0000  }
0x98: {  	[tilespmem:s2], [sflag:$0x2] =	stream.linear.gather [hbm4b:s15+s2], $0x80, $0x38;
	[tilespmem:$0x10080] =	vst v63  }
0x99: {  	_ =	swait.ge [sflag:s6], $0x80  }
0x9a: {  	[sflag:s6] =	ssyncset.done $0x0  }
0x9b: {  	[sflag:s6] =	ssyncadd.s32 $0xFFFFFF80  }
0x9c: {  	v3 =	vld [tilespmem:$0x0];
	_ =	sdelay $0x4  }
0x9d: {  	v56 =	vshll.u32 v3, $0x2  }
0x9e: {  	v3 =	vand.u32 $0x7, v3;
	v4 =	vand.u32 $0xFFFFFFE0, v56  }
0x9f: {  	v3 =	vor.u32 v3, v4  }
0xa0: {  	v4 =	vperm.xlane v3, v0;
	_ =	sdelay $0x1  }
0xa1: {  	v4 =	vadd.s32 v1, v4;
	_ =	sdelay $0x1  }
0xa2: {  	v3 =	vperm.xlane v3, v2;
	_ =	sdelay $0x1  }
0xa3: {  	v3 =	vadd.s32 v1, v3  }
0xa4: {  	[tilespmem:s0], [sflag:$0x1] =	stream.indirect_vreg.gather [hbm4b:s3+s2], $0x80, v4, vm0, $0xb8;
	[tilespmem:$0x10080] =	vst v63  }
0xa5: {  	_ = 	snop  }
0xa6: {  	[tilespmem:s16], [sflag:$0x1] =	stream.indirect_vreg.gather [hbm4b:s4+s2], $0x80, v4, vm0, $0xb8;
	[tilespmem:$0x10080] =	vst v63  }
0xa7: {  	_ = 	snop  }
0xa8: {  	[tilespmem:s17], [sflag:$0x1] =	stream.indirect_vreg.gather [hbm4b:s3+s2], $0x80, v3, vm0, $0xb8;
	[tilespmem:$0x10080] =	vst v63  }
0xa9: {  	_ = 	snop  }
0xaa: {  	[tilespmem:s18], [sflag:$0x1] =	stream.indirect_vreg.gather [hbm4b:s4+s2], $0x80, v3, vm0, $0xb8;
	[tilespmem:$0x10080] =	vst v63  }
0xab: {  	v3 =	vld [tilespmem:$0x10];
	_ =	sdelay $0x4  }
0xac: {  	v57 =	vshll.u32 v3, $0x2  }
0xad: {  	v3 =	vand.u32 $0x7, v3;
	v4 =	vand.u32 $0xFFFFFFE0, v57  }
0xae: {  	v3 =	vor.u32 v3, v4  }
0xaf: {  	v4 =	vperm.xlane v3, v0;
	_ =	sdelay $0x1  }
0xb0: {  	v4 =	vadd.s32 v1, v4;
	_ =	sdelay $0x1  }
0xb1: {  	v3 =	vperm.xlane v3, v2;
	_ =	sdelay $0x1  }
0xb2: {  	v3 =	vadd.s32 v1, v3  }
0xb3: {  	[tilespmem:s19], [sflag:$0x1] =	stream.indirect_vreg.gather [hbm4b:s3+s2], $0x80, v4, vm0, $0xb8;
	[tilespmem:$0x10080] =	vst v63  }
0xb4: {  	_ = 	snop  }
0xb5: {  	[tilespmem:s20], [sflag:$0x1] =	stream.indirect_vreg.gather [hbm4b:s4+s2], $0x80, v4, vm0, $0xb8;
	[tilespmem:$0x10080] =	vst v63  }
0xb6: {  	_ = 	snop  }
0xb7: {  	[tilespmem:s21], [sflag:$0x1] =	stream.indirect_vreg.gather [hbm4b:s3+s2], $0x80, v3, vm0, $0xb8;
	[tilespmem:$0x10080] =	vst v63  }
0xb8: {  	_ = 	snop  }
0xb9: {  	[tilespmem:s22], [sflag:$0x1] =	stream.indirect_vreg.gather [hbm4b:s4+s2], $0x80, v3, vm0, $0xb8;
	[tilespmem:$0x10080] =	vst v63  }
0xba: {  	v3 =	vld [tilespmem:$0x20];
	_ =	sdelay $0x4  }
0xbb: {  	v58 =	vshll.u32 v3, $0x2  }
0xbc: {  	v3 =	vand.u32 $0x7, v3;
	v4 =	vand.u32 $0xFFFFFFE0, v58  }
0xbd: {  	v3 =	vor.u32 v3, v4  }
0xbe: {  	v4 =	vperm.xlane v3, v0;
	_ =	sdelay $0x1  }
0xbf: {  	v4 =	vadd.s32 v1, v4;
	_ =	sdelay $0x1  }
0xc0: {  	v3 =	vperm.xlane v3, v2;
	_ =	sdelay $0x1  }
0xc1: {  	v3 =	vadd.s32 v1, v3  }
0xc2: {  	[tilespmem:s23], [sflag:$0x1] =	stream.indirect_vreg.gather [hbm4b:s3+s2], $0x80, v4, vm0, $0xb8;
	[tilespmem:$0x10080] =	vst v63  }
0xc3: {  	_ = 	snop  }
0xc4: {  	[tilespmem:s24], [sflag:$0x1] =	stream.indirect_vreg.gather [hbm4b:s4+s2], $0x80, v4, vm0, $0xb8;
	[tilespmem:$0x10080] =	vst v63  }
0xc5: {  	_ = 	snop  }
0xc6: {  	[tilespmem:s25], [sflag:$0x1] =	stream.indirect_vreg.gather [hbm4b:s3+s2], $0x80, v3, vm0, $0xb8;
	[tilespmem:$0x10080] =	vst v63  }
0xc7: {  	_ = 	snop  }
0xc8: {  	[tilespmem:s26], [sflag:$0x1] =	stream.indirect_vreg.gather [hbm4b:s4+s2], $0x80, v3, vm0, $0xb8;
	[tilespmem:$0x10080] =	vst v63  }
0xc9: {  	v3 =	vld [tilespmem:$0x30];
	_ =	sdelay $0x4  }
0xca: {  	v59 =	vshll.u32 v3, $0x2  }
0xcb: {  	v3 =	vand.u32 $0x7, v3;
	v4 =	vand.u32 $0xFFFFFFE0, v59  }
0xcc: {  	v3 =	vor.u32 v3, v4  }
0xcd: {  	v4 =	vperm.xlane v3, v0;
	_ =	sdelay $0x1  }
0xce: {  	v4 =	vadd.s32 v1, v4;
	_ =	sdelay $0x1  }
0xcf: {  	v3 =	vperm.xlane v3, v2;
	_ =	sdelay $0x1  }
0xd0: {  	v3 =	vadd.s32 v1, v3  }
0xd1: {  	[tilespmem:s28], [sflag:$0x1] =	stream.indirect_vreg.gather [hbm4b:s3+s2], $0x80, v4, vm0, $0xb8;
	[tilespmem:$0x10080] =	vst v63  }
0xd2: {  	_ = 	snop  }
0xd3: {  	[tilespmem:s29], [sflag:$0x1] =	stream.indirect_vreg.gather [hbm4b:s4+s2], $0x80, v4, vm0, $0xb8;
	[tilespmem:$0x10080] =	vst v63  }
0xd4: {  	_ = 	snop  }
0xd5: {  	[tilespmem:s30], [sflag:$0x1] =	stream.indirect_vreg.gather [hbm4b:s3+s2], $0x80, v3, vm0, $0xb8;
	[tilespmem:$0x10080] =	vst v63  }
0xd6: {  	_ = 	snop  }
0xd7: {  	[tilespmem:s31], [sflag:$0x1] =	stream.indirect_vreg.gather [hbm4b:s4+s2], $0x80, v3, vm0, $0xb8;
	[tilespmem:$0x10080] =	vst v63  }
0xd8: {  	v3 =	vld [tilespmem:$0x40];
	_ =	sdelay $0x4  }
0xd9: {  	v60 =	vshll.u32 v3, $0x2  }
0xda: {  	v3 =	vand.u32 $0x7, v3;
	v4 =	vand.u32 $0xFFFFFFE0, v60  }
0xdb: {  	v3 =	vor.u32 v3, v4  }
0xdc: {  	v4 =	vperm.xlane v3, v0;
	_ =	sdelay $0x1  }
0xdd: {  	v4 =	vadd.s32 v1, v4;
	_ =	sdelay $0x1  }
0xde: {  	v3 =	vperm.xlane v3, v2;
	_ =	sdelay $0x1  }
0xdf: {  	s15 =	simm.s32 $0x8080;
	v3 =	vadd.s32 v1, v3  }
0xe0: {  	[tilespmem:s15], [sflag:$0x1] =	stream.indirect_vreg.gather [hbm4b:s3+s2], $0x80, v4, vm0, $0xb8;
	[tilespmem:$0x10080] =	vst v63  }
0xe1: {  	_ = 	snop  }
0xe2: {  	[tilespmem:s1], [sflag:$0x1] =	stream.indirect_vreg.gather [hbm4b:s4+s2], $0x80, v4, vm0, $0xb8;
	[tilespmem:$0x10080] =	vst v63  }
0xe3: {  	_ = 	snop  }
0xe4: {  	[tilespmem:s8], [sflag:$0x1] =	stream.indirect_vreg.gather [hbm4b:s3+s2], $0x80, v3, vm0, $0xb8;
	[tilespmem:$0x10080] =	vst v63  }
0xe5: {  	_ = 	snop  }
0xe6: {  	[tilespmem:s9], [sflag:$0x1] =	stream.indirect_vreg.gather [hbm4b:s4+s2], $0x80, v3, vm0, $0xb8;
	[tilespmem:$0x10080] =	vst v63  }
0xe7: {  	v3 =	vld [tilespmem:$0x50];
	_ =	sdelay $0x4  }
0xe8: {  	v61 =	vshll.u32 v3, $0x2  }
0xe9: {  	v3 =	vand.u32 $0x7, v3;
	v4 =	vand.u32 $0xFFFFFFE0, v61  }
0xea: {  	v3 =	vor.u32 v3, v4  }
0xeb: {  	v4 =	vperm.xlane v3, v0;
	_ =	sdelay $0x1  }
0xec: {  	v4 =	vadd.s32 v1, v4;
	_ =	sdelay $0x1  }
0xed: {  	v3 =	vperm.xlane v3, v2;
	_ =	sdelay $0x1  }
0xee: {  	v3 =	vadd.s32 v1, v3  }
0xef: {  	[tilespmem:s10], [sflag:$0x1] =	stream.indirect_vreg.gather [hbm4b:s3+s2], $0x80, v4, vm0, $0xb8;
	[tilespmem:$0x10080] =	vst v63  }
0xf0: {  	_ = 	snop  }
0xf1: {  	[tilespmem:s11], [sflag:$0x1] =	stream.indirect_vreg.gather [hbm4b:s4+s2], $0x80, v4, vm0, $0xb8;
	[tilespmem:$0x10080] =	vst v63  }
0xf2: {  	_ = 	snop  }
0xf3: {  	[tilespmem:s12], [sflag:$0x1] =	stream.indirect_vreg.gather [hbm4b:s3+s2], $0x80, v3, vm0, $0xb8;
	[tilespmem:$0x10080] =	vst v63  }
0xf4: {  	_ = 	snop  }
0xf5: {  	[tilespmem:s13], [sflag:$0x1] =	stream.indirect_vreg.gather [hbm4b:s4+s2], $0x80, v3, vm0, $0xb8;
	[tilespmem:$0x10080] =	vst v63  }
0xf6: {  	v3 =	vld [tilespmem:$0x60];
	_ =	sdelay $0x4  }
0xf7: {  	v62 =	vshll.u32 v3, $0x2  }
0xf8: {  	v3 =	vand.u32 $0x7, v3;
	v4 =	vand.u32 $0xFFFFFFE0, v62  }
0xf9: {  	v3 =	vor.u32 v3, v4  }
0xfa: {  	v4 =	vperm.xlane v3, v0;
	_ =	sdelay $0x1  }
0xfb: {  	v4 =	vadd.s32 v1, v4;
	_ =	sdelay $0x1  }
0xfc: {  	v3 =	vperm.xlane v3, v2;
	_ =	sdelay $0x1  }
0xfd: {  	v3 =	vadd.s32 v1, v3  }
0xfe: {  	[tilespmem:s7], [sflag:$0x1] =	stream.indirect_vreg.gather [hbm4b:s3+s2], $0x80, v4, vm0, $0xb8;
	[tilespmem:$0x10080] =	vst v63  }
0xff: {  	s15 =	simm.s32 $0xC880  }
0x100: {  	[tilespmem:s15], [sflag:$0x1] =	stream.indirect_vreg.gather [hbm4b:s4+s2], $0x80, v4, vm0, $0xb8;
	[tilespmem:$0x10080] =	vst v63  }
0x101: {  	s15 =	simm.s32 $0xD080  }
0x102: {  	[tilespmem:s15], [sflag:$0x1] =	stream.indirect_vreg.gather [hbm4b:s3+s2], $0x80, v3, vm0, $0xb8;
	[tilespmem:$0x10080] =	vst v63  }
0x103: {  	s15 =	simm.s32 $0xD880  }
0x104: {  	[tilespmem:s15], [sflag:$0x1] =	stream.indirect_vreg.gather [hbm4b:s4+s2], $0x80, v3, vm0, $0xb8;
	[tilespmem:$0x10080] =	vst v63  }
0x105: {  	v3 =	vld [tilespmem:$0x70];
	_ =	sdelay $0x4  }
0x106: {  	v63 =	vshll.u32 v3, $0x2  }
0x107: {  	v3 =	vand.u32 $0x7, v3;
	v4 =	vand.u32 $0xFFFFFFE0, v63  }
0x108: {  	v3 =	vor.u32 v3, v4  }
0x109: {  	v4 =	vperm.xlane v3, v0;
	_ =	sdelay $0x1  }
0x10a: {  	v4 =	vadd.s32 v1, v4;
	_ =	sdelay $0x1  }
0x10b: {  	v3 =	vperm.xlane v3, v2;
	_ =	sdelay $0x1  }
0x10c: {  	s15 =	simm.s32 $0xE080;
	v3 =	vadd.s32 v1, v3  }
0x10d: {  	[tilespmem:s15], [sflag:$0x1] =	stream.indirect_vreg.gather [hbm4b:s3+s2], $0x80, v4, vm0, $0xb8;
	[tilespmem:$0x10080] =	vst v63  }
0x10e: {  	s15 =	simm.s32 $0xE880  }
0x10f: {  	[tilespmem:s15], [sflag:$0x1] =	stream.indirect_vreg.gather [hbm4b:s4+s2], $0x80, v4, vm0, $0xb8;
	[tilespmem:$0x10080] =	vst v63  }
0x110: {  	s15 =	simm.s32 $0xF080  }
0x111: {  	[tilespmem:s15], [sflag:$0x1] =	stream.indirect_vreg.gather [hbm4b:s3+s2], $0x80, v3, vm0, $0xb8;
	[tilespmem:$0x10080] =	vst v63  }
0x112: {  	s15 =	simm.s32 $0xF880  }
0x113: {  	[tilespmem:s15], [sflag:$0x1] =	stream.indirect_vreg.gather [hbm4b:s4+s2], $0x80, v3, vm0, $0xb8;
	[tilespmem:$0x10080] =	vst v63  }
0x114: {  	_ =	swait.ge [sflag:s14], $0x10000  }
0x115: {  	p0 =	sne.s32 s5, $0x1;
	s0 =	simm.s32 $0x80;
	[sflag:s14] =	ssyncset.done $0x0  }
.Ltmp0:
0x116: {  	s1 =	rddreg [dreg:$0x6];
	[sflag:s14] =	ssyncadd.s32 $0xFFFF0000;
	(pc) =	sbr.rel @p0 .LBB2_1-.Ltmp0, $4  }
0x117: {  	[hbm4b:s1+s2] =	stream.linear.scatter [tilespmem:s0], [sflag:$0x2], $0x10000, $0x38;
	[tilespmem:$0x10080] =	vst v63  }
0x118: {  	_ =	swait.ge [sflag:s6], $0x10000  }
0x119: {  	[sflag:s6] =	ssyncset.done $0x0  }
0x11a: {  	s5 =	sadd.s32 $0xFFFFFFFF, s5;
	[sflag:s6] =	ssyncadd.s32 $0xFFFF0000  }
0x11b: {  	_ =	sfence.sel $0x180000  }
0x11c: {  	[bflag:$0x0] =	sbarrier.arrive $0xFFFF  }
0x11d: {  	_ =	strace $0x90000047  }
0x11e: {  	s0 =	stileid.u32;
	[bflag:$0x2] =	sbarrier.arrive $0xFFFF  }
0x11f: {  	p0 =	sne.s32 s0, $0x0;
	s0 =	rddreg [dreg:$0x2]  }
0x120: {  	s0 =	sadd.s32 @!p0 $0x100000, s0  }
0x121: {  	[sflag:s0] =	ssyncadd.tile.s32 @!p0 $0x1;
	_ =	shalt  }
.Lfunc_end2:
_tile_overlayer_lowered:
.L_overlay_start_2:
0x122: {  	(tag) =	ssettag $0x2  }
0x123: {  	s0 =	rddreg [dreg:$0x0];
	s2 =	stileid.u32  }
0x124: {  	s1 =	rddreg [dreg:$0x1];
	p0 =	sne.s32 s2, $0x0  }
0x125: {  	s3 =	rddreg [dreg:$0x2];
	[bflag:$0x3] =	sbarrier.arrive $0xFFFF;
	s2 =	simm.s32 @!p0 $0x1C02  }
0x126: {  	[timem:s3], [sflag:s2] =	dma.local @!p0 [hbm:s0], s1  }
0x127: {  	s0 =	simm.s32 @!p0 $0x2  }
0x128: {  	_ =	swait.ge @!p0 [sflag:s0], s1  }
0x129: {  	s1 =	ssub.s32 @!p0 $0x0, s1;
	[sflag:s0] =	ssyncset.done @!p0 $0x0  }
0x12a: {  	[sflag:s0] =	ssyncadd.s32 @!p0 s1  }
0x12b: {  	[bflag:$0x3] =	sbarrier.arrive $0xFFFF  }
0x12c: {  	_ =	shalt  }

// kernel: kernel.24.cloned.1.call-start
scs
__scs_entry_jumppad:
0x0: {  	(pc) =	sbr.rel $0x88, $3  }
0x1: {  	(tag) =	ssettag $0x0;
	lr =	simm.s32 $0x1  }
0x2: {  	[smem:$0x3F8B] =	sst lr;
	_ =	strace $0xD0000000  }
0x3: {  	_ = 	snop  }
0x4: {  	_ = 	snop  }
0x5: {  	_ = 	snop  }
0x6: {  	_ = 	snop  }
0x7: {  	_ = 	snop  }
__scs_overlays_trampoline_lowered:
0x8: {  	[smem:$0x3F9A] =	sst s0  }
0x9: {  	[smem:$0x3F9B] =	sst s1  }
0xa: {  	[smem:$0x3F9C] =	sst s2  }
0xb: {  	[smem:$0x3F9D] =	sst s3  }
0xc: {  	[smem:$0x3F9E] =	sst s4  }
0xd: {  	[smem:$0x3F9F] =	sst s5  }
0xe: {  	[smem:$0x3FA0] =	sst s6  }
0xf: {  	[smem:$0x3FA1] =	sst s7  }
0x10: {  	[smem:$0x3FA2] =	sst s8  }
0x11: {  	[smem:$0x3FA3] =	sst s9;
	s0 =	simm.s32 @!p0 $0x0  }
0x12: {  	s1 =	sld [smem:$0x3F89];
	s0 =	simm.s32 @p0 $0x1  }
0x13: {  	[smem:$0x3FA4] =	sst s0;
	s0 =	simm.s32 @!p1 $0x0  }
0x14: {  	s2 =	sld [smem:$0x3F88];
	s0 =	simm.s32 @p1 $0x1  }
0x15: {  	[smem:$0x3FA5] =	sst s0;
	s0 =	simm.s32 @!p2 $0x0  }
0x16: {  	s3 =	sld [smem:$0x3FDB];
	s0 =	simm.s32 @p2 $0x1  }
0x17: {  	s4 =	simm.s32 $0x1BF5;
	[smem:$0x3FA7] =	sst s0  }
0x18: {  	s0 =	sld [smem:$0x3F8A];
	_ =	swait.ge [sflag:s4], $0x0  }
0x19: {  	s7 =	sld [smem:$0x3F8B]  }
0x1a: {  	s8 =	sadd.s32 $0xFFFFE003, lr  }
0x1b: {  	s9 =	sadd.s32 $0xFFFFFEF7, lr;
	s5 =	simm.s32 $0xFFFFFFFF;
	p2 =	slt.u32 s8, $0xFFFFF086  }
0x1c: {  	p1 =	slt.u32 s9, $0xF7A;
	s5 =	simm.s32 @!p2 $0x0  }
0x1d: {  	s5 =	simm.s32 @p1 $0x1;
	p0 =	seq.s32 s7, s2  }
0x1e: {  	s7 =	smul.u32 @!p0 $0xF7A, s2;
	p2 =	seq.s32 @!p0 s5, $0x0  }
0x1f: {  	s9 =	smul.u32 $0xF7A, s1;
	s8 =	simm.s32 @!p0 $0x1BF5;
	p2 =	por !p2, p0  }
0x20: {  	[sflag:s8] =	ssyncset.s32 @!p0 $0xFFFFF086;
	s6 =	sadd.s32 @!p0 s3, s7;
	s7 =	simm.s32 @!p0 $0x108  }
0x21: {  	s3 =	sadd.s32 s3, s9;
	s6 =	sadd.s32 @!p0 $0x88, s6;
	s7 =	simm.s32 @p2 $0x1082  }
0x22: {  	[simem:s7], [sflag:s8] =	dma.local @!p0 [hbm:s6], $0xF7A  }
0x23: {  	s9 =	sor.u32 $0xD0000000, s2;
	s6 =	simm.s32 $0x108;
	_ =	swait.ge @!p0 [sflag:s8], $0x0  }
0x24: {  	s3 =	sadd.s32 $0x88, s3;
	s6 =	simm.s32 @!p1 $0x1082;
	[sflag:s4] =	ssyncset.s32 $0xFFFFF086  }
0x25: {  	[simem:s6], [sflag:s4] =	dma.local [hbm:s3], $0xF7A  }
0x26: {  	[smem:$0x3F8B] =	sst s1;
	(tag) =	ssettag s2;
	_ =	strace s9  }
0x27: {  	s1 =	sld [smem:$0x3F9B]  }
0x28: {  	s2 =	sld [smem:$0x3F9C]  }
0x29: {  	s4 =	sld [smem:$0x3F9E]  }
0x2a: {  	p0 =	seq.s32 s5, $0x0;
	s5 =	sld [smem:$0x3F9F]  }
0x2b: {  	s6 =	sld [smem:$0x3FA0]  }
0x2c: {  	s7 =	sld [smem:$0x3FA1]  }
0x2d: {  	s3 =	simm.s32 $0x108;
	s8 =	sld [smem:$0x3FA2]  }
0x2e: {  	s3 =	simm.s32 @!p0 $0x1082;
	s9 =	sld [smem:$0x3FA3]  }
0x2f: {  	lr =	sadd.s32 s0, s3;
	s0 =	sld [smem:$0x3F9A]  }
0x30: {  	s3 =	sld [smem:$0x3F9D]  }
0x31: {  	[smem:$0x3FA6] =	sst s10  }
0x32: {  	s10 =	sld [smem:$0x3FA4];
	_ =	sdelay $0x3  }
0x33: {  	p0 =	seq.s32 s10, $0x1;
	s10 =	sld [smem:$0x3FA6];
	_ =	sdelay $0x3  }
0x34: {  	[smem:$0x3FA6] =	sst s10  }
0x35: {  	s10 =	sld [smem:$0x3FA5];
	_ =	sdelay $0x3  }
0x36: {  	p1 =	seq.s32 s10, $0x1;
	s10 =	sld [smem:$0x3FA6];
	_ =	sdelay $0x3  }
0x37: {  	[smem:$0x3FA6] =	sst s10  }
0x38: {  	s10 =	sld [smem:$0x3FA7]  }
0x39: {  	_ = 	snop;
	(pc) =	sbr.ind lr, $3  }
0x3a: {  	_ = 	snop  }
0x3b: {  	_ = 	snop  }
0x3c: {  	p2 =	seq.s32 s10, $0x1;
	s10 =	sld [smem:$0x3FA6]  }
0x3d: {  	_ =	shalt  }
0x3e: {  	_ =	shalt  }
0x3f: {  	_ =	shalt  }
0x40: {  	_ =	shalt  }
0x41: {  	_ =	shalt  }
0x42: {  	_ =	shalt  }
0x43: {  	_ =	shalt  }
0x44: {  	_ =	shalt  }
0x45: {  	_ =	shalt  }
0x46: {  	_ =	shalt  }
0x47: {  	_ =	shalt  }
0x48: {  	_ =	shalt  }
0x49: {  	_ =	shalt  }
0x4a: {  	_ =	shalt  }
0x4b: {  	_ =	shalt  }
0x4c: {  	_ =	shalt  }
0x4d: {  	_ =	shalt  }
0x4e: {  	_ =	shalt  }
0x4f: {  	_ =	shalt  }
0x50: {  	_ =	shalt  }
0x51: {  	_ =	shalt  }
0x52: {  	_ =	shalt  }
0x53: {  	_ =	shalt  }
0x54: {  	_ =	shalt  }
0x55: {  	_ =	shalt  }
0x56: {  	_ =	shalt  }
0x57: {  	_ =	shalt  }
0x58: {  	_ =	shalt  }
0x59: {  	_ =	shalt  }
0x5a: {  	_ =	shalt  }
0x5b: {  	_ =	shalt  }
0x5c: {  	_ =	shalt  }
0x5d: {  	_ =	shalt  }
0x5e: {  	_ =	shalt  }
0x5f: {  	_ =	shalt  }
0x60: {  	_ =	shalt  }
0x61: {  	_ =	shalt  }
0x62: {  	_ =	shalt  }
0x63: {  	_ =	shalt  }
0x64: {  	_ =	shalt  }
0x65: {  	_ =	shalt  }
0x66: {  	_ =	shalt  }
0x67: {  	_ =	shalt  }
0x68: {  	_ =	shalt  }
0x69: {  	_ =	shalt  }
0x6a: {  	_ =	shalt  }
0x6b: {  	_ =	shalt  }
0x6c: {  	_ =	shalt  }
0x6d: {  	_ =	shalt  }
0x6e: {  	_ =	shalt  }
0x6f: {  	_ =	shalt  }
0x70: {  	_ =	shalt  }
0x71: {  	_ =	shalt  }
0x72: {  	_ =	shalt  }
0x73: {  	_ =	shalt  }
0x74: {  	_ =	shalt  }
0x75: {  	_ =	shalt  }
0x76: {  	_ =	shalt  }
0x77: {  	_ =	shalt  }
0x78: {  	_ =	shalt  }
0x79: {  	_ =	shalt  }
0x7a: {  	_ =	shalt  }
0x7b: {  	_ =	shalt  }
0x7c: {  	_ =	shalt  }
0x7d: {  	_ =	shalt  }
0x7e: {  	_ =	shalt  }
0x7f: {  	_ =	shalt  }
0x80: {  	_ =	shalt  }
0x81: {  	_ =	shalt  }
0x82: {  	_ =	shalt  }
0x83: {  	_ =	shalt  }
0x84: {  	_ =	shalt  }
0x85: {  	_ =	shalt  }
0x86: {  	_ =	shalt  }
0x87: {  	_ =	shalt  }
.Lfunc_end0:
.L_simem_size_0:
called_computation.2_lowered:
.L_overlay_start_0:
0x88: {  	s2 =	sld [smem:$0x3FD9]  }
0x89: {  	s3 =	sld [smem:$0x3FFE];
	_ =	sdelay $0x1  }
0x8a: {  	s1 =	srdreg.scid  }
0x8b: {  	s0 =	sand.u32 $0x1, s1  }
0x8c: {  	s15 =	sshll.u32 s0, $0xA;
	s2 =	sadd.s32 s3, s2  }
0x8d: {  	s2 =	sadd.s32 s2, s15  }
0x8e: {  	[smem:$0x3FB2] =	sst s2  }
0x8f: {  	_ = 	snop  }
0x90: {  	s2 =	sld [smem:$0x3FD0];
	_ =	sdelay $0x2  }
0x91: {  	s16 =	simm.s32 $0xB;
	s4 =	simm.s32 $0x10  }
0x92: {  	[smem:s4], [sflag:s16] =	dma.local [hbm:s2], $0x1  }
0x93: {  	_ =	swait.eq [sflag:s16], $0x1  }
0x94: {  	[sflag:s16] =	ssyncset.done $0x0  }
0x95: {  	[sflag:s16] =	ssyncadd.s32 $0xFFFFFFFF  }
0x96: {  	s17 =	sld [smem:$0x10];
	(tm) =	ssettm $0x1  }
0x97: {  	s18 =	sld [smem:$0x3FFB];
	_ =	sdelay $0x3  }
0x98: {  	_ =	strace s18  }
0x99: {  	s2 =	sld [smem:$0x3FFC];
	_ =	sdelay $0x3  }
0x9a: {  	_ =	strace s2  }
0x9b: {  	s2 =	sld [smem:$0x3FFD];
	_ =	sdelay $0x3  }
0x9c: {  	_ =	strace s2  }
0x9d: {  	_ =	strace $0x8FFFFFFF  }
0x9e: {  	s19 =	sld [smem:$0x3FDB];
	_ =	sdelay $0x1  }
0x9f: {  	s20 =	simm.s32 $_scs_section_size  }
0xa0: {  	s5 =	simm.s32 $_size__tile_overlayer_lowered;
	s6 =	simm.s32 $_tile_overlayer_lowered  }
0xa1: {  	s7 =	simm.s32 $0x1BFF;
	s21 =	sshll.u32 s6, $0x1;
	s4 =	sadd.s32 s20, s19  }
0xa2: {  	s22 =	simm.s32 $0x0;
	s5 =	sshll.u32 s5, $0x1;
	s6 =	sadd.s32 s21, s4  }
0xa3: {  	[timem:s22], [sflag:s7] =	dma.local [hbm:s6], s5  }
0xa4: {  	_ =	swait.ge [sflag:s7], s5  }
0xa5: {  	s5 =	ssub.s32 $0x0, s5;
	[sflag:s7] =	ssyncset.done $0x0  }
0xa6: {  	[sflag:s7] =	ssyncadd.s32 s5;
	_ =	sdelay $0x1  }
0xa7: {  	s23 =	simm.s32 $0x1B8B  }
0xa8: {  	_ =	swait.ge [sflag:s23], $0x1  }
0xa9: {  	[sflag:s23] =	ssyncset.done $0x0  }
0xaa: {  	[sflag:s23] =	ssyncadd.s32 $0xFFFFFFFF  }
0xab: {  	s5 =	sld [smem:$0x0]  }
0xac: {  	s6 =	sand.u32 $0xFFFFFFFE, s1  }
0xad: {  	p0 =	sne.s32 s1, s6  }
0xae: {  	s6 =	sshll.u32 @p0 s6, $0xE  }
0xaf: {  	s6 =	sadd.s32 @p0 $0x11B8D, s6;
	s7 =	sshll.u32 @p0 s5, $0x11  }
0xb0: {  	s6 =	sor.u32 @p0 s7, s6  }
0xb1: {  	[sflag:s6] =	ssyncadd.remote.s32 @p0 $0x1;
	_ =	sdelay $0x1  }
0xb2: {  	s6 =	simm.s32 @p0 $0x1B8D  }
0xb3: {  	_ =	swait.eq @p0 [sflag:s6], $0x1  }
0xb4: {  	[sflag:s6] =	ssyncadd.s32 @p0 $0xFFFFFFFF  }
0xb5: {  	s7 =	sshll.u32 @!p0 s1, $0xE  }
0xb6: {  	s7 =	sor.u32 @!p0 $0x4000, s7;
	s6 =	simm.s32 @!p0 $0x1B8D  }
0xb7: {  	s5 =	sshll.u32 @!p0 s5, $0x11;
	s7 =	sadd.s32 @!p0 $0x11B8D, s7;
	_ =	swait.eq @!p0 [sflag:s6], $0x1  }
0xb8: {  	s5 =	sor.u32 @!p0 s5, s7;
	[sflag:s6] =	ssyncadd.s32 @!p0 $0xFFFFFFFF  }
0xb9: {  	s25 =	simm.s32 $0x1B8E;
	s24 =	sld [smem:$0x3FFE];
	[sflag:s5] =	ssyncadd.remote.s32 @!p0 $0x1  }
0xba: {  	s26 =	simm.s32 $execute0_lowered;
	[smem:$0x3FD2] =	sst s25  }
0xbb: {  	s6 =	sshll.u32 s26, $0x1;
	_ =	strace $0x8000004F;
	[dreg:$0x1] =	wrdreg $0xFFFFFFFF  }
0xbc: {  	s28 =	simm.s32 $_size_execute0_lowered;
	s4 =	sadd.s32 s4, s6;
	[dreg:$0x0] =	wrdreg $0x0  }
0xbd: {  	s6 =	sshll.u32 s28, $0x1;
	[dreg:$0x2] =	wrdreg s4  }
0xbe: {  	[dreg:$0x3] =	wrdreg s6  }
0xbf: {  	[dreg:$0x4] =	wrdreg $0xC0  }
0xc0: {  	_ =	task [dreg:s22], $0x5FFFF  }
0xc1: {  	[dreg:$0x1] =	wrdreg $0xFFFFFFFF  }
0xc2: {  	[dreg:$0x0] =	wrdreg $0x60  }
0xc3: {  	[dreg:$0x2] =	wrdreg s17  }
0xc4: {  	[dreg:$0x3] =	wrdreg s24  }
0xc5: {  	[dreg:$0x4] =	wrdreg $0x9  }
0xc6: {  	_ =	task.clear_ibuf [dreg:s22], $0x5FFFF;
	_ =	strace $0x9000004F  }
0xc7: {  	s29 =	simm.s32 $0x9;
	_ =	strace $0x80000051  }
0xc8: {  	_ =	swait.ge [sflag:s29], $0x1  }
0xc9: {  	[sflag:s29] =	ssyncadd.s32 $0xFFFFFFFF  }
0xca: {  	_ =	strace $0x90000051  }
0xcb: {  	_ =	sfence  }
0xcc: {  	s30 =	sld [smem:$0x0];
	_ =	sdelay $0x2  }
0xcd: {  	s31 =	sshll.u32 s1, $0xD;
	s1 =	sshrl.u32 s1, $0x2  }
0xce: {  	s4 =	sand.u32 $0x4000, s31;
	s1 =	sadd.s32 s1, s30  }
0xcf: {  	s0 =	sor.u32 s4, s0;
	s1 =	sshll.u32 s1, $0x11  }
0xd0: {  	s0 =	sor.u32 s1, s0  }
0xd1: {  	s0 =	sadd.s32 $0x8F2B, s0  }
0xd2: {  	[sflag:s0] =	ssyncadd.remote.s32 $0x1  }
0xd3: {  	_ =	sfence.sel $0xFFFF  }
0xd4: {  	[dreg:$0x0] =	wrdreg $0xFFFFFFFF;
	(pc) =	sbr.abs _section_cstart, $3  }
0xd5: {  	[dreg:$0x1] =	wrdreg $0xFFFFFFFF  }
0xd6: {  	_ =	task.clear_ibuf [dreg:s22], $0x2FFFF;
	_ =	strace $0x9FFFFFFF  }
0xd7: {  	(tm) =	ssettm $0x7FFFFFFF  }
tec
execute0_lowered:
.L_overlay_start_1:
0x0: {  	(tag) =	ssettag $0x1  }
0x1: {  	s1 =	rddreg [dreg:$0x0]  }
0x2: {  	s0 =	rddreg [dreg:$0x1]  }
0x3: {  	s3 =	simm.s32 $0x0;
	s2 =	srdreg.scid;
	s5 =	stileid.u32  }
0x4: {  	s14 =	simm.s32 $0x1;
	s16 =	simm.s32 $0x880;
	s17 =	simm.s32 $0x1080  }
0x5: {  	s18 =	simm.s32 $0x1880;
	s19 =	simm.s32 $0x2080;
	s20 =	simm.s32 $0x2880  }
0x6: {  	s21 =	simm.s32 $0x3080;
	s28 =	simm.s32 $0x6080;
	s29 =	simm.s32 $0x6880  }
0x7: {  	s30 =	simm.s32 $0x7080;
	s31 =	simm.s32 $0x7880;
	s8 =	simm.s32 $0x9080  }
0x8: {  	s9 =	simm.s32 $0x9880;
	s10 =	simm.s32 $0xA080;
	s11 =	simm.s32 $0xA880  }
0x9: {  	s12 =	simm.s32 $0xB080;
	s13 =	simm.s32 $0xB880;
	[smem:$0x7FF] =	sst s3  }
0xa: {  	s2 =	sand.u32 $0x1, s2;
	s5 =	sshll.u32 s5, $0x9;
	s6 =	sadd.s32 $0xDB000, s0  }
0xb: {  	s0 =	sadd.s32 $0x19B400, s0;
	s4 =	ssub.s32 $0x2, s2;
	s2 =	sshll.u32 s2, $0x8  }
0xc: {  	_ =	strace $0x80000050;
	s7 =	sshrl.u32 s4, $0x1;
	s2 =	sor.u32 s2, s5  }
0xd: {  	s22 =	ssub.s32 s4, s7;
	s23 =	sshrl.u32 s2, $0x3;
	s24 =	sshll.u32 s2, $0x6  }
0xe: {  	s2 =	sor.u32 $0x80, s2;
	s7 =	simm.s32 $0xC080;
	s4 =	sadd.s32 s6, s23  }
0xf: {  	s25 =	sadd.s32 s0, s24;
	s26 =	sshrl.u32 s2, $0x3;
	s2 =	sshll.u32 s2, $0x6  }
0x10: {  	s5 =	smax.u32 s22, $0x1;
	s22 =	simm.s32 $0x3880;
	[dreg:$0x3] =	wrdreg s4  }
0x11: {  	s23 =	simm.s32 $0x4080;
	s24 =	simm.s32 $0x4880;
	[dreg:$0x4] =	wrdreg s25  }
0x12: {  	v2 =	vlaneseq.u32;
	s6 =	sadd.s32 s6, s26;
	s4 =	sadd.s32 $0x100, s1;
	s0 =	sadd.s32 s0, s2  }
0x13: {  	vm0 =	vmmov $0xffff;
	v1 =	vshrl.u32 v2, $0x3;
	s25 =	simm.s32 $0x5080;
	s26 =	simm.s32 $0x5880;
	[dreg:$0x5] =	wrdreg s6  }
0x14: {  	v0 =	vand.u32 $0x7, v2;
	v2 =	vor.u32 $0x8, v2;
	v1 =	vmul.u32 $0x8, v1;
	s2 =	simm.s32 $0x8880;
	[dreg:$0x6] =	wrdreg s0;
	s6 =	simm.s32 $0x2  }
.LBB2_1:
0x15: {  	s15 =	rddreg [dreg:$0x3]  }
0x16: {  	[tilespmem:s3], [sflag:$0x2] =	stream.linear.gather [hbm4b:s15+s3], $0x80, $0x38;
	[tilespmem:$0x10080] =	vst v63  }
0x17: {  	_ =	swait.ge [sflag:s6], $0x80  }
0x18: {  	[sflag:s6] =	ssyncset.done $0x0  }
0x19: {  	[sflag:s6] =	ssyncadd.s32 $0xFFFFFF80  }
0x1a: {  	v3 =	vld [tilespmem:$0x0];
	_ =	sdelay $0x4  }
0x1b: {  	v4 =	vshll.u32 v3, $0x2  }
0x1c: {  	v3 =	vand.u32 $0x7, v3;
	v4 =	vand.u32 $0xFFFFFFE0, v4  }
0x1d: {  	v3 =	vor.u32 v3, v4  }
0x1e: {  	v4 =	vperm.xlane v3, v0;
	_ =	sdelay $0x1  }
0x1f: {  	v4 =	vadd.s32 v1, v4;
	_ =	sdelay $0x1  }
0x20: {  	v3 =	vperm.xlane v3, v2;
	_ =	sdelay $0x1  }
0x21: {  	s0 =	simm.s32 $0x80;
	v3 =	vadd.s32 v1, v3  }
0x22: {  	[tilespmem:s0], [sflag:$0x1] =	stream.indirect_vreg.gather [hbm4b:s1+s3], $0x80, v4, vm0, $0xb8;
	[tilespmem:$0x10080] =	vst v63  }
0x23: {  	_ = 	snop  }
0x24: {  	[tilespmem:s16], [sflag:$0x1] =	stream.indirect_vreg.gather [hbm4b:s4+s3], $0x80, v4, vm0, $0xb8;
	[tilespmem:$0x10080] =	vst v63  }
0x25: {  	_ = 	snop  }
0x26: {  	[tilespmem:s17], [sflag:$0x1] =	stream.indirect_vreg.gather [hbm4b:s1+s3], $0x80, v3, vm0, $0xb8;
	[tilespmem:$0x10080] =	vst v63  }
0x27: {  	_ = 	snop  }
0x28: {  	[tilespmem:s18], [sflag:$0x1] =	stream.indirect_vreg.gather [hbm4b:s4+s3], $0x80, v3, vm0, $0xb8;
	[tilespmem:$0x10080] =	vst v63  }
0x29: {  	v3 =	vld [tilespmem:$0x10];
	_ =	sdelay $0x4  }
0x2a: {  	v49 =	vshll.u32 v3, $0x2  }
0x2b: {  	v3 =	vand.u32 $0x7, v3;
	v4 =	vand.u32 $0xFFFFFFE0, v49  }
0x2c: {  	v3 =	vor.u32 v3, v4  }
0x2d: {  	v4 =	vperm.xlane v3, v0;
	_ =	sdelay $0x1  }
0x2e: {  	v4 =	vadd.s32 v1, v4;
	_ =	sdelay $0x1  }
0x2f: {  	v3 =	vperm.xlane v3, v2;
	_ =	sdelay $0x1  }
0x30: {  	v3 =	vadd.s32 v1, v3  }
0x31: {  	[tilespmem:s19], [sflag:$0x1] =	stream.indirect_vreg.gather [hbm4b:s1+s3], $0x80, v4, vm0, $0xb8;
	[tilespmem:$0x10080] =	vst v63  }
0x32: {  	_ = 	snop  }
0x33: {  	[tilespmem:s20], [sflag:$0x1] =	stream.indirect_vreg.gather [hbm4b:s4+s3], $0x80, v4, vm0, $0xb8;
	[tilespmem:$0x10080] =	vst v63  }
0x34: {  	_ = 	snop  }
0x35: {  	[tilespmem:s21], [sflag:$0x1] =	stream.indirect_vreg.gather [hbm4b:s1+s3], $0x80, v3, vm0, $0xb8;
	[tilespmem:$0x10080] =	vst v63  }
0x36: {  	_ = 	snop  }
0x37: {  	[tilespmem:s22], [sflag:$0x1] =	stream.indirect_vreg.gather [hbm4b:s4+s3], $0x80, v3, vm0, $0xb8;
	[tilespmem:$0x10080] =	vst v63  }
0x38: {  	v3 =	vld [tilespmem:$0x20];
	_ =	sdelay $0x4  }
0x39: {  	v50 =	vshll.u32 v3, $0x2  }
0x3a: {  	v3 =	vand.u32 $0x7, v3;
	v4 =	vand.u32 $0xFFFFFFE0, v50  }
0x3b: {  	v3 =	vor.u32 v3, v4  }
0x3c: {  	v4 =	vperm.xlane v3, v0;
	_ =	sdelay $0x1  }
0x3d: {  	v4 =	vadd.s32 v1, v4;
	_ =	sdelay $0x1  }
0x3e: {  	v3 =	vperm.xlane v3, v2;
	_ =	sdelay $0x1  }
0x3f: {  	v3 =	vadd.s32 v1, v3  }
0x40: {  	[tilespmem:s23], [sflag:$0x1] =	stream.indirect_vreg.gather [hbm4b:s1+s3], $0x80, v4, vm0, $0xb8;
	[tilespmem:$0x10080] =	vst v63  }
0x41: {  	_ = 	snop  }
0x42: {  	[tilespmem:s24], [sflag:$0x1] =	stream.indirect_vreg.gather [hbm4b:s4+s3], $0x80, v4, vm0, $0xb8;
	[tilespmem:$0x10080] =	vst v63  }
0x43: {  	_ = 	snop  }
0x44: {  	[tilespmem:s25], [sflag:$0x1] =	stream.indirect_vreg.gather [hbm4b:s1+s3], $0x80, v3, vm0, $0xb8;
	[tilespmem:$0x10080] =	vst v63  }
0x45: {  	_ = 	snop  }
0x46: {  	[tilespmem:s26], [sflag:$0x1] =	stream.indirect_vreg.gather [hbm4b:s4+s3], $0x80, v3, vm0, $0xb8;
	[tilespmem:$0x10080] =	vst v63  }
0x47: {  	v3 =	vld [tilespmem:$0x30];
	_ =	sdelay $0x4  }
0x48: {  	v51 =	vshll.u32 v3, $0x2  }
0x49: {  	v3 =	vand.u32 $0x7, v3;
	v4 =	vand.u32 $0xFFFFFFE0, v51  }
0x4a: {  	v3 =	vor.u32 v3, v4  }
0x4b: {  	v4 =	vperm.xlane v3, v0;
	_ =	sdelay $0x1  }
0x4c: {  	v4 =	vadd.s32 v1, v4;
	_ =	sdelay $0x1  }
0x4d: {  	v3 =	vperm.xlane v3, v2;
	_ =	sdelay $0x1  }
0x4e: {  	v3 =	vadd.s32 v1, v3  }
0x4f: {  	[tilespmem:s28], [sflag:$0x1] =	stream.indirect_vreg.gather [hbm4b:s1+s3], $0x80, v4, vm0, $0xb8;
	[tilespmem:$0x10080] =	vst v63  }
0x50: {  	_ = 	snop  }
0x51: {  	[tilespmem:s29], [sflag:$0x1] =	stream.indirect_vreg.gather [hbm4b:s4+s3], $0x80, v4, vm0, $0xb8;
	[tilespmem:$0x10080] =	vst v63  }
0x52: {  	_ = 	snop  }
0x53: {  	[tilespmem:s30], [sflag:$0x1] =	stream.indirect_vreg.gather [hbm4b:s1+s3], $0x80, v3, vm0, $0xb8;
	[tilespmem:$0x10080] =	vst v63  }
0x54: {  	_ = 	snop  }
0x55: {  	[tilespmem:s31], [sflag:$0x1] =	stream.indirect_vreg.gather [hbm4b:s4+s3], $0x80, v3, vm0, $0xb8;
	[tilespmem:$0x10080] =	vst v63  }
0x56: {  	v3 =	vld [tilespmem:$0x40];
	_ =	sdelay $0x4  }
0x57: {  	v52 =	vshll.u32 v3, $0x2  }
0x58: {  	v3 =	vand.u32 $0x7, v3;
	v4 =	vand.u32 $0xFFFFFFE0, v52  }
0x59: {  	v3 =	vor.u32 v3, v4  }
0x5a: {  	v4 =	vperm.xlane v3, v0;
	_ =	sdelay $0x1  }
0x5b: {  	v4 =	vadd.s32 v1, v4;
	_ =	sdelay $0x1  }
0x5c: {  	v3 =	vperm.xlane v3, v2;
	_ =	sdelay $0x1  }
0x5d: {  	s15 =	simm.s32 $0x8080;
	v3 =	vadd.s32 v1, v3  }
0x5e: {  	[tilespmem:s15], [sflag:$0x1] =	stream.indirect_vreg.gather [hbm4b:s1+s3], $0x80, v4, vm0, $0xb8;
	[tilespmem:$0x10080] =	vst v63  }
0x5f: {  	_ = 	snop  }
0x60: {  	[tilespmem:s2], [sflag:$0x1] =	stream.indirect_vreg.gather [hbm4b:s4+s3], $0x80, v4, vm0, $0xb8;
	[tilespmem:$0x10080] =	vst v63  }
0x61: {  	_ = 	snop  }
0x62: {  	[tilespmem:s8], [sflag:$0x1] =	stream.indirect_vreg.gather [hbm4b:s1+s3], $0x80, v3, vm0, $0xb8;
	[tilespmem:$0x10080] =	vst v63  }
0x63: {  	_ = 	snop  }
0x64: {  	[tilespmem:s9], [sflag:$0x1] =	stream.indirect_vreg.gather [hbm4b:s4+s3], $0x80, v3, vm0, $0xb8;
	[tilespmem:$0x10080] =	vst v63  }
0x65: {  	v3 =	vld [tilespmem:$0x50];
	_ =	sdelay $0x4  }
0x66: {  	v53 =	vshll.u32 v3, $0x2  }
0x67: {  	v3 =	vand.u32 $0x7, v3;
	v4 =	vand.u32 $0xFFFFFFE0, v53  }
0x68: {  	v3 =	vor.u32 v3, v4  }
0x69: {  	v4 =	vperm.xlane v3, v0;
	_ =	sdelay $0x1  }
0x6a: {  	v4 =	vadd.s32 v1, v4;
	_ =	sdelay $0x1  }
0x6b: {  	v3 =	vperm.xlane v3, v2;
	_ =	sdelay $0x1  }
0x6c: {  	v3 =	vadd.s32 v1, v3  }
0x6d: {  	[tilespmem:s10], [sflag:$0x1] =	stream.indirect_vreg.gather [hbm4b:s1+s3], $0x80, v4, vm0, $0xb8;
	[tilespmem:$0x10080] =	vst v63  }
0x6e: {  	_ = 	snop  }
0x6f: {  	[tilespmem:s11], [sflag:$0x1] =	stream.indirect_vreg.gather [hbm4b:s4+s3], $0x80, v4, vm0, $0xb8;
	[tilespmem:$0x10080] =	vst v63  }
0x70: {  	_ = 	snop  }
0x71: {  	[tilespmem:s12], [sflag:$0x1] =	stream.indirect_vreg.gather [hbm4b:s1+s3], $0x80, v3, vm0, $0xb8;
	[tilespmem:$0x10080] =	vst v63  }
0x72: {  	_ = 	snop  }
0x73: {  	[tilespmem:s13], [sflag:$0x1] =	stream.indirect_vreg.gather [hbm4b:s4+s3], $0x80, v3, vm0, $0xb8;
	[tilespmem:$0x10080] =	vst v63  }
0x74: {  	v3 =	vld [tilespmem:$0x60];
	_ =	sdelay $0x4  }
0x75: {  	v54 =	vshll.u32 v3, $0x2  }
0x76: {  	v3 =	vand.u32 $0x7, v3;
	v4 =	vand.u32 $0xFFFFFFE0, v54  }
0x77: {  	v3 =	vor.u32 v3, v4  }
0x78: {  	v4 =	vperm.xlane v3, v0;
	_ =	sdelay $0x1  }
0x79: {  	v4 =	vadd.s32 v1, v4;
	_ =	sdelay $0x1  }
0x7a: {  	v3 =	vperm.xlane v3, v2;
	_ =	sdelay $0x1  }
0x7b: {  	v3 =	vadd.s32 v1, v3  }
0x7c: {  	[tilespmem:s7], [sflag:$0x1] =	stream.indirect_vreg.gather [hbm4b:s1+s3], $0x80, v4, vm0, $0xb8;
	[tilespmem:$0x10080] =	vst v63  }
0x7d: {  	s15 =	simm.s32 $0xC880  }
0x7e: {  	[tilespmem:s15], [sflag:$0x1] =	stream.indirect_vreg.gather [hbm4b:s4+s3], $0x80, v4, vm0, $0xb8;
	[tilespmem:$0x10080] =	vst v63  }
0x7f: {  	s15 =	simm.s32 $0xD080  }
0x80: {  	[tilespmem:s15], [sflag:$0x1] =	stream.indirect_vreg.gather [hbm4b:s1+s3], $0x80, v3, vm0, $0xb8;
	[tilespmem:$0x10080] =	vst v63  }
0x81: {  	s15 =	simm.s32 $0xD880  }
0x82: {  	[tilespmem:s15], [sflag:$0x1] =	stream.indirect_vreg.gather [hbm4b:s4+s3], $0x80, v3, vm0, $0xb8;
	[tilespmem:$0x10080] =	vst v63  }
0x83: {  	v3 =	vld [tilespmem:$0x70];
	_ =	sdelay $0x4  }
0x84: {  	v55 =	vshll.u32 v3, $0x2  }
0x85: {  	v3 =	vand.u32 $0x7, v3;
	v4 =	vand.u32 $0xFFFFFFE0, v55  }
0x86: {  	v3 =	vor.u32 v3, v4  }
0x87: {  	v4 =	vperm.xlane v3, v0;
	_ =	sdelay $0x1  }
0x88: {  	v4 =	vadd.s32 v1, v4;
	_ =	sdelay $0x1  }
0x89: {  	v3 =	vperm.xlane v3, v2;
	_ =	sdelay $0x1  }
0x8a: {  	s15 =	simm.s32 $0xE080;
	v3 =	vadd.s32 v1, v3  }
0x8b: {  	[tilespmem:s15], [sflag:$0x1] =	stream.indirect_vreg.gather [hbm4b:s1+s3], $0x80, v4, vm0, $0xb8;
	[tilespmem:$0x10080] =	vst v63  }
0x8c: {  	s15 =	simm.s32 $0xE880  }
0x8d: {  	[tilespmem:s15], [sflag:$0x1] =	stream.indirect_vreg.gather [hbm4b:s4+s3], $0x80, v4, vm0, $0xb8;
	[tilespmem:$0x10080] =	vst v63  }
0x8e: {  	s15 =	simm.s32 $0xF080  }
0x8f: {  	[tilespmem:s15], [sflag:$0x1] =	stream.indirect_vreg.gather [hbm4b:s1+s3], $0x80, v3, vm0, $0xb8;
	[tilespmem:$0x10080] =	vst v63  }
0x90: {  	s15 =	simm.s32 $0xF880  }
0x91: {  	[tilespmem:s15], [sflag:$0x1] =	stream.indirect_vreg.gather [hbm4b:s4+s3], $0x80, v3, vm0, $0xb8;
	[tilespmem:$0x10080] =	vst v63  }
0x92: {  	_ =	swait.ge [sflag:s14], $0x10000  }
0x93: {  	[sflag:s14] =	ssyncset.done $0x0  }
0x94: {  	s0 =	simm.s32 $0x80;
	s15 =	rddreg [dreg:$0x4];
	[sflag:s14] =	ssyncadd.s32 $0xFFFF0000  }
0x95: {  	[hbm4b:s15+s3] =	stream.linear.scatter [tilespmem:s0], [sflag:$0x2], $0x10000, $0x38;
	[tilespmem:$0x10080] =	vst v63  }
0x96: {  	_ =	swait.ge [sflag:s6], $0x10000  }
0x97: {  	[sflag:s6] =	ssyncset.done $0x0  }
0x98: {  	s15 =	rddreg [dreg:$0x5];
	[sflag:s6] =	ssyncadd.s32 $0xFFFF0000  }
0x99: {  	[tilespmem:s3], [sflag:$0x2] =	stream.linear.gather [hbm4b:s15+s3], $0x80, $0x38;
	[tilespmem:$0x10080] =	vst v63  }
0x9a: {  	_ =	swait.ge [sflag:s6], $0x80  }
0x9b: {  	[sflag:s6] =	ssyncset.done $0x0  }
0x9c: {  	[sflag:s6] =	ssyncadd.s32 $0xFFFFFF80  }
0x9d: {  	v3 =	vld [tilespmem:$0x0];
	_ =	sdelay $0x4  }
0x9e: {  	v56 =	vshll.u32 v3, $0x2  }
0x9f: {  	v3 =	vand.u32 $0x7, v3;
	v4 =	vand.u32 $0xFFFFFFE0, v56  }
0xa0: {  	v3 =	vor.u32 v3, v4  }
0xa1: {  	v4 =	vperm.xlane v3, v0;
	_ =	sdelay $0x1  }
0xa2: {  	v4 =	vadd.s32 v1, v4;
	_ =	sdelay $0x1  }
0xa3: {  	v3 =	vperm.xlane v3, v2;
	_ =	sdelay $0x1  }
0xa4: {  	v3 =	vadd.s32 v1, v3  }
0xa5: {  	[tilespmem:s0], [sflag:$0x1] =	stream.indirect_vreg.gather [hbm4b:s1+s3], $0x80, v4, vm0, $0xb8;
	[tilespmem:$0x10080] =	vst v63  }
0xa6: {  	_ = 	snop  }
0xa7: {  	[tilespmem:s16], [sflag:$0x1] =	stream.indirect_vreg.gather [hbm4b:s4+s3], $0x80, v4, vm0, $0xb8;
	[tilespmem:$0x10080] =	vst v63  }
0xa8: {  	_ = 	snop  }
0xa9: {  	[tilespmem:s17], [sflag:$0x1] =	stream.indirect_vreg.gather [hbm4b:s1+s3], $0x80, v3, vm0, $0xb8;
	[tilespmem:$0x10080] =	vst v63  }
0xaa: {  	_ = 	snop  }
0xab: {  	[tilespmem:s18], [sflag:$0x1] =	stream.indirect_vreg.gather [hbm4b:s4+s3], $0x80, v3, vm0, $0xb8;
	[tilespmem:$0x10080] =	vst v63  }
0xac: {  	v3 =	vld [tilespmem:$0x10];
	_ =	sdelay $0x4  }
0xad: {  	v57 =	vshll.u32 v3, $0x2  }
0xae: {  	v3 =	vand.u32 $0x7, v3;
	v4 =	vand.u32 $0xFFFFFFE0, v57  }
0xaf: {  	v3 =	vor.u32 v3, v4  }
0xb0: {  	v4 =	vperm.xlane v3, v0;
	_ =	sdelay $0x1  }
0xb1: {  	v4 =	vadd.s32 v1, v4;
	_ =	sdelay $0x1  }
0xb2: {  	v3 =	vperm.xlane v3, v2;
	_ =	sdelay $0x1  }
0xb3: {  	v3 =	vadd.s32 v1, v3  }
0xb4: {  	[tilespmem:s19], [sflag:$0x1] =	stream.indirect_vreg.gather [hbm4b:s1+s3], $0x80, v4, vm0, $0xb8;
	[tilespmem:$0x10080] =	vst v63  }
0xb5: {  	_ = 	snop  }
0xb6: {  	[tilespmem:s20], [sflag:$0x1] =	stream.indirect_vreg.gather [hbm4b:s4+s3], $0x80, v4, vm0, $0xb8;
	[tilespmem:$0x10080] =	vst v63  }
0xb7: {  	_ = 	snop  }
0xb8: {  	[tilespmem:s21], [sflag:$0x1] =	stream.indirect_vreg.gather [hbm4b:s1+s3], $0x80, v3, vm0, $0xb8;
	[tilespmem:$0x10080] =	vst v63  }
0xb9: {  	_ = 	snop  }
0xba: {  	[tilespmem:s22], [sflag:$0x1] =	stream.indirect_vreg.gather [hbm4b:s4+s3], $0x80, v3, vm0, $0xb8;
	[tilespmem:$0x10080] =	vst v63  }
0xbb: {  	v3 =	vld [tilespmem:$0x20];
	_ =	sdelay $0x4  }
0xbc: {  	v58 =	vshll.u32 v3, $0x2  }
0xbd: {  	v3 =	vand.u32 $0x7, v3;
	v4 =	vand.u32 $0xFFFFFFE0, v58  }
0xbe: {  	v3 =	vor.u32 v3, v4  }
0xbf: {  	v4 =	vperm.xlane v3, v0;
	_ =	sdelay $0x1  }
0xc0: {  	v4 =	vadd.s32 v1, v4;
	_ =	sdelay $0x1  }
0xc1: {  	v3 =	vperm.xlane v3, v2;
	_ =	sdelay $0x1  }
0xc2: {  	v3 =	vadd.s32 v1, v3  }
0xc3: {  	[tilespmem:s23], [sflag:$0x1] =	stream.indirect_vreg.gather [hbm4b:s1+s3], $0x80, v4, vm0, $0xb8;
	[tilespmem:$0x10080] =	vst v63  }
0xc4: {  	_ = 	snop  }
0xc5: {  	[tilespmem:s24], [sflag:$0x1] =	stream.indirect_vreg.gather [hbm4b:s4+s3], $0x80, v4, vm0, $0xb8;
	[tilespmem:$0x10080] =	vst v63  }
0xc6: {  	_ = 	snop  }
0xc7: {  	[tilespmem:s25], [sflag:$0x1] =	stream.indirect_vreg.gather [hbm4b:s1+s3], $0x80, v3, vm0, $0xb8;
	[tilespmem:$0x10080] =	vst v63  }
0xc8: {  	_ = 	snop  }
0xc9: {  	[tilespmem:s26], [sflag:$0x1] =	stream.indirect_vreg.gather [hbm4b:s4+s3], $0x80, v3, vm0, $0xb8;
	[tilespmem:$0x10080] =	vst v63  }
0xca: {  	v3 =	vld [tilespmem:$0x30];
	_ =	sdelay $0x4  }
0xcb: {  	v59 =	vshll.u32 v3, $0x2  }
0xcc: {  	v3 =	vand.u32 $0x7, v3;
	v4 =	vand.u32 $0xFFFFFFE0, v59  }
0xcd: {  	v3 =	vor.u32 v3, v4  }
0xce: {  	v4 =	vperm.xlane v3, v0;
	_ =	sdelay $0x1  }
0xcf: {  	v4 =	vadd.s32 v1, v4;
	_ =	sdelay $0x1  }
0xd0: {  	v3 =	vperm.xlane v3, v2;
	_ =	sdelay $0x1  }
0xd1: {  	v3 =	vadd.s32 v1, v3  }
0xd2: {  	[tilespmem:s28], [sflag:$0x1] =	stream.indirect_vreg.gather [hbm4b:s1+s3], $0x80, v4, vm0, $0xb8;
	[tilespmem:$0x10080] =	vst v63  }
0xd3: {  	_ = 	snop  }
0xd4: {  	[tilespmem:s29], [sflag:$0x1] =	stream.indirect_vreg.gather [hbm4b:s4+s3], $0x80, v4, vm0, $0xb8;
	[tilespmem:$0x10080] =	vst v63  }
0xd5: {  	_ = 	snop  }
0xd6: {  	[tilespmem:s30], [sflag:$0x1] =	stream.indirect_vreg.gather [hbm4b:s1+s3], $0x80, v3, vm0, $0xb8;
	[tilespmem:$0x10080] =	vst v63  }
0xd7: {  	_ = 	snop  }
0xd8: {  	[tilespmem:s31], [sflag:$0x1] =	stream.indirect_vreg.gather [hbm4b:s4+s3], $0x80, v3, vm0, $0xb8;
	[tilespmem:$0x10080] =	vst v63  }
0xd9: {  	v3 =	vld [tilespmem:$0x40];
	_ =	sdelay $0x4  }
0xda: {  	v60 =	vshll.u32 v3, $0x2  }
0xdb: {  	v3 =	vand.u32 $0x7, v3;
	v4 =	vand.u32 $0xFFFFFFE0, v60  }
0xdc: {  	v3 =	vor.u32 v3, v4  }
0xdd: {  	v4 =	vperm.xlane v3, v0;
	_ =	sdelay $0x1  }
0xde: {  	v4 =	vadd.s32 v1, v4;
	_ =	sdelay $0x1  }
0xdf: {  	v3 =	vperm.xlane v3, v2;
	_ =	sdelay $0x1  }
0xe0: {  	s15 =	simm.s32 $0x8080;
	v3 =	vadd.s32 v1, v3  }
0xe1: {  	[tilespmem:s15], [sflag:$0x1] =	stream.indirect_vreg.gather [hbm4b:s1+s3], $0x80, v4, vm0, $0xb8;
	[tilespmem:$0x10080] =	vst v63  }
0xe2: {  	_ = 	snop  }
0xe3: {  	[tilespmem:s2], [sflag:$0x1] =	stream.indirect_vreg.gather [hbm4b:s4+s3], $0x80, v4, vm0, $0xb8;
	[tilespmem:$0x10080] =	vst v63  }
0xe4: {  	_ = 	snop  }
0xe5: {  	[tilespmem:s8], [sflag:$0x1] =	stream.indirect_vreg.gather [hbm4b:s1+s3], $0x80, v3, vm0, $0xb8;
	[tilespmem:$0x10080] =	vst v63  }
0xe6: {  	_ = 	snop  }
0xe7: {  	[tilespmem:s9], [sflag:$0x1] =	stream.indirect_vreg.gather [hbm4b:s4+s3], $0x80, v3, vm0, $0xb8;
	[tilespmem:$0x10080] =	vst v63  }
0xe8: {  	v3 =	vld [tilespmem:$0x50];
	_ =	sdelay $0x4  }
0xe9: {  	v61 =	vshll.u32 v3, $0x2  }
0xea: {  	v3 =	vand.u32 $0x7, v3;
	v4 =	vand.u32 $0xFFFFFFE0, v61  }
0xeb: {  	v3 =	vor.u32 v3, v4  }
0xec: {  	v4 =	vperm.xlane v3, v0;
	_ =	sdelay $0x1  }
0xed: {  	v4 =	vadd.s32 v1, v4;
	_ =	sdelay $0x1  }
0xee: {  	v3 =	vperm.xlane v3, v2;
	_ =	sdelay $0x1  }
0xef: {  	v3 =	vadd.s32 v1, v3  }
0xf0: {  	[tilespmem:s10], [sflag:$0x1] =	stream.indirect_vreg.gather [hbm4b:s1+s3], $0x80, v4, vm0, $0xb8;
	[tilespmem:$0x10080] =	vst v63  }
0xf1: {  	_ = 	snop  }
0xf2: {  	[tilespmem:s11], [sflag:$0x1] =	stream.indirect_vreg.gather [hbm4b:s4+s3], $0x80, v4, vm0, $0xb8;
	[tilespmem:$0x10080] =	vst v63  }
0xf3: {  	_ = 	snop  }
0xf4: {  	[tilespmem:s12], [sflag:$0x1] =	stream.indirect_vreg.gather [hbm4b:s1+s3], $0x80, v3, vm0, $0xb8;
	[tilespmem:$0x10080] =	vst v63  }
0xf5: {  	_ = 	snop  }
0xf6: {  	[tilespmem:s13], [sflag:$0x1] =	stream.indirect_vreg.gather [hbm4b:s4+s3], $0x80, v3, vm0, $0xb8;
	[tilespmem:$0x10080] =	vst v63  }
0xf7: {  	v3 =	vld [tilespmem:$0x60];
	_ =	sdelay $0x4  }
0xf8: {  	v62 =	vshll.u32 v3, $0x2  }
0xf9: {  	v3 =	vand.u32 $0x7, v3;
	v4 =	vand.u32 $0xFFFFFFE0, v62  }
0xfa: {  	v3 =	vor.u32 v3, v4  }
0xfb: {  	v4 =	vperm.xlane v3, v0;
	_ =	sdelay $0x1  }
0xfc: {  	v4 =	vadd.s32 v1, v4;
	_ =	sdelay $0x1  }
0xfd: {  	v3 =	vperm.xlane v3, v2;
	_ =	sdelay $0x1  }
0xfe: {  	v3 =	vadd.s32 v1, v3  }
0xff: {  	[tilespmem:s7], [sflag:$0x1] =	stream.indirect_vreg.gather [hbm4b:s1+s3], $0x80, v4, vm0, $0xb8;
	[tilespmem:$0x10080] =	vst v63  }
0x100: {  	s15 =	simm.s32 $0xC880  }
0x101: {  	[tilespmem:s15], [sflag:$0x1] =	stream.indirect_vreg.gather [hbm4b:s4+s3], $0x80, v4, vm0, $0xb8;
	[tilespmem:$0x10080] =	vst v63  }
0x102: {  	s15 =	simm.s32 $0xD080  }
0x103: {  	[tilespmem:s15], [sflag:$0x1] =	stream.indirect_vreg.gather [hbm4b:s1+s3], $0x80, v3, vm0, $0xb8;
	[tilespmem:$0x10080] =	vst v63  }
0x104: {  	s15 =	simm.s32 $0xD880  }
0x105: {  	[tilespmem:s15], [sflag:$0x1] =	stream.indirect_vreg.gather [hbm4b:s4+s3], $0x80, v3, vm0, $0xb8;
	[tilespmem:$0x10080] =	vst v63  }
0x106: {  	v3 =	vld [tilespmem:$0x70];
	_ =	sdelay $0x4  }
0x107: {  	v63 =	vshll.u32 v3, $0x2  }
0x108: {  	v3 =	vand.u32 $0x7, v3;
	v4 =	vand.u32 $0xFFFFFFE0, v63  }
0x109: {  	v3 =	vor.u32 v3, v4  }
0x10a: {  	v4 =	vperm.xlane v3, v0;
	_ =	sdelay $0x1  }
0x10b: {  	v4 =	vadd.s32 v1, v4;
	_ =	sdelay $0x1  }
0x10c: {  	v3 =	vperm.xlane v3, v2;
	_ =	sdelay $0x1  }
0x10d: {  	s15 =	simm.s32 $0xE080;
	v3 =	vadd.s32 v1, v3  }
0x10e: {  	[tilespmem:s15], [sflag:$0x1] =	stream.indirect_vreg.gather [hbm4b:s1+s3], $0x80, v4, vm0, $0xb8;
	[tilespmem:$0x10080] =	vst v63  }
0x10f: {  	s15 =	simm.s32 $0xE880  }
0x110: {  	[tilespmem:s15], [sflag:$0x1] =	stream.indirect_vreg.gather [hbm4b:s4+s3], $0x80, v4, vm0, $0xb8;
	[tilespmem:$0x10080] =	vst v63  }
0x111: {  	s15 =	simm.s32 $0xF080  }
0x112: {  	[tilespmem:s15], [sflag:$0x1] =	stream.indirect_vreg.gather [hbm4b:s1+s3], $0x80, v3, vm0, $0xb8;
	[tilespmem:$0x10080] =	vst v63  }
0x113: {  	s15 =	simm.s32 $0xF880  }
0x114: {  	[tilespmem:s15], [sflag:$0x1] =	stream.indirect_vreg.gather [hbm4b:s4+s3], $0x80, v3, vm0, $0xb8;
	[tilespmem:$0x10080] =	vst v63  }
0x115: {  	_ =	swait.ge [sflag:s14], $0x10000  }
0x116: {  	p0 =	sne.s32 s5, $0x1;
	s0 =	simm.s32 $0x80;
	[sflag:s14] =	ssyncset.done $0x0  }
.Ltmp0:
0x117: {  	s15 =	rddreg [dreg:$0x6];
	[sflag:s14] =	ssyncadd.s32 $0xFFFF0000;
	(pc) =	sbr.rel @p0 .LBB2_1-.Ltmp0, $4  }
0x118: {  	[hbm4b:s15+s3] =	stream.linear.scatter [tilespmem:s0], [sflag:$0x2], $0x10000, $0x38;
	[tilespmem:$0x10080] =	vst v63  }
0x119: {  	_ =	swait.ge [sflag:s6], $0x10000  }
0x11a: {  	[sflag:s6] =	ssyncset.done $0x0  }
0x11b: {  	s5 =	sadd.s32 $0xFFFFFFFF, s5;
	[sflag:s6] =	ssyncadd.s32 $0xFFFF0000  }
0x11c: {  	_ =	sfence.sel $0x180000  }
0x11d: {  	[bflag:$0x0] =	sbarrier.arrive $0xFFFF  }
0x11e: {  	_ =	strace $0x90000050  }
0x11f: {  	s0 =	stileid.u32;
	[bflag:$0x2] =	sbarrier.arrive $0xFFFF  }
0x120: {  	p0 =	sne.s32 s0, $0x0;
	s0 =	rddreg [dreg:$0x2]  }
0x121: {  	s0 =	sadd.s32 @!p0 $0x100000, s0  }
0x122: {  	[sflag:s0] =	ssyncadd.tile.s32 @!p0 $0x1;
	_ =	shalt  }
.Lfunc_end2:
_tile_overlayer_lowered:
.L_overlay_start_2:
0x123: {  	(tag) =	ssettag $0x2  }
0x124: {  	s0 =	rddreg [dreg:$0x0];
	s2 =	stileid.u32  }
0x125: {  	s1 =	rddreg [dreg:$0x1];
	p0 =	sne.s32 s2, $0x0  }
0x126: {  	s3 =	rddreg [dreg:$0x2];
	[bflag:$0x3] =	sbarrier.arrive $0xFFFF;
	s2 =	simm.s32 @!p0 $0x1C02  }
0x127: {  	[timem:s3], [sflag:s2] =	dma.local @!p0 [hbm:s0], s1  }
0x128: {  	s0 =	simm.s32 @!p0 $0x2  }
0x129: {  	_ =	swait.ge @!p0 [sflag:s0], s1  }
0x12a: {  	s1 =	ssub.s32 @!p0 $0x0, s1;
	[sflag:s0] =	ssyncset.done @!p0 $0x0  }
0x12b: {  	[sflag:s0] =	ssyncadd.s32 @!p0 s1  }
0x12c: {  	[bflag:$0x3] =	sbarrier.arrive $0xFFFF  }
0x12d: {  	_ =	shalt  }

// kernel: kernel.27.cloned.1.call-start
scs
__scs_entry_jumppad:
0x0: {  	(pc) =	sbr.rel $0x88, $3  }
0x1: {  	(tag) =	ssettag $0x0;
	lr =	simm.s32 $0x1  }
0x2: {  	[smem:$0x3F8B] =	sst lr;
	_ =	strace $0xD0000000  }
0x3: {  	_ = 	snop  }
0x4: {  	_ = 	snop  }
0x5: {  	_ = 	snop  }
0x6: {  	_ = 	snop  }
0x7: {  	_ = 	snop  }
__scs_overlays_trampoline_lowered:
0x8: {  	[smem:$0x3F9A] =	sst s0  }
0x9: {  	[smem:$0x3F9B] =	sst s1  }
0xa: {  	[smem:$0x3F9C] =	sst s2  }
0xb: {  	[smem:$0x3F9D] =	sst s3  }
0xc: {  	[smem:$0x3F9E] =	sst s4  }
0xd: {  	[smem:$0x3F9F] =	sst s5  }
0xe: {  	[smem:$0x3FA0] =	sst s6  }
0xf: {  	[smem:$0x3FA1] =	sst s7  }
0x10: {  	[smem:$0x3FA2] =	sst s8  }
0x11: {  	[smem:$0x3FA3] =	sst s9;
	s0 =	simm.s32 @!p0 $0x0  }
0x12: {  	s1 =	sld [smem:$0x3F89];
	s0 =	simm.s32 @p0 $0x1  }
0x13: {  	[smem:$0x3FA4] =	sst s0;
	s0 =	simm.s32 @!p1 $0x0  }
0x14: {  	s2 =	sld [smem:$0x3F88];
	s0 =	simm.s32 @p1 $0x1  }
0x15: {  	[smem:$0x3FA5] =	sst s0;
	s0 =	simm.s32 @!p2 $0x0  }
0x16: {  	s3 =	sld [smem:$0x3FDB];
	s0 =	simm.s32 @p2 $0x1  }
0x17: {  	s4 =	simm.s32 $0x1BF5;
	[smem:$0x3FA7] =	sst s0  }
0x18: {  	s0 =	sld [smem:$0x3F8A];
	_ =	swait.ge [sflag:s4], $0x0  }
0x19: {  	s7 =	sld [smem:$0x3F8B]  }
0x1a: {  	s8 =	sadd.s32 $0xFFFFE003, lr  }
0x1b: {  	s9 =	sadd.s32 $0xFFFFFEF7, lr;
	s5 =	simm.s32 $0xFFFFFFFF;
	p2 =	slt.u32 s8, $0xFFFFF086  }
0x1c: {  	p1 =	slt.u32 s9, $0xF7A;
	s5 =	simm.s32 @!p2 $0x0  }
0x1d: {  	s5 =	simm.s32 @p1 $0x1;
	p0 =	seq.s32 s7, s2  }
0x1e: {  	s7 =	smul.u32 @!p0 $0xF7A, s2;
	p2 =	seq.s32 @!p0 s5, $0x0  }
0x1f: {  	s9 =	smul.u32 $0xF7A, s1;
	s8 =	simm.s32 @!p0 $0x1BF5;
	p2 =	por !p2, p0  }
0x20: {  	[sflag:s8] =	ssyncset.s32 @!p0 $0xFFFFF086;
	s6 =	sadd.s32 @!p0 s3, s7;
	s7 =	simm.s32 @!p0 $0x108  }
0x21: {  	s3 =	sadd.s32 s3, s9;
	s6 =	sadd.s32 @!p0 $0x88, s6;
	s7 =	simm.s32 @p2 $0x1082  }
0x22: {  	[simem:s7], [sflag:s8] =	dma.local @!p0 [hbm:s6], $0xF7A  }
0x23: {  	s9 =	sor.u32 $0xD0000000, s2;
	s6 =	simm.s32 $0x108;
	_ =	swait.ge @!p0 [sflag:s8], $0x0  }
0x24: {  	s3 =	sadd.s32 $0x88, s3;
	s6 =	simm.s32 @!p1 $0x1082;
	[sflag:s4] =	ssyncset.s32 $0xFFFFF086  }
0x25: {  	[simem:s6], [sflag:s4] =	dma.local [hbm:s3], $0xF7A  }
0x26: {  	[smem:$0x3F8B] =	sst s1;
	(tag) =	ssettag s2;
	_ =	strace s9  }
0x27: {  	s1 =	sld [smem:$0x3F9B]  }
0x28: {  	s2 =	sld [smem:$0x3F9C]  }
0x29: {  	s4 =	sld [smem:$0x3F9E]  }
0x2a: {  	p0 =	seq.s32 s5, $0x0;
	s5 =	sld [smem:$0x3F9F]  }
0x2b: {  	s6 =	sld [smem:$0x3FA0]  }
0x2c: {  	s7 =	sld [smem:$0x3FA1]  }
0x2d: {  	s3 =	simm.s32 $0x108;
	s8 =	sld [smem:$0x3FA2]  }
0x2e: {  	s3 =	simm.s32 @!p0 $0x1082;
	s9 =	sld [smem:$0x3FA3]  }
0x2f: {  	lr =	sadd.s32 s0, s3;
	s0 =	sld [smem:$0x3F9A]  }
0x30: {  	s3 =	sld [smem:$0x3F9D]  }
0x31: {  	[smem:$0x3FA6] =	sst s10  }
0x32: {  	s10 =	sld [smem:$0x3FA4];
	_ =	sdelay $0x3  }
0x33: {  	p0 =	seq.s32 s10, $0x1;
	s10 =	sld [smem:$0x3FA6];
	_ =	sdelay $0x3  }
0x34: {  	[smem:$0x3FA6] =	sst s10  }
0x35: {  	s10 =	sld [smem:$0x3FA5];
	_ =	sdelay $0x3  }
0x36: {  	p1 =	seq.s32 s10, $0x1;
	s10 =	sld [smem:$0x3FA6];
	_ =	sdelay $0x3  }
0x37: {  	[smem:$0x3FA6] =	sst s10  }
0x38: {  	s10 =	sld [smem:$0x3FA7]  }
0x39: {  	_ = 	snop;
	(pc) =	sbr.ind lr, $3  }
0x3a: {  	_ = 	snop  }
0x3b: {  	_ = 	snop  }
0x3c: {  	p2 =	seq.s32 s10, $0x1;
	s10 =	sld [smem:$0x3FA6]  }
0x3d: {  	_ =	shalt  }
0x3e: {  	_ =	shalt  }
0x3f: {  	_ =	shalt  }
0x40: {  	_ =	shalt  }
0x41: {  	_ =	shalt  }
0x42: {  	_ =	shalt  }
0x43: {  	_ =	shalt  }
0x44: {  	_ =	shalt  }
0x45: {  	_ =	shalt  }
0x46: {  	_ =	shalt  }
0x47: {  	_ =	shalt  }
0x48: {  	_ =	shalt  }
0x49: {  	_ =	shalt  }
0x4a: {  	_ =	shalt  }
0x4b: {  	_ =	shalt  }
0x4c: {  	_ =	shalt  }
0x4d: {  	_ =	shalt  }
0x4e: {  	_ =	shalt  }
0x4f: {  	_ =	shalt  }
0x50: {  	_ =	shalt  }
0x51: {  	_ =	shalt  }
0x52: {  	_ =	shalt  }
0x53: {  	_ =	shalt  }
0x54: {  	_ =	shalt  }
0x55: {  	_ =	shalt  }
0x56: {  	_ =	shalt  }
0x57: {  	_ =	shalt  }
0x58: {  	_ =	shalt  }
0x59: {  	_ =	shalt  }
0x5a: {  	_ =	shalt  }
0x5b: {  	_ =	shalt  }
0x5c: {  	_ =	shalt  }
0x5d: {  	_ =	shalt  }
0x5e: {  	_ =	shalt  }
0x5f: {  	_ =	shalt  }
0x60: {  	_ =	shalt  }
0x61: {  	_ =	shalt  }
0x62: {  	_ =	shalt  }
0x63: {  	_ =	shalt  }
0x64: {  	_ =	shalt  }
0x65: {  	_ =	shalt  }
0x66: {  	_ =	shalt  }
0x67: {  	_ =	shalt  }
0x68: {  	_ =	shalt  }
0x69: {  	_ =	shalt  }
0x6a: {  	_ =	shalt  }
0x6b: {  	_ =	shalt  }
0x6c: {  	_ =	shalt  }
0x6d: {  	_ =	shalt  }
0x6e: {  	_ =	shalt  }
0x6f: {  	_ =	shalt  }
0x70: {  	_ =	shalt  }
0x71: {  	_ =	shalt  }
0x72: {  	_ =	shalt  }
0x73: {  	_ =	shalt  }
0x74: {  	_ =	shalt  }
0x75: {  	_ =	shalt  }
0x76: {  	_ =	shalt  }
0x77: {  	_ =	shalt  }
0x78: {  	_ =	shalt  }
0x79: {  	_ =	shalt  }
0x7a: {  	_ =	shalt  }
0x7b: {  	_ =	shalt  }
0x7c: {  	_ =	shalt  }
0x7d: {  	_ =	shalt  }
0x7e: {  	_ =	shalt  }
0x7f: {  	_ =	shalt  }
0x80: {  	_ =	shalt  }
0x81: {  	_ =	shalt  }
0x82: {  	_ =	shalt  }
0x83: {  	_ =	shalt  }
0x84: {  	_ =	shalt  }
0x85: {  	_ =	shalt  }
0x86: {  	_ =	shalt  }
0x87: {  	_ =	shalt  }
.Lfunc_end0:
.L_simem_size_0:
called_computation.3_lowered:
.L_overlay_start_0:
0x88: {  	s2 =	sld [smem:$0x3FD9]  }
0x89: {  	s3 =	sld [smem:$0x3FFE];
	_ =	sdelay $0x1  }
0x8a: {  	s1 =	srdreg.scid  }
0x8b: {  	s0 =	sand.u32 $0x1, s1  }
0x8c: {  	s14 =	sshll.u32 s0, $0xA;
	s2 =	sadd.s32 s3, s2  }
0x8d: {  	s2 =	sadd.s32 s2, s14  }
0x8e: {  	[smem:$0x3FB2] =	sst s2  }
0x8f: {  	_ = 	snop  }
0x90: {  	s2 =	sld [smem:$0x3FD0];
	_ =	sdelay $0x2  }
0x91: {  	s15 =	simm.s32 $0xB;
	s4 =	simm.s32 $0x10  }
0x92: {  	[smem:s4], [sflag:s15] =	dma.local [hbm:s2], $0x1  }
0x93: {  	_ =	swait.eq [sflag:s15], $0x1  }
0x94: {  	[sflag:s15] =	ssyncset.done $0x0  }
0x95: {  	s16 =	sld [smem:$0x10];
	[sflag:s15] =	ssyncadd.s32 $0xFFFFFFFF  }
0x96: {  	s17 =	sld [smem:$0x11];
	(tm) =	ssettm $0x1  }
0x97: {  	s18 =	sld [smem:$0x3FFB];
	_ =	sdelay $0x3  }
0x98: {  	_ =	strace s18  }
0x99: {  	s4 =	sld [smem:$0x3FFC];
	_ =	sdelay $0x3  }
0x9a: {  	_ =	strace s4  }
0x9b: {  	s4 =	sld [smem:$0x3FFD];
	_ =	sdelay $0x3  }
0x9c: {  	_ =	strace s4  }
0x9d: {  	_ =	strace $0x8FFFFFFF  }
0x9e: {  	s19 =	sld [smem:$0x3FDB];
	_ =	sdelay $0x1  }
0x9f: {  	s5 =	simm.s32 $_scs_section_size  }
0xa0: {  	s6 =	simm.s32 $_size__tile_overlayer_lowered;
	s7 =	simm.s32 $_tile_overlayer_lowered  }
0xa1: {  	s22 =	simm.s32 $0x1BFF;
	s21 =	sshll.u32 s7, $0x1;
	s4 =	sadd.s32 s5, s19  }
0xa2: {  	s8 =	simm.s32 $0x0;
	s20 =	sshll.u32 s6, $0x1;
	s6 =	sadd.s32 s21, s4  }
0xa3: {  	[timem:s8], [sflag:s22] =	dma.local [hbm:s6], s20  }
0xa4: {  	_ =	swait.ge [sflag:s22], s20  }
0xa5: {  	s5 =	ssub.s32 $0x0, s20;
	[sflag:s22] =	ssyncset.done $0x0  }
0xa6: {  	[sflag:s22] =	ssyncadd.s32 s5;
	_ =	sdelay $0x1  }
0xa7: {  	s23 =	simm.s32 $0x1B8B  }
0xa8: {  	_ =	swait.ge [sflag:s23], $0x1  }
0xa9: {  	[sflag:s23] =	ssyncset.done $0x0  }
0xaa: {  	s25 =	simm.s32 $0x1B8E;
	s24 =	sld [smem:$0x3FFE];
	[sflag:s23] =	ssyncadd.s32 $0xFFFFFFFF  }
0xab: {  	s26 =	simm.s32 $execute0_lowered;
	[smem:$0x3FD2] =	sst s25  }
0xac: {  	s6 =	sshll.u32 s26, $0x1;
	_ =	strace $0x8000004C;
	[dreg:$0x1] =	wrdreg $0xFFFFFFFF  }
0xad: {  	s28 =	simm.s32 $_size_execute0_lowered;
	s4 =	sadd.s32 s4, s6;
	[dreg:$0x0] =	wrdreg $0x0  }
0xae: {  	s6 =	sshll.u32 s28, $0x1;
	[dreg:$0x2] =	wrdreg s4  }
0xaf: {  	[dreg:$0x3] =	wrdreg s6  }
0xb0: {  	[dreg:$0x4] =	wrdreg $0xC0  }
0xb1: {  	_ =	task [dreg:s8], $0x5FFFF  }
0xb2: {  	[dreg:$0x1] =	wrdreg $0xFFFFFFFF  }
0xb3: {  	[dreg:$0x0] =	wrdreg $0x60  }
0xb4: {  	[dreg:$0x2] =	wrdreg s16  }
0xb5: {  	[dreg:$0x3] =	wrdreg s17  }
0xb6: {  	[dreg:$0x4] =	wrdreg s24  }
0xb7: {  	[dreg:$0x5] =	wrdreg $0xA  }
0xb8: {  	_ =	task.clear_ibuf [dreg:s8], $0x6FFFF;
	_ =	strace $0x9000004C  }
0xb9: {  	s29 =	simm.s32 $0xA;
	_ =	strace $0x8000004E  }
0xba: {  	_ =	swait.ge [sflag:s29], $0x1  }
0xbb: {  	[sflag:s29] =	ssyncadd.s32 $0xFFFFFFFF  }
0xbc: {  	_ =	strace $0x9000004E  }
0xbd: {  	_ =	sfence  }
0xbe: {  	s30 =	sld [smem:$0x0];
	_ =	sdelay $0x2  }
0xbf: {  	s31 =	sshll.u32 s1, $0xD;
	s1 =	sshrl.u32 s1, $0x2  }
0xc0: {  	s3 =	sand.u32 $0x4000, s31;
	s1 =	sadd.s32 s1, s30  }
0xc1: {  	s0 =	sor.u32 s3, s0;
	s1 =	sshll.u32 s1, $0x11  }
0xc2: {  	s0 =	sor.u32 s1, s0  }
0xc3: {  	s0 =	sadd.s32 $0x8F2B, s0  }
0xc4: {  	[sflag:s0] =	ssyncadd.remote.s32 $0x1  }
0xc5: {  	_ =	sfence.sel $0xFFFF  }
0xc6: {  	[dreg:$0x0] =	wrdreg $0xFFFFFFFF;
	(pc) =	sbr.abs _section_cstart, $3  }
0xc7: {  	[dreg:$0x1] =	wrdreg $0xFFFFFFFF  }
0xc8: {  	_ =	task.clear_ibuf [dreg:s8], $0x2FFFF;
	_ =	strace $0x9FFFFFFF  }
0xc9: {  	(tm) =	ssettm $0x7FFFFFFF  }
tec
execute0_lowered:
.L_overlay_start_1:
0x0: {  	(tag) =	ssettag $0x1  }
0x1: {  	s1 =	rddreg [dreg:$0x0]  }
0x2: {  	s0 =	rddreg [dreg:$0x1]  }
0x3: {  	s2 =	rddreg [dreg:$0x2];
	s3 =	simm.s32 $0x0;
	s4 =	srdreg.scid  }
0x4: {  	s6 =	stileid.u32;
	s14 =	simm.s32 $0x1;
	s16 =	simm.s32 $0x880  }
0x5: {  	s17 =	simm.s32 $0x1080;
	s18 =	simm.s32 $0x1880;
	s19 =	simm.s32 $0x2080  }
0x6: {  	s20 =	simm.s32 $0x2880;
	s21 =	simm.s32 $0x3080;
	s28 =	simm.s32 $0x6080  }
0x7: {  	s29 =	simm.s32 $0x6880;
	s30 =	simm.s32 $0x7080;
	s31 =	simm.s32 $0x7880  }
0x8: {  	s8 =	simm.s32 $0x9080;
	s9 =	simm.s32 $0x9880;
	s10 =	simm.s32 $0xA080  }
0x9: {  	s11 =	simm.s32 $0xA880;
	s12 =	simm.s32 $0xB080;
	s13 =	simm.s32 $0xB880  }
0xa: {  	[smem:$0x7FF] =	sst s3;
	s4 =	sand.u32 $0x1, s4;
	s6 =	sshll.u32 s6, $0x9  }
0xb: {  	s2 =	sadd.s32 $0x7000, s2;
	s5 =	ssub.s32 $0x2, s4;
	s4 =	sshll.u32 s4, $0x8  }
0xc: {  	_ =	strace $0x8000004D;
	s7 =	sshrl.u32 s5, $0x1;
	s4 =	sor.u32 s4, s6  }
0xd: {  	s5 =	ssub.s32 s5, s7;
	s6 =	sshrl.u32 s4, $0x3;
	s22 =	sshll.u32 s4, $0x6  }
0xe: {  	s4 =	sor.u32 $0x80, s4;
	s7 =	simm.s32 $0xC080;
	s6 =	sadd.s32 s0, s6  }
0xf: {  	s23 =	sadd.s32 s2, s22;
	s24 =	sshrl.u32 s4, $0x3;
	s25 =	sshll.u32 s4, $0x6  }
0x10: {  	s4 =	sadd.s32 $0x100, s1;
	s5 =	smax.u32 s5, $0x1;
	[dreg:$0x4] =	wrdreg s6  }
0x11: {  	s22 =	simm.s32 $0x3880;
	[dreg:$0x5] =	wrdreg s23;
	s0 =	sadd.s32 s0, s24  }
0x12: {  	v2 =	vlaneseq.u32;
	s26 =	sadd.s32 s2, s25;
	s6 =	simm.s32 $0x2;
	s23 =	simm.s32 $0x4080  }
0x13: {  	vm0 =	vmmov $0xffff;
	v1 =	vshrl.u32 v2, $0x3;
	s24 =	simm.s32 $0x4880;
	s25 =	simm.s32 $0x5080;
	[dreg:$0x6] =	wrdreg s0  }
0x14: {  	v0 =	vand.u32 $0x7, v2;
	v2 =	vor.u32 $0x8, v2;
	v1 =	vmul.u32 $0x8, v1;
	s2 =	simm.s32 $0x8880;
	[dreg:$0x7] =	wrdreg s26;
	s26 =	simm.s32 $0x5880  }
.LBB2_1:
0x15: {  	s15 =	rddreg [dreg:$0x4]  }
0x16: {  	[tilespmem:s3], [sflag:$0x2] =	stream.linear.gather [hbm4b:s15+s3], $0x80, $0x38;
	[tilespmem:$0x10080] =	vst v63  }
0x17: {  	_ =	swait.ge [sflag:s6], $0x80  }
0x18: {  	[sflag:s6] =	ssyncset.done $0x0  }
0x19: {  	[sflag:s6] =	ssyncadd.s32 $0xFFFFFF80  }
0x1a: {  	v3 =	vld [tilespmem:$0x0];
	_ =	sdelay $0x4  }
0x1b: {  	v4 =	vshll.u32 v3, $0x2  }
0x1c: {  	v3 =	vand.u32 $0x7, v3;
	v4 =	vand.u32 $0xFFFFFFE0, v4  }
0x1d: {  	v3 =	vor.u32 v3, v4  }
0x1e: {  	v4 =	vperm.xlane v3, v0;
	_ =	sdelay $0x1  }
0x1f: {  	v4 =	vadd.s32 v1, v4;
	_ =	sdelay $0x1  }
0x20: {  	v3 =	vperm.xlane v3, v2;
	_ =	sdelay $0x1  }
0x21: {  	s0 =	simm.s32 $0x80;
	v3 =	vadd.s32 v1, v3  }
0x22: {  	[tilespmem:s0], [sflag:$0x1] =	stream.indirect_vreg.gather [hbm4b:s1+s3], $0x80, v4, vm0, $0xb8;
	[tilespmem:$0x10080] =	vst v63  }
0x23: {  	_ = 	snop  }
0x24: {  	[tilespmem:s16], [sflag:$0x1] =	stream.indirect_vreg.gather [hbm4b:s4+s3], $0x80, v4, vm0, $0xb8;
	[tilespmem:$0x10080] =	vst v63  }
0x25: {  	_ = 	snop  }
0x26: {  	[tilespmem:s17], [sflag:$0x1] =	stream.indirect_vreg.gather [hbm4b:s1+s3], $0x80, v3, vm0, $0xb8;
	[tilespmem:$0x10080] =	vst v63  }
0x27: {  	_ = 	snop  }
0x28: {  	[tilespmem:s18], [sflag:$0x1] =	stream.indirect_vreg.gather [hbm4b:s4+s3], $0x80, v3, vm0, $0xb8;
	[tilespmem:$0x10080] =	vst v63  }
0x29: {  	v3 =	vld [tilespmem:$0x10];
	_ =	sdelay $0x4  }
0x2a: {  	v49 =	vshll.u32 v3, $0x2  }
0x2b: {  	v3 =	vand.u32 $0x7, v3;
	v4 =	vand.u32 $0xFFFFFFE0, v49  }
0x2c: {  	v3 =	vor.u32 v3, v4  }
0x2d: {  	v4 =	vperm.xlane v3, v0;
	_ =	sdelay $0x1  }
0x2e: {  	v4 =	vadd.s32 v1, v4;
	_ =	sdelay $0x1  }
0x2f: {  	v3 =	vperm.xlane v3, v2;
	_ =	sdelay $0x1  }
0x30: {  	v3 =	vadd.s32 v1, v3  }
0x31: {  	[tilespmem:s19], [sflag:$0x1] =	stream.indirect_vreg.gather [hbm4b:s1+s3], $0x80, v4, vm0, $0xb8;
	[tilespmem:$0x10080] =	vst v63  }
0x32: {  	_ = 	snop  }
0x33: {  	[tilespmem:s20], [sflag:$0x1] =	stream.indirect_vreg.gather [hbm4b:s4+s3], $0x80, v4, vm0, $0xb8;
	[tilespmem:$0x10080] =	vst v63  }
0x34: {  	_ = 	snop  }
0x35: {  	[tilespmem:s21], [sflag:$0x1] =	stream.indirect_vreg.gather [hbm4b:s1+s3], $0x80, v3, vm0, $0xb8;
	[tilespmem:$0x10080] =	vst v63  }
0x36: {  	_ = 	snop  }
0x37: {  	[tilespmem:s22], [sflag:$0x1] =	stream.indirect_vreg.gather [hbm4b:s4+s3], $0x80, v3, vm0, $0xb8;
	[tilespmem:$0x10080] =	vst v63  }
0x38: {  	v3 =	vld [tilespmem:$0x20];
	_ =	sdelay $0x4  }
0x39: {  	v50 =	vshll.u32 v3, $0x2  }
0x3a: {  	v3 =	vand.u32 $0x7, v3;
	v4 =	vand.u32 $0xFFFFFFE0, v50  }
0x3b: {  	v3 =	vor.u32 v3, v4  }
0x3c: {  	v4 =	vperm.xlane v3, v0;
	_ =	sdelay $0x1  }
0x3d: {  	v4 =	vadd.s32 v1, v4;
	_ =	sdelay $0x1  }
0x3e: {  	v3 =	vperm.xlane v3, v2;
	_ =	sdelay $0x1  }
0x3f: {  	v3 =	vadd.s32 v1, v3  }
0x40: {  	[tilespmem:s23], [sflag:$0x1] =	stream.indirect_vreg.gather [hbm4b:s1+s3], $0x80, v4, vm0, $0xb8;
	[tilespmem:$0x10080] =	vst v63  }
0x41: {  	_ = 	snop  }
0x42: {  	[tilespmem:s24], [sflag:$0x1] =	stream.indirect_vreg.gather [hbm4b:s4+s3], $0x80, v4, vm0, $0xb8;
	[tilespmem:$0x10080] =	vst v63  }
0x43: {  	_ = 	snop  }
0x44: {  	[tilespmem:s25], [sflag:$0x1] =	stream.indirect_vreg.gather [hbm4b:s1+s3], $0x80, v3, vm0, $0xb8;
	[tilespmem:$0x10080] =	vst v63  }
0x45: {  	_ = 	snop  }
0x46: {  	[tilespmem:s26], [sflag:$0x1] =	stream.indirect_vreg.gather [hbm4b:s4+s3], $0x80, v3, vm0, $0xb8;
	[tilespmem:$0x10080] =	vst v63  }
0x47: {  	v3 =	vld [tilespmem:$0x30];
	_ =	sdelay $0x4  }
0x48: {  	v51 =	vshll.u32 v3, $0x2  }
0x49: {  	v3 =	vand.u32 $0x7, v3;
	v4 =	vand.u32 $0xFFFFFFE0, v51  }
0x4a: {  	v3 =	vor.u32 v3, v4  }
0x4b: {  	v4 =	vperm.xlane v3, v0;
	_ =	sdelay $0x1  }
0x4c: {  	v4 =	vadd.s32 v1, v4;
	_ =	sdelay $0x1  }
0x4d: {  	v3 =	vperm.xlane v3, v2;
	_ =	sdelay $0x1  }
0x4e: {  	v3 =	vadd.s32 v1, v3  }
0x4f: {  	[tilespmem:s28], [sflag:$0x1] =	stream.indirect_vreg.gather [hbm4b:s1+s3], $0x80, v4, vm0, $0xb8;
	[tilespmem:$0x10080] =	vst v63  }
0x50: {  	_ = 	snop  }
0x51: {  	[tilespmem:s29], [sflag:$0x1] =	stream.indirect_vreg.gather [hbm4b:s4+s3], $0x80, v4, vm0, $0xb8;
	[tilespmem:$0x10080] =	vst v63  }
0x52: {  	_ = 	snop  }
0x53: {  	[tilespmem:s30], [sflag:$0x1] =	stream.indirect_vreg.gather [hbm4b:s1+s3], $0x80, v3, vm0, $0xb8;
	[tilespmem:$0x10080] =	vst v63  }
0x54: {  	_ = 	snop  }
0x55: {  	[tilespmem:s31], [sflag:$0x1] =	stream.indirect_vreg.gather [hbm4b:s4+s3], $0x80, v3, vm0, $0xb8;
	[tilespmem:$0x10080] =	vst v63  }
0x56: {  	v3 =	vld [tilespmem:$0x40];
	_ =	sdelay $0x4  }
0x57: {  	v52 =	vshll.u32 v3, $0x2  }
0x58: {  	v3 =	vand.u32 $0x7, v3;
	v4 =	vand.u32 $0xFFFFFFE0, v52  }
0x59: {  	v3 =	vor.u32 v3, v4  }
0x5a: {  	v4 =	vperm.xlane v3, v0;
	_ =	sdelay $0x1  }
0x5b: {  	v4 =	vadd.s32 v1, v4;
	_ =	sdelay $0x1  }
0x5c: {  	v3 =	vperm.xlane v3, v2;
	_ =	sdelay $0x1  }
0x5d: {  	s15 =	simm.s32 $0x8080;
	v3 =	vadd.s32 v1, v3  }
0x5e: {  	[tilespmem:s15], [sflag:$0x1] =	stream.indirect_vreg.gather [hbm4b:s1+s3], $0x80, v4, vm0, $0xb8;
	[tilespmem:$0x10080] =	vst v63  }
0x5f: {  	_ = 	snop  }
0x60: {  	[tilespmem:s2], [sflag:$0x1] =	stream.indirect_vreg.gather [hbm4b:s4+s3], $0x80, v4, vm0, $0xb8;
	[tilespmem:$0x10080] =	vst v63  }
0x61: {  	_ = 	snop  }
0x62: {  	[tilespmem:s8], [sflag:$0x1] =	stream.indirect_vreg.gather [hbm4b:s1+s3], $0x80, v3, vm0, $0xb8;
	[tilespmem:$0x10080] =	vst v63  }
0x63: {  	_ = 	snop  }
0x64: {  	[tilespmem:s9], [sflag:$0x1] =	stream.indirect_vreg.gather [hbm4b:s4+s3], $0x80, v3, vm0, $0xb8;
	[tilespmem:$0x10080] =	vst v63  }
0x65: {  	v3 =	vld [tilespmem:$0x50];
	_ =	sdelay $0x4  }
0x66: {  	v53 =	vshll.u32 v3, $0x2  }
0x67: {  	v3 =	vand.u32 $0x7, v3;
	v4 =	vand.u32 $0xFFFFFFE0, v53  }
0x68: {  	v3 =	vor.u32 v3, v4  }
0x69: {  	v4 =	vperm.xlane v3, v0;
	_ =	sdelay $0x1  }
0x6a: {  	v4 =	vadd.s32 v1, v4;
	_ =	sdelay $0x1  }
0x6b: {  	v3 =	vperm.xlane v3, v2;
	_ =	sdelay $0x1  }
0x6c: {  	v3 =	vadd.s32 v1, v3  }
0x6d: {  	[tilespmem:s10], [sflag:$0x1] =	stream.indirect_vreg.gather [hbm4b:s1+s3], $0x80, v4, vm0, $0xb8;
	[tilespmem:$0x10080] =	vst v63  }
0x6e: {  	_ = 	snop  }
0x6f: {  	[tilespmem:s11], [sflag:$0x1] =	stream.indirect_vreg.gather [hbm4b:s4+s3], $0x80, v4, vm0, $0xb8;
	[tilespmem:$0x10080] =	vst v63  }
0x70: {  	_ = 	snop  }
0x71: {  	[tilespmem:s12], [sflag:$0x1] =	stream.indirect_vreg.gather [hbm4b:s1+s3], $0x80, v3, vm0, $0xb8;
	[tilespmem:$0x10080] =	vst v63  }
0x72: {  	_ = 	snop  }
0x73: {  	[tilespmem:s13], [sflag:$0x1] =	stream.indirect_vreg.gather [hbm4b:s4+s3], $0x80, v3, vm0, $0xb8;
	[tilespmem:$0x10080] =	vst v63  }
0x74: {  	v3 =	vld [tilespmem:$0x60];
	_ =	sdelay $0x4  }
0x75: {  	v54 =	vshll.u32 v3, $0x2  }
0x76: {  	v3 =	vand.u32 $0x7, v3;
	v4 =	vand.u32 $0xFFFFFFE0, v54  }
0x77: {  	v3 =	vor.u32 v3, v4  }
0x78: {  	v4 =	vperm.xlane v3, v0;
	_ =	sdelay $0x1  }
0x79: {  	v4 =	vadd.s32 v1, v4;
	_ =	sdelay $0x1  }
0x7a: {  	v3 =	vperm.xlane v3, v2;
	_ =	sdelay $0x1  }
0x7b: {  	v3 =	vadd.s32 v1, v3  }
0x7c: {  	[tilespmem:s7], [sflag:$0x1] =	stream.indirect_vreg.gather [hbm4b:s1+s3], $0x80, v4, vm0, $0xb8;
	[tilespmem:$0x10080] =	vst v63  }
0x7d: {  	s15 =	simm.s32 $0xC880  }
0x7e: {  	[tilespmem:s15], [sflag:$0x1] =	stream.indirect_vreg.gather [hbm4b:s4+s3], $0x80, v4, vm0, $0xb8;
	[tilespmem:$0x10080] =	vst v63  }
0x7f: {  	s15 =	simm.s32 $0xD080  }
0x80: {  	[tilespmem:s15], [sflag:$0x1] =	stream.indirect_vreg.gather [hbm4b:s1+s3], $0x80, v3, vm0, $0xb8;
	[tilespmem:$0x10080] =	vst v63  }
0x81: {  	s15 =	simm.s32 $0xD880  }
0x82: {  	[tilespmem:s15], [sflag:$0x1] =	stream.indirect_vreg.gather [hbm4b:s4+s3], $0x80, v3, vm0, $0xb8;
	[tilespmem:$0x10080] =	vst v63  }
0x83: {  	v3 =	vld [tilespmem:$0x70];
	_ =	sdelay $0x4  }
0x84: {  	v55 =	vshll.u32 v3, $0x2  }
0x85: {  	v3 =	vand.u32 $0x7, v3;
	v4 =	vand.u32 $0xFFFFFFE0, v55  }
0x86: {  	v3 =	vor.u32 v3, v4  }
0x87: {  	v4 =	vperm.xlane v3, v0;
	_ =	sdelay $0x1  }
0x88: {  	v4 =	vadd.s32 v1, v4;
	_ =	sdelay $0x1  }
0x89: {  	v3 =	vperm.xlane v3, v2;
	_ =	sdelay $0x1  }
0x8a: {  	s15 =	simm.s32 $0xE080;
	v3 =	vadd.s32 v1, v3  }
0x8b: {  	[tilespmem:s15], [sflag:$0x1] =	stream.indirect_vreg.gather [hbm4b:s1+s3], $0x80, v4, vm0, $0xb8;
	[tilespmem:$0x10080] =	vst v63  }
0x8c: {  	s15 =	simm.s32 $0xE880  }
0x8d: {  	[tilespmem:s15], [sflag:$0x1] =	stream.indirect_vreg.gather [hbm4b:s4+s3], $0x80, v4, vm0, $0xb8;
	[tilespmem:$0x10080] =	vst v63  }
0x8e: {  	s15 =	simm.s32 $0xF080  }
0x8f: {  	[tilespmem:s15], [sflag:$0x1] =	stream.indirect_vreg.gather [hbm4b:s1+s3], $0x80, v3, vm0, $0xb8;
	[tilespmem:$0x10080] =	vst v63  }
0x90: {  	s15 =	simm.s32 $0xF880  }
0x91: {  	[tilespmem:s15], [sflag:$0x1] =	stream.indirect_vreg.gather [hbm4b:s4+s3], $0x80, v3, vm0, $0xb8;
	[tilespmem:$0x10080] =	vst v63  }
0x92: {  	_ =	swait.ge [sflag:s14], $0x10000  }
0x93: {  	[sflag:s14] =	ssyncset.done $0x0  }
0x94: {  	s0 =	simm.s32 $0x80;
	s15 =	rddreg [dreg:$0x5];
	[sflag:s14] =	ssyncadd.s32 $0xFFFF0000  }
0x95: {  	[hbm4b:s15+s3] =	stream.linear.scatter [tilespmem:s0], [sflag:$0x2], $0x10000, $0x38;
	[tilespmem:$0x10080] =	vst v63  }
0x96: {  	_ =	swait.ge [sflag:s6], $0x10000  }
0x97: {  	[sflag:s6] =	ssyncset.done $0x0  }
0x98: {  	s15 =	rddreg [dreg:$0x6];
	[sflag:s6] =	ssyncadd.s32 $0xFFFF0000  }
0x99: {  	[tilespmem:s3], [sflag:$0x2] =	stream.linear.gather [hbm4b:s15+s3], $0x80, $0x38;
	[tilespmem:$0x10080] =	vst v63  }
0x9a: {  	_ =	swait.ge [sflag:s6], $0x80  }
0x9b: {  	[sflag:s6] =	ssyncset.done $0x0  }
0x9c: {  	[sflag:s6] =	ssyncadd.s32 $0xFFFFFF80  }
0x9d: {  	v3 =	vld [tilespmem:$0x0];
	_ =	sdelay $0x4  }
0x9e: {  	v56 =	vshll.u32 v3, $0x2  }
0x9f: {  	v3 =	vand.u32 $0x7, v3;
	v4 =	vand.u32 $0xFFFFFFE0, v56  }
0xa0: {  	v3 =	vor.u32 v3, v4  }
0xa1: {  	v4 =	vperm.xlane v3, v0;
	_ =	sdelay $0x1  }
0xa2: {  	v4 =	vadd.s32 v1, v4;
	_ =	sdelay $0x1  }
0xa3: {  	v3 =	vperm.xlane v3, v2;
	_ =	sdelay $0x1  }
0xa4: {  	v3 =	vadd.s32 v1, v3  }
0xa5: {  	[tilespmem:s0], [sflag:$0x1] =	stream.indirect_vreg.gather [hbm4b:s1+s3], $0x80, v4, vm0, $0xb8;
	[tilespmem:$0x10080] =	vst v63  }
0xa6: {  	_ = 	snop  }
0xa7: {  	[tilespmem:s16], [sflag:$0x1] =	stream.indirect_vreg.gather [hbm4b:s4+s3], $0x80, v4, vm0, $0xb8;
	[tilespmem:$0x10080] =	vst v63  }
0xa8: {  	_ = 	snop  }
0xa9: {  	[tilespmem:s17], [sflag:$0x1] =	stream.indirect_vreg.gather [hbm4b:s1+s3], $0x80, v3, vm0, $0xb8;
	[tilespmem:$0x10080] =	vst v63  }
0xaa: {  	_ = 	snop  }
0xab: {  	[tilespmem:s18], [sflag:$0x1] =	stream.indirect_vreg.gather [hbm4b:s4+s3], $0x80, v3, vm0, $0xb8;
	[tilespmem:$0x10080] =	vst v63  }
0xac: {  	v3 =	vld [tilespmem:$0x10];
	_ =	sdelay $0x4  }
0xad: {  	v57 =	vshll.u32 v3, $0x2  }
0xae: {  	v3 =	vand.u32 $0x7, v3;
	v4 =	vand.u32 $0xFFFFFFE0, v57  }
0xaf: {  	v3 =	vor.u32 v3, v4  }
0xb0: {  	v4 =	vperm.xlane v3, v0;
	_ =	sdelay $0x1  }
0xb1: {  	v4 =	vadd.s32 v1, v4;
	_ =	sdelay $0x1  }
0xb2: {  	v3 =	vperm.xlane v3, v2;
	_ =	sdelay $0x1  }
0xb3: {  	v3 =	vadd.s32 v1, v3  }
0xb4: {  	[tilespmem:s19], [sflag:$0x1] =	stream.indirect_vreg.gather [hbm4b:s1+s3], $0x80, v4, vm0, $0xb8;
	[tilespmem:$0x10080] =	vst v63  }
0xb5: {  	_ = 	snop  }
0xb6: {  	[tilespmem:s20], [sflag:$0x1] =	stream.indirect_vreg.gather [hbm4b:s4+s3], $0x80, v4, vm0, $0xb8;
	[tilespmem:$0x10080] =	vst v63  }
0xb7: {  	_ = 	snop  }
0xb8: {  	[tilespmem:s21], [sflag:$0x1] =	stream.indirect_vreg.gather [hbm4b:s1+s3], $0x80, v3, vm0, $0xb8;
	[tilespmem:$0x10080] =	vst v63  }
0xb9: {  	_ = 	snop  }
0xba: {  	[tilespmem:s22], [sflag:$0x1] =	stream.indirect_vreg.gather [hbm4b:s4+s3], $0x80, v3, vm0, $0xb8;
	[tilespmem:$0x10080] =	vst v63  }
0xbb: {  	v3 =	vld [tilespmem:$0x20];
	_ =	sdelay $0x4  }
0xbc: {  	v58 =	vshll.u32 v3, $0x2  }
0xbd: {  	v3 =	vand.u32 $0x7, v3;
	v4 =	vand.u32 $0xFFFFFFE0, v58  }
0xbe: {  	v3 =	vor.u32 v3, v4  }
0xbf: {  	v4 =	vperm.xlane v3, v0;
	_ =	sdelay $0x1  }
0xc0: {  	v4 =	vadd.s32 v1, v4;
	_ =	sdelay $0x1  }
0xc1: {  	v3 =	vperm.xlane v3, v2;
	_ =	sdelay $0x1  }
0xc2: {  	v3 =	vadd.s32 v1, v3  }
0xc3: {  	[tilespmem:s23], [sflag:$0x1] =	stream.indirect_vreg.gather [hbm4b:s1+s3], $0x80, v4, vm0, $0xb8;
	[tilespmem:$0x10080] =	vst v63  }
0xc4: {  	_ = 	snop  }
0xc5: {  	[tilespmem:s24], [sflag:$0x1] =	stream.indirect_vreg.gather [hbm4b:s4+s3], $0x80, v4, vm0, $0xb8;
	[tilespmem:$0x10080] =	vst v63  }
0xc6: {  	_ = 	snop  }
0xc7: {  	[tilespmem:s25], [sflag:$0x1] =	stream.indirect_vreg.gather [hbm4b:s1+s3], $0x80, v3, vm0, $0xb8;
	[tilespmem:$0x10080] =	vst v63  }
0xc8: {  	_ = 	snop  }
0xc9: {  	[tilespmem:s26], [sflag:$0x1] =	stream.indirect_vreg.gather [hbm4b:s4+s3], $0x80, v3, vm0, $0xb8;
	[tilespmem:$0x10080] =	vst v63  }
0xca: {  	v3 =	vld [tilespmem:$0x30];
	_ =	sdelay $0x4  }
0xcb: {  	v59 =	vshll.u32 v3, $0x2  }
0xcc: {  	v3 =	vand.u32 $0x7, v3;
	v4 =	vand.u32 $0xFFFFFFE0, v59  }
0xcd: {  	v3 =	vor.u32 v3, v4  }
0xce: {  	v4 =	vperm.xlane v3, v0;
	_ =	sdelay $0x1  }
0xcf: {  	v4 =	vadd.s32 v1, v4;
	_ =	sdelay $0x1  }
0xd0: {  	v3 =	vperm.xlane v3, v2;
	_ =	sdelay $0x1  }
0xd1: {  	v3 =	vadd.s32 v1, v3  }
0xd2: {  	[tilespmem:s28], [sflag:$0x1] =	stream.indirect_vreg.gather [hbm4b:s1+s3], $0x80, v4, vm0, $0xb8;
	[tilespmem:$0x10080] =	vst v63  }
0xd3: {  	_ = 	snop  }
0xd4: {  	[tilespmem:s29], [sflag:$0x1] =	stream.indirect_vreg.gather [hbm4b:s4+s3], $0x80, v4, vm0, $0xb8;
	[tilespmem:$0x10080] =	vst v63  }
0xd5: {  	_ = 	snop  }
0xd6: {  	[tilespmem:s30], [sflag:$0x1] =	stream.indirect_vreg.gather [hbm4b:s1+s3], $0x80, v3, vm0, $0xb8;
	[tilespmem:$0x10080] =	vst v63  }
0xd7: {  	_ = 	snop  }
0xd8: {  	[tilespmem:s31], [sflag:$0x1] =	stream.indirect_vreg.gather [hbm4b:s4+s3], $0x80, v3, vm0, $0xb8;
	[tilespmem:$0x10080] =	vst v63  }
0xd9: {  	v3 =	vld [tilespmem:$0x40];
	_ =	sdelay $0x4  }
0xda: {  	v60 =	vshll.u32 v3, $0x2  }
0xdb: {  	v3 =	vand.u32 $0x7, v3;
	v4 =	vand.u32 $0xFFFFFFE0, v60  }
0xdc: {  	v3 =	vor.u32 v3, v4  }
0xdd: {  	v4 =	vperm.xlane v3, v0;
	_ =	sdelay $0x1  }
0xde: {  	v4 =	vadd.s32 v1, v4;
	_ =	sdelay $0x1  }
0xdf: {  	v3 =	vperm.xlane v3, v2;
	_ =	sdelay $0x1  }
0xe0: {  	s15 =	simm.s32 $0x8080;
	v3 =	vadd.s32 v1, v3  }
0xe1: {  	[tilespmem:s15], [sflag:$0x1] =	stream.indirect_vreg.gather [hbm4b:s1+s3], $0x80, v4, vm0, $0xb8;
	[tilespmem:$0x10080] =	vst v63  }
0xe2: {  	_ = 	snop  }
0xe3: {  	[tilespmem:s2], [sflag:$0x1] =	stream.indirect_vreg.gather [hbm4b:s4+s3], $0x80, v4, vm0, $0xb8;
	[tilespmem:$0x10080] =	vst v63  }
0xe4: {  	_ = 	snop  }
0xe5: {  	[tilespmem:s8], [sflag:$0x1] =	stream.indirect_vreg.gather [hbm4b:s1+s3], $0x80, v3, vm0, $0xb8;
	[tilespmem:$0x10080] =	vst v63  }
0xe6: {  	_ = 	snop  }
0xe7: {  	[tilespmem:s9], [sflag:$0x1] =	stream.indirect_vreg.gather [hbm4b:s4+s3], $0x80, v3, vm0, $0xb8;
	[tilespmem:$0x10080] =	vst v63  }
0xe8: {  	v3 =	vld [tilespmem:$0x50];
	_ =	sdelay $0x4  }
0xe9: {  	v61 =	vshll.u32 v3, $0x2  }
0xea: {  	v3 =	vand.u32 $0x7, v3;
	v4 =	vand.u32 $0xFFFFFFE0, v61  }
0xeb: {  	v3 =	vor.u32 v3, v4  }
0xec: {  	v4 =	vperm.xlane v3, v0;
	_ =	sdelay $0x1  }
0xed: {  	v4 =	vadd.s32 v1, v4;
	_ =	sdelay $0x1  }
0xee: {  	v3 =	vperm.xlane v3, v2;
	_ =	sdelay $0x1  }
0xef: {  	v3 =	vadd.s32 v1, v3  }
0xf0: {  	[tilespmem:s10], [sflag:$0x1] =	stream.indirect_vreg.gather [hbm4b:s1+s3], $0x80, v4, vm0, $0xb8;
	[tilespmem:$0x10080] =	vst v63  }
0xf1: {  	_ = 	snop  }
0xf2: {  	[tilespmem:s11], [sflag:$0x1] =	stream.indirect_vreg.gather [hbm4b:s4+s3], $0x80, v4, vm0, $0xb8;
	[tilespmem:$0x10080] =	vst v63  }
0xf3: {  	_ = 	snop  }
0xf4: {  	[tilespmem:s12], [sflag:$0x1] =	stream.indirect_vreg.gather [hbm4b:s1+s3], $0x80, v3, vm0, $0xb8;
	[tilespmem:$0x10080] =	vst v63  }
0xf5: {  	_ = 	snop  }
0xf6: {  	[tilespmem:s13], [sflag:$0x1] =	stream.indirect_vreg.gather [hbm4b:s4+s3], $0x80, v3, vm0, $0xb8;
	[tilespmem:$0x10080] =	vst v63  }
0xf7: {  	v3 =	vld [tilespmem:$0x60];
	_ =	sdelay $0x4  }
0xf8: {  	v62 =	vshll.u32 v3, $0x2  }
0xf9: {  	v3 =	vand.u32 $0x7, v3;
	v4 =	vand.u32 $0xFFFFFFE0, v62  }
0xfa: {  	v3 =	vor.u32 v3, v4  }
0xfb: {  	v4 =	vperm.xlane v3, v0;
	_ =	sdelay $0x1  }
0xfc: {  	v4 =	vadd.s32 v1, v4;
	_ =	sdelay $0x1  }
0xfd: {  	v3 =	vperm.xlane v3, v2;
	_ =	sdelay $0x1  }
0xfe: {  	v3 =	vadd.s32 v1, v3  }
0xff: {  	[tilespmem:s7], [sflag:$0x1] =	stream.indirect_vreg.gather [hbm4b:s1+s3], $0x80, v4, vm0, $0xb8;
	[tilespmem:$0x10080] =	vst v63  }
0x100: {  	s15 =	simm.s32 $0xC880  }
0x101: {  	[tilespmem:s15], [sflag:$0x1] =	stream.indirect_vreg.gather [hbm4b:s4+s3], $0x80, v4, vm0, $0xb8;
	[tilespmem:$0x10080] =	vst v63  }
0x102: {  	s15 =	simm.s32 $0xD080  }
0x103: {  	[tilespmem:s15], [sflag:$0x1] =	stream.indirect_vreg.gather [hbm4b:s1+s3], $0x80, v3, vm0, $0xb8;
	[tilespmem:$0x10080] =	vst v63  }
0x104: {  	s15 =	simm.s32 $0xD880  }
0x105: {  	[tilespmem:s15], [sflag:$0x1] =	stream.indirect_vreg.gather [hbm4b:s4+s3], $0x80, v3, vm0, $0xb8;
	[tilespmem:$0x10080] =	vst v63  }
0x106: {  	v3 =	vld [tilespmem:$0x70];
	_ =	sdelay $0x4  }
0x107: {  	v63 =	vshll.u32 v3, $0x2  }
0x108: {  	v3 =	vand.u32 $0x7, v3;
	v4 =	vand.u32 $0xFFFFFFE0, v63  }
0x109: {  	v3 =	vor.u32 v3, v4  }
0x10a: {  	v4 =	vperm.xlane v3, v0;
	_ =	sdelay $0x1  }
0x10b: {  	v4 =	vadd.s32 v1, v4;
	_ =	sdelay $0x1  }
0x10c: {  	v3 =	vperm.xlane v3, v2;
	_ =	sdelay $0x1  }
0x10d: {  	s15 =	simm.s32 $0xE080;
	v3 =	vadd.s32 v1, v3  }
0x10e: {  	[tilespmem:s15], [sflag:$0x1] =	stream.indirect_vreg.gather [hbm4b:s1+s3], $0x80, v4, vm0, $0xb8;
	[tilespmem:$0x10080] =	vst v63  }
0x10f: {  	s15 =	simm.s32 $0xE880  }
0x110: {  	[tilespmem:s15], [sflag:$0x1] =	stream.indirect_vreg.gather [hbm4b:s4+s3], $0x80, v4, vm0, $0xb8;
	[tilespmem:$0x10080] =	vst v63  }
0x111: {  	s15 =	simm.s32 $0xF080  }
0x112: {  	[tilespmem:s15], [sflag:$0x1] =	stream.indirect_vreg.gather [hbm4b:s1+s3], $0x80, v3, vm0, $0xb8;
	[tilespmem:$0x10080] =	vst v63  }
0x113: {  	s15 =	simm.s32 $0xF880  }
0x114: {  	[tilespmem:s15], [sflag:$0x1] =	stream.indirect_vreg.gather [hbm4b:s4+s3], $0x80, v3, vm0, $0xb8;
	[tilespmem:$0x10080] =	vst v63  }
0x115: {  	_ =	swait.ge [sflag:s14], $0x10000  }
0x116: {  	p0 =	sne.s32 s5, $0x1;
	s0 =	simm.s32 $0x80;
	[sflag:s14] =	ssyncset.done $0x0  }
.Ltmp0:
0x117: {  	s15 =	rddreg [dreg:$0x7];
	[sflag:s14] =	ssyncadd.s32 $0xFFFF0000;
	(pc) =	sbr.rel @p0 .LBB2_1-.Ltmp0, $4  }
0x118: {  	[hbm4b:s15+s3] =	stream.linear.scatter [tilespmem:s0], [sflag:$0x2], $0x10000, $0x38;
	[tilespmem:$0x10080] =	vst v63  }
0x119: {  	_ =	swait.ge [sflag:s6], $0x10000  }
0x11a: {  	[sflag:s6] =	ssyncset.done $0x0  }
0x11b: {  	s5 =	sadd.s32 $0xFFFFFFFF, s5;
	[sflag:s6] =	ssyncadd.s32 $0xFFFF0000  }
0x11c: {  	_ =	sfence.sel $0x180000  }
0x11d: {  	[bflag:$0x0] =	sbarrier.arrive $0xFFFF  }
0x11e: {  	_ =	strace $0x9000004D  }
0x11f: {  	s0 =	stileid.u32;
	[bflag:$0x2] =	sbarrier.arrive $0xFFFF  }
0x120: {  	p0 =	sne.s32 s0, $0x0;
	s0 =	rddreg [dreg:$0x3]  }
0x121: {  	s0 =	sadd.s32 @!p0 $0x100000, s0  }
0x122: {  	[sflag:s0] =	ssyncadd.tile.s32 @!p0 $0x1;
	_ =	shalt  }
.Lfunc_end2:
_tile_overlayer_lowered:
.L_overlay_start_2:
0x123: {  	(tag) =	ssettag $0x2  }
0x124: {  	s0 =	rddreg [dreg:$0x0];
	s2 =	stileid.u32  }
0x125: {  	s1 =	rddreg [dreg:$0x1];
	p0 =	sne.s32 s2, $0x0  }
0x126: {  	s3 =	rddreg [dreg:$0x2];
	[bflag:$0x3] =	sbarrier.arrive $0xFFFF;
	s2 =	simm.s32 @!p0 $0x1C02  }
0x127: {  	[timem:s3], [sflag:s2] =	dma.local @!p0 [hbm:s0], s1  }
0x128: {  	s0 =	simm.s32 @!p0 $0x2  }
0x129: {  	_ =	swait.ge @!p0 [sflag:s0], s1  }
0x12a: {  	s1 =	ssub.s32 @!p0 $0x0, s1;
	[sflag:s0] =	ssyncset.done @!p0 $0x0  }
0x12b: {  	[sflag:s0] =	ssyncadd.s32 @!p0 s1  }
0x12c: {  	[bflag:$0x3] =	sbarrier.arrive $0xFFFF  }
0x12d: {  	_ =	shalt  }

</sc_bundles>
